<compile_context>
chip_gen: v7x
topology: tpu7x:2x2x1
jax: 0.10.2.dev20260603
libtpu: 0.0.44.dev20260713+nightly
codegen_flags: <defaults>
</compile_context>

<pallas_src>
import functools

import jax
import jax.numpy as jnp
from jax import lax
from jax.experimental import pallas as pl
from jax.experimental.pallas import tpu as pltpu
from jax.experimental.pallas import tpu_sc as plsc

N = 10000
NP = 10240
D = 128
H = 64
G = 64
E = 320000
EP = 327680
DUMMY = 10100

NSUB = 16
ROWS_PER_TILE = NP // NSUB
AGG_CHUNK = 128
AGG_CHUNKS_PER_TILE = EP // (2 * NSUB) // AGG_CHUNK
DEG_CHUNKS_PER_TILE = EP // (2 * NSUB) // AGG_CHUNK

BLK = 512
NBLK = NP // BLK

@functools.cache
def _sc_mesh():
    return plsc.VectorSubcoreMesh(core_axis_name="c", subcore_axis_name="s",
                                  num_cores=2, num_subcores=NSUB)


INIT_CHUNK = 128
INIT_STEPS = ROWS_PER_TILE // INIT_CHUNK


def _deg_body(dst_ref, zeros_ref, ones_ref, out_ref, shared, didx, onesv, stage):
    c = lax.axis_index("c")
    s = lax.axis_index("s")
    base = s * ROWS_PER_TILE
    tile = c * NSUB + s
    pltpu.sync_copy(ones_ref, onesv)
    pltpu.sync_copy(dst_ref.at[pl.ds(tile * DEG_CHUNKS_PER_TILE,
                                     DEG_CHUNKS_PER_TILE)], didx)
    pltpu.sync_copy(zeros_ref, stage)

    @pl.loop(0, INIT_STEPS)
    def _(j):
        pltpu.sync_copy(stage, shared.at[pl.ds(base + j * INIT_CHUNK, INIT_CHUNK)])

    plsc.subcore_barrier()

    @pl.loop(0, DEG_CHUNKS_PER_TILE, unroll=1)
    def _(i):
        pltpu.sync_copy(onesv, shared.at[didx.at[i]], add=True)

    plsc.subcore_barrier()

    obase = c * NP + base

    @pl.loop(0, INIT_STEPS)
    def _(j):
        pltpu.sync_copy(shared.at[pl.ds(base + j * INIT_CHUNK, INIT_CHUNK)], stage)
        pltpu.sync_copy(stage, out_ref.at[pl.ds(obase + j * INIT_CHUNK, INIT_CHUNK)])


@functools.cache
def _deg_kernel():
    return pl.kernel(
        _deg_body,
        out_type=jax.ShapeDtypeStruct((2 * NP, D), jnp.float32),
        mesh=_sc_mesh(),
        scratch_types=[pltpu.VMEM_SHARED((NP, D), jnp.float32),
                       pltpu.VMEM((DEG_CHUNKS_PER_TILE, AGG_CHUNK), jnp.int32),
                       pltpu.VMEM((AGG_CHUNK, D), jnp.float32),
                       pltpu.VMEM((INIT_CHUNK, D), jnp.float32)])


PHASE = 40
SPLIT0 = 120
SPLIT1 = 2 * AGG_CHUNKS_PER_TILE - SPLIT0
TOTAL0 = SPLIT0 * NSUB


def _agg_pipeline(g_ref, src_ref, dst_ref, shared, sidx, didx,
                  rows0, rows1, sem0, sem1, sem2, sem3, s, cstart, nchunks):
    def gather(chunk, buf, sem):
        pltpu.async_copy(g_ref.at[sidx.at[chunk]], buf, sem)

    def gwait(chunk, buf, sem):
        pltpu.make_async_copy(g_ref.at[sidx.at[chunk]], buf, sem).wait()

    def scat(chunk, buf, sem):
        pltpu.async_copy(buf, shared.at[didx.at[chunk]], sem, add=True)

    def swait(chunk, buf, sem):
        pltpu.make_async_copy(buf, shared.at[didx.at[chunk]], sem).wait()

    for p in range(nchunks // PHASE):
        cbase = cstart + s * nchunks + p * PHASE
        pltpu.sync_copy(src_ref.at[pl.ds(cbase, PHASE)], sidx)
        pltpu.sync_copy(dst_ref.at[pl.ds(cbase, PHASE)], didx)

        gather(0, rows0, sem0)
        gather(1, rows1, sem1)

        @pl.loop(0, PHASE // 2 - 1, unroll=1)
        def _(j):
            a = 2 * j
            gwait(a, rows0, sem0)
            scat(a, rows0, sem2)
            gwait(a + 1, rows1, sem1)
            scat(a + 1, rows1, sem3)
            swait(a, rows0, sem2)
            gather(a + 2, rows0, sem0)
            swait(a + 1, rows1, sem3)
            gather(a + 3, rows1, sem1)

        a = PHASE - 2
        gwait(a, rows0, sem0)
        scat(a, rows0, sem2)
        gwait(a + 1, rows1, sem1)
        scat(a + 1, rows1, sem3)
        swait(a, rows0, sem2)
        swait(a + 1, rows1, sem3)


def _agg_body(g_ref, src_ref, dst_ref, out_ref, shared,
              sidx, didx, rows0, rows1, sem0, sem1, sem2, sem3):
    c = lax.axis_index("c")
    s = lax.axis_index("s")
    base = s * ROWS_PER_TILE

    @pl.loop(0, INIT_STEPS)
    def _(j):
        row = base + j * INIT_CHUNK
        pltpu.sync_copy(g_ref.at[pl.ds(row, INIT_CHUNK)], rows0)
        pltpu.sync_copy(rows0, shared.at[pl.ds(row, INIT_CHUNK)])

    plsc.subcore_barrier()

    @pl.when(c == 0)
    def _():
        _agg_pipeline(g_ref, src_ref, dst_ref, shared, sidx, didx,
                      rows0, rows1, sem0, sem1, sem2, sem3, s, 0, SPLIT0)

    @pl.when(c == 1)
    def _():
        _agg_pipeline(g_ref, src_ref, dst_ref, shared, sidx, didx,
                      rows0, rows1, sem0, sem1, sem2, sem3, s, TOTAL0, SPLIT1)

    plsc.subcore_barrier()

    obase = c * NP + base

    @pl.loop(0, INIT_STEPS)
    def _(j):
        pltpu.sync_copy(shared.at[pl.ds(base + j * INIT_CHUNK, INIT_CHUNK)], rows0)
        pltpu.sync_copy(rows0, out_ref.at[pl.ds(obase + j * INIT_CHUNK, INIT_CHUNK)])


@functools.cache
def _agg_kernel():
    return pl.kernel(
        _agg_body,
        out_type=jax.ShapeDtypeStruct((2 * NP, D), jnp.float32),
        mesh=_sc_mesh(),
        scratch_types=[pltpu.VMEM_SHARED((NP, D), jnp.float32),
                       pltpu.VMEM((PHASE, AGG_CHUNK), jnp.int32),
                       pltpu.VMEM((PHASE, AGG_CHUNK), jnp.int32),
                       pltpu.VMEM((AGG_CHUNK, D), jnp.float32),
                       pltpu.VMEM((AGG_CHUNK, D), jnp.float32),
                       pltpu.SemaphoreType.DMA,
                       pltpu.SemaphoreType.DMA,
                       pltpu.SemaphoreType.DMA,
                       pltpu.SemaphoreType.DMA])


def _mm1_body(x_ref, w_ref, d0_ref, d1_ref, g_ref, dv_ref):
    deg = 1.0 + d0_ref[:, 0:1] + d1_ref[:, 0:1]
    dinv = lax.rsqrt(deg)
    h = jnp.dot(x_ref[...], w_ref[...], preferred_element_type=jnp.float32)
    g_ref[...] = h * dinv
    dv_ref[...] = jnp.broadcast_to(dinv, (BLK, 16))


def _mm1(x, W1, deg):
    return pl.pallas_call(
        _mm1_body,
        grid=(NBLK,),
        in_specs=[pl.BlockSpec((BLK, D), lambda i: (i, 0)),
                  pl.BlockSpec((D, D), lambda i: (0, 0)),
                  pl.BlockSpec((BLK, D), lambda i: (i, 0)),
                  pl.BlockSpec((BLK, D), lambda i: (i + NBLK, 0))],
        out_specs=[pl.BlockSpec((BLK, D), lambda i: (i, 0)),
                   pl.BlockSpec((BLK, 16), lambda i: (i, 0))],
        out_shape=[jax.ShapeDtypeStruct((NP, D), jnp.float32),
                   jax.ShapeDtypeStruct((NP, 16), jnp.float32)],
    )(x, W1, deg, deg)


def _mm2_body(p0_ref, p1_ref, g1_ref, dv_ref, w_ref, b_ref, g_ref):
    dinv = dv_ref[:, 0:1]
    agg = p0_ref[...] + p1_ref[...] - g1_ref[...]
    f = jnp.maximum(dinv * agg + b_ref[...], 0.0)
    h = jnp.dot(f, w_ref[...], preferred_element_type=jnp.float32)
    g_ref[...] = h * dinv


def _mm2(p, g1, dinv16, W2, b1):
    return pl.pallas_call(
        _mm2_body,
        grid=(NBLK,),
        in_specs=[pl.BlockSpec((BLK, D), lambda i: (i, 0)),
                  pl.BlockSpec((BLK, D), lambda i: (i + NBLK, 0)),
                  pl.BlockSpec((BLK, D), lambda i: (i, 0)),
                  pl.BlockSpec((BLK, 16), lambda i: (i, 0)),
                  pl.BlockSpec((D, D), lambda i: (0, 0)),
                  pl.BlockSpec((1, D), lambda i: (0, 0))],
        out_specs=pl.BlockSpec((BLK, D), lambda i: (i, 0)),
        out_shape=jax.ShapeDtypeStruct((NP, D), jnp.float32),
    )(p, p, g1, dinv16, W2, b1)


def _pool_body(p0_ref, p1_ref, g2_ref, dv_ref, b_ref, batch_ref, out_ref,
               acc_ref, cnt_ref):
    i = pl.program_id(0)

    @pl.when(i == 0)
    def _():
        acc_ref[...] = jnp.zeros((G, D), jnp.float32)
        cnt_ref[...] = jnp.zeros((G, D), jnp.float32)

    dinv = dv_ref[:, 0:1]
    f = dinv * (p0_ref[...] + p1_ref[...] - g2_ref[...]) + b_ref[...]
    b = batch_ref[0]
    gids = lax.broadcasted_iota(jnp.int32, (G, BLK), 0)
    oh = (gids == jnp.broadcast_to(b, (G, BLK))).astype(jnp.float32)
    acc_ref[...] += jnp.dot(oh, f, preferred_element_type=jnp.float32)
    cnt_ref[...] += jnp.broadcast_to(
        jnp.sum(oh, axis=1, keepdims=True), (G, D))

    @pl.when(i == NBLK - 1)
    def _():
        pooled = acc_ref[...] / jnp.maximum(cnt_ref[...], 1.0)
        m = jnp.max(pooled, axis=0, keepdims=True)
        z = pooled - m
        lse = jnp.log(jnp.sum(jnp.exp(z), axis=0, keepdims=True))
        out_ref[...] = z - lse


def _pool(q, g2, dinv16, b2, batch3):
    return pl.pallas_call(
        _pool_body,
        grid=(NBLK,),
        in_specs=[pl.BlockSpec((BLK, D), lambda i: (i, 0)),
                  pl.BlockSpec((BLK, D), lambda i: (i + NBLK, 0)),
                  pl.BlockSpec((BLK, D), lambda i: (i, 0)),
                  pl.BlockSpec((BLK, 16), lambda i: (i, 0)),
                  pl.BlockSpec((1, D), lambda i: (0, 0)),
                  pl.BlockSpec((1, 1, BLK), lambda i: (i, 0, 0))],
        out_specs=pl.BlockSpec((G, D), lambda i: (0, 0)),
        out_shape=jax.ShapeDtypeStruct((G, D), jnp.float32),
        scratch_shapes=[pltpu.VMEM((G, D), jnp.float32),
                        pltpu.VMEM((G, D), jnp.float32)],
    )(q, q, g2, dinv16, b2, batch3)


def kernel(x, edge_index, batch, W1, b1, W2, b2):
    src = edge_index[0].astype(jnp.int32)
    dst = edge_index[1].astype(jnp.int32)
    srcp = jnp.full((EP,), DUMMY, jnp.int32).at[:E].set(src).reshape(EP // AGG_CHUNK, AGG_CHUNK)
    dstp = jnp.full((EP,), DUMMY, jnp.int32).at[:E].set(dst).reshape(EP // AGG_CHUNK, AGG_CHUNK)
    xp = jnp.zeros((NP, D), jnp.float32).at[:N].set(x)
    batchp = jnp.full((NP,), G + 1, jnp.int32).at[:N].set(batch.astype(jnp.int32))
    batch3 = batchp.reshape(NBLK, 1, BLK)
    zerosC = jnp.zeros((INIT_CHUNK, D), jnp.float32)
    onesC = jnp.ones((AGG_CHUNK, D), jnp.float32)
    b1r = b1.reshape(1, D)
    b2r = b2.reshape(1, D)

    deg = _deg_kernel()(dstp, zerosC, onesC)
    g1, dinv16 = _mm1(xp, W1, deg)
    p = _agg_kernel()(g1, srcp, dstp)
    g2 = _mm2(p, g1, dinv16, W2, b1r)
    q = _agg_kernel()(g2, srcp, dstp)
    return _pool(q, g2, dinv16, b2r, batch3)

# --- scband reference (transcript-rebuilt; emitter-appended) ---
"""Pipeline reference for scband-gcn-40621800686272 (READ-ONLY COPY).

The authoritative reference and input builder live on the scoring server;
editing this copy changes nothing except your own understanding.
"""

import jax, jax.numpy as jnp
import numpy as np

N = 10000
E = 320000
D_IN = 128
D_HID = 128
D_OUT = 128
G = 64


def setup_inputs(seed: int = 0) -> dict:
    key = jax.random.key(seed)
    k1, k2, k3, k4, k5, k6, k7 = jax.random.split(key, 7)
    x = jax.random.normal(k1, (N, D_IN), dtype=jnp.float32)
    edge_index = jax.random.randint(k2, (2, E), 0, N, dtype=jnp.int64)
    batch = jnp.sort(jax.random.randint(k3, (N,), 0, G, dtype=jnp.int64))
    W1 = jax.random.normal(k4, (D_IN, D_HID), dtype=jnp.float32) * (1.0 / np.sqrt(D_IN))
    b1 = jnp.zeros((D_HID,), dtype=jnp.float32)
    W2 = jax.random.normal(k5, (D_HID, D_OUT), dtype=jnp.float32) * (1.0 / np.sqrt(D_HID))
    b2 = jnp.zeros((D_OUT,), dtype=jnp.float32)
    return {"x": x, "edge_index": edge_index, "batch": batch, "W1": W1, "b1": b1, "W2": W2, "b2": b2}


def _gcn_conv(x, edge_index, W, b):
    n = x.shape[0]
    src = edge_index[0]
    dst = edge_index[1]
    loop = jnp.arange(n, dtype=src.dtype)
    src = jnp.concatenate([src, loop])
    dst = jnp.concatenate([dst, loop])
    deg = jnp.zeros((n,), dtype=x.dtype).at[dst].add(1.0)
    dinv = jnp.where(deg > 0, jax.lax.rsqrt(deg), 0.0)
    norm = dinv[src] * dinv[dst]
    h = x @ W
    msg = h[src] * norm[:, None]
    out = jnp.zeros((n, W.shape[1]), dtype=h.dtype).at[dst].add(msg)
    return out + b


def reference(x, edge_index, batch, W1, b1, W2, b2):
    feats = _gcn_conv(x, edge_index, W1, b1)
    feats = jax.nn.relu(feats)
    feats = _gcn_conv(feats, edge_index, W2, b2)
    sums = jax.ops.segment_sum(feats, batch, num_segments=G)
    counts = jax.ops.segment_sum(jnp.ones((feats.shape[0],), dtype=feats.dtype), batch, num_segments=G)
    pooled = sums / jnp.clip(counts, 1.0)[:, None]
    return jax.nn.log_softmax(pooled, axis=0)

if __name__ == "__main__":
    import jax
    _d = setup_inputs()
    print(jax.jit(kernel)(*tuple(_d.values())))

</pallas_src>

<mosaic_0001>
#map = affine_map<(d0, d1) -> (0, 0)>
module attributes {stable_mosaic.version = 14 : i64} {
  func.func @_agg_body(%arg0: i32, %arg1: i32, %arg2: memref<10240x128xf32, #tpu.memory_space<hbm>>, %arg3: memref<2560x128xi32, #tpu.memory_space<hbm>>, %arg4: memref<2560x128xi32, #tpu.memory_space<hbm>>, %arg5: memref<20480x128xf32, #tpu.memory_space<hbm>>, %arg6: memref<10240x128xf32, #tpu.memory_space<vmem_shared>>, %arg7: memref<40x128xi32, #tpu.memory_space<vmem>>, %arg8: memref<40x128xi32, #tpu.memory_space<vmem>>, %arg9: memref<128x128xf32, #tpu.memory_space<vmem>>, %arg10: memref<128x128xf32, #tpu.memory_space<vmem>>, %arg11: memref<!tpu.dma_semaphore, #tpu.memory_space<semaphore_mem>>, %arg12: memref<!tpu.dma_semaphore, #tpu.memory_space<semaphore_mem>>, %arg13: memref<!tpu.dma_semaphore, #tpu.memory_space<semaphore_mem>>, %arg14: memref<!tpu.dma_semaphore, #tpu.memory_space<semaphore_mem>>) attributes {dimension_semantics = [#tpu.dimension_semantics<core_parallel>, #tpu.dimension_semantics<subcore_parallel>], iteration_bounds = array<i64: 2, 16>, scalar_prefetch = 0 : i64, scratch_operands = 9 : i64, tpu.core_type = #tpu.core_type<sc_vector_subcore>, window_params = [{transform_indices = #map}, {transform_indices = #map}, {transform_indices = #map}, {transform_indices = #map}]} {
    %mul3A = arith.constant 640 : i32
    %mul3A_0 = arith.muli %arg1, %mul3A : i32
    %scan3A = arith.constant 0 : i32
    %scan3A_1 = arith.constant 5 : i32
    %scan3A_2 = arith.addi %scan3A, %scan3A_1 : i32
    %scan3A_3 = arith.constant 1 : i32
    scf.for %scan3A_20 = %scan3A to %scan3A_2 step %scan3A_3  : i32 {
      %mul3A_21 = arith.constant 1 : i32
      %mul3A_22 = arith.muli %scan3A_20, %mul3A_21 : i32
      %add3A_23 = arith.constant 0 : i32
      %add3A_24 = arith.addi %add3A_23, %mul3A_22 : i32
      %mul3A_25 = arith.constant 128 : i32
      %mul3A_26 = arith.muli %add3A_24, %mul3A_25 : i32
      %add3A_27 = arith.addi %mul3A_0, %mul3A_26 : i32
      "tpu.region"() ({
        %run_scoped3A = tpu.sem_alloc : memref<!tpu.dma_semaphore, #tpu.memory_space<semaphore_mem>>
        %dma_start3A = arith.constant 0 : i32
        %dma_start3A_28 = tpu.memref_slice %arg2[%add3A_27, %dma_start3A] : memref<10240x128xf32, #tpu.memory_space<hbm>> -> memref<128x128xf32, #tpu.memory_space<hbm>>
        %dma_start3A_29 = arith.constant 0 : i32
        %dma_start3A_30 = tpu.memref_slice %arg2[%add3A_27, %dma_start3A_29] : memref<10240x128xf32, #tpu.memory_space<hbm>> -> memref<128x128xf32, #tpu.memory_space<hbm>>
        tpu.enqueue_dma source(%dma_start3A_30 : memref<128x128xf32, #tpu.memory_space<hbm>>) target(%arg9 : memref<128x128xf32, #tpu.memory_space<vmem>>) target_semaphore(%run_scoped3A : memref<!tpu.dma_semaphore, #tpu.memory_space<semaphore_mem>>)
        %dma_wait3A = arith.constant 0 : i32
        %dma_wait3A_31 = tpu.memref_slice %arg2[%add3A_27, %dma_wait3A] : memref<10240x128xf32, #tpu.memory_space<hbm>> -> memref<128x128xf32, #tpu.memory_space<hbm>>
        %dma_wait3A_32 = arith.constant 0 : i32
        %dma_wait3A_33 = tpu.memref_slice %arg2[%add3A_27, %dma_wait3A_32] : memref<10240x128xf32, #tpu.memory_space<hbm>> -> memref<128x128xf32, #tpu.memory_space<hbm>>
        tpu.wait_dma2 semaphore(%run_scoped3A : memref<!tpu.dma_semaphore, #tpu.memory_space<semaphore_mem>>) src(%dma_wait3A_33 : memref<128x128xf32, #tpu.memory_space<hbm>>) dst(%arg9 : memref<128x128xf32, #tpu.memory_space<vmem>>)
        tpu.yield
      }) : () -> ()
      "tpu.region"() ({
        %run_scoped3A = tpu.sem_alloc : memref<!tpu.dma_semaphore, #tpu.memory_space<semaphore_mem>>
        %dma_start3A = arith.constant 0 : i32
        %dma_start3A_28 = tpu.memref_slice %arg6[%add3A_27, %dma_start3A] : memref<10240x128xf32, #tpu.memory_space<vmem_shared>> -> memref<128x128xf32, #tpu.memory_space<vmem_shared>>
        %dma_start3A_29 = arith.constant 0 : i32
        %dma_start3A_30 = tpu.memref_slice %arg6[%add3A_27, %dma_start3A_29] : memref<10240x128xf32, #tpu.memory_space<vmem_shared>> -> memref<128x128xf32, #tpu.memory_space<vmem_shared>>
        tpu.enqueue_dma source(%arg9 : memref<128x128xf32, #tpu.memory_space<vmem>>) target(%dma_start3A_30 : memref<128x128xf32, #tpu.memory_space<vmem_shared>>) target_semaphore(%run_scoped3A : memref<!tpu.dma_semaphore, #tpu.memory_space<semaphore_mem>>)
        %dma_wait3A = arith.constant 0 : i32
        %dma_wait3A_31 = tpu.memref_slice %arg6[%add3A_27, %dma_wait3A] : memref<10240x128xf32, #tpu.memory_space<vmem_shared>> -> memref<128x128xf32, #tpu.memory_space<vmem_shared>>
        %dma_wait3A_32 = arith.constant 0 : i32
        %dma_wait3A_33 = tpu.memref_slice %arg6[%add3A_27, %dma_wait3A_32] : memref<10240x128xf32, #tpu.memory_space<vmem_shared>> -> memref<128x128xf32, #tpu.memory_space<vmem_shared>>
        tpu.wait_dma2 semaphore(%run_scoped3A : memref<!tpu.dma_semaphore, #tpu.memory_space<semaphore_mem>>) src(%arg9 : memref<128x128xf32, #tpu.memory_space<vmem>>) dst(%dma_wait3A_33 : memref<128x128xf32, #tpu.memory_space<vmem_shared>>)
        tpu.yield
      }) : () -> ()
    }
    %scan3A_4 = arith.constant 5 : i32
    %barrier3A = arith.constant 0 : index
    tpu.barrier barrier_id(%barrier3A)
    %eq3A = arith.constant 0 : i32
    %eq3A_5 = arith.cmpi eq, %arg0, %eq3A : i32
    %convert_element_type3A = arith.extui %eq3A_5 : i1 to i32
    %cond3A = arith.constant 0 : i32
    %cond3A_6 = arith.cmpi ne, %convert_element_type3A, %cond3A : i32
    scf.if %cond3A_6 {
      %mul3A_20 = arith.constant 120 : i32
      %mul3A_21 = arith.muli %arg1, %mul3A_20 : i32
      %add3A_22 = arith.constant 0 : i32
      %add3A_23 = arith.addi %add3A_22, %mul3A_21 : i32
      %add3A_24 = arith.constant 0 : i32
      %add3A_25 = arith.addi %add3A_23, %add3A_24 : i32
      "tpu.region"() ({
        %run_scoped3A = tpu.sem_alloc : memref<!tpu.dma_semaphore, #tpu.memory_space<semaphore_mem>>
        %dma_start3A_219 = arith.constant 0 : i32
        %dma_start3A_220 = tpu.memref_slice %arg3[%add3A_25, %dma_start3A_219] : memref<2560x128xi32, #tpu.memory_space<hbm>> -> memref<40x128xi32, #tpu.memory_space<hbm>>
        %dma_start3A_221 = arith.constant 0 : i32
        %dma_start3A_222 = tpu.memref_slice %arg3[%add3A_25, %dma_start3A_221] : memref<2560x128xi32, #tpu.memory_space<hbm>> -> memref<40x128xi32, #tpu.memory_space<hbm>>
        tpu.enqueue_dma source(%dma_start3A_222 : memref<40x128xi32, #tpu.memory_space<hbm>>) target(%arg7 : memref<40x128xi32, #tpu.memory_space<vmem>>) target_semaphore(%run_scoped3A : memref<!tpu.dma_semaphore, #tpu.memory_space<semaphore_mem>>)
        %dma_wait3A_223 = arith.constant 0 : i32
        %dma_wait3A_224 = tpu.memref_slice %arg3[%add3A_25, %dma_wait3A_223] : memref<2560x128xi32, #tpu.memory_space<hbm>> -> memref<40x128xi32, #tpu.memory_space<hbm>>
        %dma_wait3A_225 = arith.constant 0 : i32
        %dma_wait3A_226 = tpu.memref_slice %arg3[%add3A_25, %dma_wait3A_225] : memref<2560x128xi32, #tpu.memory_space<hbm>> -> memref<40x128xi32, #tpu.memory_space<hbm>>
        tpu.wait_dma2 semaphore(%run_scoped3A : memref<!tpu.dma_semaphore, #tpu.memory_space<semaphore_mem>>) src(%dma_wait3A_226 : memref<40x128xi32, #tpu.memory_space<hbm>>) dst(%arg7 : memref<40x128xi32, #tpu.memory_space<vmem>>)
        tpu.yield
      }) : () -> ()
      "tpu.region"() ({
        %run_scoped3A = tpu.sem_alloc : memref<!tpu.dma_semaphore, #tpu.memory_space<semaphore_mem>>
        %dma_start3A_219 = arith.constant 0 : i32
        %dma_start3A_220 = tpu.memref_slice %arg4[%add3A_25, %dma_start3A_219] : memref<2560x128xi32, #tpu.memory_space<hbm>> -> memref<40x128xi32, #tpu.memory_space<hbm>>
        %dma_start3A_221 = arith.constant 0 : i32
        %dma_start3A_222 = tpu.memref_slice %arg4[%add3A_25, %dma_start3A_221] : memref<2560x128xi32, #tpu.memory_space<hbm>> -> memref<40x128xi32, #tpu.memory_space<hbm>>
        tpu.enqueue_dma source(%dma_start3A_222 : memref<40x128xi32, #tpu.memory_space<hbm>>) target(%arg8 : memref<40x128xi32, #tpu.memory_space<vmem>>) target_semaphore(%run_scoped3A : memref<!tpu.dma_semaphore, #tpu.memory_space<semaphore_mem>>)
        %dma_wait3A_223 = arith.constant 0 : i32
        %dma_wait3A_224 = tpu.memref_slice %arg4[%add3A_25, %dma_wait3A_223] : memref<2560x128xi32, #tpu.memory_space<hbm>> -> memref<40x128xi32, #tpu.memory_space<hbm>>
        %dma_wait3A_225 = arith.constant 0 : i32
        %dma_wait3A_226 = tpu.memref_slice %arg4[%add3A_25, %dma_wait3A_225] : memref<2560x128xi32, #tpu.memory_space<hbm>> -> memref<40x128xi32, #tpu.memory_space<hbm>>
        tpu.wait_dma2 semaphore(%run_scoped3A : memref<!tpu.dma_semaphore, #tpu.memory_space<semaphore_mem>>) src(%dma_wait3A_226 : memref<40x128xi32, #tpu.memory_space<hbm>>) dst(%arg8 : memref<40x128xi32, #tpu.memory_space<vmem>>)
        tpu.yield
      }) : () -> ()
      %dma_start3A = arith.constant 0 : i32
      %dma_start3A_26 = arith.constant 0 : i32
      %dma_start3A_27 = tpu.memref_slice %arg7[%dma_start3A, %dma_start3A_26] : memref<40x128xi32, #tpu.memory_space<vmem>> -> memref<1x128xi32, #tpu.memory_space<vmem>>
      %dma_start3A_28 = tpu.memref_squeeze %dma_start3A_27 : memref<1x128xi32, #tpu.memory_space<vmem>> -> memref<128xi32, #tpu.memory_space<vmem>>
      %dma_start3A_29 = arith.constant 0 : i32
      %dma_start3A_30 = arith.constant 0 : i32
      %dma_start3A_31 = tpu.memref_slice %arg2[%dma_start3A_29, %dma_start3A_30] : memref<10240x128xf32, #tpu.memory_space<hbm>> -> memref<10240x128xf32, #tpu.memory_space<hbm>>
      tpu.enqueue_indirect_dma source(%dma_start3A_31 : memref<10240x128xf32, #tpu.memory_space<hbm>>) target(%arg9 : memref<128x128xf32, #tpu.memory_space<vmem>>) offsets(%dma_start3A_28 : memref<128xi32, #tpu.memory_space<vmem>>) semaphore(%arg11 : memref<!tpu.dma_semaphore, #tpu.memory_space<semaphore_mem>>)
      %dma_start3A_32 = arith.constant 1 : i32
      %dma_start3A_33 = arith.constant 0 : i32
      %dma_start3A_34 = tpu.memref_slice %arg7[%dma_start3A_32, %dma_start3A_33] : memref<40x128xi32, #tpu.memory_space<vmem>> -> memref<1x128xi32, #tpu.memory_space<vmem>>
      %dma_start3A_35 = tpu.memref_squeeze %dma_start3A_34 : memref<1x128xi32, #tpu.memory_space<vmem>> -> memref<128xi32, #tpu.memory_space<vmem>>
      %dma_start3A_36 = arith.constant 0 : i32
      %dma_start3A_37 = arith.constant 0 : i32
      %dma_start3A_38 = tpu.memref_slice %arg2[%dma_start3A_36, %dma_start3A_37] : memref<10240x128xf32, #tpu.memory_space<hbm>> -> memref<10240x128xf32, #tpu.memory_space<hbm>>
      tpu.enqueue_indirect_dma source(%dma_start3A_38 : memref<10240x128xf32, #tpu.memory_space<hbm>>) target(%arg10 : memref<128x128xf32, #tpu.memory_space<vmem>>) offsets(%dma_start3A_35 : memref<128xi32, #tpu.memory_space<vmem>>) semaphore(%arg12 : memref<!tpu.dma_semaphore, #tpu.memory_space<semaphore_mem>>)
      %scan3A_39 = arith.constant 0 : i32
      %scan3A_40 = arith.constant 19 : i32
      %scan3A_41 = arith.addi %scan3A_39, %scan3A_40 : i32
      %scan3A_42 = arith.constant 1 : i32
      scf.for %scan3A_219 = %scan3A_39 to %scan3A_41 step %scan3A_42  : i32 {
        %mul3A_220 = arith.constant 1 : i32
        %mul3A_221 = arith.muli %scan3A_219, %mul3A_220 : i32
        %add3A_222 = arith.constant 0 : i32
        %add3A_223 = arith.addi %add3A_222, %mul3A_221 : i32
        %mul3A_224 = arith.constant 2 : i32
        %mul3A_225 = arith.muli %mul3A_224, %add3A_223 : i32
        %dma_wait3A_226 = arith.constant 0 : i32
        %dma_wait3A_227 = tpu.memref_slice %arg7[%mul3A_225, %dma_wait3A_226] : memref<40x128xi32, #tpu.memory_space<vmem>> -> memref<1x128xi32, #tpu.memory_space<vmem>>
        %dma_wait3A_228 = tpu.memref_squeeze %dma_wait3A_227 : memref<1x128xi32, #tpu.memory_space<vmem>> -> memref<128xi32, #tpu.memory_space<vmem>>
        %dma_wait3A_229 = arith.constant 0 : i32
        %dma_wait3A_230 = arith.constant 0 : i32
        %dma_wait3A_231 = tpu.memref_slice %arg2[%dma_wait3A_229, %dma_wait3A_230] : memref<10240x128xf32, #tpu.memory_space<hbm>> -> memref<10240x128xf32, #tpu.memory_space<hbm>>
        tpu.wait_indirect_dma semaphore(%arg11 : memref<!tpu.dma_semaphore, #tpu.memory_space<semaphore_mem>>) src(%dma_wait3A_231 : memref<10240x128xf32, #tpu.memory_space<hbm>>) dst(%arg9 : memref<128x128xf32, #tpu.memory_space<vmem>>)
        %dma_start3A_232 = arith.constant 0 : i32
        %dma_start3A_233 = tpu.memref_slice %arg8[%mul3A_225, %dma_start3A_232] : memref<40x128xi32, #tpu.memory_space<vmem>> -> memref<1x128xi32, #tpu.memory_space<vmem>>
        %dma_start3A_234 = tpu.memref_squeeze %dma_start3A_233 : memref<1x128xi32, #tpu.memory_space<vmem>> -> memref<128xi32, #tpu.memory_space<vmem>>
        %dma_start3A_235 = arith.constant 0 : i32
        %dma_start3A_236 = arith.constant 0 : i32
        %dma_start3A_237 = tpu.memref_slice %arg6[%dma_start3A_235, %dma_start3A_236] : memref<10240x128xf32, #tpu.memory_space<vmem_shared>> -> memref<10240x128xf32, #tpu.memory_space<vmem_shared>>
        tpu.enqueue_indirect_dma source(%arg9 : memref<128x128xf32, #tpu.memory_space<vmem>>) target(%dma_start3A_237 : memref<10240x128xf32, #tpu.memory_space<vmem_shared>>) offsets(%dma_start3A_234 : memref<128xi32, #tpu.memory_space<vmem>>) semaphore(%arg13 : memref<!tpu.dma_semaphore, #tpu.memory_space<semaphore_mem>>) {add = true}
        %add3A_238 = arith.constant 1 : i32
        %add3A_239 = arith.addi %mul3A_225, %add3A_238 : i32
        %dma_wait3A_240 = arith.constant 0 : i32
        %dma_wait3A_241 = tpu.memref_slice %arg7[%add3A_239, %dma_wait3A_240] : memref<40x128xi32, #tpu.memory_space<vmem>> -> memref<1x128xi32, #tpu.memory_space<vmem>>
        %dma_wait3A_242 = tpu.memref_squeeze %dma_wait3A_241 : memref<1x128xi32, #tpu.memory_space<vmem>> -> memref<128xi32, #tpu.memory_space<vmem>>
        %dma_wait3A_243 = arith.constant 0 : i32
        %dma_wait3A_244 = arith.constant 0 : i32
        %dma_wait3A_245 = tpu.memref_slice %arg2[%dma_wait3A_243, %dma_wait3A_244] : memref<10240x128xf32, #tpu.memory_space<hbm>> -> memref<10240x128xf32, #tpu.memory_space<hbm>>
        tpu.wait_indirect_dma semaphore(%arg12 : memref<!tpu.dma_semaphore, #tpu.memory_space<semaphore_mem>>) src(%dma_wait3A_245 : memref<10240x128xf32, #tpu.memory_space<hbm>>) dst(%arg10 : memref<128x128xf32, #tpu.memory_space<vmem>>)
        %add3A_246 = arith.constant 1 : i32
        %add3A_247 = arith.addi %mul3A_225, %add3A_246 : i32
        %dma_start3A_248 = arith.constant 0 : i32
        %dma_start3A_249 = tpu.memref_slice %arg8[%add3A_247, %dma_start3A_248] : memref<40x128xi32, #tpu.memory_space<vmem>> -> memref<1x128xi32, #tpu.memory_space<vmem>>
        %dma_start3A_250 = tpu.memref_squeeze %dma_start3A_249 : memref<1x128xi32, #tpu.memory_space<vmem>> -> memref<128xi32, #tpu.memory_space<vmem>>
        %dma_start3A_251 = arith.constant 0 : i32
        %dma_start3A_252 = arith.constant 0 : i32
        %dma_start3A_253 = tpu.memref_slice %arg6[%dma_start3A_251, %dma_start3A_252] : memref<10240x128xf32, #tpu.memory_space<vmem_shared>> -> memref<10240x128xf32, #tpu.memory_space<vmem_shared>>
        tpu.enqueue_indirect_dma source(%arg10 : memref<128x128xf32, #tpu.memory_space<vmem>>) target(%dma_start3A_253 : memref<10240x128xf32, #tpu.memory_space<vmem_shared>>) offsets(%dma_start3A_250 : memref<128xi32, #tpu.memory_space<vmem>>) semaphore(%arg14 : memref<!tpu.dma_semaphore, #tpu.memory_space<semaphore_mem>>) {add = true}
        %dma_wait3A_254 = arith.constant 0 : i32
        %dma_wait3A_255 = tpu.memref_slice %arg8[%mul3A_225, %dma_wait3A_254] : memref<40x128xi32, #tpu.memory_space<vmem>> -> memref<1x128xi32, #tpu.memory_space<vmem>>
        %dma_wait3A_256 = tpu.memref_squeeze %dma_wait3A_255 : memref<1x128xi32, #tpu.memory_space<vmem>> -> memref<128xi32, #tpu.memory_space<vmem>>
        %dma_wait3A_257 = arith.constant 0 : i32
        %dma_wait3A_258 = arith.constant 0 : i32
        %dma_wait3A_259 = tpu.memref_slice %arg6[%dma_wait3A_257, %dma_wait3A_258] : memref<10240x128xf32, #tpu.memory_space<vmem_shared>> -> memref<10240x128xf32, #tpu.memory_space<vmem_shared>>
        tpu.wait_indirect_dma semaphore(%arg13 : memref<!tpu.dma_semaphore, #tpu.memory_space<semaphore_mem>>) src(%arg9 : memref<128x128xf32, #tpu.memory_space<vmem>>) dst(%dma_wait3A_259 : memref<10240x128xf32, #tpu.memory_space<vmem_shared>>)
        %add3A_260 = arith.constant 2 : i32
        %add3A_261 = arith.addi %mul3A_225, %add3A_260 : i32
        %dma_start3A_262 = arith.constant 0 : i32
        %dma_start3A_263 = tpu.memref_slice %arg7[%add3A_261, %dma_start3A_262] : memref<40x128xi32, #tpu.memory_space<vmem>> -> memref<1x128xi32, #tpu.memory_space<vmem>>
        %dma_start3A_264 = tpu.memref_squeeze %dma_start3A_263 : memref<1x128xi32, #tpu.memory_space<vmem>> -> memref<128xi32, #tpu.memory_space<vmem>>
        %dma_start3A_265 = arith.constant 0 : i32
        %dma_start3A_266 = arith.constant 0 : i32
        %dma_start3A_267 = tpu.memref_slice %arg2[%dma_start3A_265, %dma_start3A_266] : memref<10240x128xf32, #tpu.memory_space<hbm>> -> memref<10240x128xf32, #tpu.memory_space<hbm>>
        tpu.enqueue_indirect_dma source(%dma_start3A_267 : memref<10240x128xf32, #tpu.memory_space<hbm>>) target(%arg9 : memref<128x128xf32, #tpu.memory_space<vmem>>) offsets(%dma_start3A_264 : memref<128xi32, #tpu.memory_space<vmem>>) semaphore(%arg11 : memref<!tpu.dma_semaphore, #tpu.memory_space<semaphore_mem>>)
        %add3A_268 = arith.constant 1 : i32
        %add3A_269 = arith.addi %mul3A_225, %add3A_268 : i32
        %dma_wait3A_270 = arith.constant 0 : i32
        %dma_wait3A_271 = tpu.memref_slice %arg8[%add3A_269, %dma_wait3A_270] : memref<40x128xi32, #tpu.memory_space<vmem>> -> memref<1x128xi32, #tpu.memory_space<vmem>>
        %dma_wait3A_272 = tpu.memref_squeeze %dma_wait3A_271 : memref<1x128xi32, #tpu.memory_space<vmem>> -> memref<128xi32, #tpu.memory_space<vmem>>
        %dma_wait3A_273 = arith.constant 0 : i32
        %dma_wait3A_274 = arith.constant 0 : i32
        %dma_wait3A_275 = tpu.memref_slice %arg6[%dma_wait3A_273, %dma_wait3A_274] : memref<10240x128xf32, #tpu.memory_space<vmem_shared>> -> memref<10240x128xf32, #tpu.memory_space<vmem_shared>>
        tpu.wait_indirect_dma semaphore(%arg14 : memref<!tpu.dma_semaphore, #tpu.memory_space<semaphore_mem>>) src(%arg10 : memref<128x128xf32, #tpu.memory_space<vmem>>) dst(%dma_wait3A_275 : memref<10240x128xf32, #tpu.memory_space<vmem_shared>>)
        %add3A_276 = arith.constant 3 : i32
        %add3A_277 = arith.addi %mul3A_225, %add3A_276 : i32
        %dma_start3A_278 = arith.constant 0 : i32
        %dma_start3A_279 = tpu.memref_slice %arg7[%add3A_277, %dma_start3A_278] : memref<40x128xi32, #tpu.memory_space<vmem>> -> memref<1x128xi32, #tpu.memory_space<vmem>>
        %dma_start3A_280 = tpu.memref_squeeze %dma_start3A_279 : memref<1x128xi32, #tpu.memory_space<vmem>> -> memref<128xi32, #tpu.memory_space<vmem>>
        %dma_start3A_281 = arith.constant 0 : i32
        %dma_start3A_282 = arith.constant 0 : i32
        %dma_start3A_283 = tpu.memref_slice %arg2[%dma_start3A_281, %dma_start3A_282] : memref<10240x128xf32, #tpu.memory_space<hbm>> -> memref<10240x128xf32, #tpu.memory_space<hbm>>
        tpu.enqueue_indirect_dma source(%dma_start3A_283 : memref<10240x128xf32, #tpu.memory_space<hbm>>) target(%arg10 : memref<128x128xf32, #tpu.memory_space<vmem>>) offsets(%dma_start3A_280 : memref<128xi32, #tpu.memory_space<vmem>>) semaphore(%arg12 : memref<!tpu.dma_semaphore, #tpu.memory_space<semaphore_mem>>)
      }
      %scan3A_43 = arith.constant 19 : i32
      %dma_wait3A = arith.constant 38 : i32
      %dma_wait3A_44 = arith.constant 0 : i32
      %dma_wait3A_45 = tpu.memref_slice %arg7[%dma_wait3A, %dma_wait3A_44] : memref<40x128xi32, #tpu.memory_space<vmem>> -> memref<1x128xi32, #tpu.memory_space<vmem>>
      %dma_wait3A_46 = tpu.memref_squeeze %dma_wait3A_45 : memref<1x128xi32, #tpu.memory_space<vmem>> -> memref<128xi32, #tpu.memory_space<vmem>>
      %dma_wait3A_47 = arith.constant 0 : i32
      %dma_wait3A_48 = arith.constant 0 : i32
      %dma_wait3A_49 = tpu.memref_slice %arg2[%dma_wait3A_47, %dma_wait3A_48] : memref<10240x128xf32, #tpu.memory_space<hbm>> -> memref<10240x128xf32, #tpu.memory_space<hbm>>
      tpu.wait_indirect_dma semaphore(%arg11 : memref<!tpu.dma_semaphore, #tpu.memory_space<semaphore_mem>>) src(%dma_wait3A_49 : memref<10240x128xf32, #tpu.memory_space<hbm>>) dst(%arg9 : memref<128x128xf32, #tpu.memory_space<vmem>>)
      %dma_start3A_50 = arith.constant 38 : i32
      %dma_start3A_51 = arith.constant 0 : i32
      %dma_start3A_52 = tpu.memref_slice %arg8[%dma_start3A_50, %dma_start3A_51] : memref<40x128xi32, #tpu.memory_space<vmem>> -> memref<1x128xi32, #tpu.memory_space<vmem>>
      %dma_start3A_53 = tpu.memref_squeeze %dma_start3A_52 : memref<1x128xi32, #tpu.memory_space<vmem>> -> memref<128xi32, #tpu.memory_space<vmem>>
      %dma_start3A_54 = arith.constant 0 : i32
      %dma_start3A_55 = arith.constant 0 : i32
      %dma_start3A_56 = tpu.memref_slice %arg6[%dma_start3A_54, %dma_start3A_55] : memref<10240x128xf32, #tpu.memory_space<vmem_shared>> -> memref<10240x128xf32, #tpu.memory_space<vmem_shared>>
      tpu.enqueue_indirect_dma source(%arg9 : memref<128x128xf32, #tpu.memory_space<vmem>>) target(%dma_start3A_56 : memref<10240x128xf32, #tpu.memory_space<vmem_shared>>) offsets(%dma_start3A_53 : memref<128xi32, #tpu.memory_space<vmem>>) semaphore(%arg13 : memref<!tpu.dma_semaphore, #tpu.memory_space<semaphore_mem>>) {add = true}
      %dma_wait3A_57 = arith.constant 39 : i32
      %dma_wait3A_58 = arith.constant 0 : i32
      %dma_wait3A_59 = tpu.memref_slice %arg7[%dma_wait3A_57, %dma_wait3A_58] : memref<40x128xi32, #tpu.memory_space<vmem>> -> memref<1x128xi32, #tpu.memory_space<vmem>>
      %dma_wait3A_60 = tpu.memref_squeeze %dma_wait3A_59 : memref<1x128xi32, #tpu.memory_space<vmem>> -> memref<128xi32, #tpu.memory_space<vmem>>
      %dma_wait3A_61 = arith.constant 0 : i32
      %dma_wait3A_62 = arith.constant 0 : i32
      %dma_wait3A_63 = tpu.memref_slice %arg2[%dma_wait3A_61, %dma_wait3A_62] : memref<10240x128xf32, #tpu.memory_space<hbm>> -> memref<10240x128xf32, #tpu.memory_space<hbm>>
      tpu.wait_indirect_dma semaphore(%arg12 : memref<!tpu.dma_semaphore, #tpu.memory_space<semaphore_mem>>) src(%dma_wait3A_63 : memref<10240x128xf32, #tpu.memory_space<hbm>>) dst(%arg10 : memref<128x128xf32, #tpu.memory_space<vmem>>)
      %dma_start3A_64 = arith.constant 39 : i32
      %dma_start3A_65 = arith.constant 0 : i32
      %dma_start3A_66 = tpu.memref_slice %arg8[%dma_start3A_64, %dma_start3A_65] : memref<40x128xi32, #tpu.memory_space<vmem>> -> memref<1x128xi32, #tpu.memory_space<vmem>>
      %dma_start3A_67 = tpu.memref_squeeze %dma_start3A_66 : memref<1x128xi32, #tpu.memory_space<vmem>> -> memref<128xi32, #tpu.memory_space<vmem>>
      %dma_start3A_68 = arith.constant 0 : i32
      %dma_start3A_69 = arith.constant 0 : i32
      %dma_start3A_70 = tpu.memref_slice %arg6[%dma_start3A_68, %dma_start3A_69] : memref<10240x128xf32, #tpu.memory_space<vmem_shared>> -> memref<10240x128xf32, #tpu.memory_space<vmem_shared>>
      tpu.enqueue_indirect_dma source(%arg10 : memref<128x128xf32, #tpu.memory_space<vmem>>) target(%dma_start3A_70 : memref<10240x128xf32, #tpu.memory_space<vmem_shared>>) offsets(%dma_start3A_67 : memref<128xi32, #tpu.memory_space<vmem>>) semaphore(%arg14 : memref<!tpu.dma_semaphore, #tpu.memory_space<semaphore_mem>>) {add = true}
      %dma_wait3A_71 = arith.constant 38 : i32
      %dma_wait3A_72 = arith.constant 0 : i32
      %dma_wait3A_73 = tpu.memref_slice %arg8[%dma_wait3A_71, %dma_wait3A_72] : memref<40x128xi32, #tpu.memory_space<vmem>> -> memref<1x128xi32, #tpu.memory_space<vmem>>
      %dma_wait3A_74 = tpu.memref_squeeze %dma_wait3A_73 : memref<1x128xi32, #tpu.memory_space<vmem>> -> memref<128xi32, #tpu.memory_space<vmem>>
      %dma_wait3A_75 = arith.constant 0 : i32
      %dma_wait3A_76 = arith.constant 0 : i32
      %dma_wait3A_77 = tpu.memref_slice %arg6[%dma_wait3A_75, %dma_wait3A_76] : memref<10240x128xf32, #tpu.memory_space<vmem_shared>> -> memref<10240x128xf32, #tpu.memory_space<vmem_shared>>
      tpu.wait_indirect_dma semaphore(%arg13 : memref<!tpu.dma_semaphore, #tpu.memory_space<semaphore_mem>>) src(%arg9 : memref<128x128xf32, #tpu.memory_space<vmem>>) dst(%dma_wait3A_77 : memref<10240x128xf32, #tpu.memory_space<vmem_shared>>)
      %dma_wait3A_78 = arith.constant 39 : i32
      %dma_wait3A_79 = arith.constant 0 : i32
      %dma_wait3A_80 = tpu.memref_slice %arg8[%dma_wait3A_78, %dma_wait3A_79] : memref<40x128xi32, #tpu.memory_space<vmem>> -> memref<1x128xi32, #tpu.memory_space<vmem>>
      %dma_wait3A_81 = tpu.memref_squeeze %dma_wait3A_80 : memref<1x128xi32, #tpu.memory_space<vmem>> -> memref<128xi32, #tpu.memory_space<vmem>>
      %dma_wait3A_82 = arith.constant 0 : i32
      %dma_wait3A_83 = arith.constant 0 : i32
      %dma_wait3A_84 = tpu.memref_slice %arg6[%dma_wait3A_82, %dma_wait3A_83] : memref<10240x128xf32, #tpu.memory_space<vmem_shared>> -> memref<10240x128xf32, #tpu.memory_space<vmem_shared>>
      tpu.wait_indirect_dma semaphore(%arg14 : memref<!tpu.dma_semaphore, #tpu.memory_space<semaphore_mem>>) src(%arg10 : memref<128x128xf32, #tpu.memory_space<vmem>>) dst(%dma_wait3A_84 : memref<10240x128xf32, #tpu.memory_space<vmem_shared>>)
      %mul3A_85 = arith.constant 120 : i32
      %mul3A_86 = arith.muli %arg1, %mul3A_85 : i32
      %add3A_87 = arith.constant 0 : i32
      %add3A_88 = arith.addi %add3A_87, %mul3A_86 : i32
      %add3A_89 = arith.constant 40 : i32
      %add3A_90 = arith.addi %add3A_88, %add3A_89 : i32
      "tpu.region"() ({
        %run_scoped3A = tpu.sem_alloc : memref<!tpu.dma_semaphore, #tpu.memory_space<semaphore_mem>>
        %dma_start3A_219 = arith.constant 0 : i32
        %dma_start3A_220 = tpu.memref_slice %arg3[%add3A_90, %dma_start3A_219] : memref<2560x128xi32, #tpu.memory_space<hbm>> -> memref<40x128xi32, #tpu.memory_space<hbm>>
        %dma_start3A_221 = arith.constant 0 : i32
        %dma_start3A_222 = tpu.memref_slice %arg3[%add3A_90, %dma_start3A_221] : memref<2560x128xi32, #tpu.memory_space<hbm>> -> memref<40x128xi32, #tpu.memory_space<hbm>>
        tpu.enqueue_dma source(%dma_start3A_222 : memref<40x128xi32, #tpu.memory_space<hbm>>) target(%arg7 : memref<40x128xi32, #tpu.memory_space<vmem>>) target_semaphore(%run_scoped3A : memref<!tpu.dma_semaphore, #tpu.memory_space<semaphore_mem>>)
        %dma_wait3A_223 = arith.constant 0 : i32
        %dma_wait3A_224 = tpu.memref_slice %arg3[%add3A_90, %dma_wait3A_223] : memref<2560x128xi32, #tpu.memory_space<hbm>> -> memref<40x128xi32, #tpu.memory_space<hbm>>
        %dma_wait3A_225 = arith.constant 0 : i32
        %dma_wait3A_226 = tpu.memref_slice %arg3[%add3A_90, %dma_wait3A_225] : memref<2560x128xi32, #tpu.memory_space<hbm>> -> memref<40x128xi32, #tpu.memory_space<hbm>>
        tpu.wait_dma2 semaphore(%run_scoped3A : memref<!tpu.dma_semaphore, #tpu.memory_space<semaphore_mem>>) src(%dma_wait3A_226 : memref<40x128xi32, #tpu.memory_space<hbm>>) dst(%arg7 : memref<40x128xi32, #tpu.memory_space<vmem>>)
        tpu.yield
      }) : () -> ()
      "tpu.region"() ({
        %run_scoped3A = tpu.sem_alloc : memref<!tpu.dma_semaphore, #tpu.memory_space<semaphore_mem>>
        %dma_start3A_219 = arith.constant 0 : i32
        %dma_start3A_220 = tpu.memref_slice %arg4[%add3A_90, %dma_start3A_219] : memref<2560x128xi32, #tpu.memory_space<hbm>> -> memref<40x128xi32, #tpu.memory_space<hbm>>
        %dma_start3A_221 = arith.constant 0 : i32
        %dma_start3A_222 = tpu.memref_slice %arg4[%add3A_90, %dma_start3A_221] : memref<2560x128xi32, #tpu.memory_space<hbm>> -> memref<40x128xi32, #tpu.memory_space<hbm>>
        tpu.enqueue_dma source(%dma_start3A_222 : memref<40x128xi32, #tpu.memory_space<hbm>>) target(%arg8 : memref<40x128xi32, #tpu.memory_space<vmem>>) target_semaphore(%run_scoped3A : memref<!tpu.dma_semaphore, #tpu.memory_space<semaphore_mem>>)
        %dma_wait3A_223 = arith.constant 0 : i32
        %dma_wait3A_224 = tpu.memref_slice %arg4[%add3A_90, %dma_wait3A_223] : memref<2560x128xi32, #tpu.memory_space<hbm>> -> memref<40x128xi32, #tpu.memory_space<hbm>>
        %dma_wait3A_225 = arith.constant 0 : i32
        %dma_wait3A_226 = tpu.memref_slice %arg4[%add3A_90, %dma_wait3A_225] : memref<2560x128xi32, #tpu.memory_space<hbm>> -> memref<40x128xi32, #tpu.memory_space<hbm>>
        tpu.wait_dma2 semaphore(%run_scoped3A : memref<!tpu.dma_semaphore, #tpu.memory_space<semaphore_mem>>) src(%dma_wait3A_226 : memref<40x128xi32, #tpu.memory_space<hbm>>) dst(%arg8 : memref<40x128xi32, #tpu.memory_space<vmem>>)
        tpu.yield
      }) : () -> ()
      %dma_start3A_91 = arith.constant 0 : i32
      %dma_start3A_92 = arith.constant 0 : i32
      %dma_start3A_93 = tpu.memref_slice %arg7[%dma_start3A_91, %dma_start3A_92] : memref<40x128xi32, #tpu.memory_space<vmem>> -> memref<1x128xi32, #tpu.memory_space<vmem>>
      %dma_start3A_94 = tpu.memref_squeeze %dma_start3A_93 : memref<1x128xi32, #tpu.memory_space<vmem>> -> memref<128xi32, #tpu.memory_space<vmem>>
      %dma_start3A_95 = arith.constant 0 : i32
      %dma_start3A_96 = arith.constant 0 : i32
      %dma_start3A_97 = tpu.memref_slice %arg2[%dma_start3A_95, %dma_start3A_96] : memref<10240x128xf32, #tpu.memory_space<hbm>> -> memref<10240x128xf32, #tpu.memory_space<hbm>>
      tpu.enqueue_indirect_dma source(%dma_start3A_97 : memref<10240x128xf32, #tpu.memory_space<hbm>>) target(%arg9 : memref<128x128xf32, #tpu.memory_space<vmem>>) offsets(%dma_start3A_94 : memref<128xi32, #tpu.memory_space<vmem>>) semaphore(%arg11 : memref<!tpu.dma_semaphore, #tpu.memory_space<semaphore_mem>>)
      %dma_start3A_98 = arith.constant 1 : i32
      %dma_start3A_99 = arith.constant 0 : i32
      %dma_start3A_100 = tpu.memref_slice %arg7[%dma_start3A_98, %dma_start3A_99] : memref<40x128xi32, #tpu.memory_space<vmem>> -> memref<1x128xi32, #tpu.memory_space<vmem>>
      %dma_start3A_101 = tpu.memref_squeeze %dma_start3A_100 : memref<1x128xi32, #tpu.memory_space<vmem>> -> memref<128xi32, #tpu.memory_space<vmem>>
      %dma_start3A_102 = arith.constant 0 : i32
      %dma_start3A_103 = arith.constant 0 : i32
      %dma_start3A_104 = tpu.memref_slice %arg2[%dma_start3A_102, %dma_start3A_103] : memref<10240x128xf32, #tpu.memory_space<hbm>> -> memref<10240x128xf32, #tpu.memory_space<hbm>>
      tpu.enqueue_indirect_dma source(%dma_start3A_104 : memref<10240x128xf32, #tpu.memory_space<hbm>>) target(%arg10 : memref<128x128xf32, #tpu.memory_space<vmem>>) offsets(%dma_start3A_101 : memref<128xi32, #tpu.memory_space<vmem>>) semaphore(%arg12 : memref<!tpu.dma_semaphore, #tpu.memory_space<semaphore_mem>>)
      %scan3A_105 = arith.constant 0 : i32
      %scan3A_106 = arith.constant 19 : i32
      %scan3A_107 = arith.addi %scan3A_105, %scan3A_106 : i32
      %scan3A_108 = arith.constant 1 : i32
      scf.for %scan3A_219 = %scan3A_105 to %scan3A_107 step %scan3A_108  : i32 {
        %mul3A_220 = arith.constant 1 : i32
        %mul3A_221 = arith.muli %scan3A_219, %mul3A_220 : i32
        %add3A_222 = arith.constant 0 : i32
        %add3A_223 = arith.addi %add3A_222, %mul3A_221 : i32
        %mul3A_224 = arith.constant 2 : i32
        %mul3A_225 = arith.muli %mul3A_224, %add3A_223 : i32
        %dma_wait3A_226 = arith.constant 0 : i32
        %dma_wait3A_227 = tpu.memref_slice %arg7[%mul3A_225, %dma_wait3A_226] : memref<40x128xi32, #tpu.memory_space<vmem>> -> memref<1x128xi32, #tpu.memory_space<vmem>>
        %dma_wait3A_228 = tpu.memref_squeeze %dma_wait3A_227 : memref<1x128xi32, #tpu.memory_space<vmem>> -> memref<128xi32, #tpu.memory_space<vmem>>
        %dma_wait3A_229 = arith.constant 0 : i32
        %dma_wait3A_230 = arith.constant 0 : i32
        %dma_wait3A_231 = tpu.memref_slice %arg2[%dma_wait3A_229, %dma_wait3A_230] : memref<10240x128xf32, #tpu.memory_space<hbm>> -> memref<10240x128xf32, #tpu.memory_space<hbm>>
        tpu.wait_indirect_dma semaphore(%arg11 : memref<!tpu.dma_semaphore, #tpu.memory_space<semaphore_mem>>) src(%dma_wait3A_231 : memref<10240x128xf32, #tpu.memory_space<hbm>>) dst(%arg9 : memref<128x128xf32, #tpu.memory_space<vmem>>)
        %dma_start3A_232 = arith.constant 0 : i32
        %dma_start3A_233 = tpu.memref_slice %arg8[%mul3A_225, %dma_start3A_232] : memref<40x128xi32, #tpu.memory_space<vmem>> -> memref<1x128xi32, #tpu.memory_space<vmem>>
        %dma_start3A_234 = tpu.memref_squeeze %dma_start3A_233 : memref<1x128xi32, #tpu.memory_space<vmem>> -> memref<128xi32, #tpu.memory_space<vmem>>
        %dma_start3A_235 = arith.constant 0 : i32
        %dma_start3A_236 = arith.constant 0 : i32
        %dma_start3A_237 = tpu.memref_slice %arg6[%dma_start3A_235, %dma_start3A_236] : memref<10240x128xf32, #tpu.memory_space<vmem_shared>> -> memref<10240x128xf32, #tpu.memory_space<vmem_shared>>
        tpu.enqueue_indirect_dma source(%arg9 : memref<128x128xf32, #tpu.memory_space<vmem>>) target(%dma_start3A_237 : memref<10240x128xf32, #tpu.memory_space<vmem_shared>>) offsets(%dma_start3A_234 : memref<128xi32, #tpu.memory_space<vmem>>) semaphore(%arg13 : memref<!tpu.dma_semaphore, #tpu.memory_space<semaphore_mem>>) {add = true}
        %add3A_238 = arith.constant 1 : i32
        %add3A_239 = arith.addi %mul3A_225, %add3A_238 : i32
        %dma_wait3A_240 = arith.constant 0 : i32
        %dma_wait3A_241 = tpu.memref_slice %arg7[%add3A_239, %dma_wait3A_240] : memref<40x128xi32, #tpu.memory_space<vmem>> -> memref<1x128xi32, #tpu.memory_space<vmem>>
        %dma_wait3A_242 = tpu.memref_squeeze %dma_wait3A_241 : memref<1x128xi32, #tpu.memory_space<vmem>> -> memref<128xi32, #tpu.memory_space<vmem>>
        %dma_wait3A_243 = arith.constant 0 : i32
        %dma_wait3A_244 = arith.constant 0 : i32
        %dma_wait3A_245 = tpu.memref_slice %arg2[%dma_wait3A_243, %dma_wait3A_244] : memref<10240x128xf32, #tpu.memory_space<hbm>> -> memref<10240x128xf32, #tpu.memory_space<hbm>>
        tpu.wait_indirect_dma semaphore(%arg12 : memref<!tpu.dma_semaphore, #tpu.memory_space<semaphore_mem>>) src(%dma_wait3A_245 : memref<10240x128xf32, #tpu.memory_space<hbm>>) dst(%arg10 : memref<128x128xf32, #tpu.memory_space<vmem>>)
        %add3A_246 = arith.constant 1 : i32
        %add3A_247 = arith.addi %mul3A_225, %add3A_246 : i32
        %dma_start3A_248 = arith.constant 0 : i32
        %dma_start3A_249 = tpu.memref_slice %arg8[%add3A_247, %dma_start3A_248] : memref<40x128xi32, #tpu.memory_space<vmem>> -> memref<1x128xi32, #tpu.memory_space<vmem>>
        %dma_start3A_250 = tpu.memref_squeeze %dma_start3A_249 : memref<1x128xi32, #tpu.memory_space<vmem>> -> memref<128xi32, #tpu.memory_space<vmem>>
        %dma_start3A_251 = arith.constant 0 : i32
        %dma_start3A_252 = arith.constant 0 : i32
        %dma_start3A_253 = tpu.memref_slice %arg6[%dma_start3A_251, %dma_start3A_252] : memref<10240x128xf32, #tpu.memory_space<vmem_shared>> -> memref<10240x128xf32, #tpu.memory_space<vmem_shared>>
        tpu.enqueue_indirect_dma source(%arg10 : memref<128x128xf32, #tpu.memory_space<vmem>>) target(%dma_start3A_253 : memref<10240x128xf32, #tpu.memory_space<vmem_shared>>) offsets(%dma_start3A_250 : memref<128xi32, #tpu.memory_space<vmem>>) semaphore(%arg14 : memref<!tpu.dma_semaphore, #tpu.memory_space<semaphore_mem>>) {add = true}
        %dma_wait3A_254 = arith.constant 0 : i32
        %dma_wait3A_255 = tpu.memref_slice %arg8[%mul3A_225, %dma_wait3A_254] : memref<40x128xi32, #tpu.memory_space<vmem>> -> memref<1x128xi32, #tpu.memory_space<vmem>>
        %dma_wait3A_256 = tpu.memref_squeeze %dma_wait3A_255 : memref<1x128xi32, #tpu.memory_space<vmem>> -> memref<128xi32, #tpu.memory_space<vmem>>
        %dma_wait3A_257 = arith.constant 0 : i32
        %dma_wait3A_258 = arith.constant 0 : i32
        %dma_wait3A_259 = tpu.memref_slice %arg6[%dma_wait3A_257, %dma_wait3A_258] : memref<10240x128xf32, #tpu.memory_space<vmem_shared>> -> memref<10240x128xf32, #tpu.memory_space<vmem_shared>>
        tpu.wait_indirect_dma semaphore(%arg13 : memref<!tpu.dma_semaphore, #tpu.memory_space<semaphore_mem>>) src(%arg9 : memref<128x128xf32, #tpu.memory_space<vmem>>) dst(%dma_wait3A_259 : memref<10240x128xf32, #tpu.memory_space<vmem_shared>>)
        %add3A_260 = arith.constant 2 : i32
        %add3A_261 = arith.addi %mul3A_225, %add3A_260 : i32
        %dma_start3A_262 = arith.constant 0 : i32
        %dma_start3A_263 = tpu.memref_slice %arg7[%add3A_261, %dma_start3A_262] : memref<40x128xi32, #tpu.memory_space<vmem>> -> memref<1x128xi32, #tpu.memory_space<vmem>>
        %dma_start3A_264 = tpu.memref_squeeze %dma_start3A_263 : memref<1x128xi32, #tpu.memory_space<vmem>> -> memref<128xi32, #tpu.memory_space<vmem>>
        %dma_start3A_265 = arith.constant 0 : i32
        %dma_start3A_266 = arith.constant 0 : i32
        %dma_start3A_267 = tpu.memref_slice %arg2[%dma_start3A_265, %dma_start3A_266] : memref<10240x128xf32, #tpu.memory_space<hbm>> -> memref<10240x128xf32, #tpu.memory_space<hbm>>
        tpu.enqueue_indirect_dma source(%dma_start3A_267 : memref<10240x128xf32, #tpu.memory_space<hbm>>) target(%arg9 : memref<128x128xf32, #tpu.memory_space<vmem>>) offsets(%dma_start3A_264 : memref<128xi32, #tpu.memory_space<vmem>>) semaphore(%arg11 : memref<!tpu.dma_semaphore, #tpu.memory_space<semaphore_mem>>)
        %add3A_268 = arith.constant 1 : i32
        %add3A_269 = arith.addi %mul3A_225, %add3A_268 : i32
        %dma_wait3A_270 = arith.constant 0 : i32
        %dma_wait3A_271 = tpu.memref_slice %arg8[%add3A_269, %dma_wait3A_270] : memref<40x128xi32, #tpu.memory_space<vmem>> -> memref<1x128xi32, #tpu.memory_space<vmem>>
        %dma_wait3A_272 = tpu.memref_squeeze %dma_wait3A_271 : memref<1x128xi32, #tpu.memory_space<vmem>> -> memref<128xi32, #tpu.memory_space<vmem>>
        %dma_wait3A_273 = arith.constant 0 : i32
        %dma_wait3A_274 = arith.constant 0 : i32
        %dma_wait3A_275 = tpu.memref_slice %arg6[%dma_wait3A_273, %dma_wait3A_274] : memref<10240x128xf32, #tpu.memory_space<vmem_shared>> -> memref<10240x128xf32, #tpu.memory_space<vmem_shared>>
        tpu.wait_indirect_dma semaphore(%arg14 : memref<!tpu.dma_semaphore, #tpu.memory_space<semaphore_mem>>) src(%arg10 : memref<128x128xf32, #tpu.memory_space<vmem>>) dst(%dma_wait3A_275 : memref<10240x128xf32, #tpu.memory_space<vmem_shared>>)
        %add3A_276 = arith.constant 3 : i32
        %add3A_277 = arith.addi %mul3A_225, %add3A_276 : i32
        %dma_start3A_278 = arith.constant 0 : i32
        %dma_start3A_279 = tpu.memref_slice %arg7[%add3A_277, %dma_start3A_278] : memref<40x128xi32, #tpu.memory_space<vmem>> -> memref<1x128xi32, #tpu.memory_space<vmem>>
        %dma_start3A_280 = tpu.memref_squeeze %dma_start3A_279 : memref<1x128xi32, #tpu.memory_space<vmem>> -> memref<128xi32, #tpu.memory_space<vmem>>
        %dma_start3A_281 = arith.constant 0 : i32
        %dma_start3A_282 = arith.constant 0 : i32
        %dma_start3A_283 = tpu.memref_slice %arg2[%dma_start3A_281, %dma_start3A_282] : memref<10240x128xf32, #tpu.memory_space<hbm>> -> memref<10240x128xf32, #tpu.memory_space<hbm>>
        tpu.enqueue_indirect_dma source(%dma_start3A_283 : memref<10240x128xf32, #tpu.memory_space<hbm>>) target(%arg10 : memref<128x128xf32, #tpu.memory_space<vmem>>) offsets(%dma_start3A_280 : memref<128xi32, #tpu.memory_space<vmem>>) semaphore(%arg12 : memref<!tpu.dma_semaphore, #tpu.memory_space<semaphore_mem>>)
      }
      %scan3A_109 = arith.constant 19 : i32
      %dma_wait3A_110 = arith.constant 38 : i32
      %dma_wait3A_111 = arith.constant 0 : i32
      %dma_wait3A_112 = tpu.memref_slice %arg7[%dma_wait3A_110, %dma_wait3A_111] : memref<40x128xi32, #tpu.memory_space<vmem>> -> memref<1x128xi32, #tpu.memory_space<vmem>>
      %dma_wait3A_113 = tpu.memref_squeeze %dma_wait3A_112 : memref<1x128xi32, #tpu.memory_space<vmem>> -> memref<128xi32, #tpu.memory_space<vmem>>
      %dma_wait3A_114 = arith.constant 0 : i32
      %dma_wait3A_115 = arith.constant 0 : i32
      %dma_wait3A_116 = tpu.memref_slice %arg2[%dma_wait3A_114, %dma_wait3A_115] : memref<10240x128xf32, #tpu.memory_space<hbm>> -> memref<10240x128xf32, #tpu.memory_space<hbm>>
      tpu.wait_indirect_dma semaphore(%arg11 : memref<!tpu.dma_semaphore, #tpu.memory_space<semaphore_mem>>) src(%dma_wait3A_116 : memref<10240x128xf32, #tpu.memory_space<hbm>>) dst(%arg9 : memref<128x128xf32, #tpu.memory_space<vmem>>)
      %dma_start3A_117 = arith.constant 38 : i32
      %dma_start3A_118 = arith.constant 0 : i32
      %dma_start3A_119 = tpu.memref_slice %arg8[%dma_start3A_117, %dma_start3A_118] : memref<40x128xi32, #tpu.memory_space<vmem>> -> memref<1x128xi32, #tpu.memory_space<vmem>>
      %dma_start3A_120 = tpu.memref_squeeze %dma_start3A_119 : memref<1x128xi32, #tpu.memory_space<vmem>> -> memref<128xi32, #tpu.memory_space<vmem>>
      %dma_start3A_121 = arith.constant 0 : i32
      %dma_start3A_122 = arith.constant 0 : i32
      %dma_start3A_123 = tpu.memref_slice %arg6[%dma_start3A_121, %dma_start3A_122] : memref<10240x128xf32, #tpu.memory_space<vmem_shared>> -> memref<10240x128xf32, #tpu.memory_space<vmem_shared>>
      tpu.enqueue_indirect_dma source(%arg9 : memref<128x128xf32, #tpu.memory_space<vmem>>) target(%dma_start3A_123 : memref<10240x128xf32, #tpu.memory_space<vmem_shared>>) offsets(%dma_start3A_120 : memref<128xi32, #tpu.memory_space<vmem>>) semaphore(%arg13 : memref<!tpu.dma_semaphore, #tpu.memory_space<semaphore_mem>>) {add = true}
      %dma_wait3A_124 = arith.constant 39 : i32
      %dma_wait3A_125 = arith.constant 0 : i32
      %dma_wait3A_126 = tpu.memref_slice %arg7[%dma_wait3A_124, %dma_wait3A_125] : memref<40x128xi32, #tpu.memory_space<vmem>> -> memref<1x128xi32, #tpu.memory_space<vmem>>
      %dma_wait3A_127 = tpu.memref_squeeze %dma_wait3A_126 : memref<1x128xi32, #tpu.memory_space<vmem>> -> memref<128xi32, #tpu.memory_space<vmem>>
      %dma_wait3A_128 = arith.constant 0 : i32
      %dma_wait3A_129 = arith.constant 0 : i32
      %dma_wait3A_130 = tpu.memref_slice %arg2[%dma_wait3A_128, %dma_wait3A_129] : memref<10240x128xf32, #tpu.memory_space<hbm>> -> memref<10240x128xf32, #tpu.memory_space<hbm>>
      tpu.wait_indirect_dma semaphore(%arg12 : memref<!tpu.dma_semaphore, #tpu.memory_space<semaphore_mem>>) src(%dma_wait3A_130 : memref<10240x128xf32, #tpu.memory_space<hbm>>) dst(%arg10 : memref<128x128xf32, #tpu.memory_space<vmem>>)
      %dma_start3A_131 = arith.constant 39 : i32
      %dma_start3A_132 = arith.constant 0 : i32
      %dma_start3A_133 = tpu.memref_slice %arg8[%dma_start3A_131, %dma_start3A_132] : memref<40x128xi32, #tpu.memory_space<vmem>> -> memref<1x128xi32, #tpu.memory_space<vmem>>
      %dma_start3A_134 = tpu.memref_squeeze %dma_start3A_133 : memref<1x128xi32, #tpu.memory_space<vmem>> -> memref<128xi32, #tpu.memory_space<vmem>>
      %dma_start3A_135 = arith.constant 0 : i32
      %dma_start3A_136 = arith.constant 0 : i32
      %dma_start3A_137 = tpu.memref_slice %arg6[%dma_start3A_135, %dma_start3A_136] : memref<10240x128xf32, #tpu.memory_space<vmem_shared>> -> memref<10240x128xf32, #tpu.memory_space<vmem_shared>>
      tpu.enqueue_indirect_dma source(%arg10 : memref<128x128xf32, #tpu.memory_space<vmem>>) target(%dma_start3A_137 : memref<10240x128xf32, #tpu.memory_space<vmem_shared>>) offsets(%dma_start3A_134 : memref<128xi32, #tpu.memory_space<vmem>>) semaphore(%arg14 : memref<!tpu.dma_semaphore, #tpu.memory_space<semaphore_mem>>) {add = true}
      %dma_wait3A_138 = arith.constant 38 : i32
      %dma_wait3A_139 = arith.constant 0 : i32
      %dma_wait3A_140 = tpu.memref_slice %arg8[%dma_wait3A_138, %dma_wait3A_139] : memref<40x128xi32, #tpu.memory_space<vmem>> -> memref<1x128xi32, #tpu.memory_space<vmem>>
      %dma_wait3A_141 = tpu.memref_squeeze %dma_wait3A_140 : memref<1x128xi32, #tpu.memory_space<vmem>> -> memref<128xi32, #tpu.memory_space<vmem>>
      %dma_wait3A_142 = arith.constant 0 : i32
      %dma_wait3A_143 = arith.constant 0 : i32
      %dma_wait3A_144 = tpu.memref_slice %arg6[%dma_wait3A_142, %dma_wait3A_143] : memref<10240x128xf32, #tpu.memory_space<vmem_shared>> -> memref<10240x128xf32, #tpu.memory_space<vmem_shared>>
      tpu.wait_indirect_dma semaphore(%arg13 : memref<!tpu.dma_semaphore, #tpu.memory_space<semaphore_mem>>) src(%arg9 : memref<128x128xf32, #tpu.memory_space<vmem>>) dst(%dma_wait3A_144 : memref<10240x128xf32, #tpu.memory_space<vmem_shared>>)
      %dma_wait3A_145 = arith.constant 39 : i32
      %dma_wait3A_146 = arith.constant 0 : i32
      %dma_wait3A_147 = tpu.memref_slice %arg8[%dma_wait3A_145, %dma_wait3A_146] : memref<40x128xi32, #tpu.memory_space<vmem>> -> memref<1x128xi32, #tpu.memory_space<vmem>>
      %dma_wait3A_148 = tpu.memref_squeeze %dma_wait3A_147 : memref<1x128xi32, #tpu.memory_space<vmem>> -> memref<128xi32, #tpu.memory_space<vmem>>
      %dma_wait3A_149 = arith.constant 0 : i32
      %dma_wait3A_150 = arith.constant 0 : i32
      %dma_wait3A_151 = tpu.memref_slice %arg6[%dma_wait3A_149, %dma_wait3A_150] : memref<10240x128xf32, #tpu.memory_space<vmem_shared>> -> memref<10240x128xf32, #tpu.memory_space<vmem_shared>>
      tpu.wait_indirect_dma semaphore(%arg14 : memref<!tpu.dma_semaphore, #tpu.memory_space<semaphore_mem>>) src(%arg10 : memref<128x128xf32, #tpu.memory_space<vmem>>) dst(%dma_wait3A_151 : memref<10240x128xf32, #tpu.memory_space<vmem_shared>>)
      %mul3A_152 = arith.constant 120 : i32
      %mul3A_153 = arith.muli %arg1, %mul3A_152 : i32
      %add3A_154 = arith.constant 0 : i32
      %add3A_155 = arith.addi %add3A_154, %mul3A_153 : i32
      %add3A_156 = arith.constant 80 : i32
      %add3A_157 = arith.addi %add3A_155, %add3A_156 : i32
      "tpu.region"() ({
        %run_scoped3A = tpu.sem_alloc : memref<!tpu.dma_semaphore, #tpu.memory_space<semaphore_mem>>
        %dma_start3A_219 = arith.constant 0 : i32
        %dma_start3A_220 = tpu.memref_slice %arg3[%add3A_157, %dma_start3A_219] : memref<2560x128xi32, #tpu.memory_space<hbm>> -> memref<40x128xi32, #tpu.memory_space<hbm>>
        %dma_start3A_221 = arith.constant 0 : i32
        %dma_start3A_222 = tpu.memref_slice %arg3[%add3A_157, %dma_start3A_221] : memref<2560x128xi32, #tpu.memory_space<hbm>> -> memref<40x128xi32, #tpu.memory_space<hbm>>
        tpu.enqueue_dma source(%dma_start3A_222 : memref<40x128xi32, #tpu.memory_space<hbm>>) target(%arg7 : memref<40x128xi32, #tpu.memory_space<vmem>>) target_semaphore(%run_scoped3A : memref<!tpu.dma_semaphore, #tpu.memory_space<semaphore_mem>>)
        %dma_wait3A_223 = arith.constant 0 : i32
        %dma_wait3A_224 = tpu.memref_slice %arg3[%add3A_157, %dma_wait3A_223] : memref<2560x128xi32, #tpu.memory_space<hbm>> -> memref<40x128xi32, #tpu.memory_space<hbm>>
        %dma_wait3A_225 = arith.constant 0 : i32
        %dma_wait3A_226 = tpu.memref_slice %arg3[%add3A_157, %dma_wait3A_225] : memref<2560x128xi32, #tpu.memory_space<hbm>> -> memref<40x128xi32, #tpu.memory_space<hbm>>
        tpu.wait_dma2 semaphore(%run_scoped3A : memref<!tpu.dma_semaphore, #tpu.memory_space<semaphore_mem>>) src(%dma_wait3A_226 : memref<40x128xi32, #tpu.memory_space<hbm>>) dst(%arg7 : memref<40x128xi32, #tpu.memory_space<vmem>>)
        tpu.yield
      }) : () -> ()
      "tpu.region"() ({
        %run_scoped3A = tpu.sem_alloc : memref<!tpu.dma_semaphore, #tpu.memory_space<semaphore_mem>>
        %dma_start3A_219 = arith.constant 0 : i32
        %dma_start3A_220 = tpu.memref_slice %arg4[%add3A_157, %dma_start3A_219] : memref<2560x128xi32, #tpu.memory_space<hbm>> -> memref<40x128xi32, #tpu.memory_space<hbm>>
        %dma_start3A_221 = arith.constant 0 : i32
        %dma_start3A_222 = tpu.memref_slice %arg4[%add3A_157, %dma_start3A_221] : memref<2560x128xi32, #tpu.memory_space<hbm>> -> memref<40x128xi32, #tpu.memory_space<hbm>>
        tpu.enqueue_dma source(%dma_start3A_222 : memref<40x128xi32, #tpu.memory_space<hbm>>) target(%arg8 : memref<40x128xi32, #tpu.memory_space<vmem>>) target_semaphore(%run_scoped3A : memref<!tpu.dma_semaphore, #tpu.memory_space<semaphore_mem>>)
        %dma_wait3A_223 = arith.constant 0 : i32
        %dma_wait3A_224 = tpu.memref_slice %arg4[%add3A_157, %dma_wait3A_223] : memref<2560x128xi32, #tpu.memory_space<hbm>> -> memref<40x128xi32, #tpu.memory_space<hbm>>
        %dma_wait3A_225 = arith.constant 0 : i32
        %dma_wait3A_226 = tpu.memref_slice %arg4[%add3A_157, %dma_wait3A_225] : memref<2560x128xi32, #tpu.memory_space<hbm>> -> memref<40x128xi32, #tpu.memory_space<hbm>>
        tpu.wait_dma2 semaphore(%run_scoped3A : memref<!tpu.dma_semaphore, #tpu.memory_space<semaphore_mem>>) src(%dma_wait3A_226 : memref<40x128xi32, #tpu.memory_space<hbm>>) dst(%arg8 : memref<40x128xi32, #tpu.memory_space<vmem>>)
        tpu.yield
      }) : () -> ()
      %dma_start3A_158 = arith.constant 0 : i32
      %dma_start3A_159 = arith.constant 0 : i32
      %dma_start3A_160 = tpu.memref_slice %arg7[%dma_start3A_158, %dma_start3A_159] : memref<40x128xi32, #tpu.memory_space<vmem>> -> memref<1x128xi32, #tpu.memory_space<vmem>>
      %dma_start3A_161 = tpu.memref_squeeze %dma_start3A_160 : memref<1x128xi32, #tpu.memory_space<vmem>> -> memref<128xi32, #tpu.memory_space<vmem>>
      %dma_start3A_162 = arith.constant 0 : i32
      %dma_start3A_163 = arith.constant 0 : i32
      %dma_start3A_164 = tpu.memref_slice %arg2[%dma_start3A_162, %dma_start3A_163] : memref<10240x128xf32, #tpu.memory_space<hbm>> -> memref<10240x128xf32, #tpu.memory_space<hbm>>
      tpu.enqueue_indirect_dma source(%dma_start3A_164 : memref<10240x128xf32, #tpu.memory_space<hbm>>) target(%arg9 : memref<128x128xf32, #tpu.memory_space<vmem>>) offsets(%dma_start3A_161 : memref<128xi32, #tpu.memory_space<vmem>>) semaphore(%arg11 : memref<!tpu.dma_semaphore, #tpu.memory_space<semaphore_mem>>)
      %dma_start3A_165 = arith.constant 1 : i32
      %dma_start3A_166 = arith.constant 0 : i32
      %dma_start3A_167 = tpu.memref_slice %arg7[%dma_start3A_165, %dma_start3A_166] : memref<40x128xi32, #tpu.memory_space<vmem>> -> memref<1x128xi32, #tpu.memory_space<vmem>>
      %dma_start3A_168 = tpu.memref_squeeze %dma_start3A_167 : memref<1x128xi32, #tpu.memory_space<vmem>> -> memref<128xi32, #tpu.memory_space<vmem>>
      %dma_start3A_169 = arith.constant 0 : i32
      %dma_start3A_170 = arith.constant 0 : i32
      %dma_start3A_171 = tpu.memref_slice %arg2[%dma_start3A_169, %dma_start3A_170] : memref<10240x128xf32, #tpu.memory_space<hbm>> -> memref<10240x128xf32, #tpu.memory_space<hbm>>
      tpu.enqueue_indirect_dma source(%dma_start3A_171 : memref<10240x128xf32, #tpu.memory_space<hbm>>) target(%arg10 : memref<128x128xf32, #tpu.memory_space<vmem>>) offsets(%dma_start3A_168 : memref<128xi32, #tpu.memory_space<vmem>>) semaphore(%arg12 : memref<!tpu.dma_semaphore, #tpu.memory_space<semaphore_mem>>)
      %scan3A_172 = arith.constant 0 : i32
      %scan3A_173 = arith.constant 19 : i32
      %scan3A_174 = arith.addi %scan3A_172, %scan3A_173 : i32
      %scan3A_175 = arith.constant 1 : i32
      scf.for %scan3A_219 = %scan3A_172 to %scan3A_174 step %scan3A_175  : i32 {
        %mul3A_220 = arith.constant 1 : i32
        %mul3A_221 = arith.muli %scan3A_219, %mul3A_220 : i32
        %add3A_222 = arith.constant 0 : i32
        %add3A_223 = arith.addi %add3A_222, %mul3A_221 : i32
        %mul3A_224 = arith.constant 2 : i32
        %mul3A_225 = arith.muli %mul3A_224, %add3A_223 : i32
        %dma_wait3A_226 = arith.constant 0 : i32
        %dma_wait3A_227 = tpu.memref_slice %arg7[%mul3A_225, %dma_wait3A_226] : memref<40x128xi32, #tpu.memory_space<vmem>> -> memref<1x128xi32, #tpu.memory_space<vmem>>
        %dma_wait3A_228 = tpu.memref_squeeze %dma_wait3A_227 : memref<1x128xi32, #tpu.memory_space<vmem>> -> memref<128xi32, #tpu.memory_space<vmem>>
        %dma_wait3A_229 = arith.constant 0 : i32
        %dma_wait3A_230 = arith.constant 0 : i32
        %dma_wait3A_231 = tpu.memref_slice %arg2[%dma_wait3A_229, %dma_wait3A_230] : memref<10240x128xf32, #tpu.memory_space<hbm>> -> memref<10240x128xf32, #tpu.memory_space<hbm>>
        tpu.wait_indirect_dma semaphore(%arg11 : memref<!tpu.dma_semaphore, #tpu.memory_space<semaphore_mem>>) src(%dma_wait3A_231 : memref<10240x128xf32, #tpu.memory_space<hbm>>) dst(%arg9 : memref<128x128xf32, #tpu.memory_space<vmem>>)
        %dma_start3A_232 = arith.constant 0 : i32
        %dma_start3A_233 = tpu.memref_slice %arg8[%mul3A_225, %dma_start3A_232] : memref<40x128xi32, #tpu.memory_space<vmem>> -> memref<1x128xi32, #tpu.memory_space<vmem>>
        %dma_start3A_234 = tpu.memref_squeeze %dma_start3A_233 : memref<1x128xi32, #tpu.memory_space<vmem>> -> memref<128xi32, #tpu.memory_space<vmem>>
        %dma_start3A_235 = arith.constant 0 : i32
        %dma_start3A_236 = arith.constant 0 : i32
        %dma_start3A_237 = tpu.memref_slice %arg6[%dma_start3A_235, %dma_start3A_236] : memref<10240x128xf32, #tpu.memory_space<vmem_shared>> -> memref<10240x128xf32, #tpu.memory_space<vmem_shared>>
        tpu.enqueue_indirect_dma source(%arg9 : memref<128x128xf32, #tpu.memory_space<vmem>>) target(%dma_start3A_237 : memref<10240x128xf32, #tpu.memory_space<vmem_shared>>) offsets(%dma_start3A_234 : memref<128xi32, #tpu.memory_space<vmem>>) semaphore(%arg13 : memref<!tpu.dma_semaphore, #tpu.memory_space<semaphore_mem>>) {add = true}
        %add3A_238 = arith.constant 1 : i32
        %add3A_239 = arith.addi %mul3A_225, %add3A_238 : i32
        %dma_wait3A_240 = arith.constant 0 : i32
        %dma_wait3A_241 = tpu.memref_slice %arg7[%add3A_239, %dma_wait3A_240] : memref<40x128xi32, #tpu.memory_space<vmem>> -> memref<1x128xi32, #tpu.memory_space<vmem>>
        %dma_wait3A_242 = tpu.memref_squeeze %dma_wait3A_241 : memref<1x128xi32, #tpu.memory_space<vmem>> -> memref<128xi32, #tpu.memory_space<vmem>>
        %dma_wait3A_243 = arith.constant 0 : i32
        %dma_wait3A_244 = arith.constant 0 : i32
        %dma_wait3A_245 = tpu.memref_slice %arg2[%dma_wait3A_243, %dma_wait3A_244] : memref<10240x128xf32, #tpu.memory_space<hbm>> -> memref<10240x128xf32, #tpu.memory_space<hbm>>
        tpu.wait_indirect_dma semaphore(%arg12 : memref<!tpu.dma_semaphore, #tpu.memory_space<semaphore_mem>>) src(%dma_wait3A_245 : memref<10240x128xf32, #tpu.memory_space<hbm>>) dst(%arg10 : memref<128x128xf32, #tpu.memory_space<vmem>>)
        %add3A_246 = arith.constant 1 : i32
        %add3A_247 = arith.addi %mul3A_225, %add3A_246 : i32
        %dma_start3A_248 = arith.constant 0 : i32
        %dma_start3A_249 = tpu.memref_slice %arg8[%add3A_247, %dma_start3A_248] : memref<40x128xi32, #tpu.memory_space<vmem>> -> memref<1x128xi32, #tpu.memory_space<vmem>>
        %dma_start3A_250 = tpu.memref_squeeze %dma_start3A_249 : memref<1x128xi32, #tpu.memory_space<vmem>> -> memref<128xi32, #tpu.memory_space<vmem>>
        %dma_start3A_251 = arith.constant 0 : i32
        %dma_start3A_252 = arith.constant 0 : i32
        %dma_start3A_253 = tpu.memref_slice %arg6[%dma_start3A_251, %dma_start3A_252] : memref<10240x128xf32, #tpu.memory_space<vmem_shared>> -> memref<10240x128xf32, #tpu.memory_space<vmem_shared>>
        tpu.enqueue_indirect_dma source(%arg10 : memref<128x128xf32, #tpu.memory_space<vmem>>) target(%dma_start3A_253 : memref<10240x128xf32, #tpu.memory_space<vmem_shared>>) offsets(%dma_start3A_250 : memref<128xi32, #tpu.memory_space<vmem>>) semaphore(%arg14 : memref<!tpu.dma_semaphore, #tpu.memory_space<semaphore_mem>>) {add = true}
        %dma_wait3A_254 = arith.constant 0 : i32
        %dma_wait3A_255 = tpu.memref_slice %arg8[%mul3A_225, %dma_wait3A_254] : memref<40x128xi32, #tpu.memory_space<vmem>> -> memref<1x128xi32, #tpu.memory_space<vmem>>
        %dma_wait3A_256 = tpu.memref_squeeze %dma_wait3A_255 : memref<1x128xi32, #tpu.memory_space<vmem>> -> memref<128xi32, #tpu.memory_space<vmem>>
        %dma_wait3A_257 = arith.constant 0 : i32
        %dma_wait3A_258 = arith.constant 0 : i32
        %dma_wait3A_259 = tpu.memref_slice %arg6[%dma_wait3A_257, %dma_wait3A_258] : memref<10240x128xf32, #tpu.memory_space<vmem_shared>> -> memref<10240x128xf32, #tpu.memory_space<vmem_shared>>
        tpu.wait_indirect_dma semaphore(%arg13 : memref<!tpu.dma_semaphore, #tpu.memory_space<semaphore_mem>>) src(%arg9 : memref<128x128xf32, #tpu.memory_space<vmem>>) dst(%dma_wait3A_259 : memref<10240x128xf32, #tpu.memory_space<vmem_shared>>)
        %add3A_260 = arith.constant 2 : i32
        %add3A_261 = arith.addi %mul3A_225, %add3A_260 : i32
        %dma_start3A_262 = arith.constant 0 : i32
        %dma_start3A_263 = tpu.memref_slice %arg7[%add3A_261, %dma_start3A_262] : memref<40x128xi32, #tpu.memory_space<vmem>> -> memref<1x128xi32, #tpu.memory_space<vmem>>
        %dma_start3A_264 = tpu.memref_squeeze %dma_start3A_263 : memref<1x128xi32, #tpu.memory_space<vmem>> -> memref<128xi32, #tpu.memory_space<vmem>>
        %dma_start3A_265 = arith.constant 0 : i32
        %dma_start3A_266 = arith.constant 0 : i32
        %dma_start3A_267 = tpu.memref_slice %arg2[%dma_start3A_265, %dma_start3A_266] : memref<10240x128xf32, #tpu.memory_space<hbm>> -> memref<10240x128xf32, #tpu.memory_space<hbm>>
        tpu.enqueue_indirect_dma source(%dma_start3A_267 : memref<10240x128xf32, #tpu.memory_space<hbm>>) target(%arg9 : memref<128x128xf32, #tpu.memory_space<vmem>>) offsets(%dma_start3A_264 : memref<128xi32, #tpu.memory_space<vmem>>) semaphore(%arg11 : memref<!tpu.dma_semaphore, #tpu.memory_space<semaphore_mem>>)
        %add3A_268 = arith.constant 1 : i32
        %add3A_269 = arith.addi %mul3A_225, %add3A_268 : i32
        %dma_wait3A_270 = arith.constant 0 : i32
        %dma_wait3A_271 = tpu.memref_slice %arg8[%add3A_269, %dma_wait3A_270] : memref<40x128xi32, #tpu.memory_space<vmem>> -> memref<1x128xi32, #tpu.memory_space<vmem>>
        %dma_wait3A_272 = tpu.memref_squeeze %dma_wait3A_271 : memref<1x128xi32, #tpu.memory_space<vmem>> -> memref<128xi32, #tpu.memory_space<vmem>>
        %dma_wait3A_273 = arith.constant 0 : i32
        %dma_wait3A_274 = arith.constant 0 : i32
        %dma_wait3A_275 = tpu.memref_slice %arg6[%dma_wait3A_273, %dma_wait3A_274] : memref<10240x128xf32, #tpu.memory_space<vmem_shared>> -> memref<10240x128xf32, #tpu.memory_space<vmem_shared>>
        tpu.wait_indirect_dma semaphore(%arg14 : memref<!tpu.dma_semaphore, #tpu.memory_space<semaphore_mem>>) src(%arg10 : memref<128x128xf32, #tpu.memory_space<vmem>>) dst(%dma_wait3A_275 : memref<10240x128xf32, #tpu.memory_space<vmem_shared>>)
        %add3A_276 = arith.constant 3 : i32
        %add3A_277 = arith.addi %mul3A_225, %add3A_276 : i32
        %dma_start3A_278 = arith.constant 0 : i32
        %dma_start3A_279 = tpu.memref_slice %arg7[%add3A_277, %dma_start3A_278] : memref<40x128xi32, #tpu.memory_space<vmem>> -> memref<1x128xi32, #tpu.memory_space<vmem>>
        %dma_start3A_280 = tpu.memref_squeeze %dma_start3A_279 : memref<1x128xi32, #tpu.memory_space<vmem>> -> memref<128xi32, #tpu.memory_space<vmem>>
        %dma_start3A_281 = arith.constant 0 : i32
        %dma_start3A_282 = arith.constant 0 : i32
        %dma_start3A_283 = tpu.memref_slice %arg2[%dma_start3A_281, %dma_start3A_282] : memref<10240x128xf32, #tpu.memory_space<hbm>> -> memref<10240x128xf32, #tpu.memory_space<hbm>>
        tpu.enqueue_indirect_dma source(%dma_start3A_283 : memref<10240x128xf32, #tpu.memory_space<hbm>>) target(%arg10 : memref<128x128xf32, #tpu.memory_space<vmem>>) offsets(%dma_start3A_280 : memref<128xi32, #tpu.memory_space<vmem>>) semaphore(%arg12 : memref<!tpu.dma_semaphore, #tpu.memory_space<semaphore_mem>>)
      }
      %scan3A_176 = arith.constant 19 : i32
      %dma_wait3A_177 = arith.constant 38 : i32
      %dma_wait3A_178 = arith.constant 0 : i32
      %dma_wait3A_179 = tpu.memref_slice %arg7[%dma_wait3A_177, %dma_wait3A_178] : memref<40x128xi32, #tpu.memory_space<vmem>> -> memref<1x128xi32, #tpu.memory_space<vmem>>
      %dma_wait3A_180 = tpu.memref_squeeze %dma_wait3A_179 : memref<1x128xi32, #tpu.memory_space<vmem>> -> memref<128xi32, #tpu.memory_space<vmem>>
      %dma_wait3A_181 = arith.constant 0 : i32
      %dma_wait3A_182 = arith.constant 0 : i32
      %dma_wait3A_183 = tpu.memref_slice %arg2[%dma_wait3A_181, %dma_wait3A_182] : memref<10240x128xf32, #tpu.memory_space<hbm>> -> memref<10240x128xf32, #tpu.memory_space<hbm>>
      tpu.wait_indirect_dma semaphore(%arg11 : memref<!tpu.dma_semaphore, #tpu.memory_space<semaphore_mem>>) src(%dma_wait3A_183 : memref<10240x128xf32, #tpu.memory_space<hbm>>) dst(%arg9 : memref<128x128xf32, #tpu.memory_space<vmem>>)
      %dma_start3A_184 = arith.constant 38 : i32
      %dma_start3A_185 = arith.constant 0 : i32
      %dma_start3A_186 = tpu.memref_slice %arg8[%dma_start3A_184, %dma_start3A_185] : memref<40x128xi32, #tpu.memory_space<vmem>> -> memref<1x128xi32, #tpu.memory_space<vmem>>
      %dma_start3A_187 = tpu.memref_squeeze %dma_start3A_186 : memref<1x128xi32, #tpu.memory_space<vmem>> -> memref<128xi32, #tpu.memory_space<vmem>>
      %dma_start3A_188 = arith.constant 0 : i32
      %dma_start3A_189 = arith.constant 0 : i32
      %dma_start3A_190 = tpu.memref_slice %arg6[%dma_start3A_188, %dma_start3A_189] : memref<10240x128xf32, #tpu.memory_space<vmem_shared>> -> memref<10240x128xf32, #tpu.memory_space<vmem_shared>>
      tpu.enqueue_indirect_dma source(%arg9 : memref<128x128xf32, #tpu.memory_space<vmem>>) target(%dma_start3A_190 : memref<10240x128xf32, #tpu.memory_space<vmem_shared>>) offsets(%dma_start3A_187 : memref<128xi32, #tpu.memory_space<vmem>>) semaphore(%arg13 : memref<!tpu.dma_semaphore, #tpu.memory_space<semaphore_mem>>) {add = true}
      %dma_wait3A_191 = arith.constant 39 : i32
      %dma_wait3A_192 = arith.constant 0 : i32
      %dma_wait3A_193 = tpu.memref_slice %arg7[%dma_wait3A_191, %dma_wait3A_192] : memref<40x128xi32, #tpu.memory_space<vmem>> -> memref<1x128xi32, #tpu.memory_space<vmem>>
      %dma_wait3A_194 = tpu.memref_squeeze %dma_wait3A_193 : memref<1x128xi32, #tpu.memory_space<vmem>> -> memref<128xi32, #tpu.memory_space<vmem>>
      %dma_wait3A_195 = arith.constant 0 : i32
      %dma_wait3A_196 = arith.constant 0 : i32
      %dma_wait3A_197 = tpu.memref_slice %arg2[%dma_wait3A_195, %dma_wait3A_196] : memref<10240x128xf32, #tpu.memory_space<hbm>> -> memref<10240x128xf32, #tpu.memory_space<hbm>>
      tpu.wait_indirect_dma semaphore(%arg12 : memref<!tpu.dma_semaphore, #tpu.memory_space<semaphore_mem>>) src(%dma_wait3A_197 : memref<10240x128xf32, #tpu.memory_space<hbm>>) dst(%arg10 : memref<128x128xf32, #tpu.memory_space<vmem>>)
      %dma_start3A_198 = arith.constant 39 : i32
      %dma_start3A_199 = arith.constant 0 : i32
      %dma_start3A_200 = tpu.memref_slice %arg8[%dma_start3A_198, %dma_start3A_199] : memref<40x128xi32, #tpu.memory_space<vmem>> -> memref<1x128xi32, #tpu.memory_space<vmem>>
      %dma_start3A_201 = tpu.memref_squeeze %dma_start3A_200 : memref<1x128xi32, #tpu.memory_space<vmem>> -> memref<128xi32, #tpu.memory_space<vmem>>
      %dma_start3A_202 = arith.constant 0 : i32
      %dma_start3A_203 = arith.constant 0 : i32
      %dma_start3A_204 = tpu.memref_slice %arg6[%dma_start3A_202, %dma_start3A_203] : memref<10240x128xf32, #tpu.memory_space<vmem_shared>> -> memref<10240x128xf32, #tpu.memory_space<vmem_shared>>
      tpu.enqueue_indirect_dma source(%arg10 : memref<128x128xf32, #tpu.memory_space<vmem>>) target(%dma_start3A_204 : memref<10240x128xf32, #tpu.memory_space<vmem_shared>>) offsets(%dma_start3A_201 : memref<128xi32, #tpu.memory_space<vmem>>) semaphore(%arg14 : memref<!tpu.dma_semaphore, #tpu.memory_space<semaphore_mem>>) {add = true}
      %dma_wait3A_205 = arith.constant 38 : i32
      %dma_wait3A_206 = arith.constant 0 : i32
      %dma_wait3A_207 = tpu.memref_slice %arg8[%dma_wait3A_205, %dma_wait3A_206] : memref<40x128xi32, #tpu.memory_space<vmem>> -> memref<1x128xi32, #tpu.memory_space<vmem>>
      %dma_wait3A_208 = tpu.memref_squeeze %dma_wait3A_207 : memref<1x128xi32, #tpu.memory_space<vmem>> -> memref<128xi32, #tpu.memory_space<vmem>>
      %dma_wait3A_209 = arith.constant 0 : i32
      %dma_wait3A_210 = arith.constant 0 : i32
      %dma_wait3A_211 = tpu.memref_slice %arg6[%dma_wait3A_209, %dma_wait3A_210] : memref<10240x128xf32, #tpu.memory_space<vmem_shared>> -> memref<10240x128xf32, #tpu.memory_space<vmem_shared>>
      tpu.wait_indirect_dma semaphore(%arg13 : memref<!tpu.dma_semaphore, #tpu.memory_space<semaphore_mem>>) src(%arg9 : memref<128x128xf32, #tpu.memory_space<vmem>>) dst(%dma_wait3A_211 : memref<10240x128xf32, #tpu.memory_space<vmem_shared>>)
      %dma_wait3A_212 = arith.constant 39 : i32
      %dma_wait3A_213 = arith.constant 0 : i32
      %dma_wait3A_214 = tpu.memref_slice %arg8[%dma_wait3A_212, %dma_wait3A_213] : memref<40x128xi32, #tpu.memory_space<vmem>> -> memref<1x128xi32, #tpu.memory_space<vmem>>
      %dma_wait3A_215 = tpu.memref_squeeze %dma_wait3A_214 : memref<1x128xi32, #tpu.memory_space<vmem>> -> memref<128xi32, #tpu.memory_space<vmem>>
      %dma_wait3A_216 = arith.constant 0 : i32
      %dma_wait3A_217 = arith.constant 0 : i32
      %dma_wait3A_218 = tpu.memref_slice %arg6[%dma_wait3A_216, %dma_wait3A_217] : memref<10240x128xf32, #tpu.memory_space<vmem_shared>> -> memref<10240x128xf32, #tpu.memory_space<vmem_shared>>
      tpu.wait_indirect_dma semaphore(%arg14 : memref<!tpu.dma_semaphore, #tpu.memory_space<semaphore_mem>>) src(%arg10 : memref<128x128xf32, #tpu.memory_space<vmem>>) dst(%dma_wait3A_218 : memref<10240x128xf32, #tpu.memory_space<vmem_shared>>)
    } else {
    }
    %eq3A_7 = arith.constant 1 : i32
    %eq3A_8 = arith.cmpi eq, %arg0, %eq3A_7 : i32
    %convert_element_type3A_9 = arith.extui %eq3A_8 : i1 to i32
    %cond3A_10 = arith.constant 0 : i32
    %cond3A_11 = arith.cmpi ne, %convert_element_type3A_9, %cond3A_10 : i32
    scf.if %cond3A_11 {
      %mul3A_20 = arith.constant 40 : i32
      %mul3A_21 = arith.muli %arg1, %mul3A_20 : i32
      %add3A_22 = arith.constant 1920 : i32
      %add3A_23 = arith.addi %add3A_22, %mul3A_21 : i32
      %add3A_24 = arith.constant 0 : i32
      %add3A_25 = arith.addi %add3A_23, %add3A_24 : i32
      "tpu.region"() ({
        %run_scoped3A = tpu.sem_alloc : memref<!tpu.dma_semaphore, #tpu.memory_space<semaphore_mem>>
        %dma_start3A_85 = arith.constant 0 : i32
        %dma_start3A_86 = tpu.memref_slice %arg3[%add3A_25, %dma_start3A_85] : memref<2560x128xi32, #tpu.memory_space<hbm>> -> memref<40x128xi32, #tpu.memory_space<hbm>>
        %dma_start3A_87 = arith.constant 0 : i32
        %dma_start3A_88 = tpu.memref_slice %arg3[%add3A_25, %dma_start3A_87] : memref<2560x128xi32, #tpu.memory_space<hbm>> -> memref<40x128xi32, #tpu.memory_space<hbm>>
        tpu.enqueue_dma source(%dma_start3A_88 : memref<40x128xi32, #tpu.memory_space<hbm>>) target(%arg7 : memref<40x128xi32, #tpu.memory_space<vmem>>) target_semaphore(%run_scoped3A : memref<!tpu.dma_semaphore, #tpu.memory_space<semaphore_mem>>)
        %dma_wait3A_89 = arith.constant 0 : i32
        %dma_wait3A_90 = tpu.memref_slice %arg3[%add3A_25, %dma_wait3A_89] : memref<2560x128xi32, #tpu.memory_space<hbm>> -> memref<40x128xi32, #tpu.memory_space<hbm>>
        %dma_wait3A_91 = arith.constant 0 : i32
        %dma_wait3A_92 = tpu.memref_slice %arg3[%add3A_25, %dma_wait3A_91] : memref<2560x128xi32, #tpu.memory_space<hbm>> -> memref<40x128xi32, #tpu.memory_space<hbm>>
        tpu.wait_dma2 semaphore(%run_scoped3A : memref<!tpu.dma_semaphore, #tpu.memory_space<semaphore_mem>>) src(%dma_wait3A_92 : memref<40x128xi32, #tpu.memory_space<hbm>>) dst(%arg7 : memref<40x128xi32, #tpu.memory_space<vmem>>)
        tpu.yield
      }) : () -> ()
      "tpu.region"() ({
        %run_scoped3A = tpu.sem_alloc : memref<!tpu.dma_semaphore, #tpu.memory_space<semaphore_mem>>
        %dma_start3A_85 = arith.constant 0 : i32
        %dma_start3A_86 = tpu.memref_slice %arg4[%add3A_25, %dma_start3A_85] : memref<2560x128xi32, #tpu.memory_space<hbm>> -> memref<40x128xi32, #tpu.memory_space<hbm>>
        %dma_start3A_87 = arith.constant 0 : i32
        %dma_start3A_88 = tpu.memref_slice %arg4[%add3A_25, %dma_start3A_87] : memref<2560x128xi32, #tpu.memory_space<hbm>> -> memref<40x128xi32, #tpu.memory_space<hbm>>
        tpu.enqueue_dma source(%dma_start3A_88 : memref<40x128xi32, #tpu.memory_space<hbm>>) target(%arg8 : memref<40x128xi32, #tpu.memory_space<vmem>>) target_semaphore(%run_scoped3A : memref<!tpu.dma_semaphore, #tpu.memory_space<semaphore_mem>>)
        %dma_wait3A_89 = arith.constant 0 : i32
        %dma_wait3A_90 = tpu.memref_slice %arg4[%add3A_25, %dma_wait3A_89] : memref<2560x128xi32, #tpu.memory_space<hbm>> -> memref<40x128xi32, #tpu.memory_space<hbm>>
        %dma_wait3A_91 = arith.constant 0 : i32
        %dma_wait3A_92 = tpu.memref_slice %arg4[%add3A_25, %dma_wait3A_91] : memref<2560x128xi32, #tpu.memory_space<hbm>> -> memref<40x128xi32, #tpu.memory_space<hbm>>
        tpu.wait_dma2 semaphore(%run_scoped3A : memref<!tpu.dma_semaphore, #tpu.memory_space<semaphore_mem>>) src(%dma_wait3A_92 : memref<40x128xi32, #tpu.memory_space<hbm>>) dst(%arg8 : memref<40x128xi32, #tpu.memory_space<vmem>>)
        tpu.yield
      }) : () -> ()
      %dma_start3A = arith.constant 0 : i32
      %dma_start3A_26 = arith.constant 0 : i32
      %dma_start3A_27 = tpu.memref_slice %arg7[%dma_start3A, %dma_start3A_26] : memref<40x128xi32, #tpu.memory_space<vmem>> -> memref<1x128xi32, #tpu.memory_space<vmem>>
      %dma_start3A_28 = tpu.memref_squeeze %dma_start3A_27 : memref<1x128xi32, #tpu.memory_space<vmem>> -> memref<128xi32, #tpu.memory_space<vmem>>
      %dma_start3A_29 = arith.constant 0 : i32
      %dma_start3A_30 = arith.constant 0 : i32
      %dma_start3A_31 = tpu.memref_slice %arg2[%dma_start3A_29, %dma_start3A_30] : memref<10240x128xf32, #tpu.memory_space<hbm>> -> memref<10240x128xf32, #tpu.memory_space<hbm>>
      tpu.enqueue_indirect_dma source(%dma_start3A_31 : memref<10240x128xf32, #tpu.memory_space<hbm>>) target(%arg9 : memref<128x128xf32, #tpu.memory_space<vmem>>) offsets(%dma_start3A_28 : memref<128xi32, #tpu.memory_space<vmem>>) semaphore(%arg11 : memref<!tpu.dma_semaphore, #tpu.memory_space<semaphore_mem>>)
      %dma_start3A_32 = arith.constant 1 : i32
      %dma_start3A_33 = arith.constant 0 : i32
      %dma_start3A_34 = tpu.memref_slice %arg7[%dma_start3A_32, %dma_start3A_33] : memref<40x128xi32, #tpu.memory_space<vmem>> -> memref<1x128xi32, #tpu.memory_space<vmem>>
      %dma_start3A_35 = tpu.memref_squeeze %dma_start3A_34 : memref<1x128xi32, #tpu.memory_space<vmem>> -> memref<128xi32, #tpu.memory_space<vmem>>
      %dma_start3A_36 = arith.constant 0 : i32
      %dma_start3A_37 = arith.constant 0 : i32
      %dma_start3A_38 = tpu.memref_slice %arg2[%dma_start3A_36, %dma_start3A_37] : memref<10240x128xf32, #tpu.memory_space<hbm>> -> memref<10240x128xf32, #tpu.memory_space<hbm>>
      tpu.enqueue_indirect_dma source(%dma_start3A_38 : memref<10240x128xf32, #tpu.memory_space<hbm>>) target(%arg10 : memref<128x128xf32, #tpu.memory_space<vmem>>) offsets(%dma_start3A_35 : memref<128xi32, #tpu.memory_space<vmem>>) semaphore(%arg12 : memref<!tpu.dma_semaphore, #tpu.memory_space<semaphore_mem>>)
      %scan3A_39 = arith.constant 0 : i32
      %scan3A_40 = arith.constant 19 : i32
      %scan3A_41 = arith.addi %scan3A_39, %scan3A_40 : i32
      %scan3A_42 = arith.constant 1 : i32
      scf.for %scan3A_85 = %scan3A_39 to %scan3A_41 step %scan3A_42  : i32 {
        %mul3A_86 = arith.constant 1 : i32
        %mul3A_87 = arith.muli %scan3A_85, %mul3A_86 : i32
        %add3A_88 = arith.constant 0 : i32
        %add3A_89 = arith.addi %add3A_88, %mul3A_87 : i32
        %mul3A_90 = arith.constant 2 : i32
        %mul3A_91 = arith.muli %mul3A_90, %add3A_89 : i32
        %dma_wait3A_92 = arith.constant 0 : i32
        %dma_wait3A_93 = tpu.memref_slice %arg7[%mul3A_91, %dma_wait3A_92] : memref<40x128xi32, #tpu.memory_space<vmem>> -> memref<1x128xi32, #tpu.memory_space<vmem>>
        %dma_wait3A_94 = tpu.memref_squeeze %dma_wait3A_93 : memref<1x128xi32, #tpu.memory_space<vmem>> -> memref<128xi32, #tpu.memory_space<vmem>>
        %dma_wait3A_95 = arith.constant 0 : i32
        %dma_wait3A_96 = arith.constant 0 : i32
        %dma_wait3A_97 = tpu.memref_slice %arg2[%dma_wait3A_95, %dma_wait3A_96] : memref<10240x128xf32, #tpu.memory_space<hbm>> -> memref<10240x128xf32, #tpu.memory_space<hbm>>
        tpu.wait_indirect_dma semaphore(%arg11 : memref<!tpu.dma_semaphore, #tpu.memory_space<semaphore_mem>>) src(%dma_wait3A_97 : memref<10240x128xf32, #tpu.memory_space<hbm>>) dst(%arg9 : memref<128x128xf32, #tpu.memory_space<vmem>>)
        %dma_start3A_98 = arith.constant 0 : i32
        %dma_start3A_99 = tpu.memref_slice %arg8[%mul3A_91, %dma_start3A_98] : memref<40x128xi32, #tpu.memory_space<vmem>> -> memref<1x128xi32, #tpu.memory_space<vmem>>
        %dma_start3A_100 = tpu.memref_squeeze %dma_start3A_99 : memref<1x128xi32, #tpu.memory_space<vmem>> -> memref<128xi32, #tpu.memory_space<vmem>>
        %dma_start3A_101 = arith.constant 0 : i32
        %dma_start3A_102 = arith.constant 0 : i32
        %dma_start3A_103 = tpu.memref_slice %arg6[%dma_start3A_101, %dma_start3A_102] : memref<10240x128xf32, #tpu.memory_space<vmem_shared>> -> memref<10240x128xf32, #tpu.memory_space<vmem_shared>>
        tpu.enqueue_indirect_dma source(%arg9 : memref<128x128xf32, #tpu.memory_space<vmem>>) target(%dma_start3A_103 : memref<10240x128xf32, #tpu.memory_space<vmem_shared>>) offsets(%dma_start3A_100 : memref<128xi32, #tpu.memory_space<vmem>>) semaphore(%arg13 : memref<!tpu.dma_semaphore, #tpu.memory_space<semaphore_mem>>) {add = true}
        %add3A_104 = arith.constant 1 : i32
        %add3A_105 = arith.addi %mul3A_91, %add3A_104 : i32
        %dma_wait3A_106 = arith.constant 0 : i32
        %dma_wait3A_107 = tpu.memref_slice %arg7[%add3A_105, %dma_wait3A_106] : memref<40x128xi32, #tpu.memory_space<vmem>> -> memref<1x128xi32, #tpu.memory_space<vmem>>
        %dma_wait3A_108 = tpu.memref_squeeze %dma_wait3A_107 : memref<1x128xi32, #tpu.memory_space<vmem>> -> memref<128xi32, #tpu.memory_space<vmem>>
        %dma_wait3A_109 = arith.constant 0 : i32
        %dma_wait3A_110 = arith.constant 0 : i32
        %dma_wait3A_111 = tpu.memref_slice %arg2[%dma_wait3A_109, %dma_wait3A_110] : memref<10240x128xf32, #tpu.memory_space<hbm>> -> memref<10240x128xf32, #tpu.memory_space<hbm>>
        tpu.wait_indirect_dma semaphore(%arg12 : memref<!tpu.dma_semaphore, #tpu.memory_space<semaphore_mem>>) src(%dma_wait3A_111 : memref<10240x128xf32, #tpu.memory_space<hbm>>) dst(%arg10 : memref<128x128xf32, #tpu.memory_space<vmem>>)
        %add3A_112 = arith.constant 1 : i32
        %add3A_113 = arith.addi %mul3A_91, %add3A_112 : i32
        %dma_start3A_114 = arith.constant 0 : i32
        %dma_start3A_115 = tpu.memref_slice %arg8[%add3A_113, %dma_start3A_114] : memref<40x128xi32, #tpu.memory_space<vmem>> -> memref<1x128xi32, #tpu.memory_space<vmem>>
        %dma_start3A_116 = tpu.memref_squeeze %dma_start3A_115 : memref<1x128xi32, #tpu.memory_space<vmem>> -> memref<128xi32, #tpu.memory_space<vmem>>
        %dma_start3A_117 = arith.constant 0 : i32
        %dma_start3A_118 = arith.constant 0 : i32
        %dma_start3A_119 = tpu.memref_slice %arg6[%dma_start3A_117, %dma_start3A_118] : memref<10240x128xf32, #tpu.memory_space<vmem_shared>> -> memref<10240x128xf32, #tpu.memory_space<vmem_shared>>
        tpu.enqueue_indirect_dma source(%arg10 : memref<128x128xf32, #tpu.memory_space<vmem>>) target(%dma_start3A_119 : memref<10240x128xf32, #tpu.memory_space<vmem_shared>>) offsets(%dma_start3A_116 : memref<128xi32, #tpu.memory_space<vmem>>) semaphore(%arg14 : memref<!tpu.dma_semaphore, #tpu.memory_space<semaphore_mem>>) {add = true}
        %dma_wait3A_120 = arith.constant 0 : i32
        %dma_wait3A_121 = tpu.memref_slice %arg8[%mul3A_91, %dma_wait3A_120] : memref<40x128xi32, #tpu.memory_space<vmem>> -> memref<1x128xi32, #tpu.memory_space<vmem>>
        %dma_wait3A_122 = tpu.memref_squeeze %dma_wait3A_121 : memref<1x128xi32, #tpu.memory_space<vmem>> -> memref<128xi32, #tpu.memory_space<vmem>>
        %dma_wait3A_123 = arith.constant 0 : i32
        %dma_wait3A_124 = arith.constant 0 : i32
        %dma_wait3A_125 = tpu.memref_slice %arg6[%dma_wait3A_123, %dma_wait3A_124] : memref<10240x128xf32, #tpu.memory_space<vmem_shared>> -> memref<10240x128xf32, #tpu.memory_space<vmem_shared>>
        tpu.wait_indirect_dma semaphore(%arg13 : memref<!tpu.dma_semaphore, #tpu.memory_space<semaphore_mem>>) src(%arg9 : memref<128x128xf32, #tpu.memory_space<vmem>>) dst(%dma_wait3A_125 : memref<10240x128xf32, #tpu.memory_space<vmem_shared>>)
        %add3A_126 = arith.constant 2 : i32
        %add3A_127 = arith.addi %mul3A_91, %add3A_126 : i32
        %dma_start3A_128 = arith.constant 0 : i32
        %dma_start3A_129 = tpu.memref_slice %arg7[%add3A_127, %dma_start3A_128] : memref<40x128xi32, #tpu.memory_space<vmem>> -> memref<1x128xi32, #tpu.memory_space<vmem>>
        %dma_start3A_130 = tpu.memref_squeeze %dma_start3A_129 : memref<1x128xi32, #tpu.memory_space<vmem>> -> memref<128xi32, #tpu.memory_space<vmem>>
        %dma_start3A_131 = arith.constant 0 : i32
        %dma_start3A_132 = arith.constant 0 : i32
        %dma_start3A_133 = tpu.memref_slice %arg2[%dma_start3A_131, %dma_start3A_132] : memref<10240x128xf32, #tpu.memory_space<hbm>> -> memref<10240x128xf32, #tpu.memory_space<hbm>>
        tpu.enqueue_indirect_dma source(%dma_start3A_133 : memref<10240x128xf32, #tpu.memory_space<hbm>>) target(%arg9 : memref<128x128xf32, #tpu.memory_space<vmem>>) offsets(%dma_start3A_130 : memref<128xi32, #tpu.memory_space<vmem>>) semaphore(%arg11 : memref<!tpu.dma_semaphore, #tpu.memory_space<semaphore_mem>>)
        %add3A_134 = arith.constant 1 : i32
        %add3A_135 = arith.addi %mul3A_91, %add3A_134 : i32
        %dma_wait3A_136 = arith.constant 0 : i32
        %dma_wait3A_137 = tpu.memref_slice %arg8[%add3A_135, %dma_wait3A_136] : memref<40x128xi32, #tpu.memory_space<vmem>> -> memref<1x128xi32, #tpu.memory_space<vmem>>
        %dma_wait3A_138 = tpu.memref_squeeze %dma_wait3A_137 : memref<1x128xi32, #tpu.memory_space<vmem>> -> memref<128xi32, #tpu.memory_space<vmem>>
        %dma_wait3A_139 = arith.constant 0 : i32
        %dma_wait3A_140 = arith.constant 0 : i32
        %dma_wait3A_141 = tpu.memref_slice %arg6[%dma_wait3A_139, %dma_wait3A_140] : memref<10240x128xf32, #tpu.memory_space<vmem_shared>> -> memref<10240x128xf32, #tpu.memory_space<vmem_shared>>
        tpu.wait_indirect_dma semaphore(%arg14 : memref<!tpu.dma_semaphore, #tpu.memory_space<semaphore_mem>>) src(%arg10 : memref<128x128xf32, #tpu.memory_space<vmem>>) dst(%dma_wait3A_141 : memref<10240x128xf32, #tpu.memory_space<vmem_shared>>)
        %add3A_142 = arith.constant 3 : i32
        %add3A_143 = arith.addi %mul3A_91, %add3A_142 : i32
        %dma_start3A_144 = arith.constant 0 : i32
        %dma_start3A_145 = tpu.memref_slice %arg7[%add3A_143, %dma_start3A_144] : memref<40x128xi32, #tpu.memory_space<vmem>> -> memref<1x128xi32, #tpu.memory_space<vmem>>
        %dma_start3A_146 = tpu.memref_squeeze %dma_start3A_145 : memref<1x128xi32, #tpu.memory_space<vmem>> -> memref<128xi32, #tpu.memory_space<vmem>>
        %dma_start3A_147 = arith.constant 0 : i32
        %dma_start3A_148 = arith.constant 0 : i32
        %dma_start3A_149 = tpu.memref_slice %arg2[%dma_start3A_147, %dma_start3A_148] : memref<10240x128xf32, #tpu.memory_space<hbm>> -> memref<10240x128xf32, #tpu.memory_space<hbm>>
        tpu.enqueue_indirect_dma source(%dma_start3A_149 : memref<10240x128xf32, #tpu.memory_space<hbm>>) target(%arg10 : memref<128x128xf32, #tpu.memory_space<vmem>>) offsets(%dma_start3A_146 : memref<128xi32, #tpu.memory_space<vmem>>) semaphore(%arg12 : memref<!tpu.dma_semaphore, #tpu.memory_space<semaphore_mem>>)
      }
      %scan3A_43 = arith.constant 19 : i32
      %dma_wait3A = arith.constant 38 : i32
      %dma_wait3A_44 = arith.constant 0 : i32
      %dma_wait3A_45 = tpu.memref_slice %arg7[%dma_wait3A, %dma_wait3A_44] : memref<40x128xi32, #tpu.memory_space<vmem>> -> memref<1x128xi32, #tpu.memory_space<vmem>>
      %dma_wait3A_46 = tpu.memref_squeeze %dma_wait3A_45 : memref<1x128xi32, #tpu.memory_space<vmem>> -> memref<128xi32, #tpu.memory_space<vmem>>
      %dma_wait3A_47 = arith.constant 0 : i32
      %dma_wait3A_48 = arith.constant 0 : i32
      %dma_wait3A_49 = tpu.memref_slice %arg2[%dma_wait3A_47, %dma_wait3A_48] : memref<10240x128xf32, #tpu.memory_space<hbm>> -> memref<10240x128xf32, #tpu.memory_space<hbm>>
      tpu.wait_indirect_dma semaphore(%arg11 : memref<!tpu.dma_semaphore, #tpu.memory_space<semaphore_mem>>) src(%dma_wait3A_49 : memref<10240x128xf32, #tpu.memory_space<hbm>>) dst(%arg9 : memref<128x128xf32, #tpu.memory_space<vmem>>)
      %dma_start3A_50 = arith.constant 38 : i32
      %dma_start3A_51 = arith.constant 0 : i32
      %dma_start3A_52 = tpu.memref_slice %arg8[%dma_start3A_50, %dma_start3A_51] : memref<40x128xi32, #tpu.memory_space<vmem>> -> memref<1x128xi32, #tpu.memory_space<vmem>>
      %dma_start3A_53 = tpu.memref_squeeze %dma_start3A_52 : memref<1x128xi32, #tpu.memory_space<vmem>> -> memref<128xi32, #tpu.memory_space<vmem>>
      %dma_start3A_54 = arith.constant 0 : i32
      %dma_start3A_55 = arith.constant 0 : i32
      %dma_start3A_56 = tpu.memref_slice %arg6[%dma_start3A_54, %dma_start3A_55] : memref<10240x128xf32, #tpu.memory_space<vmem_shared>> -> memref<10240x128xf32, #tpu.memory_space<vmem_shared>>
      tpu.enqueue_indirect_dma source(%arg9 : memref<128x128xf32, #tpu.memory_space<vmem>>) target(%dma_start3A_56 : memref<10240x128xf32, #tpu.memory_space<vmem_shared>>) offsets(%dma_start3A_53 : memref<128xi32, #tpu.memory_space<vmem>>) semaphore(%arg13 : memref<!tpu.dma_semaphore, #tpu.memory_space<semaphore_mem>>) {add = true}
      %dma_wait3A_57 = arith.constant 39 : i32
      %dma_wait3A_58 = arith.constant 0 : i32
      %dma_wait3A_59 = tpu.memref_slice %arg7[%dma_wait3A_57, %dma_wait3A_58] : memref<40x128xi32, #tpu.memory_space<vmem>> -> memref<1x128xi32, #tpu.memory_space<vmem>>
      %dma_wait3A_60 = tpu.memref_squeeze %dma_wait3A_59 : memref<1x128xi32, #tpu.memory_space<vmem>> -> memref<128xi32, #tpu.memory_space<vmem>>
      %dma_wait3A_61 = arith.constant 0 : i32
      %dma_wait3A_62 = arith.constant 0 : i32
      %dma_wait3A_63 = tpu.memref_slice %arg2[%dma_wait3A_61, %dma_wait3A_62] : memref<10240x128xf32, #tpu.memory_space<hbm>> -> memref<10240x128xf32, #tpu.memory_space<hbm>>
      tpu.wait_indirect_dma semaphore(%arg12 : memref<!tpu.dma_semaphore, #tpu.memory_space<semaphore_mem>>) src(%dma_wait3A_63 : memref<10240x128xf32, #tpu.memory_space<hbm>>) dst(%arg10 : memref<128x128xf32, #tpu.memory_space<vmem>>)
      %dma_start3A_64 = arith.constant 39 : i32
      %dma_start3A_65 = arith.constant 0 : i32
      %dma_start3A_66 = tpu.memref_slice %arg8[%dma_start3A_64, %dma_start3A_65] : memref<40x128xi32, #tpu.memory_space<vmem>> -> memref<1x128xi32, #tpu.memory_space<vmem>>
      %dma_start3A_67 = tpu.memref_squeeze %dma_start3A_66 : memref<1x128xi32, #tpu.memory_space<vmem>> -> memref<128xi32, #tpu.memory_space<vmem>>
      %dma_start3A_68 = arith.constant 0 : i32
      %dma_start3A_69 = arith.constant 0 : i32
      %dma_start3A_70 = tpu.memref_slice %arg6[%dma_start3A_68, %dma_start3A_69] : memref<10240x128xf32, #tpu.memory_space<vmem_shared>> -> memref<10240x128xf32, #tpu.memory_space<vmem_shared>>
      tpu.enqueue_indirect_dma source(%arg10 : memref<128x128xf32, #tpu.memory_space<vmem>>) target(%dma_start3A_70 : memref<10240x128xf32, #tpu.memory_space<vmem_shared>>) offsets(%dma_start3A_67 : memref<128xi32, #tpu.memory_space<vmem>>) semaphore(%arg14 : memref<!tpu.dma_semaphore, #tpu.memory_space<semaphore_mem>>) {add = true}
      %dma_wait3A_71 = arith.constant 38 : i32
      %dma_wait3A_72 = arith.constant 0 : i32
      %dma_wait3A_73 = tpu.memref_slice %arg8[%dma_wait3A_71, %dma_wait3A_72] : memref<40x128xi32, #tpu.memory_space<vmem>> -> memref<1x128xi32, #tpu.memory_space<vmem>>
      %dma_wait3A_74 = tpu.memref_squeeze %dma_wait3A_73 : memref<1x128xi32, #tpu.memory_space<vmem>> -> memref<128xi32, #tpu.memory_space<vmem>>
      %dma_wait3A_75 = arith.constant 0 : i32
      %dma_wait3A_76 = arith.constant 0 : i32
      %dma_wait3A_77 = tpu.memref_slice %arg6[%dma_wait3A_75, %dma_wait3A_76] : memref<10240x128xf32, #tpu.memory_space<vmem_shared>> -> memref<10240x128xf32, #tpu.memory_space<vmem_shared>>
      tpu.wait_indirect_dma semaphore(%arg13 : memref<!tpu.dma_semaphore, #tpu.memory_space<semaphore_mem>>) src(%arg9 : memref<128x128xf32, #tpu.memory_space<vmem>>) dst(%dma_wait3A_77 : memref<10240x128xf32, #tpu.memory_space<vmem_shared>>)
      %dma_wait3A_78 = arith.constant 39 : i32
      %dma_wait3A_79 = arith.constant 0 : i32
      %dma_wait3A_80 = tpu.memref_slice %arg8[%dma_wait3A_78, %dma_wait3A_79] : memref<40x128xi32, #tpu.memory_space<vmem>> -> memref<1x128xi32, #tpu.memory_space<vmem>>
      %dma_wait3A_81 = tpu.memref_squeeze %dma_wait3A_80 : memref<1x128xi32, #tpu.memory_space<vmem>> -> memref<128xi32, #tpu.memory_space<vmem>>
      %dma_wait3A_82 = arith.constant 0 : i32
      %dma_wait3A_83 = arith.constant 0 : i32
      %dma_wait3A_84 = tpu.memref_slice %arg6[%dma_wait3A_82, %dma_wait3A_83] : memref<10240x128xf32, #tpu.memory_space<vmem_shared>> -> memref<10240x128xf32, #tpu.memory_space<vmem_shared>>
      tpu.wait_indirect_dma semaphore(%arg14 : memref<!tpu.dma_semaphore, #tpu.memory_space<semaphore_mem>>) src(%arg10 : memref<128x128xf32, #tpu.memory_space<vmem>>) dst(%dma_wait3A_84 : memref<10240x128xf32, #tpu.memory_space<vmem_shared>>)
    } else {
    }
    %barrier3A_12 = arith.constant 0 : index
    tpu.barrier barrier_id(%barrier3A_12)
    %mul3A_13 = arith.constant 10240 : i32
    %mul3A_14 = arith.muli %arg0, %mul3A_13 : i32
    %add3A = arith.addi %mul3A_14, %mul3A_0 : i32
    %scan3A_15 = arith.constant 0 : i32
    %scan3A_16 = arith.constant 5 : i32
    %scan3A_17 = arith.addi %scan3A_15, %scan3A_16 : i32
    %scan3A_18 = arith.constant 1 : i32
    scf.for %scan3A_20 = %scan3A_15 to %scan3A_17 step %scan3A_18  : i32 {
      %mul3A_21 = arith.constant 1 : i32
      %mul3A_22 = arith.muli %scan3A_20, %mul3A_21 : i32
      %add3A_23 = arith.constant 0 : i32
      %add3A_24 = arith.addi %add3A_23, %mul3A_22 : i32
      %mul3A_25 = arith.constant 128 : i32
      %mul3A_26 = arith.muli %add3A_24, %mul3A_25 : i32
      %add3A_27 = arith.addi %mul3A_0, %mul3A_26 : i32
      "tpu.region"() ({
        %run_scoped3A = tpu.sem_alloc : memref<!tpu.dma_semaphore, #tpu.memory_space<semaphore_mem>>
        %dma_start3A = arith.constant 0 : i32
        %dma_start3A_31 = tpu.memref_slice %arg6[%add3A_27, %dma_start3A] : memref<10240x128xf32, #tpu.memory_space<vmem_shared>> -> memref<128x128xf32, #tpu.memory_space<vmem_shared>>
        %dma_start3A_32 = arith.constant 0 : i32
        %dma_start3A_33 = tpu.memref_slice %arg6[%add3A_27, %dma_start3A_32] : memref<10240x128xf32, #tpu.memory_space<vmem_shared>> -> memref<128x128xf32, #tpu.memory_space<vmem_shared>>
        tpu.enqueue_dma source(%dma_start3A_33 : memref<128x128xf32, #tpu.memory_space<vmem_shared>>) target(%arg9 : memref<128x128xf32, #tpu.memory_space<vmem>>) target_semaphore(%run_scoped3A : memref<!tpu.dma_semaphore, #tpu.memory_space<semaphore_mem>>)
        %dma_wait3A = arith.constant 0 : i32
        %dma_wait3A_34 = tpu.memref_slice %arg6[%add3A_27, %dma_wait3A] : memref<10240x128xf32, #tpu.memory_space<vmem_shared>> -> memref<128x128xf32, #tpu.memory_space<vmem_shared>>
        %dma_wait3A_35 = arith.constant 0 : i32
        %dma_wait3A_36 = tpu.memref_slice %arg6[%add3A_27, %dma_wait3A_35] : memref<10240x128xf32, #tpu.memory_space<vmem_shared>> -> memref<128x128xf32, #tpu.memory_space<vmem_shared>>
        tpu.wait_dma2 semaphore(%run_scoped3A : memref<!tpu.dma_semaphore, #tpu.memory_space<semaphore_mem>>) src(%dma_wait3A_36 : memref<128x128xf32, #tpu.memory_space<vmem_shared>>) dst(%arg9 : memref<128x128xf32, #tpu.memory_space<vmem>>)
        tpu.yield
      }) : () -> ()
      %mul3A_28 = arith.constant 128 : i32
      %mul3A_29 = arith.muli %add3A_24, %mul3A_28 : i32
      %add3A_30 = arith.addi %add3A, %mul3A_29 : i32
      "tpu.region"() ({
        %run_scoped3A = tpu.sem_alloc : memref<!tpu.dma_semaphore, #tpu.memory_space<semaphore_mem>>
        %dma_start3A = arith.constant 0 : i32
        %dma_start3A_31 = tpu.memref_slice %arg5[%add3A_30, %dma_start3A] : memref<20480x128xf32, #tpu.memory_space<hbm>> -> memref<128x128xf32, #tpu.memory_space<hbm>>
        %dma_start3A_32 = arith.constant 0 : i32
        %dma_start3A_33 = tpu.memref_slice %arg5[%add3A_30, %dma_start3A_32] : memref<20480x128xf32, #tpu.memory_space<hbm>> -> memref<128x128xf32, #tpu.memory_space<hbm>>
        tpu.enqueue_dma source(%arg9 : memref<128x128xf32, #tpu.memory_space<vmem>>) target(%dma_start3A_33 : memref<128x128xf32, #tpu.memory_space<hbm>>) target_semaphore(%run_scoped3A : memref<!tpu.dma_semaphore, #tpu.memory_space<semaphore_mem>>)
        %dma_wait3A = arith.constant 0 : i32
        %dma_wait3A_34 = tpu.memref_slice %arg5[%add3A_30, %dma_wait3A] : memref<20480x128xf32, #tpu.memory_space<hbm>> -> memref<128x128xf32, #tpu.memory_space<hbm>>
        %dma_wait3A_35 = arith.constant 0 : i32
        %dma_wait3A_36 = tpu.memref_slice %arg5[%add3A_30, %dma_wait3A_35] : memref<20480x128xf32, #tpu.memory_space<hbm>> -> memref<128x128xf32, #tpu.memory_space<hbm>>
        tpu.wait_dma2 semaphore(%run_scoped3A : memref<!tpu.dma_semaphore, #tpu.memory_space<semaphore_mem>>) src(%arg9 : memref<128x128xf32, #tpu.memory_space<vmem>>) dst(%dma_wait3A_36 : memref<128x128xf32, #tpu.memory_space<hbm>>)
        tpu.yield
      }) : () -> ()
    }
    %scan3A_19 = arith.constant 5 : i32
    return
  }
}

#map = affine_map<(d0, d1) -> (0, 0)>
module attributes {stable_mosaic.version = 14 : i64} {
  func.func @_deg_body(%arg0: i32, %arg1: i32, %arg2: memref<2560x128xi32, #tpu.memory_space<hbm>>, %arg3: memref<128x128xf32, #tpu.memory_space<hbm>>, %arg4: memref<128x128xf32, #tpu.memory_space<hbm>>, %arg5: memref<20480x128xf32, #tpu.memory_space<hbm>>, %arg6: memref<10240x128xf32, #tpu.memory_space<vmem_shared>>, %arg7: memref<80x128xi32, #tpu.memory_space<vmem>>, %arg8: memref<128x128xf32, #tpu.memory_space<vmem>>, %arg9: memref<128x128xf32, #tpu.memory_space<vmem>>) attributes {dimension_semantics = [#tpu.dimension_semantics<core_parallel>, #tpu.dimension_semantics<subcore_parallel>], iteration_bounds = array<i64: 2, 16>, scalar_prefetch = 0 : i64, scratch_operands = 4 : i64, tpu.core_type = #tpu.core_type<sc_vector_subcore>, window_params = [{transform_indices = #map}, {transform_indices = #map}, {transform_indices = #map}, {transform_indices = #map}]} {
    %mul3A = arith.constant 640 : i32
    %mul3A_0 = arith.muli %arg1, %mul3A : i32
    %mul3A_1 = arith.constant 16 : i32
    %mul3A_2 = arith.muli %arg0, %mul3A_1 : i32
    %add3A = arith.addi %mul3A_2, %arg1 : i32
    "tpu.region"() ({
      %run_scoped3A = tpu.sem_alloc : memref<!tpu.dma_semaphore, #tpu.memory_space<semaphore_mem>>
      tpu.enqueue_dma source(%arg4 : memref<128x128xf32, #tpu.memory_space<hbm>>) target(%arg8 : memref<128x128xf32, #tpu.memory_space<vmem>>) target_semaphore(%run_scoped3A : memref<!tpu.dma_semaphore, #tpu.memory_space<semaphore_mem>>)
      tpu.wait_dma2 semaphore(%run_scoped3A : memref<!tpu.dma_semaphore, #tpu.memory_space<semaphore_mem>>) src(%arg4 : memref<128x128xf32, #tpu.memory_space<hbm>>) dst(%arg8 : memref<128x128xf32, #tpu.memory_space<vmem>>)
      tpu.yield
    }) : () -> ()
    %mul3A_3 = arith.constant 80 : i32
    %mul3A_4 = arith.muli %add3A, %mul3A_3 : i32
    "tpu.region"() ({
      %run_scoped3A = tpu.sem_alloc : memref<!tpu.dma_semaphore, #tpu.memory_space<semaphore_mem>>
      %dma_start3A = arith.constant 0 : i32
      %dma_start3A_23 = tpu.memref_slice %arg2[%mul3A_4, %dma_start3A] : memref<2560x128xi32, #tpu.memory_space<hbm>> -> memref<80x128xi32, #tpu.memory_space<hbm>>
      %dma_start3A_24 = arith.constant 0 : i32
      %dma_start3A_25 = tpu.memref_slice %arg2[%mul3A_4, %dma_start3A_24] : memref<2560x128xi32, #tpu.memory_space<hbm>> -> memref<80x128xi32, #tpu.memory_space<hbm>>
      tpu.enqueue_dma source(%dma_start3A_25 : memref<80x128xi32, #tpu.memory_space<hbm>>) target(%arg7 : memref<80x128xi32, #tpu.memory_space<vmem>>) target_semaphore(%run_scoped3A : memref<!tpu.dma_semaphore, #tpu.memory_space<semaphore_mem>>)
      %dma_wait3A = arith.constant 0 : i32
      %dma_wait3A_26 = tpu.memref_slice %arg2[%mul3A_4, %dma_wait3A] : memref<2560x128xi32, #tpu.memory_space<hbm>> -> memref<80x128xi32, #tpu.memory_space<hbm>>
      %dma_wait3A_27 = arith.constant 0 : i32
      %dma_wait3A_28 = tpu.memref_slice %arg2[%mul3A_4, %dma_wait3A_27] : memref<2560x128xi32, #tpu.memory_space<hbm>> -> memref<80x128xi32, #tpu.memory_space<hbm>>
      tpu.wait_dma2 semaphore(%run_scoped3A : memref<!tpu.dma_semaphore, #tpu.memory_space<semaphore_mem>>) src(%dma_wait3A_28 : memref<80x128xi32, #tpu.memory_space<hbm>>) dst(%arg7 : memref<80x128xi32, #tpu.memory_space<vmem>>)
      tpu.yield
    }) : () -> ()
    "tpu.region"() ({
      %run_scoped3A = tpu.sem_alloc : memref<!tpu.dma_semaphore, #tpu.memory_space<semaphore_mem>>
      tpu.enqueue_dma source(%arg3 : memref<128x128xf32, #tpu.memory_space<hbm>>) target(%arg9 : memref<128x128xf32, #tpu.memory_space<vmem>>) target_semaphore(%run_scoped3A : memref<!tpu.dma_semaphore, #tpu.memory_space<semaphore_mem>>)
      tpu.wait_dma2 semaphore(%run_scoped3A : memref<!tpu.dma_semaphore, #tpu.memory_space<semaphore_mem>>) src(%arg3 : memref<128x128xf32, #tpu.memory_space<hbm>>) dst(%arg9 : memref<128x128xf32, #tpu.memory_space<vmem>>)
      tpu.yield
    }) : () -> ()
    %scan3A = arith.constant 0 : i32
    %scan3A_5 = arith.constant 5 : i32
    %scan3A_6 = arith.addi %scan3A, %scan3A_5 : i32
    %scan3A_7 = arith.constant 1 : i32
    scf.for %scan3A_23 = %scan3A to %scan3A_6 step %scan3A_7  : i32 {
      %mul3A_24 = arith.constant 1 : i32
      %mul3A_25 = arith.muli %scan3A_23, %mul3A_24 : i32
      %add3A_26 = arith.constant 0 : i32
      %add3A_27 = arith.addi %add3A_26, %mul3A_25 : i32
      %mul3A_28 = arith.constant 128 : i32
      %mul3A_29 = arith.muli %add3A_27, %mul3A_28 : i32
      %add3A_30 = arith.addi %mul3A_0, %mul3A_29 : i32
      "tpu.region"() ({
        %run_scoped3A = tpu.sem_alloc : memref<!tpu.dma_semaphore, #tpu.memory_space<semaphore_mem>>
        %dma_start3A = arith.constant 0 : i32
        %dma_start3A_31 = tpu.memref_slice %arg6[%add3A_30, %dma_start3A] : memref<10240x128xf32, #tpu.memory_space<vmem_shared>> -> memref<128x128xf32, #tpu.memory_space<vmem_shared>>
        %dma_start3A_32 = arith.constant 0 : i32
        %dma_start3A_33 = tpu.memref_slice %arg6[%add3A_30, %dma_start3A_32] : memref<10240x128xf32, #tpu.memory_space<vmem_shared>> -> memref<128x128xf32, #tpu.memory_space<vmem_shared>>
        tpu.enqueue_dma source(%arg9 : memref<128x128xf32, #tpu.memory_space<vmem>>) target(%dma_start3A_33 : memref<128x128xf32, #tpu.memory_space<vmem_shared>>) target_semaphore(%run_scoped3A : memref<!tpu.dma_semaphore, #tpu.memory_space<semaphore_mem>>)
        %dma_wait3A = arith.constant 0 : i32
        %dma_wait3A_34 = tpu.memref_slice %arg6[%add3A_30, %dma_wait3A] : memref<10240x128xf32, #tpu.memory_space<vmem_shared>> -> memref<128x128xf32, #tpu.memory_space<vmem_shared>>
        %dma_wait3A_35 = arith.constant 0 : i32
        %dma_wait3A_36 = tpu.memref_slice %arg6[%add3A_30, %dma_wait3A_35] : memref<10240x128xf32, #tpu.memory_space<vmem_shared>> -> memref<128x128xf32, #tpu.memory_space<vmem_shared>>
        tpu.wait_dma2 semaphore(%run_scoped3A : memref<!tpu.dma_semaphore, #tpu.memory_space<semaphore_mem>>) src(%arg9 : memref<128x128xf32, #tpu.memory_space<vmem>>) dst(%dma_wait3A_36 : memref<128x128xf32, #tpu.memory_space<vmem_shared>>)
        tpu.yield
      }) : () -> ()
    }
    %scan3A_8 = arith.constant 5 : i32
    %barrier3A = arith.constant 0 : index
    tpu.barrier barrier_id(%barrier3A)
    %scan3A_9 = arith.constant 0 : i32
    %scan3A_10 = arith.constant 80 : i32
    %scan3A_11 = arith.addi %scan3A_9, %scan3A_10 : i32
    %scan3A_12 = arith.constant 1 : i32
    scf.for %scan3A_23 = %scan3A_9 to %scan3A_11 step %scan3A_12  : i32 {
      %mul3A_24 = arith.constant 1 : i32
      %mul3A_25 = arith.muli %scan3A_23, %mul3A_24 : i32
      %add3A_26 = arith.constant 0 : i32
      %add3A_27 = arith.addi %add3A_26, %mul3A_25 : i32
      "tpu.region"() ({
        %run_scoped3A = tpu.sem_alloc : memref<!tpu.dma_semaphore, #tpu.memory_space<semaphore_mem>>
        %dma_start3A = arith.constant 0 : i32
        %dma_start3A_28 = tpu.memref_slice %arg7[%add3A_27, %dma_start3A] : memref<80x128xi32, #tpu.memory_space<vmem>> -> memref<1x128xi32, #tpu.memory_space<vmem>>
        %dma_start3A_29 = tpu.memref_squeeze %dma_start3A_28 : memref<1x128xi32, #tpu.memory_space<vmem>> -> memref<128xi32, #tpu.memory_space<vmem>>
        %dma_start3A_30 = arith.constant 0 : i32
        %dma_start3A_31 = arith.constant 0 : i32
        %dma_start3A_32 = tpu.memref_slice %arg6[%dma_start3A_30, %dma_start3A_31] : memref<10240x128xf32, #tpu.memory_space<vmem_shared>> -> memref<10240x128xf32, #tpu.memory_space<vmem_shared>>
        tpu.enqueue_indirect_dma source(%arg8 : memref<128x128xf32, #tpu.memory_space<vmem>>) target(%dma_start3A_32 : memref<10240x128xf32, #tpu.memory_space<vmem_shared>>) offsets(%dma_start3A_29 : memref<128xi32, #tpu.memory_space<vmem>>) semaphore(%run_scoped3A : memref<!tpu.dma_semaphore, #tpu.memory_space<semaphore_mem>>) {add = true}
        %dma_wait3A = arith.constant 0 : i32
        %dma_wait3A_33 = tpu.memref_slice %arg7[%add3A_27, %dma_wait3A] : memref<80x128xi32, #tpu.memory_space<vmem>> -> memref<1x128xi32, #tpu.memory_space<vmem>>
        %dma_wait3A_34 = tpu.memref_squeeze %dma_wait3A_33 : memref<1x128xi32, #tpu.memory_space<vmem>> -> memref<128xi32, #tpu.memory_space<vmem>>
        %dma_wait3A_35 = arith.constant 0 : i32
        %dma_wait3A_36 = arith.constant 0 : i32
        %dma_wait3A_37 = tpu.memref_slice %arg6[%dma_wait3A_35, %dma_wait3A_36] : memref<10240x128xf32, #tpu.memory_space<vmem_shared>> -> memref<10240x128xf32, #tpu.memory_space<vmem_shared>>
        tpu.wait_indirect_dma semaphore(%run_scoped3A : memref<!tpu.dma_semaphore, #tpu.memory_space<semaphore_mem>>) src(%arg8 : memref<128x128xf32, #tpu.memory_space<vmem>>) dst(%dma_wait3A_37 : memref<10240x128xf32, #tpu.memory_space<vmem_shared>>)
        tpu.yield
      }) : () -> ()
    }
    %scan3A_13 = arith.constant 80 : i32
    %barrier3A_14 = arith.constant 0 : index
    tpu.barrier barrier_id(%barrier3A_14)
    %mul3A_15 = arith.constant 10240 : i32
    %mul3A_16 = arith.muli %arg0, %mul3A_15 : i32
    %add3A_17 = arith.addi %mul3A_16, %mul3A_0 : i32
    %scan3A_18 = arith.constant 0 : i32
    %scan3A_19 = arith.constant 5 : i32
    %scan3A_20 = arith.addi %scan3A_18, %scan3A_19 : i32
    %scan3A_21 = arith.constant 1 : i32
    scf.for %scan3A_23 = %scan3A_18 to %scan3A_20 step %scan3A_21  : i32 {
      %mul3A_24 = arith.constant 1 : i32
      %mul3A_25 = arith.muli %scan3A_23, %mul3A_24 : i32
      %add3A_26 = arith.constant 0 : i32
      %add3A_27 = arith.addi %add3A_26, %mul3A_25 : i32
      %mul3A_28 = arith.constant 128 : i32
      %mul3A_29 = arith.muli %add3A_27, %mul3A_28 : i32
      %add3A_30 = arith.addi %mul3A_0, %mul3A_29 : i32
      "tpu.region"() ({
        %run_scoped3A = tpu.sem_alloc : memref<!tpu.dma_semaphore, #tpu.memory_space<semaphore_mem>>
        %dma_start3A = arith.constant 0 : i32
        %dma_start3A_34 = tpu.memref_slice %arg6[%add3A_30, %dma_start3A] : memref<10240x128xf32, #tpu.memory_space<vmem_shared>> -> memref<128x128xf32, #tpu.memory_space<vmem_shared>>
        %dma_start3A_35 = arith.constant 0 : i32
        %dma_start3A_36 = tpu.memref_slice %arg6[%add3A_30, %dma_start3A_35] : memref<10240x128xf32, #tpu.memory_space<vmem_shared>> -> memref<128x128xf32, #tpu.memory_space<vmem_shared>>
        tpu.enqueue_dma source(%dma_start3A_36 : memref<128x128xf32, #tpu.memory_space<vmem_shared>>) target(%arg9 : memref<128x128xf32, #tpu.memory_space<vmem>>) target_semaphore(%run_scoped3A : memref<!tpu.dma_semaphore, #tpu.memory_space<semaphore_mem>>)
        %dma_wait3A = arith.constant 0 : i32
        %dma_wait3A_37 = tpu.memref_slice %arg6[%add3A_30, %dma_wait3A] : memref<10240x128xf32, #tpu.memory_space<vmem_shared>> -> memref<128x128xf32, #tpu.memory_space<vmem_shared>>
        %dma_wait3A_38 = arith.constant 0 : i32
        %dma_wait3A_39 = tpu.memref_slice %arg6[%add3A_30, %dma_wait3A_38] : memref<10240x128xf32, #tpu.memory_space<vmem_shared>> -> memref<128x128xf32, #tpu.memory_space<vmem_shared>>
        tpu.wait_dma2 semaphore(%run_scoped3A : memref<!tpu.dma_semaphore, #tpu.memory_space<semaphore_mem>>) src(%dma_wait3A_39 : memref<128x128xf32, #tpu.memory_space<vmem_shared>>) dst(%arg9 : memref<128x128xf32, #tpu.memory_space<vmem>>)
        tpu.yield
      }) : () -> ()
      %mul3A_31 = arith.constant 128 : i32
      %mul3A_32 = arith.muli %add3A_27, %mul3A_31 : i32
      %add3A_33 = arith.addi %add3A_17, %mul3A_32 : i32
      "tpu.region"() ({
        %run_scoped3A = tpu.sem_alloc : memref<!tpu.dma_semaphore, #tpu.memory_space<semaphore_mem>>
        %dma_start3A = arith.constant 0 : i32
        %dma_start3A_34 = tpu.memref_slice %arg5[%add3A_33, %dma_start3A] : memref<20480x128xf32, #tpu.memory_space<hbm>> -> memref<128x128xf32, #tpu.memory_space<hbm>>
        %dma_start3A_35 = arith.constant 0 : i32
        %dma_start3A_36 = tpu.memref_slice %arg5[%add3A_33, %dma_start3A_35] : memref<20480x128xf32, #tpu.memory_space<hbm>> -> memref<128x128xf32, #tpu.memory_space<hbm>>
        tpu.enqueue_dma source(%arg9 : memref<128x128xf32, #tpu.memory_space<vmem>>) target(%dma_start3A_36 : memref<128x128xf32, #tpu.memory_space<hbm>>) target_semaphore(%run_scoped3A : memref<!tpu.dma_semaphore, #tpu.memory_space<semaphore_mem>>)
        %dma_wait3A = arith.constant 0 : i32
        %dma_wait3A_37 = tpu.memref_slice %arg5[%add3A_33, %dma_wait3A] : memref<20480x128xf32, #tpu.memory_space<hbm>> -> memref<128x128xf32, #tpu.memory_space<hbm>>
        %dma_wait3A_38 = arith.constant 0 : i32
        %dma_wait3A_39 = tpu.memref_slice %arg5[%add3A_33, %dma_wait3A_38] : memref<20480x128xf32, #tpu.memory_space<hbm>> -> memref<128x128xf32, #tpu.memory_space<hbm>>
        tpu.wait_dma2 semaphore(%run_scoped3A : memref<!tpu.dma_semaphore, #tpu.memory_space<semaphore_mem>>) src(%arg9 : memref<128x128xf32, #tpu.memory_space<vmem>>) dst(%dma_wait3A_39 : memref<128x128xf32, #tpu.memory_space<hbm>>)
        tpu.yield
      }) : () -> ()
    }
    %scan3A_22 = arith.constant 5 : i32
    return
  }
}

#map = affine_map<(d0, d1) -> (0, 0)>
module attributes {stable_mosaic.version = 14 : i64} {
  func.func @_agg_body(%arg0: i32, %arg1: i32, %arg2: memref<10240x128xf32, #tpu.memory_space<hbm>>, %arg3: memref<2560x128xi32, #tpu.memory_space<hbm>>, %arg4: memref<2560x128xi32, #tpu.memory_space<hbm>>, %arg5: memref<20480x128xf32, #tpu.memory_space<hbm>>, %arg6: memref<10240x128xf32, #tpu.memory_space<vmem_shared>>, %arg7: memref<40x128xi32, #tpu.memory_space<vmem>>, %arg8: memref<40x128xi32, #tpu.memory_space<vmem>>, %arg9: memref<128x128xf32, #tpu.memory_space<vmem>>, %arg10: memref<128x128xf32, #tpu.memory_space<vmem>>, %arg11: memref<!tpu.dma_semaphore, #tpu.memory_space<semaphore_mem>>, %arg12: memref<!tpu.dma_semaphore, #tpu.memory_space<semaphore_mem>>, %arg13: memref<!tpu.dma_semaphore, #tpu.memory_space<semaphore_mem>>, %arg14: memref<!tpu.dma_semaphore, #tpu.memory_space<semaphore_mem>>) attributes {dimension_semantics = [#tpu.dimension_semantics<core_parallel>, #tpu.dimension_semantics<subcore_parallel>], iteration_bounds = array<i64: 2, 16>, scalar_prefetch = 0 : i64, scratch_operands = 9 : i64, tpu.core_type = #tpu.core_type<sc_vector_subcore>, window_params = [{transform_indices = #map}, {transform_indices = #map}, {transform_indices = #map}, {transform_indices = #map}]} {
    %mul3A = arith.constant 640 : i32
    %mul3A_0 = arith.muli %arg1, %mul3A : i32
    %scan3A = arith.constant 0 : i32
    %scan3A_1 = arith.constant 5 : i32
    %scan3A_2 = arith.addi %scan3A, %scan3A_1 : i32
    %scan3A_3 = arith.constant 1 : i32
    scf.for %scan3A_20 = %scan3A to %scan3A_2 step %scan3A_3  : i32 {
      %mul3A_21 = arith.constant 1 : i32
      %mul3A_22 = arith.muli %scan3A_20, %mul3A_21 : i32
      %add3A_23 = arith.constant 0 : i32
      %add3A_24 = arith.addi %add3A_23, %mul3A_22 : i32
      %mul3A_25 = arith.constant 128 : i32
      %mul3A_26 = arith.muli %add3A_24, %mul3A_25 : i32
      %add3A_27 = arith.addi %mul3A_0, %mul3A_26 : i32
      "tpu.region"() ({
        %run_scoped3A = tpu.sem_alloc : memref<!tpu.dma_semaphore, #tpu.memory_space<semaphore_mem>>
        %dma_start3A = arith.constant 0 : i32
        %dma_start3A_28 = tpu.memref_slice %arg2[%add3A_27, %dma_start3A] : memref<10240x128xf32, #tpu.memory_space<hbm>> -> memref<128x128xf32, #tpu.memory_space<hbm>>
        %dma_start3A_29 = arith.constant 0 : i32
        %dma_start3A_30 = tpu.memref_slice %arg2[%add3A_27, %dma_start3A_29] : memref<10240x128xf32, #tpu.memory_space<hbm>> -> memref<128x128xf32, #tpu.memory_space<hbm>>
        tpu.enqueue_dma source(%dma_start3A_30 : memref<128x128xf32, #tpu.memory_space<hbm>>) target(%arg9 : memref<128x128xf32, #tpu.memory_space<vmem>>) target_semaphore(%run_scoped3A : memref<!tpu.dma_semaphore, #tpu.memory_space<semaphore_mem>>)
        %dma_wait3A = arith.constant 0 : i32
        %dma_wait3A_31 = tpu.memref_slice %arg2[%add3A_27, %dma_wait3A] : memref<10240x128xf32, #tpu.memory_space<hbm>> -> memref<128x128xf32, #tpu.memory_space<hbm>>
        %dma_wait3A_32 = arith.constant 0 : i32
        %dma_wait3A_33 = tpu.memref_slice %arg2[%add3A_27, %dma_wait3A_32] : memref<10240x128xf32, #tpu.memory_space<hbm>> -> memref<128x128xf32, #tpu.memory_space<hbm>>
        tpu.wait_dma2 semaphore(%run_scoped3A : memref<!tpu.dma_semaphore, #tpu.memory_space<semaphore_mem>>) src(%dma_wait3A_33 : memref<128x128xf32, #tpu.memory_space<hbm>>) dst(%arg9 : memref<128x128xf32, #tpu.memory_space<vmem>>)
        tpu.yield
      }) : () -> ()
      "tpu.region"() ({
        %run_scoped3A = tpu.sem_alloc : memref<!tpu.dma_semaphore, #tpu.memory_space<semaphore_mem>>
        %dma_start3A = arith.constant 0 : i32
        %dma_start3A_28 = tpu.memref_slice %arg6[%add3A_27, %dma_start3A] : memref<10240x128xf32, #tpu.memory_space<vmem_shared>> -> memref<128x128xf32, #tpu.memory_space<vmem_shared>>
        %dma_start3A_29 = arith.constant 0 : i32
        %dma_start3A_30 = tpu.memref_slice %arg6[%add3A_27, %dma_start3A_29] : memref<10240x128xf32, #tpu.memory_space<vmem_shared>> -> memref<128x128xf32, #tpu.memory_space<vmem_shared>>
        tpu.enqueue_dma source(%arg9 : memref<128x128xf32, #tpu.memory_space<vmem>>) target(%dma_start3A_30 : memref<128x128xf32, #tpu.memory_space<vmem_shared>>) target_semaphore(%run_scoped3A : memref<!tpu.dma_semaphore, #tpu.memory_space<semaphore_mem>>)
        %dma_wait3A = arith.constant 0 : i32
        %dma_wait3A_31 = tpu.memref_slice %arg6[%add3A_27, %dma_wait3A] : memref<10240x128xf32, #tpu.memory_space<vmem_shared>> -> memref<128x128xf32, #tpu.memory_space<vmem_shared>>
        %dma_wait3A_32 = arith.constant 0 : i32
        %dma_wait3A_33 = tpu.memref_slice %arg6[%add3A_27, %dma_wait3A_32] : memref<10240x128xf32, #tpu.memory_space<vmem_shared>> -> memref<128x128xf32, #tpu.memory_space<vmem_shared>>
        tpu.wait_dma2 semaphore(%run_scoped3A : memref<!tpu.dma_semaphore, #tpu.memory_space<semaphore_mem>>) src(%arg9 : memref<128x128xf32, #tpu.memory_space<vmem>>) dst(%dma_wait3A_33 : memref<128x128xf32, #tpu.memory_space<vmem_shared>>)
        tpu.yield
      }) : () -> ()
    }
    %scan3A_4 = arith.constant 5 : i32
    %barrier3A = arith.constant 0 : index
    tpu.barrier barrier_id(%barrier3A)
    %eq3A = arith.constant 0 : i32
    %eq3A_5 = arith.cmpi eq, %arg0, %eq3A : i32
    %convert_element_type3A = arith.extui %eq3A_5 : i1 to i32
    %cond3A = arith.constant 0 : i32
    %cond3A_6 = arith.cmpi ne, %convert_element_type3A, %cond3A : i32
    scf.if %cond3A_6 {
      %mul3A_20 = arith.constant 120 : i32
      %mul3A_21 = arith.muli %arg1, %mul3A_20 : i32
      %add3A_22 = arith.constant 0 : i32
      %add3A_23 = arith.addi %add3A_22, %mul3A_21 : i32
      %add3A_24 = arith.constant 0 : i32
      %add3A_25 = arith.addi %add3A_23, %add3A_24 : i32
      "tpu.region"() ({
        %run_scoped3A = tpu.sem_alloc : memref<!tpu.dma_semaphore, #tpu.memory_space<semaphore_mem>>
        %dma_start3A_219 = arith.constant 0 : i32
        %dma_start3A_220 = tpu.memref_slice %arg3[%add3A_25, %dma_start3A_219] : memref<2560x128xi32, #tpu.memory_space<hbm>> -> memref<40x128xi32, #tpu.memory_space<hbm>>
        %dma_start3A_221 = arith.constant 0 : i32
        %dma_start3A_222 = tpu.memref_slice %arg3[%add3A_25, %dma_start3A_221] : memref<2560x128xi32, #tpu.memory_space<hbm>> -> memref<40x128xi32, #tpu.memory_space<hbm>>
        tpu.enqueue_dma source(%dma_start3A_222 : memref<40x128xi32, #tpu.memory_space<hbm>>) target(%arg7 : memref<40x128xi32, #tpu.memory_space<vmem>>) target_semaphore(%run_scoped3A : memref<!tpu.dma_semaphore, #tpu.memory_space<semaphore_mem>>)
        %dma_wait3A_223 = arith.constant 0 : i32
        %dma_wait3A_224 = tpu.memref_slice %arg3[%add3A_25, %dma_wait3A_223] : memref<2560x128xi32, #tpu.memory_space<hbm>> -> memref<40x128xi32, #tpu.memory_space<hbm>>
        %dma_wait3A_225 = arith.constant 0 : i32
        %dma_wait3A_226 = tpu.memref_slice %arg3[%add3A_25, %dma_wait3A_225] : memref<2560x128xi32, #tpu.memory_space<hbm>> -> memref<40x128xi32, #tpu.memory_space<hbm>>
        tpu.wait_dma2 semaphore(%run_scoped3A : memref<!tpu.dma_semaphore, #tpu.memory_space<semaphore_mem>>) src(%dma_wait3A_226 : memref<40x128xi32, #tpu.memory_space<hbm>>) dst(%arg7 : memref<40x128xi32, #tpu.memory_space<vmem>>)
        tpu.yield
      }) : () -> ()
      "tpu.region"() ({
        %run_scoped3A = tpu.sem_alloc : memref<!tpu.dma_semaphore, #tpu.memory_space<semaphore_mem>>
        %dma_start3A_219 = arith.constant 0 : i32
        %dma_start3A_220 = tpu.memref_slice %arg4[%add3A_25, %dma_start3A_219] : memref<2560x128xi32, #tpu.memory_space<hbm>> -> memref<40x128xi32, #tpu.memory_space<hbm>>
        %dma_start3A_221 = arith.constant 0 : i32
        %dma_start3A_222 = tpu.memref_slice %arg4[%add3A_25, %dma_start3A_221] : memref<2560x128xi32, #tpu.memory_space<hbm>> -> memref<40x128xi32, #tpu.memory_space<hbm>>
        tpu.enqueue_dma source(%dma_start3A_222 : memref<40x128xi32, #tpu.memory_space<hbm>>) target(%arg8 : memref<40x128xi32, #tpu.memory_space<vmem>>) target_semaphore(%run_scoped3A : memref<!tpu.dma_semaphore, #tpu.memory_space<semaphore_mem>>)
        %dma_wait3A_223 = arith.constant 0 : i32
        %dma_wait3A_224 = tpu.memref_slice %arg4[%add3A_25, %dma_wait3A_223] : memref<2560x128xi32, #tpu.memory_space<hbm>> -> memref<40x128xi32, #tpu.memory_space<hbm>>
        %dma_wait3A_225 = arith.constant 0 : i32
        %dma_wait3A_226 = tpu.memref_slice %arg4[%add3A_25, %dma_wait3A_225] : memref<2560x128xi32, #tpu.memory_space<hbm>> -> memref<40x128xi32, #tpu.memory_space<hbm>>
        tpu.wait_dma2 semaphore(%run_scoped3A : memref<!tpu.dma_semaphore, #tpu.memory_space<semaphore_mem>>) src(%dma_wait3A_226 : memref<40x128xi32, #tpu.memory_space<hbm>>) dst(%arg8 : memref<40x128xi32, #tpu.memory_space<vmem>>)
        tpu.yield
      }) : () -> ()
      %dma_start3A = arith.constant 0 : i32
      %dma_start3A_26 = arith.constant 0 : i32
      %dma_start3A_27 = tpu.memref_slice %arg7[%dma_start3A, %dma_start3A_26] : memref<40x128xi32, #tpu.memory_space<vmem>> -> memref<1x128xi32, #tpu.memory_space<vmem>>
      %dma_start3A_28 = tpu.memref_squeeze %dma_start3A_27 : memref<1x128xi32, #tpu.memory_space<vmem>> -> memref<128xi32, #tpu.memory_space<vmem>>
      %dma_start3A_29 = arith.constant 0 : i32
      %dma_start3A_30 = arith.constant 0 : i32
      %dma_start3A_31 = tpu.memref_slice %arg2[%dma_start3A_29, %dma_start3A_30] : memref<10240x128xf32, #tpu.memory_space<hbm>> -> memref<10240x128xf32, #tpu.memory_space<hbm>>
      tpu.enqueue_indirect_dma source(%dma_start3A_31 : memref<10240x128xf32, #tpu.memory_space<hbm>>) target(%arg9 : memref<128x128xf32, #tpu.memory_space<vmem>>) offsets(%dma_start3A_28 : memref<128xi32, #tpu.memory_space<vmem>>) semaphore(%arg11 : memref<!tpu.dma_semaphore, #tpu.memory_space<semaphore_mem>>)
      %dma_start3A_32 = arith.constant 1 : i32
      %dma_start3A_33 = arith.constant 0 : i32
      %dma_start3A_34 = tpu.memref_slice %arg7[%dma_start3A_32, %dma_start3A_33] : memref<40x128xi32, #tpu.memory_space<vmem>> -> memref<1x128xi32, #tpu.memory_space<vmem>>
      %dma_start3A_35 = tpu.memref_squeeze %dma_start3A_34 : memref<1x128xi32, #tpu.memory_space<vmem>> -> memref<128xi32, #tpu.memory_space<vmem>>
      %dma_start3A_36 = arith.constant 0 : i32
      %dma_start3A_37 = arith.constant 0 : i32
      %dma_start3A_38 = tpu.memref_slice %arg2[%dma_start3A_36, %dma_start3A_37] : memref<10240x128xf32, #tpu.memory_space<hbm>> -> memref<10240x128xf32, #tpu.memory_space<hbm>>
      tpu.enqueue_indirect_dma source(%dma_start3A_38 : memref<10240x128xf32, #tpu.memory_space<hbm>>) target(%arg10 : memref<128x128xf32, #tpu.memory_space<vmem>>) offsets(%dma_start3A_35 : memref<128xi32, #tpu.memory_space<vmem>>) semaphore(%arg12 : memref<!tpu.dma_semaphore, #tpu.memory_space<semaphore_mem>>)
      %scan3A_39 = arith.constant 0 : i32
      %scan3A_40 = arith.constant 19 : i32
      %scan3A_41 = arith.addi %scan3A_39, %scan3A_40 : i32
      %scan3A_42 = arith.constant 1 : i32
      scf.for %scan3A_219 = %scan3A_39 to %scan3A_41 step %scan3A_42  : i32 {
        %mul3A_220 = arith.constant 1 : i32
        %mul3A_221 = arith.muli %scan3A_219, %mul3A_220 : i32
        %add3A_222 = arith.constant 0 : i32
        %add3A_223 = arith.addi %add3A_222, %mul3A_221 : i32
        %mul3A_224 = arith.constant 2 : i32
        %mul3A_225 = arith.muli %mul3A_224, %add3A_223 : i32
        %dma_wait3A_226 = arith.constant 0 : i32
        %dma_wait3A_227 = tpu.memref_slice %arg7[%mul3A_225, %dma_wait3A_226] : memref<40x128xi32, #tpu.memory_space<vmem>> -> memref<1x128xi32, #tpu.memory_space<vmem>>
        %dma_wait3A_228 = tpu.memref_squeeze %dma_wait3A_227 : memref<1x128xi32, #tpu.memory_space<vmem>> -> memref<128xi32, #tpu.memory_space<vmem>>
        %dma_wait3A_229 = arith.constant 0 : i32
        %dma_wait3A_230 = arith.constant 0 : i32
        %dma_wait3A_231 = tpu.memref_slice %arg2[%dma_wait3A_229, %dma_wait3A_230] : memref<10240x128xf32, #tpu.memory_space<hbm>> -> memref<10240x128xf32, #tpu.memory_space<hbm>>
        tpu.wait_indirect_dma semaphore(%arg11 : memref<!tpu.dma_semaphore, #tpu.memory_space<semaphore_mem>>) src(%dma_wait3A_231 : memref<10240x128xf32, #tpu.memory_space<hbm>>) dst(%arg9 : memref<128x128xf32, #tpu.memory_space<vmem>>)
        %dma_start3A_232 = arith.constant 0 : i32
        %dma_start3A_233 = tpu.memref_slice %arg8[%mul3A_225, %dma_start3A_232] : memref<40x128xi32, #tpu.memory_space<vmem>> -> memref<1x128xi32, #tpu.memory_space<vmem>>
        %dma_start3A_234 = tpu.memref_squeeze %dma_start3A_233 : memref<1x128xi32, #tpu.memory_space<vmem>> -> memref<128xi32, #tpu.memory_space<vmem>>
        %dma_start3A_235 = arith.constant 0 : i32
        %dma_start3A_236 = arith.constant 0 : i32
        %dma_start3A_237 = tpu.memref_slice %arg6[%dma_start3A_235, %dma_start3A_236] : memref<10240x128xf32, #tpu.memory_space<vmem_shared>> -> memref<10240x128xf32, #tpu.memory_space<vmem_shared>>
        tpu.enqueue_indirect_dma source(%arg9 : memref<128x128xf32, #tpu.memory_space<vmem>>) target(%dma_start3A_237 : memref<10240x128xf32, #tpu.memory_space<vmem_shared>>) offsets(%dma_start3A_234 : memref<128xi32, #tpu.memory_space<vmem>>) semaphore(%arg13 : memref<!tpu.dma_semaphore, #tpu.memory_space<semaphore_mem>>) {add = true}
        %add3A_238 = arith.constant 1 : i32
        %add3A_239 = arith.addi %mul3A_225, %add3A_238 : i32
        %dma_wait3A_240 = arith.constant 0 : i32
        %dma_wait3A_241 = tpu.memref_slice %arg7[%add3A_239, %dma_wait3A_240] : memref<40x128xi32, #tpu.memory_space<vmem>> -> memref<1x128xi32, #tpu.memory_space<vmem>>
        %dma_wait3A_242 = tpu.memref_squeeze %dma_wait3A_241 : memref<1x128xi32, #tpu.memory_space<vmem>> -> memref<128xi32, #tpu.memory_space<vmem>>
        %dma_wait3A_243 = arith.constant 0 : i32
        %dma_wait3A_244 = arith.constant 0 : i32
        %dma_wait3A_245 = tpu.memref_slice %arg2[%dma_wait3A_243, %dma_wait3A_244] : memref<10240x128xf32, #tpu.memory_space<hbm>> -> memref<10240x128xf32, #tpu.memory_space<hbm>>
        tpu.wait_indirect_dma semaphore(%arg12 : memref<!tpu.dma_semaphore, #tpu.memory_space<semaphore_mem>>) src(%dma_wait3A_245 : memref<10240x128xf32, #tpu.memory_space<hbm>>) dst(%arg10 : memref<128x128xf32, #tpu.memory_space<vmem>>)
        %add3A_246 = arith.constant 1 : i32
        %add3A_247 = arith.addi %mul3A_225, %add3A_246 : i32
        %dma_start3A_248 = arith.constant 0 : i32
        %dma_start3A_249 = tpu.memref_slice %arg8[%add3A_247, %dma_start3A_248] : memref<40x128xi32, #tpu.memory_space<vmem>> -> memref<1x128xi32, #tpu.memory_space<vmem>>
        %dma_start3A_250 = tpu.memref_squeeze %dma_start3A_249 : memref<1x128xi32, #tpu.memory_space<vmem>> -> memref<128xi32, #tpu.memory_space<vmem>>
        %dma_start3A_251 = arith.constant 0 : i32
        %dma_start3A_252 = arith.constant 0 : i32
        %dma_start3A_253 = tpu.memref_slice %arg6[%dma_start3A_251, %dma_start3A_252] : memref<10240x128xf32, #tpu.memory_space<vmem_shared>> -> memref<10240x128xf32, #tpu.memory_space<vmem_shared>>
        tpu.enqueue_indirect_dma source(%arg10 : memref<128x128xf32, #tpu.memory_space<vmem>>) target(%dma_start3A_253 : memref<10240x128xf32, #tpu.memory_space<vmem_shared>>) offsets(%dma_start3A_250 : memref<128xi32, #tpu.memory_space<vmem>>) semaphore(%arg14 : memref<!tpu.dma_semaphore, #tpu.memory_space<semaphore_mem>>) {add = true}
        %dma_wait3A_254 = arith.constant 0 : i32
        %dma_wait3A_255 = tpu.memref_slice %arg8[%mul3A_225, %dma_wait3A_254] : memref<40x128xi32, #tpu.memory_space<vmem>> -> memref<1x128xi32, #tpu.memory_space<vmem>>
        %dma_wait3A_256 = tpu.memref_squeeze %dma_wait3A_255 : memref<1x128xi32, #tpu.memory_space<vmem>> -> memref<128xi32, #tpu.memory_space<vmem>>
        %dma_wait3A_257 = arith.constant 0 : i32
        %dma_wait3A_258 = arith.constant 0 : i32
        %dma_wait3A_259 = tpu.memref_slice %arg6[%dma_wait3A_257, %dma_wait3A_258] : memref<10240x128xf32, #tpu.memory_space<vmem_shared>> -> memref<10240x128xf32, #tpu.memory_space<vmem_shared>>
        tpu.wait_indirect_dma semaphore(%arg13 : memref<!tpu.dma_semaphore, #tpu.memory_space<semaphore_mem>>) src(%arg9 : memref<128x128xf32, #tpu.memory_space<vmem>>) dst(%dma_wait3A_259 : memref<10240x128xf32, #tpu.memory_space<vmem_shared>>)
        %add3A_260 = arith.constant 2 : i32
        %add3A_261 = arith.addi %mul3A_225, %add3A_260 : i32
        %dma_start3A_262 = arith.constant 0 : i32
        %dma_start3A_263 = tpu.memref_slice %arg7[%add3A_261, %dma_start3A_262] : memref<40x128xi32, #tpu.memory_space<vmem>> -> memref<1x128xi32, #tpu.memory_space<vmem>>
        %dma_start3A_264 = tpu.memref_squeeze %dma_start3A_263 : memref<1x128xi32, #tpu.memory_space<vmem>> -> memref<128xi32, #tpu.memory_space<vmem>>
        %dma_start3A_265 = arith.constant 0 : i32
        %dma_start3A_266 = arith.constant 0 : i32
        %dma_start3A_267 = tpu.memref_slice %arg2[%dma_start3A_265, %dma_start3A_266] : memref<10240x128xf32, #tpu.memory_space<hbm>> -> memref<10240x128xf32, #tpu.memory_space<hbm>>
        tpu.enqueue_indirect_dma source(%dma_start3A_267 : memref<10240x128xf32, #tpu.memory_space<hbm>>) target(%arg9 : memref<128x128xf32, #tpu.memory_space<vmem>>) offsets(%dma_start3A_264 : memref<128xi32, #tpu.memory_space<vmem>>) semaphore(%arg11 : memref<!tpu.dma_semaphore, #tpu.memory_space<semaphore_mem>>)
        %add3A_268 = arith.constant 1 : i32
        %add3A_269 = arith.addi %mul3A_225, %add3A_268 : i32
        %dma_wait3A_270 = arith.constant 0 : i32
        %dma_wait3A_271 = tpu.memref_slice %arg8[%add3A_269, %dma_wait3A_270] : memref<40x128xi32, #tpu.memory_space<vmem>> -> memref<1x128xi32, #tpu.memory_space<vmem>>
        %dma_wait3A_272 = tpu.memref_squeeze %dma_wait3A_271 : memref<1x128xi32, #tpu.memory_space<vmem>> -> memref<128xi32, #tpu.memory_space<vmem>>
        %dma_wait3A_273 = arith.constant 0 : i32
        %dma_wait3A_274 = arith.constant 0 : i32
        %dma_wait3A_275 = tpu.memref_slice %arg6[%dma_wait3A_273, %dma_wait3A_274] : memref<10240x128xf32, #tpu.memory_space<vmem_shared>> -> memref<10240x128xf32, #tpu.memory_space<vmem_shared>>
        tpu.wait_indirect_dma semaphore(%arg14 : memref<!tpu.dma_semaphore, #tpu.memory_space<semaphore_mem>>) src(%arg10 : memref<128x128xf32, #tpu.memory_space<vmem>>) dst(%dma_wait3A_275 : memref<10240x128xf32, #tpu.memory_space<vmem_shared>>)
        %add3A_276 = arith.constant 3 : i32
        %add3A_277 = arith.addi %mul3A_225, %add3A_276 : i32
        %dma_start3A_278 = arith.constant 0 : i32
        %dma_start3A_279 = tpu.memref_slice %arg7[%add3A_277, %dma_start3A_278] : memref<40x128xi32, #tpu.memory_space<vmem>> -> memref<1x128xi32, #tpu.memory_space<vmem>>
        %dma_start3A_280 = tpu.memref_squeeze %dma_start3A_279 : memref<1x128xi32, #tpu.memory_space<vmem>> -> memref<128xi32, #tpu.memory_space<vmem>>
        %dma_start3A_281 = arith.constant 0 : i32
        %dma_start3A_282 = arith.constant 0 : i32
        %dma_start3A_283 = tpu.memref_slice %arg2[%dma_start3A_281, %dma_start3A_282] : memref<10240x128xf32, #tpu.memory_space<hbm>> -> memref<10240x128xf32, #tpu.memory_space<hbm>>
        tpu.enqueue_indirect_dma source(%dma_start3A_283 : memref<10240x128xf32, #tpu.memory_space<hbm>>) target(%arg10 : memref<128x128xf32, #tpu.memory_space<vmem>>) offsets(%dma_start3A_280 : memref<128xi32, #tpu.memory_space<vmem>>) semaphore(%arg12 : memref<!tpu.dma_semaphore, #tpu.memory_space<semaphore_mem>>)
      }
      %scan3A_43 = arith.constant 19 : i32
      %dma_wait3A = arith.constant 38 : i32
      %dma_wait3A_44 = arith.constant 0 : i32
      %dma_wait3A_45 = tpu.memref_slice %arg7[%dma_wait3A, %dma_wait3A_44] : memref<40x128xi32, #tpu.memory_space<vmem>> -> memref<1x128xi32, #tpu.memory_space<vmem>>
      %dma_wait3A_46 = tpu.memref_squeeze %dma_wait3A_45 : memref<1x128xi32, #tpu.memory_space<vmem>> -> memref<128xi32, #tpu.memory_space<vmem>>
      %dma_wait3A_47 = arith.constant 0 : i32
      %dma_wait3A_48 = arith.constant 0 : i32
      %dma_wait3A_49 = tpu.memref_slice %arg2[%dma_wait3A_47, %dma_wait3A_48] : memref<10240x128xf32, #tpu.memory_space<hbm>> -> memref<10240x128xf32, #tpu.memory_space<hbm>>
      tpu.wait_indirect_dma semaphore(%arg11 : memref<!tpu.dma_semaphore, #tpu.memory_space<semaphore_mem>>) src(%dma_wait3A_49 : memref<10240x128xf32, #tpu.memory_space<hbm>>) dst(%arg9 : memref<128x128xf32, #tpu.memory_space<vmem>>)
      %dma_start3A_50 = arith.constant 38 : i32
      %dma_start3A_51 = arith.constant 0 : i32
      %dma_start3A_52 = tpu.memref_slice %arg8[%dma_start3A_50, %dma_start3A_51] : memref<40x128xi32, #tpu.memory_space<vmem>> -> memref<1x128xi32, #tpu.memory_space<vmem>>
      %dma_start3A_53 = tpu.memref_squeeze %dma_start3A_52 : memref<1x128xi32, #tpu.memory_space<vmem>> -> memref<128xi32, #tpu.memory_space<vmem>>
      %dma_start3A_54 = arith.constant 0 : i32
      %dma_start3A_55 = arith.constant 0 : i32
      %dma_start3A_56 = tpu.memref_slice %arg6[%dma_start3A_54, %dma_start3A_55] : memref<10240x128xf32, #tpu.memory_space<vmem_shared>> -> memref<10240x128xf32, #tpu.memory_space<vmem_shared>>
      tpu.enqueue_indirect_dma source(%arg9 : memref<128x128xf32, #tpu.memory_space<vmem>>) target(%dma_start3A_56 : memref<10240x128xf32, #tpu.memory_space<vmem_shared>>) offsets(%dma_start3A_53 : memref<128xi32, #tpu.memory_space<vmem>>) semaphore(%arg13 : memref<!tpu.dma_semaphore, #tpu.memory_space<semaphore_mem>>) {add = true}
      %dma_wait3A_57 = arith.constant 39 : i32
      %dma_wait3A_58 = arith.constant 0 : i32
      %dma_wait3A_59 = tpu.memref_slice %arg7[%dma_wait3A_57, %dma_wait3A_58] : memref<40x128xi32, #tpu.memory_space<vmem>> -> memref<1x128xi32, #tpu.memory_space<vmem>>
      %dma_wait3A_60 = tpu.memref_squeeze %dma_wait3A_59 : memref<1x128xi32, #tpu.memory_space<vmem>> -> memref<128xi32, #tpu.memory_space<vmem>>
      %dma_wait3A_61 = arith.constant 0 : i32
      %dma_wait3A_62 = arith.constant 0 : i32
      %dma_wait3A_63 = tpu.memref_slice %arg2[%dma_wait3A_61, %dma_wait3A_62] : memref<10240x128xf32, #tpu.memory_space<hbm>> -> memref<10240x128xf32, #tpu.memory_space<hbm>>
      tpu.wait_indirect_dma semaphore(%arg12 : memref<!tpu.dma_semaphore, #tpu.memory_space<semaphore_mem>>) src(%dma_wait3A_63 : memref<10240x128xf32, #tpu.memory_space<hbm>>) dst(%arg10 : memref<128x128xf32, #tpu.memory_space<vmem>>)
      %dma_start3A_64 = arith.constant 39 : i32
      %dma_start3A_65 = arith.constant 0 : i32
      %dma_start3A_66 = tpu.memref_slice %arg8[%dma_start3A_64, %dma_start3A_65] : memref<40x128xi32, #tpu.memory_space<vmem>> -> memref<1x128xi32, #tpu.memory_space<vmem>>
      %dma_start3A_67 = tpu.memref_squeeze %dma_start3A_66 : memref<1x128xi32, #tpu.memory_space<vmem>> -> memref<128xi32, #tpu.memory_space<vmem>>
      %dma_start3A_68 = arith.constant 0 : i32
      %dma_start3A_69 = arith.constant 0 : i32
      %dma_start3A_70 = tpu.memref_slice %arg6[%dma_start3A_68, %dma_start3A_69] : memref<10240x128xf32, #tpu.memory_space<vmem_shared>> -> memref<10240x128xf32, #tpu.memory_space<vmem_shared>>
      tpu.enqueue_indirect_dma source(%arg10 : memref<128x128xf32, #tpu.memory_space<vmem>>) target(%dma_start3A_70 : memref<10240x128xf32, #tpu.memory_space<vmem_shared>>) offsets(%dma_start3A_67 : memref<128xi32, #tpu.memory_space<vmem>>) semaphore(%arg14 : memref<!tpu.dma_semaphore, #tpu.memory_space<semaphore_mem>>) {add = true}
      %dma_wait3A_71 = arith.constant 38 : i32
      %dma_wait3A_72 = arith.constant 0 : i32
      %dma_wait3A_73 = tpu.memref_slice %arg8[%dma_wait3A_71, %dma_wait3A_72] : memref<40x128xi32, #tpu.memory_space<vmem>> -> memref<1x128xi32, #tpu.memory_space<vmem>>
      %dma_wait3A_74 = tpu.memref_squeeze %dma_wait3A_73 : memref<1x128xi32, #tpu.memory_space<vmem>> -> memref<128xi32, #tpu.memory_space<vmem>>
      %dma_wait3A_75 = arith.constant 0 : i32
      %dma_wait3A_76 = arith.constant 0 : i32
      %dma_wait3A_77 = tpu.memref_slice %arg6[%dma_wait3A_75, %dma_wait3A_76] : memref<10240x128xf32, #tpu.memory_space<vmem_shared>> -> memref<10240x128xf32, #tpu.memory_space<vmem_shared>>
      tpu.wait_indirect_dma semaphore(%arg13 : memref<!tpu.dma_semaphore, #tpu.memory_space<semaphore_mem>>) src(%arg9 : memref<128x128xf32, #tpu.memory_space<vmem>>) dst(%dma_wait3A_77 : memref<10240x128xf32, #tpu.memory_space<vmem_shared>>)
      %dma_wait3A_78 = arith.constant 39 : i32
      %dma_wait3A_79 = arith.constant 0 : i32
      %dma_wait3A_80 = tpu.memref_slice %arg8[%dma_wait3A_78, %dma_wait3A_79] : memref<40x128xi32, #tpu.memory_space<vmem>> -> memref<1x128xi32, #tpu.memory_space<vmem>>
      %dma_wait3A_81 = tpu.memref_squeeze %dma_wait3A_80 : memref<1x128xi32, #tpu.memory_space<vmem>> -> memref<128xi32, #tpu.memory_space<vmem>>
      %dma_wait3A_82 = arith.constant 0 : i32
      %dma_wait3A_83 = arith.constant 0 : i32
      %dma_wait3A_84 = tpu.memref_slice %arg6[%dma_wait3A_82, %dma_wait3A_83] : memref<10240x128xf32, #tpu.memory_space<vmem_shared>> -> memref<10240x128xf32, #tpu.memory_space<vmem_shared>>
      tpu.wait_indirect_dma semaphore(%arg14 : memref<!tpu.dma_semaphore, #tpu.memory_space<semaphore_mem>>) src(%arg10 : memref<128x128xf32, #tpu.memory_space<vmem>>) dst(%dma_wait3A_84 : memref<10240x128xf32, #tpu.memory_space<vmem_shared>>)
      %mul3A_85 = arith.constant 120 : i32
      %mul3A_86 = arith.muli %arg1, %mul3A_85 : i32
      %add3A_87 = arith.constant 0 : i32
      %add3A_88 = arith.addi %add3A_87, %mul3A_86 : i32
      %add3A_89 = arith.constant 40 : i32
      %add3A_90 = arith.addi %add3A_88, %add3A_89 : i32
      "tpu.region"() ({
        %run_scoped3A = tpu.sem_alloc : memref<!tpu.dma_semaphore, #tpu.memory_space<semaphore_mem>>
        %dma_start3A_219 = arith.constant 0 : i32
        %dma_start3A_220 = tpu.memref_slice %arg3[%add3A_90, %dma_start3A_219] : memref<2560x128xi32, #tpu.memory_space<hbm>> -> memref<40x128xi32, #tpu.memory_space<hbm>>
        %dma_start3A_221 = arith.constant 0 : i32
        %dma_start3A_222 = tpu.memref_slice %arg3[%add3A_90, %dma_start3A_221] : memref<2560x128xi32, #tpu.memory_space<hbm>> -> memref<40x128xi32, #tpu.memory_space<hbm>>
        tpu.enqueue_dma source(%dma_start3A_222 : memref<40x128xi32, #tpu.memory_space<hbm>>) target(%arg7 : memref<40x128xi32, #tpu.memory_space<vmem>>) target_semaphore(%run_scoped3A : memref<!tpu.dma_semaphore, #tpu.memory_space<semaphore_mem>>)
        %dma_wait3A_223 = arith.constant 0 : i32
        %dma_wait3A_224 = tpu.memref_slice %arg3[%add3A_90, %dma_wait3A_223] : memref<2560x128xi32, #tpu.memory_space<hbm>> -> memref<40x128xi32, #tpu.memory_space<hbm>>
        %dma_wait3A_225 = arith.constant 0 : i32
        %dma_wait3A_226 = tpu.memref_slice %arg3[%add3A_90, %dma_wait3A_225] : memref<2560x128xi32, #tpu.memory_space<hbm>> -> memref<40x128xi32, #tpu.memory_space<hbm>>
        tpu.wait_dma2 semaphore(%run_scoped3A : memref<!tpu.dma_semaphore, #tpu.memory_space<semaphore_mem>>) src(%dma_wait3A_226 : memref<40x128xi32, #tpu.memory_space<hbm>>) dst(%arg7 : memref<40x128xi32, #tpu.memory_space<vmem>>)
        tpu.yield
      }) : () -> ()
      "tpu.region"() ({
        %run_scoped3A = tpu.sem_alloc : memref<!tpu.dma_semaphore, #tpu.memory_space<semaphore_mem>>
        %dma_start3A_219 = arith.constant 0 : i32
        %dma_start3A_220 = tpu.memref_slice %arg4[%add3A_90, %dma_start3A_219] : memref<2560x128xi32, #tpu.memory_space<hbm>> -> memref<40x128xi32, #tpu.memory_space<hbm>>
        %dma_start3A_221 = arith.constant 0 : i32
        %dma_start3A_222 = tpu.memref_slice %arg4[%add3A_90, %dma_start3A_221] : memref<2560x128xi32, #tpu.memory_space<hbm>> -> memref<40x128xi32, #tpu.memory_space<hbm>>
        tpu.enqueue_dma source(%dma_start3A_222 : memref<40x128xi32, #tpu.memory_space<hbm>>) target(%arg8 : memref<40x128xi32, #tpu.memory_space<vmem>>) target_semaphore(%run_scoped3A : memref<!tpu.dma_semaphore, #tpu.memory_space<semaphore_mem>>)
        %dma_wait3A_223 = arith.constant 0 : i32
        %dma_wait3A_224 = tpu.memref_slice %arg4[%add3A_90, %dma_wait3A_223] : memref<2560x128xi32, #tpu.memory_space<hbm>> -> memref<40x128xi32, #tpu.memory_space<hbm>>
        %dma_wait3A_225 = arith.constant 0 : i32
        %dma_wait3A_226 = tpu.memref_slice %arg4[%add3A_90, %dma_wait3A_225] : memref<2560x128xi32, #tpu.memory_space<hbm>> -> memref<40x128xi32, #tpu.memory_space<hbm>>
        tpu.wait_dma2 semaphore(%run_scoped3A : memref<!tpu.dma_semaphore, #tpu.memory_space<semaphore_mem>>) src(%dma_wait3A_226 : memref<40x128xi32, #tpu.memory_space<hbm>>) dst(%arg8 : memref<40x128xi32, #tpu.memory_space<vmem>>)
        tpu.yield
      }) : () -> ()
      %dma_start3A_91 = arith.constant 0 : i32
      %dma_start3A_92 = arith.constant 0 : i32
      %dma_start3A_93 = tpu.memref_slice %arg7[%dma_start3A_91, %dma_start3A_92] : memref<40x128xi32, #tpu.memory_space<vmem>> -> memref<1x128xi32, #tpu.memory_space<vmem>>
      %dma_start3A_94 = tpu.memref_squeeze %dma_start3A_93 : memref<1x128xi32, #tpu.memory_space<vmem>> -> memref<128xi32, #tpu.memory_space<vmem>>
      %dma_start3A_95 = arith.constant 0 : i32
      %dma_start3A_96 = arith.constant 0 : i32
      %dma_start3A_97 = tpu.memref_slice %arg2[%dma_start3A_95, %dma_start3A_96] : memref<10240x128xf32, #tpu.memory_space<hbm>> -> memref<10240x128xf32, #tpu.memory_space<hbm>>
      tpu.enqueue_indirect_dma source(%dma_start3A_97 : memref<10240x128xf32, #tpu.memory_space<hbm>>) target(%arg9 : memref<128x128xf32, #tpu.memory_space<vmem>>) offsets(%dma_start3A_94 : memref<128xi32, #tpu.memory_space<vmem>>) semaphore(%arg11 : memref<!tpu.dma_semaphore, #tpu.memory_space<semaphore_mem>>)
      %dma_start3A_98 = arith.constant 1 : i32
      %dma_start3A_99 = arith.constant 0 : i32
      %dma_start3A_100 = tpu.memref_slice %arg7[%dma_start3A_98, %dma_start3A_99] : memref<40x128xi32, #tpu.memory_space<vmem>> -> memref<1x128xi32, #tpu.memory_space<vmem>>
      %dma_start3A_101 = tpu.memref_squeeze %dma_start3A_100 : memref<1x128xi32, #tpu.memory_space<vmem>> -> memref<128xi32, #tpu.memory_space<vmem>>
      %dma_start3A_102 = arith.constant 0 : i32
      %dma_start3A_103 = arith.constant 0 : i32
      %dma_start3A_104 = tpu.memref_slice %arg2[%dma_start3A_102, %dma_start3A_103] : memref<10240x128xf32, #tpu.memory_space<hbm>> -> memref<10240x128xf32, #tpu.memory_space<hbm>>
      tpu.enqueue_indirect_dma source(%dma_start3A_104 : memref<10240x128xf32, #tpu.memory_space<hbm>>) target(%arg10 : memref<128x128xf32, #tpu.memory_space<vmem>>) offsets(%dma_start3A_101 : memref<128xi32, #tpu.memory_space<vmem>>) semaphore(%arg12 : memref<!tpu.dma_semaphore, #tpu.memory_space<semaphore_mem>>)
      %scan3A_105 = arith.constant 0 : i32
      %scan3A_106 = arith.constant 19 : i32
      %scan3A_107 = arith.addi %scan3A_105, %scan3A_106 : i32
      %scan3A_108 = arith.constant 1 : i32
      scf.for %scan3A_219 = %scan3A_105 to %scan3A_107 step %scan3A_108  : i32 {
        %mul3A_220 = arith.constant 1 : i32
        %mul3A_221 = arith.muli %scan3A_219, %mul3A_220 : i32
        %add3A_222 = arith.constant 0 : i32
        %add3A_223 = arith.addi %add3A_222, %mul3A_221 : i32
        %mul3A_224 = arith.constant 2 : i32
        %mul3A_225 = arith.muli %mul3A_224, %add3A_223 : i32
        %dma_wait3A_226 = arith.constant 0 : i32
        %dma_wait3A_227 = tpu.memref_slice %arg7[%mul3A_225, %dma_wait3A_226] : memref<40x128xi32, #tpu.memory_space<vmem>> -> memref<1x128xi32, #tpu.memory_space<vmem>>
        %dma_wait3A_228 = tpu.memref_squeeze %dma_wait3A_227 : memref<1x128xi32, #tpu.memory_space<vmem>> -> memref<128xi32, #tpu.memory_space<vmem>>
        %dma_wait3A_229 = arith.constant 0 : i32
        %dma_wait3A_230 = arith.constant 0 : i32
        %dma_wait3A_231 = tpu.memref_slice %arg2[%dma_wait3A_229, %dma_wait3A_230] : memref<10240x128xf32, #tpu.memory_space<hbm>> -> memref<10240x128xf32, #tpu.memory_space<hbm>>
        tpu.wait_indirect_dma semaphore(%arg11 : memref<!tpu.dma_semaphore, #tpu.memory_space<semaphore_mem>>) src(%dma_wait3A_231 : memref<10240x128xf32, #tpu.memory_space<hbm>>) dst(%arg9 : memref<128x128xf32, #tpu.memory_space<vmem>>)
        %dma_start3A_232 = arith.constant 0 : i32
        %dma_start3A_233 = tpu.memref_slice %arg8[%mul3A_225, %dma_start3A_232] : memref<40x128xi32, #tpu.memory_space<vmem>> -> memref<1x128xi32, #tpu.memory_space<vmem>>
        %dma_start3A_234 = tpu.memref_squeeze %dma_start3A_233 : memref<1x128xi32, #tpu.memory_space<vmem>> -> memref<128xi32, #tpu.memory_space<vmem>>
        %dma_start3A_235 = arith.constant 0 : i32
        %dma_start3A_236 = arith.constant 0 : i32
        %dma_start3A_237 = tpu.memref_slice %arg6[%dma_start3A_235, %dma_start3A_236] : memref<10240x128xf32, #tpu.memory_space<vmem_shared>> -> memref<10240x128xf32, #tpu.memory_space<vmem_shared>>
        tpu.enqueue_indirect_dma source(%arg9 : memref<128x128xf32, #tpu.memory_space<vmem>>) target(%dma_start3A_237 : memref<10240x128xf32, #tpu.memory_space<vmem_shared>>) offsets(%dma_start3A_234 : memref<128xi32, #tpu.memory_space<vmem>>) semaphore(%arg13 : memref<!tpu.dma_semaphore, #tpu.memory_space<semaphore_mem>>) {add = true}
        %add3A_238 = arith.constant 1 : i32
        %add3A_239 = arith.addi %mul3A_225, %add3A_238 : i32
        %dma_wait3A_240 = arith.constant 0 : i32
        %dma_wait3A_241 = tpu.memref_slice %arg7[%add3A_239, %dma_wait3A_240] : memref<40x128xi32, #tpu.memory_space<vmem>> -> memref<1x128xi32, #tpu.memory_space<vmem>>
        %dma_wait3A_242 = tpu.memref_squeeze %dma_wait3A_241 : memref<1x128xi32, #tpu.memory_space<vmem>> -> memref<128xi32, #tpu.memory_space<vmem>>
        %dma_wait3A_243 = arith.constant 0 : i32
        %dma_wait3A_244 = arith.constant 0 : i32
        %dma_wait3A_245 = tpu.memref_slice %arg2[%dma_wait3A_243, %dma_wait3A_244] : memref<10240x128xf32, #tpu.memory_space<hbm>> -> memref<10240x128xf32, #tpu.memory_space<hbm>>
        tpu.wait_indirect_dma semaphore(%arg12 : memref<!tpu.dma_semaphore, #tpu.memory_space<semaphore_mem>>) src(%dma_wait3A_245 : memref<10240x128xf32, #tpu.memory_space<hbm>>) dst(%arg10 : memref<128x128xf32, #tpu.memory_space<vmem>>)
        %add3A_246 = arith.constant 1 : i32
        %add3A_247 = arith.addi %mul3A_225, %add3A_246 : i32
        %dma_start3A_248 = arith.constant 0 : i32
        %dma_start3A_249 = tpu.memref_slice %arg8[%add3A_247, %dma_start3A_248] : memref<40x128xi32, #tpu.memory_space<vmem>> -> memref<1x128xi32, #tpu.memory_space<vmem>>
        %dma_start3A_250 = tpu.memref_squeeze %dma_start3A_249 : memref<1x128xi32, #tpu.memory_space<vmem>> -> memref<128xi32, #tpu.memory_space<vmem>>
        %dma_start3A_251 = arith.constant 0 : i32
        %dma_start3A_252 = arith.constant 0 : i32
        %dma_start3A_253 = tpu.memref_slice %arg6[%dma_start3A_251, %dma_start3A_252] : memref<10240x128xf32, #tpu.memory_space<vmem_shared>> -> memref<10240x128xf32, #tpu.memory_space<vmem_shared>>
        tpu.enqueue_indirect_dma source(%arg10 : memref<128x128xf32, #tpu.memory_space<vmem>>) target(%dma_start3A_253 : memref<10240x128xf32, #tpu.memory_space<vmem_shared>>) offsets(%dma_start3A_250 : memref<128xi32, #tpu.memory_space<vmem>>) semaphore(%arg14 : memref<!tpu.dma_semaphore, #tpu.memory_space<semaphore_mem>>) {add = true}
        %dma_wait3A_254 = arith.constant 0 : i32
        %dma_wait3A_255 = tpu.memref_slice %arg8[%mul3A_225, %dma_wait3A_254] : memref<40x128xi32, #tpu.memory_space<vmem>> -> memref<1x128xi32, #tpu.memory_space<vmem>>
        %dma_wait3A_256 = tpu.memref_squeeze %dma_wait3A_255 : memref<1x128xi32, #tpu.memory_space<vmem>> -> memref<128xi32, #tpu.memory_space<vmem>>
        %dma_wait3A_257 = arith.constant 0 : i32
        %dma_wait3A_258 = arith.constant 0 : i32
        %dma_wait3A_259 = tpu.memref_slice %arg6[%dma_wait3A_257, %dma_wait3A_258] : memref<10240x128xf32, #tpu.memory_space<vmem_shared>> -> memref<10240x128xf32, #tpu.memory_space<vmem_shared>>
        tpu.wait_indirect_dma semaphore(%arg13 : memref<!tpu.dma_semaphore, #tpu.memory_space<semaphore_mem>>) src(%arg9 : memref<128x128xf32, #tpu.memory_space<vmem>>) dst(%dma_wait3A_259 : memref<10240x128xf32, #tpu.memory_space<vmem_shared>>)
        %add3A_260 = arith.constant 2 : i32
        %add3A_261 = arith.addi %mul3A_225, %add3A_260 : i32
        %dma_start3A_262 = arith.constant 0 : i32
        %dma_start3A_263 = tpu.memref_slice %arg7[%add3A_261, %dma_start3A_262] : memref<40x128xi32, #tpu.memory_space<vmem>> -> memref<1x128xi32, #tpu.memory_space<vmem>>
        %dma_start3A_264 = tpu.memref_squeeze %dma_start3A_263 : memref<1x128xi32, #tpu.memory_space<vmem>> -> memref<128xi32, #tpu.memory_space<vmem>>
        %dma_start3A_265 = arith.constant 0 : i32
        %dma_start3A_266 = arith.constant 0 : i32
        %dma_start3A_267 = tpu.memref_slice %arg2[%dma_start3A_265, %dma_start3A_266] : memref<10240x128xf32, #tpu.memory_space<hbm>> -> memref<10240x128xf32, #tpu.memory_space<hbm>>
        tpu.enqueue_indirect_dma source(%dma_start3A_267 : memref<10240x128xf32, #tpu.memory_space<hbm>>) target(%arg9 : memref<128x128xf32, #tpu.memory_space<vmem>>) offsets(%dma_start3A_264 : memref<128xi32, #tpu.memory_space<vmem>>) semaphore(%arg11 : memref<!tpu.dma_semaphore, #tpu.memory_space<semaphore_mem>>)
        %add3A_268 = arith.constant 1 : i32
        %add3A_269 = arith.addi %mul3A_225, %add3A_268 : i32
        %dma_wait3A_270 = arith.constant 0 : i32
        %dma_wait3A_271 = tpu.memref_slice %arg8[%add3A_269, %dma_wait3A_270] : memref<40x128xi32, #tpu.memory_space<vmem>> -> memref<1x128xi32, #tpu.memory_space<vmem>>
        %dma_wait3A_272 = tpu.memref_squeeze %dma_wait3A_271 : memref<1x128xi32, #tpu.memory_space<vmem>> -> memref<128xi32, #tpu.memory_space<vmem>>
        %dma_wait3A_273 = arith.constant 0 : i32
        %dma_wait3A_274 = arith.constant 0 : i32
        %dma_wait3A_275 = tpu.memref_slice %arg6[%dma_wait3A_273, %dma_wait3A_274] : memref<10240x128xf32, #tpu.memory_space<vmem_shared>> -> memref<10240x128xf32, #tpu.memory_space<vmem_shared>>
        tpu.wait_indirect_dma semaphore(%arg14 : memref<!tpu.dma_semaphore, #tpu.memory_space<semaphore_mem>>) src(%arg10 : memref<128x128xf32, #tpu.memory_space<vmem>>) dst(%dma_wait3A_275 : memref<10240x128xf32, #tpu.memory_space<vmem_shared>>)
        %add3A_276 = arith.constant 3 : i32
        %add3A_277 = arith.addi %mul3A_225, %add3A_276 : i32
        %dma_start3A_278 = arith.constant 0 : i32
        %dma_start3A_279 = tpu.memref_slice %arg7[%add3A_277, %dma_start3A_278] : memref<40x128xi32, #tpu.memory_space<vmem>> -> memref<1x128xi32, #tpu.memory_space<vmem>>
        %dma_start3A_280 = tpu.memref_squeeze %dma_start3A_279 : memref<1x128xi32, #tpu.memory_space<vmem>> -> memref<128xi32, #tpu.memory_space<vmem>>
        %dma_start3A_281 = arith.constant 0 : i32
        %dma_start3A_282 = arith.constant 0 : i32
        %dma_start3A_283 = tpu.memref_slice %arg2[%dma_start3A_281, %dma_start3A_282] : memref<10240x128xf32, #tpu.memory_space<hbm>> -> memref<10240x128xf32, #tpu.memory_space<hbm>>
        tpu.enqueue_indirect_dma source(%dma_start3A_283 : memref<10240x128xf32, #tpu.memory_space<hbm>>) target(%arg10 : memref<128x128xf32, #tpu.memory_space<vmem>>) offsets(%dma_start3A_280 : memref<128xi32, #tpu.memory_space<vmem>>) semaphore(%arg12 : memref<!tpu.dma_semaphore, #tpu.memory_space<semaphore_mem>>)
      }
      %scan3A_109 = arith.constant 19 : i32
      %dma_wait3A_110 = arith.constant 38 : i32
      %dma_wait3A_111 = arith.constant 0 : i32
      %dma_wait3A_112 = tpu.memref_slice %arg7[%dma_wait3A_110, %dma_wait3A_111] : memref<40x128xi32, #tpu.memory_space<vmem>> -> memref<1x128xi32, #tpu.memory_space<vmem>>
      %dma_wait3A_113 = tpu.memref_squeeze %dma_wait3A_112 : memref<1x128xi32, #tpu.memory_space<vmem>> -> memref<128xi32, #tpu.memory_space<vmem>>
      %dma_wait3A_114 = arith.constant 0 : i32
      %dma_wait3A_115 = arith.constant 0 : i32
      %dma_wait3A_116 = tpu.memref_slice %arg2[%dma_wait3A_114, %dma_wait3A_115] : memref<10240x128xf32, #tpu.memory_space<hbm>> -> memref<10240x128xf32, #tpu.memory_space<hbm>>
      tpu.wait_indirect_dma semaphore(%arg11 : memref<!tpu.dma_semaphore, #tpu.memory_space<semaphore_mem>>) src(%dma_wait3A_116 : memref<10240x128xf32, #tpu.memory_space<hbm>>) dst(%arg9 : memref<128x128xf32, #tpu.memory_space<vmem>>)
      %dma_start3A_117 = arith.constant 38 : i32
      %dma_start3A_118 = arith.constant 0 : i32
      %dma_start3A_119 = tpu.memref_slice %arg8[%dma_start3A_117, %dma_start3A_118] : memref<40x128xi32, #tpu.memory_space<vmem>> -> memref<1x128xi32, #tpu.memory_space<vmem>>
      %dma_start3A_120 = tpu.memref_squeeze %dma_start3A_119 : memref<1x128xi32, #tpu.memory_space<vmem>> -> memref<128xi32, #tpu.memory_space<vmem>>
      %dma_start3A_121 = arith.constant 0 : i32
      %dma_start3A_122 = arith.constant 0 : i32
      %dma_start3A_123 = tpu.memref_slice %arg6[%dma_start3A_121, %dma_start3A_122] : memref<10240x128xf32, #tpu.memory_space<vmem_shared>> -> memref<10240x128xf32, #tpu.memory_space<vmem_shared>>
      tpu.enqueue_indirect_dma source(%arg9 : memref<128x128xf32, #tpu.memory_space<vmem>>) target(%dma_start3A_123 : memref<10240x128xf32, #tpu.memory_space<vmem_shared>>) offsets(%dma_start3A_120 : memref<128xi32, #tpu.memory_space<vmem>>) semaphore(%arg13 : memref<!tpu.dma_semaphore, #tpu.memory_space<semaphore_mem>>) {add = true}
      %dma_wait3A_124 = arith.constant 39 : i32
      %dma_wait3A_125 = arith.constant 0 : i32
      %dma_wait3A_126 = tpu.memref_slice %arg7[%dma_wait3A_124, %dma_wait3A_125] : memref<40x128xi32, #tpu.memory_space<vmem>> -> memref<1x128xi32, #tpu.memory_space<vmem>>
      %dma_wait3A_127 = tpu.memref_squeeze %dma_wait3A_126 : memref<1x128xi32, #tpu.memory_space<vmem>> -> memref<128xi32, #tpu.memory_space<vmem>>
      %dma_wait3A_128 = arith.constant 0 : i32
      %dma_wait3A_129 = arith.constant 0 : i32
      %dma_wait3A_130 = tpu.memref_slice %arg2[%dma_wait3A_128, %dma_wait3A_129] : memref<10240x128xf32, #tpu.memory_space<hbm>> -> memref<10240x128xf32, #tpu.memory_space<hbm>>
      tpu.wait_indirect_dma semaphore(%arg12 : memref<!tpu.dma_semaphore, #tpu.memory_space<semaphore_mem>>) src(%dma_wait3A_130 : memref<10240x128xf32, #tpu.memory_space<hbm>>) dst(%arg10 : memref<128x128xf32, #tpu.memory_space<vmem>>)
      %dma_start3A_131 = arith.constant 39 : i32
      %dma_start3A_132 = arith.constant 0 : i32
      %dma_start3A_133 = tpu.memref_slice %arg8[%dma_start3A_131, %dma_start3A_132] : memref<40x128xi32, #tpu.memory_space<vmem>> -> memref<1x128xi32, #tpu.memory_space<vmem>>
      %dma_start3A_134 = tpu.memref_squeeze %dma_start3A_133 : memref<1x128xi32, #tpu.memory_space<vmem>> -> memref<128xi32, #tpu.memory_space<vmem>>
      %dma_start3A_135 = arith.constant 0 : i32
      %dma_start3A_136 = arith.constant 0 : i32
      %dma_start3A_137 = tpu.memref_slice %arg6[%dma_start3A_135, %dma_start3A_136] : memref<10240x128xf32, #tpu.memory_space<vmem_shared>> -> memref<10240x128xf32, #tpu.memory_space<vmem_shared>>
      tpu.enqueue_indirect_dma source(%arg10 : memref<128x128xf32, #tpu.memory_space<vmem>>) target(%dma_start3A_137 : memref<10240x128xf32, #tpu.memory_space<vmem_shared>>) offsets(%dma_start3A_134 : memref<128xi32, #tpu.memory_space<vmem>>) semaphore(%arg14 : memref<!tpu.dma_semaphore, #tpu.memory_space<semaphore_mem>>) {add = true}
      %dma_wait3A_138 = arith.constant 38 : i32
      %dma_wait3A_139 = arith.constant 0 : i32
      %dma_wait3A_140 = tpu.memref_slice %arg8[%dma_wait3A_138, %dma_wait3A_139] : memref<40x128xi32, #tpu.memory_space<vmem>> -> memref<1x128xi32, #tpu.memory_space<vmem>>
      %dma_wait3A_141 = tpu.memref_squeeze %dma_wait3A_140 : memref<1x128xi32, #tpu.memory_space<vmem>> -> memref<128xi32, #tpu.memory_space<vmem>>
      %dma_wait3A_142 = arith.constant 0 : i32
      %dma_wait3A_143 = arith.constant 0 : i32
      %dma_wait3A_144 = tpu.memref_slice %arg6[%dma_wait3A_142, %dma_wait3A_143] : memref<10240x128xf32, #tpu.memory_space<vmem_shared>> -> memref<10240x128xf32, #tpu.memory_space<vmem_shared>>
      tpu.wait_indirect_dma semaphore(%arg13 : memref<!tpu.dma_semaphore, #tpu.memory_space<semaphore_mem>>) src(%arg9 : memref<128x128xf32, #tpu.memory_space<vmem>>) dst(%dma_wait3A_144 : memref<10240x128xf32, #tpu.memory_space<vmem_shared>>)
      %dma_wait3A_145 = arith.constant 39 : i32
      %dma_wait3A_146 = arith.constant 0 : i32
      %dma_wait3A_147 = tpu.memref_slice %arg8[%dma_wait3A_145, %dma_wait3A_146] : memref<40x128xi32, #tpu.memory_space<vmem>> -> memref<1x128xi32, #tpu.memory_space<vmem>>
      %dma_wait3A_148 = tpu.memref_squeeze %dma_wait3A_147 : memref<1x128xi32, #tpu.memory_space<vmem>> -> memref<128xi32, #tpu.memory_space<vmem>>
      %dma_wait3A_149 = arith.constant 0 : i32
      %dma_wait3A_150 = arith.constant 0 : i32
      %dma_wait3A_151 = tpu.memref_slice %arg6[%dma_wait3A_149, %dma_wait3A_150] : memref<10240x128xf32, #tpu.memory_space<vmem_shared>> -> memref<10240x128xf32, #tpu.memory_space<vmem_shared>>
      tpu.wait_indirect_dma semaphore(%arg14 : memref<!tpu.dma_semaphore, #tpu.memory_space<semaphore_mem>>) src(%arg10 : memref<128x128xf32, #tpu.memory_space<vmem>>) dst(%dma_wait3A_151 : memref<10240x128xf32, #tpu.memory_space<vmem_shared>>)
      %mul3A_152 = arith.constant 120 : i32
      %mul3A_153 = arith.muli %arg1, %mul3A_152 : i32
      %add3A_154 = arith.constant 0 : i32
      %add3A_155 = arith.addi %add3A_154, %mul3A_153 : i32
      %add3A_156 = arith.constant 80 : i32
      %add3A_157 = arith.addi %add3A_155, %add3A_156 : i32
      "tpu.region"() ({
        %run_scoped3A = tpu.sem_alloc : memref<!tpu.dma_semaphore, #tpu.memory_space<semaphore_mem>>
        %dma_start3A_219 = arith.constant 0 : i32
        %dma_start3A_220 = tpu.memref_slice %arg3[%add3A_157, %dma_start3A_219] : memref<2560x128xi32, #tpu.memory_space<hbm>> -> memref<40x128xi32, #tpu.memory_space<hbm>>
        %dma_start3A_221 = arith.constant 0 : i32
        %dma_start3A_222 = tpu.memref_slice %arg3[%add3A_157, %dma_start3A_221] : memref<2560x128xi32, #tpu.memory_space<hbm>> -> memref<40x128xi32, #tpu.memory_space<hbm>>
        tpu.enqueue_dma source(%dma_start3A_222 : memref<40x128xi32, #tpu.memory_space<hbm>>) target(%arg7 : memref<40x128xi32, #tpu.memory_space<vmem>>) target_semaphore(%run_scoped3A : memref<!tpu.dma_semaphore, #tpu.memory_space<semaphore_mem>>)
        %dma_wait3A_223 = arith.constant 0 : i32
        %dma_wait3A_224 = tpu.memref_slice %arg3[%add3A_157, %dma_wait3A_223] : memref<2560x128xi32, #tpu.memory_space<hbm>> -> memref<40x128xi32, #tpu.memory_space<hbm>>
        %dma_wait3A_225 = arith.constant 0 : i32
        %dma_wait3A_226 = tpu.memref_slice %arg3[%add3A_157, %dma_wait3A_225] : memref<2560x128xi32, #tpu.memory_space<hbm>> -> memref<40x128xi32, #tpu.memory_space<hbm>>
        tpu.wait_dma2 semaphore(%run_scoped3A : memref<!tpu.dma_semaphore, #tpu.memory_space<semaphore_mem>>) src(%dma_wait3A_226 : memref<40x128xi32, #tpu.memory_space<hbm>>) dst(%arg7 : memref<40x128xi32, #tpu.memory_space<vmem>>)
        tpu.yield
      }) : () -> ()
      "tpu.region"() ({
        %run_scoped3A = tpu.sem_alloc : memref<!tpu.dma_semaphore, #tpu.memory_space<semaphore_mem>>
        %dma_start3A_219 = arith.constant 0 : i32
        %dma_start3A_220 = tpu.memref_slice %arg4[%add3A_157, %dma_start3A_219] : memref<2560x128xi32, #tpu.memory_space<hbm>> -> memref<40x128xi32, #tpu.memory_space<hbm>>
        %dma_start3A_221 = arith.constant 0 : i32
        %dma_start3A_222 = tpu.memref_slice %arg4[%add3A_157, %dma_start3A_221] : memref<2560x128xi32, #tpu.memory_space<hbm>> -> memref<40x128xi32, #tpu.memory_space<hbm>>
        tpu.enqueue_dma source(%dma_start3A_222 : memref<40x128xi32, #tpu.memory_space<hbm>>) target(%arg8 : memref<40x128xi32, #tpu.memory_space<vmem>>) target_semaphore(%run_scoped3A : memref<!tpu.dma_semaphore, #tpu.memory_space<semaphore_mem>>)
        %dma_wait3A_223 = arith.constant 0 : i32
        %dma_wait3A_224 = tpu.memref_slice %arg4[%add3A_157, %dma_wait3A_223] : memref<2560x128xi32, #tpu.memory_space<hbm>> -> memref<40x128xi32, #tpu.memory_space<hbm>>
        %dma_wait3A_225 = arith.constant 0 : i32
        %dma_wait3A_226 = tpu.memref_slice %arg4[%add3A_157, %dma_wait3A_225] : memref<2560x128xi32, #tpu.memory_space<hbm>> -> memref<40x128xi32, #tpu.memory_space<hbm>>
        tpu.wait_dma2 semaphore(%run_scoped3A : memref<!tpu.dma_semaphore, #tpu.memory_space<semaphore_mem>>) src(%dma_wait3A_226 : memref<40x128xi32, #tpu.memory_space<hbm>>) dst(%arg8 : memref<40x128xi32, #tpu.memory_space<vmem>>)
        tpu.yield
      }) : () -> ()
      %dma_start3A_158 = arith.constant 0 : i32
      %dma_start3A_159 = arith.constant 0 : i32
      %dma_start3A_160 = tpu.memref_slice %arg7[%dma_start3A_158, %dma_start3A_159] : memref<40x128xi32, #tpu.memory_space<vmem>> -> memref<1x128xi32, #tpu.memory_space<vmem>>
      %dma_start3A_161 = tpu.memref_squeeze %dma_start3A_160 : memref<1x128xi32, #tpu.memory_space<vmem>> -> memref<128xi32, #tpu.memory_space<vmem>>
      %dma_start3A_162 = arith.constant 0 : i32
      %dma_start3A_163 = arith.constant 0 : i32
      %dma_start3A_164 = tpu.memref_slice %arg2[%dma_start3A_162, %dma_start3A_163] : memref<10240x128xf32, #tpu.memory_space<hbm>> -> memref<10240x128xf32, #tpu.memory_space<hbm>>
      tpu.enqueue_indirect_dma source(%dma_start3A_164 : memref<10240x128xf32, #tpu.memory_space<hbm>>) target(%arg9 : memref<128x128xf32, #tpu.memory_space<vmem>>) offsets(%dma_start3A_161 : memref<128xi32, #tpu.memory_space<vmem>>) semaphore(%arg11 : memref<!tpu.dma_semaphore, #tpu.memory_space<semaphore_mem>>)
      %dma_start3A_165 = arith.constant 1 : i32
      %dma_start3A_166 = arith.constant 0 : i32
      %dma_start3A_167 = tpu.memref_slice %arg7[%dma_start3A_165, %dma_start3A_166] : memref<40x128xi32, #tpu.memory_space<vmem>> -> memref<1x128xi32, #tpu.memory_space<vmem>>
      %dma_start3A_168 = tpu.memref_squeeze %dma_start3A_167 : memref<1x128xi32, #tpu.memory_space<vmem>> -> memref<128xi32, #tpu.memory_space<vmem>>
      %dma_start3A_169 = arith.constant 0 : i32
      %dma_start3A_170 = arith.constant 0 : i32
      %dma_start3A_171 = tpu.memref_slice %arg2[%dma_start3A_169, %dma_start3A_170] : memref<10240x128xf32, #tpu.memory_space<hbm>> -> memref<10240x128xf32, #tpu.memory_space<hbm>>
      tpu.enqueue_indirect_dma source(%dma_start3A_171 : memref<10240x128xf32, #tpu.memory_space<hbm>>) target(%arg10 : memref<128x128xf32, #tpu.memory_space<vmem>>) offsets(%dma_start3A_168 : memref<128xi32, #tpu.memory_space<vmem>>) semaphore(%arg12 : memref<!tpu.dma_semaphore, #tpu.memory_space<semaphore_mem>>)
      %scan3A_172 = arith.constant 0 : i32
      %scan3A_173 = arith.constant 19 : i32
      %scan3A_174 = arith.addi %scan3A_172, %scan3A_173 : i32
      %scan3A_175 = arith.constant 1 : i32
      scf.for %scan3A_219 = %scan3A_172 to %scan3A_174 step %scan3A_175  : i32 {
        %mul3A_220 = arith.constant 1 : i32
        %mul3A_221 = arith.muli %scan3A_219, %mul3A_220 : i32
        %add3A_222 = arith.constant 0 : i32
        %add3A_223 = arith.addi %add3A_222, %mul3A_221 : i32
        %mul3A_224 = arith.constant 2 : i32
        %mul3A_225 = arith.muli %mul3A_224, %add3A_223 : i32
        %dma_wait3A_226 = arith.constant 0 : i32
        %dma_wait3A_227 = tpu.memref_slice %arg7[%mul3A_225, %dma_wait3A_226] : memref<40x128xi32, #tpu.memory_space<vmem>> -> memref<1x128xi32, #tpu.memory_space<vmem>>
        %dma_wait3A_228 = tpu.memref_squeeze %dma_wait3A_227 : memref<1x128xi32, #tpu.memory_space<vmem>> -> memref<128xi32, #tpu.memory_space<vmem>>
        %dma_wait3A_229 = arith.constant 0 : i32
        %dma_wait3A_230 = arith.constant 0 : i32
        %dma_wait3A_231 = tpu.memref_slice %arg2[%dma_wait3A_229, %dma_wait3A_230] : memref<10240x128xf32, #tpu.memory_space<hbm>> -> memref<10240x128xf32, #tpu.memory_space<hbm>>
        tpu.wait_indirect_dma semaphore(%arg11 : memref<!tpu.dma_semaphore, #tpu.memory_space<semaphore_mem>>) src(%dma_wait3A_231 : memref<10240x128xf32, #tpu.memory_space<hbm>>) dst(%arg9 : memref<128x128xf32, #tpu.memory_space<vmem>>)
        %dma_start3A_232 = arith.constant 0 : i32
        %dma_start3A_233 = tpu.memref_slice %arg8[%mul3A_225, %dma_start3A_232] : memref<40x128xi32, #tpu.memory_space<vmem>> -> memref<1x128xi32, #tpu.memory_space<vmem>>
        %dma_start3A_234 = tpu.memref_squeeze %dma_start3A_233 : memref<1x128xi32, #tpu.memory_space<vmem>> -> memref<128xi32, #tpu.memory_space<vmem>>
        %dma_start3A_235 = arith.constant 0 : i32
        %dma_start3A_236 = arith.constant 0 : i32
        %dma_start3A_237 = tpu.memref_slice %arg6[%dma_start3A_235, %dma_start3A_236] : memref<10240x128xf32, #tpu.memory_space<vmem_shared>> -> memref<10240x128xf32, #tpu.memory_space<vmem_shared>>
        tpu.enqueue_indirect_dma source(%arg9 : memref<128x128xf32, #tpu.memory_space<vmem>>) target(%dma_start3A_237 : memref<10240x128xf32, #tpu.memory_space<vmem_shared>>) offsets(%dma_start3A_234 : memref<128xi32, #tpu.memory_space<vmem>>) semaphore(%arg13 : memref<!tpu.dma_semaphore, #tpu.memory_space<semaphore_mem>>) {add = true}
        %add3A_238 = arith.constant 1 : i32
        %add3A_239 = arith.addi %mul3A_225, %add3A_238 : i32
        %dma_wait3A_240 = arith.constant 0 : i32
        %dma_wait3A_241 = tpu.memref_slice %arg7[%add3A_239, %dma_wait3A_240] : memref<40x128xi32, #tpu.memory_space<vmem>> -> memref<1x128xi32, #tpu.memory_space<vmem>>
        %dma_wait3A_242 = tpu.memref_squeeze %dma_wait3A_241 : memref<1x128xi32, #tpu.memory_space<vmem>> -> memref<128xi32, #tpu.memory_space<vmem>>
        %dma_wait3A_243 = arith.constant 0 : i32
        %dma_wait3A_244 = arith.constant 0 : i32
        %dma_wait3A_245 = tpu.memref_slice %arg2[%dma_wait3A_243, %dma_wait3A_244] : memref<10240x128xf32, #tpu.memory_space<hbm>> -> memref<10240x128xf32, #tpu.memory_space<hbm>>
        tpu.wait_indirect_dma semaphore(%arg12 : memref<!tpu.dma_semaphore, #tpu.memory_space<semaphore_mem>>) src(%dma_wait3A_245 : memref<10240x128xf32, #tpu.memory_space<hbm>>) dst(%arg10 : memref<128x128xf32, #tpu.memory_space<vmem>>)
        %add3A_246 = arith.constant 1 : i32
        %add3A_247 = arith.addi %mul3A_225, %add3A_246 : i32
        %dma_start3A_248 = arith.constant 0 : i32
        %dma_start3A_249 = tpu.memref_slice %arg8[%add3A_247, %dma_start3A_248] : memref<40x128xi32, #tpu.memory_space<vmem>> -> memref<1x128xi32, #tpu.memory_space<vmem>>
        %dma_start3A_250 = tpu.memref_squeeze %dma_start3A_249 : memref<1x128xi32, #tpu.memory_space<vmem>> -> memref<128xi32, #tpu.memory_space<vmem>>
        %dma_start3A_251 = arith.constant 0 : i32
        %dma_start3A_252 = arith.constant 0 : i32
        %dma_start3A_253 = tpu.memref_slice %arg6[%dma_start3A_251, %dma_start3A_252] : memref<10240x128xf32, #tpu.memory_space<vmem_shared>> -> memref<10240x128xf32, #tpu.memory_space<vmem_shared>>
        tpu.enqueue_indirect_dma source(%arg10 : memref<128x128xf32, #tpu.memory_space<vmem>>) target(%dma_start3A_253 : memref<10240x128xf32, #tpu.memory_space<vmem_shared>>) offsets(%dma_start3A_250 : memref<128xi32, #tpu.memory_space<vmem>>) semaphore(%arg14 : memref<!tpu.dma_semaphore, #tpu.memory_space<semaphore_mem>>) {add = true}
        %dma_wait3A_254 = arith.constant 0 : i32
        %dma_wait3A_255 = tpu.memref_slice %arg8[%mul3A_225, %dma_wait3A_254] : memref<40x128xi32, #tpu.memory_space<vmem>> -> memref<1x128xi32, #tpu.memory_space<vmem>>
        %dma_wait3A_256 = tpu.memref_squeeze %dma_wait3A_255 : memref<1x128xi32, #tpu.memory_space<vmem>> -> memref<128xi32, #tpu.memory_space<vmem>>
        %dma_wait3A_257 = arith.constant 0 : i32
        %dma_wait3A_258 = arith.constant 0 : i32
        %dma_wait3A_259 = tpu.memref_slice %arg6[%dma_wait3A_257, %dma_wait3A_258] : memref<10240x128xf32, #tpu.memory_space<vmem_shared>> -> memref<10240x128xf32, #tpu.memory_space<vmem_shared>>
        tpu.wait_indirect_dma semaphore(%arg13 : memref<!tpu.dma_semaphore, #tpu.memory_space<semaphore_mem>>) src(%arg9 : memref<128x128xf32, #tpu.memory_space<vmem>>) dst(%dma_wait3A_259 : memref<10240x128xf32, #tpu.memory_space<vmem_shared>>)
        %add3A_260 = arith.constant 2 : i32
        %add3A_261 = arith.addi %mul3A_225, %add3A_260 : i32
        %dma_start3A_262 = arith.constant 0 : i32
        %dma_start3A_263 = tpu.memref_slice %arg7[%add3A_261, %dma_start3A_262] : memref<40x128xi32, #tpu.memory_space<vmem>> -> memref<1x128xi32, #tpu.memory_space<vmem>>
        %dma_start3A_264 = tpu.memref_squeeze %dma_start3A_263 : memref<1x128xi32, #tpu.memory_space<vmem>> -> memref<128xi32, #tpu.memory_space<vmem>>
        %dma_start3A_265 = arith.constant 0 : i32
        %dma_start3A_266 = arith.constant 0 : i32
        %dma_start3A_267 = tpu.memref_slice %arg2[%dma_start3A_265, %dma_start3A_266] : memref<10240x128xf32, #tpu.memory_space<hbm>> -> memref<10240x128xf32, #tpu.memory_space<hbm>>
        tpu.enqueue_indirect_dma source(%dma_start3A_267 : memref<10240x128xf32, #tpu.memory_space<hbm>>) target(%arg9 : memref<128x128xf32, #tpu.memory_space<vmem>>) offsets(%dma_start3A_264 : memref<128xi32, #tpu.memory_space<vmem>>) semaphore(%arg11 : memref<!tpu.dma_semaphore, #tpu.memory_space<semaphore_mem>>)
        %add3A_268 = arith.constant 1 : i32
        %add3A_269 = arith.addi %mul3A_225, %add3A_268 : i32
        %dma_wait3A_270 = arith.constant 0 : i32
        %dma_wait3A_271 = tpu.memref_slice %arg8[%add3A_269, %dma_wait3A_270] : memref<40x128xi32, #tpu.memory_space<vmem>> -> memref<1x128xi32, #tpu.memory_space<vmem>>
        %dma_wait3A_272 = tpu.memref_squeeze %dma_wait3A_271 : memref<1x128xi32, #tpu.memory_space<vmem>> -> memref<128xi32, #tpu.memory_space<vmem>>
        %dma_wait3A_273 = arith.constant 0 : i32
        %dma_wait3A_274 = arith.constant 0 : i32
        %dma_wait3A_275 = tpu.memref_slice %arg6[%dma_wait3A_273, %dma_wait3A_274] : memref<10240x128xf32, #tpu.memory_space<vmem_shared>> -> memref<10240x128xf32, #tpu.memory_space<vmem_shared>>
        tpu.wait_indirect_dma semaphore(%arg14 : memref<!tpu.dma_semaphore, #tpu.memory_space<semaphore_mem>>) src(%arg10 : memref<128x128xf32, #tpu.memory_space<vmem>>) dst(%dma_wait3A_275 : memref<10240x128xf32, #tpu.memory_space<vmem_shared>>)
        %add3A_276 = arith.constant 3 : i32
        %add3A_277 = arith.addi %mul3A_225, %add3A_276 : i32
        %dma_start3A_278 = arith.constant 0 : i32
        %dma_start3A_279 = tpu.memref_slice %arg7[%add3A_277, %dma_start3A_278] : memref<40x128xi32, #tpu.memory_space<vmem>> -> memref<1x128xi32, #tpu.memory_space<vmem>>
        %dma_start3A_280 = tpu.memref_squeeze %dma_start3A_279 : memref<1x128xi32, #tpu.memory_space<vmem>> -> memref<128xi32, #tpu.memory_space<vmem>>
        %dma_start3A_281 = arith.constant 0 : i32
        %dma_start3A_282 = arith.constant 0 : i32
        %dma_start3A_283 = tpu.memref_slice %arg2[%dma_start3A_281, %dma_start3A_282] : memref<10240x128xf32, #tpu.memory_space<hbm>> -> memref<10240x128xf32, #tpu.memory_space<hbm>>
        tpu.enqueue_indirect_dma source(%dma_start3A_283 : memref<10240x128xf32, #tpu.memory_space<hbm>>) target(%arg10 : memref<128x128xf32, #tpu.memory_space<vmem>>) offsets(%dma_start3A_280 : memref<128xi32, #tpu.memory_space<vmem>>) semaphore(%arg12 : memref<!tpu.dma_semaphore, #tpu.memory_space<semaphore_mem>>)
      }
      %scan3A_176 = arith.constant 19 : i32
      %dma_wait3A_177 = arith.constant 38 : i32
      %dma_wait3A_178 = arith.constant 0 : i32
      %dma_wait3A_179 = tpu.memref_slice %arg7[%dma_wait3A_177, %dma_wait3A_178] : memref<40x128xi32, #tpu.memory_space<vmem>> -> memref<1x128xi32, #tpu.memory_space<vmem>>
      %dma_wait3A_180 = tpu.memref_squeeze %dma_wait3A_179 : memref<1x128xi32, #tpu.memory_space<vmem>> -> memref<128xi32, #tpu.memory_space<vmem>>
      %dma_wait3A_181 = arith.constant 0 : i32
      %dma_wait3A_182 = arith.constant 0 : i32
      %dma_wait3A_183 = tpu.memref_slice %arg2[%dma_wait3A_181, %dma_wait3A_182] : memref<10240x128xf32, #tpu.memory_space<hbm>> -> memref<10240x128xf32, #tpu.memory_space<hbm>>
      tpu.wait_indirect_dma semaphore(%arg11 : memref<!tpu.dma_semaphore, #tpu.memory_space<semaphore_mem>>) src(%dma_wait3A_183 : memref<10240x128xf32, #tpu.memory_space<hbm>>) dst(%arg9 : memref<128x128xf32, #tpu.memory_space<vmem>>)
      %dma_start3A_184 = arith.constant 38 : i32
      %dma_start3A_185 = arith.constant 0 : i32
      %dma_start3A_186 = tpu.memref_slice %arg8[%dma_start3A_184, %dma_start3A_185] : memref<40x128xi32, #tpu.memory_space<vmem>> -> memref<1x128xi32, #tpu.memory_space<vmem>>
      %dma_start3A_187 = tpu.memref_squeeze %dma_start3A_186 : memref<1x128xi32, #tpu.memory_space<vmem>> -> memref<128xi32, #tpu.memory_space<vmem>>
      %dma_start3A_188 = arith.constant 0 : i32
      %dma_start3A_189 = arith.constant 0 : i32
      %dma_start3A_190 = tpu.memref_slice %arg6[%dma_start3A_188, %dma_start3A_189] : memref<10240x128xf32, #tpu.memory_space<vmem_shared>> -> memref<10240x128xf32, #tpu.memory_space<vmem_shared>>
      tpu.enqueue_indirect_dma source(%arg9 : memref<128x128xf32, #tpu.memory_space<vmem>>) target(%dma_start3A_190 : memref<10240x128xf32, #tpu.memory_space<vmem_shared>>) offsets(%dma_start3A_187 : memref<128xi32, #tpu.memory_space<vmem>>) semaphore(%arg13 : memref<!tpu.dma_semaphore, #tpu.memory_space<semaphore_mem>>) {add = true}
      %dma_wait3A_191 = arith.constant 39 : i32
      %dma_wait3A_192 = arith.constant 0 : i32
      %dma_wait3A_193 = tpu.memref_slice %arg7[%dma_wait3A_191, %dma_wait3A_192] : memref<40x128xi32, #tpu.memory_space<vmem>> -> memref<1x128xi32, #tpu.memory_space<vmem>>
      %dma_wait3A_194 = tpu.memref_squeeze %dma_wait3A_193 : memref<1x128xi32, #tpu.memory_space<vmem>> -> memref<128xi32, #tpu.memory_space<vmem>>
      %dma_wait3A_195 = arith.constant 0 : i32
      %dma_wait3A_196 = arith.constant 0 : i32
      %dma_wait3A_197 = tpu.memref_slice %arg2[%dma_wait3A_195, %dma_wait3A_196] : memref<10240x128xf32, #tpu.memory_space<hbm>> -> memref<10240x128xf32, #tpu.memory_space<hbm>>
      tpu.wait_indirect_dma semaphore(%arg12 : memref<!tpu.dma_semaphore, #tpu.memory_space<semaphore_mem>>) src(%dma_wait3A_197 : memref<10240x128xf32, #tpu.memory_space<hbm>>) dst(%arg10 : memref<128x128xf32, #tpu.memory_space<vmem>>)
      %dma_start3A_198 = arith.constant 39 : i32
      %dma_start3A_199 = arith.constant 0 : i32
      %dma_start3A_200 = tpu.memref_slice %arg8[%dma_start3A_198, %dma_start3A_199] : memref<40x128xi32, #tpu.memory_space<vmem>> -> memref<1x128xi32, #tpu.memory_space<vmem>>
      %dma_start3A_201 = tpu.memref_squeeze %dma_start3A_200 : memref<1x128xi32, #tpu.memory_space<vmem>> -> memref<128xi32, #tpu.memory_space<vmem>>
      %dma_start3A_202 = arith.constant 0 : i32
      %dma_start3A_203 = arith.constant 0 : i32
      %dma_start3A_204 = tpu.memref_slice %arg6[%dma_start3A_202, %dma_start3A_203] : memref<10240x128xf32, #tpu.memory_space<vmem_shared>> -> memref<10240x128xf32, #tpu.memory_space<vmem_shared>>
      tpu.enqueue_indirect_dma source(%arg10 : memref<128x128xf32, #tpu.memory_space<vmem>>) target(%dma_start3A_204 : memref<10240x128xf32, #tpu.memory_space<vmem_shared>>) offsets(%dma_start3A_201 : memref<128xi32, #tpu.memory_space<vmem>>) semaphore(%arg14 : memref<!tpu.dma_semaphore, #tpu.memory_space<semaphore_mem>>) {add = true}
      %dma_wait3A_205 = arith.constant 38 : i32
      %dma_wait3A_206 = arith.constant 0 : i32
      %dma_wait3A_207 = tpu.memref_slice %arg8[%dma_wait3A_205, %dma_wait3A_206] : memref<40x128xi32, #tpu.memory_space<vmem>> -> memref<1x128xi32, #tpu.memory_space<vmem>>
      %dma_wait3A_208 = tpu.memref_squeeze %dma_wait3A_207 : memref<1x128xi32, #tpu.memory_space<vmem>> -> memref<128xi32, #tpu.memory_space<vmem>>
      %dma_wait3A_209 = arith.constant 0 : i32
      %dma_wait3A_210 = arith.constant 0 : i32
      %dma_wait3A_211 = tpu.memref_slice %arg6[%dma_wait3A_209, %dma_wait3A_210] : memref<10240x128xf32, #tpu.memory_space<vmem_shared>> -> memref<10240x128xf32, #tpu.memory_space<vmem_shared>>
      tpu.wait_indirect_dma semaphore(%arg13 : memref<!tpu.dma_semaphore, #tpu.memory_space<semaphore_mem>>) src(%arg9 : memref<128x128xf32, #tpu.memory_space<vmem>>) dst(%dma_wait3A_211 : memref<10240x128xf32, #tpu.memory_space<vmem_shared>>)
      %dma_wait3A_212 = arith.constant 39 : i32
      %dma_wait3A_213 = arith.constant 0 : i32
      %dma_wait3A_214 = tpu.memref_slice %arg8[%dma_wait3A_212, %dma_wait3A_213] : memref<40x128xi32, #tpu.memory_space<vmem>> -> memref<1x128xi32, #tpu.memory_space<vmem>>
      %dma_wait3A_215 = tpu.memref_squeeze %dma_wait3A_214 : memref<1x128xi32, #tpu.memory_space<vmem>> -> memref<128xi32, #tpu.memory_space<vmem>>
      %dma_wait3A_216 = arith.constant 0 : i32
      %dma_wait3A_217 = arith.constant 0 : i32
      %dma_wait3A_218 = tpu.memref_slice %arg6[%dma_wait3A_216, %dma_wait3A_217] : memref<10240x128xf32, #tpu.memory_space<vmem_shared>> -> memref<10240x128xf32, #tpu.memory_space<vmem_shared>>
      tpu.wait_indirect_dma semaphore(%arg14 : memref<!tpu.dma_semaphore, #tpu.memory_space<semaphore_mem>>) src(%arg10 : memref<128x128xf32, #tpu.memory_space<vmem>>) dst(%dma_wait3A_218 : memref<10240x128xf32, #tpu.memory_space<vmem_shared>>)
    } else {
    }
    %eq3A_7 = arith.constant 1 : i32
    %eq3A_8 = arith.cmpi eq, %arg0, %eq3A_7 : i32
    %convert_element_type3A_9 = arith.extui %eq3A_8 : i1 to i32
    %cond3A_10 = arith.constant 0 : i32
    %cond3A_11 = arith.cmpi ne, %convert_element_type3A_9, %cond3A_10 : i32
    scf.if %cond3A_11 {
      %mul3A_20 = arith.constant 40 : i32
      %mul3A_21 = arith.muli %arg1, %mul3A_20 : i32
      %add3A_22 = arith.constant 1920 : i32
      %add3A_23 = arith.addi %add3A_22, %mul3A_21 : i32
      %add3A_24 = arith.constant 0 : i32
      %add3A_25 = arith.addi %add3A_23, %add3A_24 : i32
      "tpu.region"() ({
        %run_scoped3A = tpu.sem_alloc : memref<!tpu.dma_semaphore, #tpu.memory_space<semaphore_mem>>
        %dma_start3A_85 = arith.constant 0 : i32
        %dma_start3A_86 = tpu.memref_slice %arg3[%add3A_25, %dma_start3A_85] : memref<2560x128xi32, #tpu.memory_space<hbm>> -> memref<40x128xi32, #tpu.memory_space<hbm>>
        %dma_start3A_87 = arith.constant 0 : i32
        %dma_start3A_88 = tpu.memref_slice %arg3[%add3A_25, %dma_start3A_87] : memref<2560x128xi32, #tpu.memory_space<hbm>> -> memref<40x128xi32, #tpu.memory_space<hbm>>
        tpu.enqueue_dma source(%dma_start3A_88 : memref<40x128xi32, #tpu.memory_space<hbm>>) target(%arg7 : memref<40x128xi32, #tpu.memory_space<vmem>>) target_semaphore(%run_scoped3A : memref<!tpu.dma_semaphore, #tpu.memory_space<semaphore_mem>>)
        %dma_wait3A_89 = arith.constant 0 : i32
        %dma_wait3A_90 = tpu.memref_slice %arg3[%add3A_25, %dma_wait3A_89] : memref<2560x128xi32, #tpu.memory_space<hbm>> -> memref<40x128xi32, #tpu.memory_space<hbm>>
        %dma_wait3A_91 = arith.constant 0 : i32
        %dma_wait3A_92 = tpu.memref_slice %arg3[%add3A_25, %dma_wait3A_91] : memref<2560x128xi32, #tpu.memory_space<hbm>> -> memref<40x128xi32, #tpu.memory_space<hbm>>
        tpu.wait_dma2 semaphore(%run_scoped3A : memref<!tpu.dma_semaphore, #tpu.memory_space<semaphore_mem>>) src(%dma_wait3A_92 : memref<40x128xi32, #tpu.memory_space<hbm>>) dst(%arg7 : memref<40x128xi32, #tpu.memory_space<vmem>>)
        tpu.yield
      }) : () -> ()
      "tpu.region"() ({
        %run_scoped3A = tpu.sem_alloc : memref<!tpu.dma_semaphore, #tpu.memory_space<semaphore_mem>>
        %dma_start3A_85 = arith.constant 0 : i32
        %dma_start3A_86 = tpu.memref_slice %arg4[%add3A_25, %dma_start3A_85] : memref<2560x128xi32, #tpu.memory_space<hbm>> -> memref<40x128xi32, #tpu.memory_space<hbm>>
        %dma_start3A_87 = arith.constant 0 : i32
        %dma_start3A_88 = tpu.memref_slice %arg4[%add3A_25, %dma_start3A_87] : memref<2560x128xi32, #tpu.memory_space<hbm>> -> memref<40x128xi32, #tpu.memory_space<hbm>>
        tpu.enqueue_dma source(%dma_start3A_88 : memref<40x128xi32, #tpu.memory_space<hbm>>) target(%arg8 : memref<40x128xi32, #tpu.memory_space<vmem>>) target_semaphore(%run_scoped3A : memref<!tpu.dma_semaphore, #tpu.memory_space<semaphore_mem>>)
        %dma_wait3A_89 = arith.constant 0 : i32
        %dma_wait3A_90 = tpu.memref_slice %arg4[%add3A_25, %dma_wait3A_89] : memref<2560x128xi32, #tpu.memory_space<hbm>> -> memref<40x128xi32, #tpu.memory_space<hbm>>
        %dma_wait3A_91 = arith.constant 0 : i32
        %dma_wait3A_92 = tpu.memref_slice %arg4[%add3A_25, %dma_wait3A_91] : memref<2560x128xi32, #tpu.memory_space<hbm>> -> memref<40x128xi32, #tpu.memory_space<hbm>>
        tpu.wait_dma2 semaphore(%run_scoped3A : memref<!tpu.dma_semaphore, #tpu.memory_space<semaphore_mem>>) src(%dma_wait3A_92 : memref<40x128xi32, #tpu.memory_space<hbm>>) dst(%arg8 : memref<40x128xi32, #tpu.memory_space<vmem>>)
        tpu.yield
      }) : () -> ()
      %dma_start3A = arith.constant 0 : i32
      %dma_start3A_26 = arith.constant 0 : i32
      %dma_start3A_27 = tpu.memref_slice %arg7[%dma_start3A, %dma_start3A_26] : memref<40x128xi32, #tpu.memory_space<vmem>> -> memref<1x128xi32, #tpu.memory_space<vmem>>
      %dma_start3A_28 = tpu.memref_squeeze %dma_start3A_27 : memref<1x128xi32, #tpu.memory_space<vmem>> -> memref<128xi32, #tpu.memory_space<vmem>>
      %dma_start3A_29 = arith.constant 0 : i32
      %dma_start3A_30 = arith.constant 0 : i32
      %dma_start3A_31 = tpu.memref_slice %arg2[%dma_start3A_29, %dma_start3A_30] : memref<10240x128xf32, #tpu.memory_space<hbm>> -> memref<10240x128xf32, #tpu.memory_space<hbm>>
      tpu.enqueue_indirect_dma source(%dma_start3A_31 : memref<10240x128xf32, #tpu.memory_space<hbm>>) target(%arg9 : memref<128x128xf32, #tpu.memory_space<vmem>>) offsets(%dma_start3A_28 : memref<128xi32, #tpu.memory_space<vmem>>) semaphore(%arg11 : memref<!tpu.dma_semaphore, #tpu.memory_space<semaphore_mem>>)
      %dma_start3A_32 = arith.constant 1 : i32
      %dma_start3A_33 = arith.constant 0 : i32
      %dma_start3A_34 = tpu.memref_slice %arg7[%dma_start3A_32, %dma_start3A_33] : memref<40x128xi32, #tpu.memory_space<vmem>> -> memref<1x128xi32, #tpu.memory_space<vmem>>
      %dma_start3A_35 = tpu.memref_squeeze %dma_start3A_34 : memref<1x128xi32, #tpu.memory_space<vmem>> -> memref<128xi32, #tpu.memory_space<vmem>>
      %dma_start3A_36 = arith.constant 0 : i32
      %dma_start3A_37 = arith.constant 0 : i32
      %dma_start3A_38 = tpu.memref_slice %arg2[%dma_start3A_36, %dma_start3A_37] : memref<10240x128xf32, #tpu.memory_space<hbm>> -> memref<10240x128xf32, #tpu.memory_space<hbm>>
      tpu.enqueue_indirect_dma source(%dma_start3A_38 : memref<10240x128xf32, #tpu.memory_space<hbm>>) target(%arg10 : memref<128x128xf32, #tpu.memory_space<vmem>>) offsets(%dma_start3A_35 : memref<128xi32, #tpu.memory_space<vmem>>) semaphore(%arg12 : memref<!tpu.dma_semaphore, #tpu.memory_space<semaphore_mem>>)
      %scan3A_39 = arith.constant 0 : i32
      %scan3A_40 = arith.constant 19 : i32
      %scan3A_41 = arith.addi %scan3A_39, %scan3A_40 : i32
      %scan3A_42 = arith.constant 1 : i32
      scf.for %scan3A_85 = %scan3A_39 to %scan3A_41 step %scan3A_42  : i32 {
        %mul3A_86 = arith.constant 1 : i32
        %mul3A_87 = arith.muli %scan3A_85, %mul3A_86 : i32
        %add3A_88 = arith.constant 0 : i32
        %add3A_89 = arith.addi %add3A_88, %mul3A_87 : i32
        %mul3A_90 = arith.constant 2 : i32
        %mul3A_91 = arith.muli %mul3A_90, %add3A_89 : i32
        %dma_wait3A_92 = arith.constant 0 : i32
        %dma_wait3A_93 = tpu.memref_slice %arg7[%mul3A_91, %dma_wait3A_92] : memref<40x128xi32, #tpu.memory_space<vmem>> -> memref<1x128xi32, #tpu.memory_space<vmem>>
        %dma_wait3A_94 = tpu.memref_squeeze %dma_wait3A_93 : memref<1x128xi32, #tpu.memory_space<vmem>> -> memref<128xi32, #tpu.memory_space<vmem>>
        %dma_wait3A_95 = arith.constant 0 : i32
        %dma_wait3A_96 = arith.constant 0 : i32
        %dma_wait3A_97 = tpu.memref_slice %arg2[%dma_wait3A_95, %dma_wait3A_96] : memref<10240x128xf32, #tpu.memory_space<hbm>> -> memref<10240x128xf32, #tpu.memory_space<hbm>>
        tpu.wait_indirect_dma semaphore(%arg11 : memref<!tpu.dma_semaphore, #tpu.memory_space<semaphore_mem>>) src(%dma_wait3A_97 : memref<10240x128xf32, #tpu.memory_space<hbm>>) dst(%arg9 : memref<128x128xf32, #tpu.memory_space<vmem>>)
        %dma_start3A_98 = arith.constant 0 : i32
        %dma_start3A_99 = tpu.memref_slice %arg8[%mul3A_91, %dma_start3A_98] : memref<40x128xi32, #tpu.memory_space<vmem>> -> memref<1x128xi32, #tpu.memory_space<vmem>>
        %dma_start3A_100 = tpu.memref_squeeze %dma_start3A_99 : memref<1x128xi32, #tpu.memory_space<vmem>> -> memref<128xi32, #tpu.memory_space<vmem>>
        %dma_start3A_101 = arith.constant 0 : i32
        %dma_start3A_102 = arith.constant 0 : i32
        %dma_start3A_103 = tpu.memref_slice %arg6[%dma_start3A_101, %dma_start3A_102] : memref<10240x128xf32, #tpu.memory_space<vmem_shared>> -> memref<10240x128xf32, #tpu.memory_space<vmem_shared>>
        tpu.enqueue_indirect_dma source(%arg9 : memref<128x128xf32, #tpu.memory_space<vmem>>) target(%dma_start3A_103 : memref<10240x128xf32, #tpu.memory_space<vmem_shared>>) offsets(%dma_start3A_100 : memref<128xi32, #tpu.memory_space<vmem>>) semaphore(%arg13 : memref<!tpu.dma_semaphore, #tpu.memory_space<semaphore_mem>>) {add = true}
        %add3A_104 = arith.constant 1 : i32
        %add3A_105 = arith.addi %mul3A_91, %add3A_104 : i32
        %dma_wait3A_106 = arith.constant 0 : i32
        %dma_wait3A_107 = tpu.memref_slice %arg7[%add3A_105, %dma_wait3A_106] : memref<40x128xi32, #tpu.memory_space<vmem>> -> memref<1x128xi32, #tpu.memory_space<vmem>>
        %dma_wait3A_108 = tpu.memref_squeeze %dma_wait3A_107 : memref<1x128xi32, #tpu.memory_space<vmem>> -> memref<128xi32, #tpu.memory_space<vmem>>
        %dma_wait3A_109 = arith.constant 0 : i32
        %dma_wait3A_110 = arith.constant 0 : i32
        %dma_wait3A_111 = tpu.memref_slice %arg2[%dma_wait3A_109, %dma_wait3A_110] : memref<10240x128xf32, #tpu.memory_space<hbm>> -> memref<10240x128xf32, #tpu.memory_space<hbm>>
        tpu.wait_indirect_dma semaphore(%arg12 : memref<!tpu.dma_semaphore, #tpu.memory_space<semaphore_mem>>) src(%dma_wait3A_111 : memref<10240x128xf32, #tpu.memory_space<hbm>>) dst(%arg10 : memref<128x128xf32, #tpu.memory_space<vmem>>)
        %add3A_112 = arith.constant 1 : i32
        %add3A_113 = arith.addi %mul3A_91, %add3A_112 : i32
        %dma_start3A_114 = arith.constant 0 : i32
        %dma_start3A_115 = tpu.memref_slice %arg8[%add3A_113, %dma_start3A_114] : memref<40x128xi32, #tpu.memory_space<vmem>> -> memref<1x128xi32, #tpu.memory_space<vmem>>
        %dma_start3A_116 = tpu.memref_squeeze %dma_start3A_115 : memref<1x128xi32, #tpu.memory_space<vmem>> -> memref<128xi32, #tpu.memory_space<vmem>>
        %dma_start3A_117 = arith.constant 0 : i32
        %dma_start3A_118 = arith.constant 0 : i32
        %dma_start3A_119 = tpu.memref_slice %arg6[%dma_start3A_117, %dma_start3A_118] : memref<10240x128xf32, #tpu.memory_space<vmem_shared>> -> memref<10240x128xf32, #tpu.memory_space<vmem_shared>>
        tpu.enqueue_indirect_dma source(%arg10 : memref<128x128xf32, #tpu.memory_space<vmem>>) target(%dma_start3A_119 : memref<10240x128xf32, #tpu.memory_space<vmem_shared>>) offsets(%dma_start3A_116 : memref<128xi32, #tpu.memory_space<vmem>>) semaphore(%arg14 : memref<!tpu.dma_semaphore, #tpu.memory_space<semaphore_mem>>) {add = true}
        %dma_wait3A_120 = arith.constant 0 : i32
        %dma_wait3A_121 = tpu.memref_slice %arg8[%mul3A_91, %dma_wait3A_120] : memref<40x128xi32, #tpu.memory_space<vmem>> -> memref<1x128xi32, #tpu.memory_space<vmem>>
        %dma_wait3A_122 = tpu.memref_squeeze %dma_wait3A_121 : memref<1x128xi32, #tpu.memory_space<vmem>> -> memref<128xi32, #tpu.memory_space<vmem>>
        %dma_wait3A_123 = arith.constant 0 : i32
        %dma_wait3A_124 = arith.constant 0 : i32
        %dma_wait3A_125 = tpu.memref_slice %arg6[%dma_wait3A_123, %dma_wait3A_124] : memref<10240x128xf32, #tpu.memory_space<vmem_shared>> -> memref<10240x128xf32, #tpu.memory_space<vmem_shared>>
        tpu.wait_indirect_dma semaphore(%arg13 : memref<!tpu.dma_semaphore, #tpu.memory_space<semaphore_mem>>) src(%arg9 : memref<128x128xf32, #tpu.memory_space<vmem>>) dst(%dma_wait3A_125 : memref<10240x128xf32, #tpu.memory_space<vmem_shared>>)
        %add3A_126 = arith.constant 2 : i32
        %add3A_127 = arith.addi %mul3A_91, %add3A_126 : i32
        %dma_start3A_128 = arith.constant 0 : i32
        %dma_start3A_129 = tpu.memref_slice %arg7[%add3A_127, %dma_start3A_128] : memref<40x128xi32, #tpu.memory_space<vmem>> -> memref<1x128xi32, #tpu.memory_space<vmem>>
        %dma_start3A_130 = tpu.memref_squeeze %dma_start3A_129 : memref<1x128xi32, #tpu.memory_space<vmem>> -> memref<128xi32, #tpu.memory_space<vmem>>
        %dma_start3A_131 = arith.constant 0 : i32
        %dma_start3A_132 = arith.constant 0 : i32
        %dma_start3A_133 = tpu.memref_slice %arg2[%dma_start3A_131, %dma_start3A_132] : memref<10240x128xf32, #tpu.memory_space<hbm>> -> memref<10240x128xf32, #tpu.memory_space<hbm>>
        tpu.enqueue_indirect_dma source(%dma_start3A_133 : memref<10240x128xf32, #tpu.memory_space<hbm>>) target(%arg9 : memref<128x128xf32, #tpu.memory_space<vmem>>) offsets(%dma_start3A_130 : memref<128xi32, #tpu.memory_space<vmem>>) semaphore(%arg11 : memref<!tpu.dma_semaphore, #tpu.memory_space<semaphore_mem>>)
        %add3A_134 = arith.constant 1 : i32
        %add3A_135 = arith.addi %mul3A_91, %add3A_134 : i32
        %dma_wait3A_136 = arith.constant 0 : i32
        %dma_wait3A_137 = tpu.memref_slice %arg8[%add3A_135, %dma_wait3A_136] : memref<40x128xi32, #tpu.memory_space<vmem>> -> memref<1x128xi32, #tpu.memory_space<vmem>>
        %dma_wait3A_138 = tpu.memref_squeeze %dma_wait3A_137 : memref<1x128xi32, #tpu.memory_space<vmem>> -> memref<128xi32, #tpu.memory_space<vmem>>
        %dma_wait3A_139 = arith.constant 0 : i32
        %dma_wait3A_140 = arith.constant 0 : i32
        %dma_wait3A_141 = tpu.memref_slice %arg6[%dma_wait3A_139, %dma_wait3A_140] : memref<10240x128xf32, #tpu.memory_space<vmem_shared>> -> memref<10240x128xf32, #tpu.memory_space<vmem_shared>>
        tpu.wait_indirect_dma semaphore(%arg14 : memref<!tpu.dma_semaphore, #tpu.memory_space<semaphore_mem>>) src(%arg10 : memref<128x128xf32, #tpu.memory_space<vmem>>) dst(%dma_wait3A_141 : memref<10240x128xf32, #tpu.memory_space<vmem_shared>>)
        %add3A_142 = arith.constant 3 : i32
        %add3A_143 = arith.addi %mul3A_91, %add3A_142 : i32
        %dma_start3A_144 = arith.constant 0 : i32
        %dma_start3A_145 = tpu.memref_slice %arg7[%add3A_143, %dma_start3A_144] : memref<40x128xi32, #tpu.memory_space<vmem>> -> memref<1x128xi32, #tpu.memory_space<vmem>>
        %dma_start3A_146 = tpu.memref_squeeze %dma_start3A_145 : memref<1x128xi32, #tpu.memory_space<vmem>> -> memref<128xi32, #tpu.memory_space<vmem>>
        %dma_start3A_147 = arith.constant 0 : i32
        %dma_start3A_148 = arith.constant 0 : i32
        %dma_start3A_149 = tpu.memref_slice %arg2[%dma_start3A_147, %dma_start3A_148] : memref<10240x128xf32, #tpu.memory_space<hbm>> -> memref<10240x128xf32, #tpu.memory_space<hbm>>
        tpu.enqueue_indirect_dma source(%dma_start3A_149 : memref<10240x128xf32, #tpu.memory_space<hbm>>) target(%arg10 : memref<128x128xf32, #tpu.memory_space<vmem>>) offsets(%dma_start3A_146 : memref<128xi32, #tpu.memory_space<vmem>>) semaphore(%arg12 : memref<!tpu.dma_semaphore, #tpu.memory_space<semaphore_mem>>)
      }
      %scan3A_43 = arith.constant 19 : i32
      %dma_wait3A = arith.constant 38 : i32
      %dma_wait3A_44 = arith.constant 0 : i32
      %dma_wait3A_45 = tpu.memref_slice %arg7[%dma_wait3A, %dma_wait3A_44] : memref<40x128xi32, #tpu.memory_space<vmem>> -> memref<1x128xi32, #tpu.memory_space<vmem>>
      %dma_wait3A_46 = tpu.memref_squeeze %dma_wait3A_45 : memref<1x128xi32, #tpu.memory_space<vmem>> -> memref<128xi32, #tpu.memory_space<vmem>>
      %dma_wait3A_47 = arith.constant 0 : i32
      %dma_wait3A_48 = arith.constant 0 : i32
      %dma_wait3A_49 = tpu.memref_slice %arg2[%dma_wait3A_47, %dma_wait3A_48] : memref<10240x128xf32, #tpu.memory_space<hbm>> -> memref<10240x128xf32, #tpu.memory_space<hbm>>
      tpu.wait_indirect_dma semaphore(%arg11 : memref<!tpu.dma_semaphore, #tpu.memory_space<semaphore_mem>>) src(%dma_wait3A_49 : memref<10240x128xf32, #tpu.memory_space<hbm>>) dst(%arg9 : memref<128x128xf32, #tpu.memory_space<vmem>>)
      %dma_start3A_50 = arith.constant 38 : i32
      %dma_start3A_51 = arith.constant 0 : i32
      %dma_start3A_52 = tpu.memref_slice %arg8[%dma_start3A_50, %dma_start3A_51] : memref<40x128xi32, #tpu.memory_space<vmem>> -> memref<1x128xi32, #tpu.memory_space<vmem>>
      %dma_start3A_53 = tpu.memref_squeeze %dma_start3A_52 : memref<1x128xi32, #tpu.memory_space<vmem>> -> memref<128xi32, #tpu.memory_space<vmem>>
      %dma_start3A_54 = arith.constant 0 : i32
      %dma_start3A_55 = arith.constant 0 : i32
      %dma_start3A_56 = tpu.memref_slice %arg6[%dma_start3A_54, %dma_start3A_55] : memref<10240x128xf32, #tpu.memory_space<vmem_shared>> -> memref<10240x128xf32, #tpu.memory_space<vmem_shared>>
      tpu.enqueue_indirect_dma source(%arg9 : memref<128x128xf32, #tpu.memory_space<vmem>>) target(%dma_start3A_56 : memref<10240x128xf32, #tpu.memory_space<vmem_shared>>) offsets(%dma_start3A_53 : memref<128xi32, #tpu.memory_space<vmem>>) semaphore(%arg13 : memref<!tpu.dma_semaphore, #tpu.memory_space<semaphore_mem>>) {add = true}
      %dma_wait3A_57 = arith.constant 39 : i32
      %dma_wait3A_58 = arith.constant 0 : i32
      %dma_wait3A_59 = tpu.memref_slice %arg7[%dma_wait3A_57, %dma_wait3A_58] : memref<40x128xi32, #tpu.memory_space<vmem>> -> memref<1x128xi32, #tpu.memory_space<vmem>>
      %dma_wait3A_60 = tpu.memref_squeeze %dma_wait3A_59 : memref<1x128xi32, #tpu.memory_space<vmem>> -> memref<128xi32, #tpu.memory_space<vmem>>
      %dma_wait3A_61 = arith.constant 0 : i32
      %dma_wait3A_62 = arith.constant 0 : i32
      %dma_wait3A_63 = tpu.memref_slice %arg2[%dma_wait3A_61, %dma_wait3A_62] : memref<10240x128xf32, #tpu.memory_space<hbm>> -> memref<10240x128xf32, #tpu.memory_space<hbm>>
      tpu.wait_indirect_dma semaphore(%arg12 : memref<!tpu.dma_semaphore, #tpu.memory_space<semaphore_mem>>) src(%dma_wait3A_63 : memref<10240x128xf32, #tpu.memory_space<hbm>>) dst(%arg10 : memref<128x128xf32, #tpu.memory_space<vmem>>)
      %dma_start3A_64 = arith.constant 39 : i32
      %dma_start3A_65 = arith.constant 0 : i32
      %dma_start3A_66 = tpu.memref_slice %arg8[%dma_start3A_64, %dma_start3A_65] : memref<40x128xi32, #tpu.memory_space<vmem>> -> memref<1x128xi32, #tpu.memory_space<vmem>>
      %dma_start3A_67 = tpu.memref_squeeze %dma_start3A_66 : memref<1x128xi32, #tpu.memory_space<vmem>> -> memref<128xi32, #tpu.memory_space<vmem>>
      %dma_start3A_68 = arith.constant 0 : i32
      %dma_start3A_69 = arith.constant 0 : i32
      %dma_start3A_70 = tpu.memref_slice %arg6[%dma_start3A_68, %dma_start3A_69] : memref<10240x128xf32, #tpu.memory_space<vmem_shared>> -> memref<10240x128xf32, #tpu.memory_space<vmem_shared>>
      tpu.enqueue_indirect_dma source(%arg10 : memref<128x128xf32, #tpu.memory_space<vmem>>) target(%dma_start3A_70 : memref<10240x128xf32, #tpu.memory_space<vmem_shared>>) offsets(%dma_start3A_67 : memref<128xi32, #tpu.memory_space<vmem>>) semaphore(%arg14 : memref<!tpu.dma_semaphore, #tpu.memory_space<semaphore_mem>>) {add = true}
      %dma_wait3A_71 = arith.constant 38 : i32
      %dma_wait3A_72 = arith.constant 0 : i32
      %dma_wait3A_73 = tpu.memref_slice %arg8[%dma_wait3A_71, %dma_wait3A_72] : memref<40x128xi32, #tpu.memory_space<vmem>> -> memref<1x128xi32, #tpu.memory_space<vmem>>
      %dma_wait3A_74 = tpu.memref_squeeze %dma_wait3A_73 : memref<1x128xi32, #tpu.memory_space<vmem>> -> memref<128xi32, #tpu.memory_space<vmem>>
      %dma_wait3A_75 = arith.constant 0 : i32
      %dma_wait3A_76 = arith.constant 0 : i32
      %dma_wait3A_77 = tpu.memref_slice %arg6[%dma_wait3A_75, %dma_wait3A_76] : memref<10240x128xf32, #tpu.memory_space<vmem_shared>> -> memref<10240x128xf32, #tpu.memory_space<vmem_shared>>
      tpu.wait_indirect_dma semaphore(%arg13 : memref<!tpu.dma_semaphore, #tpu.memory_space<semaphore_mem>>) src(%arg9 : memref<128x128xf32, #tpu.memory_space<vmem>>) dst(%dma_wait3A_77 : memref<10240x128xf32, #tpu.memory_space<vmem_shared>>)
      %dma_wait3A_78 = arith.constant 39 : i32
      %dma_wait3A_79 = arith.constant 0 : i32
      %dma_wait3A_80 = tpu.memref_slice %arg8[%dma_wait3A_78, %dma_wait3A_79] : memref<40x128xi32, #tpu.memory_space<vmem>> -> memref<1x128xi32, #tpu.memory_space<vmem>>
      %dma_wait3A_81 = tpu.memref_squeeze %dma_wait3A_80 : memref<1x128xi32, #tpu.memory_space<vmem>> -> memref<128xi32, #tpu.memory_space<vmem>>
      %dma_wait3A_82 = arith.constant 0 : i32
      %dma_wait3A_83 = arith.constant 0 : i32
      %dma_wait3A_84 = tpu.memref_slice %arg6[%dma_wait3A_82, %dma_wait3A_83] : memref<10240x128xf32, #tpu.memory_space<vmem_shared>> -> memref<10240x128xf32, #tpu.memory_space<vmem_shared>>
      tpu.wait_indirect_dma semaphore(%arg14 : memref<!tpu.dma_semaphore, #tpu.memory_space<semaphore_mem>>) src(%arg10 : memref<128x128xf32, #tpu.memory_space<vmem>>) dst(%dma_wait3A_84 : memref<10240x128xf32, #tpu.memory_space<vmem_shared>>)
    } else {
    }
    %barrier3A_12 = arith.constant 0 : index
    tpu.barrier barrier_id(%barrier3A_12)
    %mul3A_13 = arith.constant 10240 : i32
    %mul3A_14 = arith.muli %arg0, %mul3A_13 : i32
    %add3A = arith.addi %mul3A_14, %mul3A_0 : i32
    %scan3A_15 = arith.constant 0 : i32
    %scan3A_16 = arith.constant 5 : i32
    %scan3A_17 = arith.addi %scan3A_15, %scan3A_16 : i32
    %scan3A_18 = arith.constant 1 : i32
    scf.for %scan3A_20 = %scan3A_15 to %scan3A_17 step %scan3A_18  : i32 {
      %mul3A_21 = arith.constant 1 : i32
      %mul3A_22 = arith.muli %scan3A_20, %mul3A_21 : i32
      %add3A_23 = arith.constant 0 : i32
      %add3A_24 = arith.addi %add3A_23, %mul3A_22 : i32
      %mul3A_25 = arith.constant 128 : i32
      %mul3A_26 = arith.muli %add3A_24, %mul3A_25 : i32
      %add3A_27 = arith.addi %mul3A_0, %mul3A_26 : i32
      "tpu.region"() ({
        %run_scoped3A = tpu.sem_alloc : memref<!tpu.dma_semaphore, #tpu.memory_space<semaphore_mem>>
        %dma_start3A = arith.constant 0 : i32
        %dma_start3A_31 = tpu.memref_slice %arg6[%add3A_27, %dma_start3A] : memref<10240x128xf32, #tpu.memory_space<vmem_shared>> -> memref<128x128xf32, #tpu.memory_space<vmem_shared>>
        %dma_start3A_32 = arith.constant 0 : i32
        %dma_start3A_33 = tpu.memref_slice %arg6[%add3A_27, %dma_start3A_32] : memref<10240x128xf32, #tpu.memory_space<vmem_shared>> -> memref<128x128xf32, #tpu.memory_space<vmem_shared>>
        tpu.enqueue_dma source(%dma_start3A_33 : memref<128x128xf32, #tpu.memory_space<vmem_shared>>) target(%arg9 : memref<128x128xf32, #tpu.memory_space<vmem>>) target_semaphore(%run_scoped3A : memref<!tpu.dma_semaphore, #tpu.memory_space<semaphore_mem>>)
        %dma_wait3A = arith.constant 0 : i32
        %dma_wait3A_34 = tpu.memref_slice %arg6[%add3A_27, %dma_wait3A] : memref<10240x128xf32, #tpu.memory_space<vmem_shared>> -> memref<128x128xf32, #tpu.memory_space<vmem_shared>>
        %dma_wait3A_35 = arith.constant 0 : i32
        %dma_wait3A_36 = tpu.memref_slice %arg6[%add3A_27, %dma_wait3A_35] : memref<10240x128xf32, #tpu.memory_space<vmem_shared>> -> memref<128x128xf32, #tpu.memory_space<vmem_shared>>
        tpu.wait_dma2 semaphore(%run_scoped3A : memref<!tpu.dma_semaphore, #tpu.memory_space<semaphore_mem>>) src(%dma_wait3A_36 : memref<128x128xf32, #tpu.memory_space<vmem_shared>>) dst(%arg9 : memref<128x128xf32, #tpu.memory_space<vmem>>)
        tpu.yield
      }) : () -> ()
      %mul3A_28 = arith.constant 128 : i32
      %mul3A_29 = arith.muli %add3A_24, %mul3A_28 : i32
      %add3A_30 = arith.addi %add3A, %mul3A_29 : i32
      "tpu.region"() ({
        %run_scoped3A = tpu.sem_alloc : memref<!tpu.dma_semaphore, #tpu.memory_space<semaphore_mem>>
        %dma_start3A = arith.constant 0 : i32
        %dma_start3A_31 = tpu.memref_slice %arg5[%add3A_30, %dma_start3A] : memref<20480x128xf32, #tpu.memory_space<hbm>> -> memref<128x128xf32, #tpu.memory_space<hbm>>
        %dma_start3A_32 = arith.constant 0 : i32
        %dma_start3A_33 = tpu.memref_slice %arg5[%add3A_30, %dma_start3A_32] : memref<20480x128xf32, #tpu.memory_space<hbm>> -> memref<128x128xf32, #tpu.memory_space<hbm>>
        tpu.enqueue_dma source(%arg9 : memref<128x128xf32, #tpu.memory_space<vmem>>) target(%dma_start3A_33 : memref<128x128xf32, #tpu.memory_space<hbm>>) target_semaphore(%run_scoped3A : memref<!tpu.dma_semaphore, #tpu.memory_space<semaphore_mem>>)
        %dma_wait3A = arith.constant 0 : i32
        %dma_wait3A_34 = tpu.memref_slice %arg5[%add3A_30, %dma_wait3A] : memref<20480x128xf32, #tpu.memory_space<hbm>> -> memref<128x128xf32, #tpu.memory_space<hbm>>
        %dma_wait3A_35 = arith.constant 0 : i32
        %dma_wait3A_36 = tpu.memref_slice %arg5[%add3A_30, %dma_wait3A_35] : memref<20480x128xf32, #tpu.memory_space<hbm>> -> memref<128x128xf32, #tpu.memory_space<hbm>>
        tpu.wait_dma2 semaphore(%run_scoped3A : memref<!tpu.dma_semaphore, #tpu.memory_space<semaphore_mem>>) src(%arg9 : memref<128x128xf32, #tpu.memory_space<vmem>>) dst(%dma_wait3A_36 : memref<128x128xf32, #tpu.memory_space<hbm>>)
        tpu.yield
      }) : () -> ()
    }
    %scan3A_19 = arith.constant 5 : i32
    return
  }
}

module attributes {stable_mosaic.version = 14 : i64} {
  func.func @_mm1_body(%arg0: i32, %arg1: memref<512x128xf32, #tpu.memory_space<vmem>>, %arg2: memref<128x128xf32, #tpu.memory_space<vmem>>, %arg3: memref<512x128xf32, #tpu.memory_space<vmem>>, %arg4: memref<512x128xf32, #tpu.memory_space<vmem>>, %arg5: memref<512x128xf32, #tpu.memory_space<vmem>>, %arg6: memref<512x16xf32, #tpu.memory_space<vmem>>) attributes {dimension_semantics = [#tpu.dimension_semantics<arbitrary>], iteration_bounds = array<i64: 20>, scalar_prefetch = 0 : i64, scratch_operands = 0 : i64, tpu.core_type = #tpu.core_type<tc>, window_params = [{transform_indices = @transform_0, window_bounds = array<i64: 512, 128>}, {pipeline_mode = #tpu.pipeline_mode<synchronous>, transform_indices = @transform_1, window_bounds = array<i64: 128, 128>}, {transform_indices = @transform_2, window_bounds = array<i64: 512, 128>}, {transform_indices = @transform_3, window_bounds = array<i64: 512, 128>}, {transform_indices = @transform_4, window_bounds = array<i64: 512, 128>}, {transform_indices = @transform_5, window_bounds = array<i64: 512, 16>}]} {
    %get3A = arith.constant 0 : index
    %get3A_0 = arith.constant 0 : index
    %get3A_1 = vector.load %arg3[%get3A, %get3A_0] : memref<512x128xf32, #tpu.memory_space<vmem>>, vector<512x1xf32>
    %add3A = arith.constant 1.000000e+00 : f32
    %add3A_2 = vector.broadcast %add3A : f32 to vector<512x1xf32>
    %add3A_3 = arith.addf %add3A_2, %get3A_1 : vector<512x1xf32>
    %get3A_4 = arith.constant 0 : index
    %get3A_5 = arith.constant 0 : index
    %get3A_6 = vector.load %arg4[%get3A_4, %get3A_5] : memref<512x128xf32, #tpu.memory_space<vmem>>, vector<512x1xf32>
    %add3A_7 = arith.addf %add3A_3, %get3A_6 : vector<512x1xf32>
    %rsqrt3A = math.rsqrt %add3A_7 : vector<512x1xf32>
    %get3A_8 = arith.constant 0 : index
    %get3A_9 = arith.constant 0 : index
    %get3A_10 = vector.load %arg1[%get3A_8, %get3A_9] : memref<512x128xf32, #tpu.memory_space<vmem>>, vector<512x128xf32>
    %get3A_11 = arith.constant 0 : index
    %get3A_12 = arith.constant 0 : index
    %get3A_13 = vector.load %arg2[%get3A_11, %get3A_12] : memref<128x128xf32, #tpu.memory_space<vmem>>, vector<128x128xf32>
    %dot_general3A = arith.constant dense<0.000000e+00> : vector<512x128xf32>
    %dot_general3A_14 = tpu.matmul %get3A_10, %get3A_13, %dot_general3A {dimension_numbers = #tpu.dot_dimension_numbers<[1], [0], [0], [1], [0, 0, 1, 1], [], []>, transpose_lhs_hint = false} : vector<512x128xf32>, vector<128x128xf32>, vector<512x128xf32> -> vector<512x128xf32>
    %mul3A = vector.broadcast %rsqrt3A : vector<512x1xf32> to vector<512x128xf32>
    %mul3A_15 = arith.mulf %dot_general3A_14, %mul3A : vector<512x128xf32>
    %swap3A = arith.constant 0 : index
    %swap3A_16 = arith.constant 0 : index
    %swap3A_17 = vector.load %arg5[%swap3A, %swap3A_16] : memref<512x128xf32, #tpu.memory_space<vmem>>, vector<512x128xf32>
    tpu.vector_store %arg5[%swap3A, %swap3A_16], %mul3A_15 {strides = array<i32>} : memref<512x128xf32, #tpu.memory_space<vmem>>, vector<512x128xf32>,
    %broadcast_in_dim3A = vector.shape_cast %rsqrt3A : vector<512x1xf32> to vector<512x1xf32>
    %broadcast_in_dim3A_18 = vector.broadcast %broadcast_in_dim3A : vector<512x1xf32> to vector<512x16xf32>
    %swap3A_19 = arith.constant 0 : index
    %swap3A_20 = arith.constant 0 : index
    %swap3A_21 = vector.load %arg6[%swap3A_19, %swap3A_20] : memref<512x16xf32, #tpu.memory_space<vmem>>, vector<512x16xf32>
    tpu.vector_store %arg6[%swap3A_19, %swap3A_20], %broadcast_in_dim3A_18 {strides = array<i32>} : memref<512x16xf32, #tpu.memory_space<vmem>>, vector<512x16xf32>,
    return
  }
  func.func @transform_0(%arg0: i32) -> (i32, i32) {
    %c0_i32 = arith.constant 0 : i32
    %c0_i32_0 = arith.constant 0 : i32
    return %arg0, %c0_i32 : i32, i32
  }
  func.func @transform_1(%arg0: i32) -> (i32, i32) {
    %c0_i32 = arith.constant 0 : i32
    %c0_i32_0 = arith.constant 0 : i32
    %c0_i32_1 = arith.constant 0 : i32
    return %c0_i32, %c0_i32_0 : i32, i32
  }
  func.func @transform_2(%arg0: i32) -> (i32, i32) {
    %c0_i32 = arith.constant 0 : i32
    %c0_i32_0 = arith.constant 0 : i32
    return %arg0, %c0_i32 : i32, i32
  }
  func.func @transform_3(%arg0: i32) -> (i32, i32) {
    %add3A = arith.constant 20 : i32
    %add3A_0 = arith.addi %arg0, %add3A : i32
    %c0_i32 = arith.constant 0 : i32
    %c0_i32_1 = arith.constant 0 : i32
    return %add3A_0, %c0_i32 : i32, i32
  }
  func.func @transform_4(%arg0: i32) -> (i32, i32) {
    %c0_i32 = arith.constant 0 : i32
    %c0_i32_0 = arith.constant 0 : i32
    return %arg0, %c0_i32 : i32, i32
  }
  func.func @transform_5(%arg0: i32) -> (i32, i32) {
    %c0_i32 = arith.constant 0 : i32
    %c0_i32_0 = arith.constant 0 : i32
    return %arg0, %c0_i32 : i32, i32
  }
}

module attributes {stable_mosaic.version = 14 : i64} {
  func.func @_mm2_body(%arg0: i32, %arg1: memref<512x128xf32, #tpu.memory_space<vmem>>, %arg2: memref<512x128xf32, #tpu.memory_space<vmem>>, %arg3: memref<512x128xf32, #tpu.memory_space<vmem>>, %arg4: memref<512x16xf32, #tpu.memory_space<vmem>>, %arg5: memref<128x128xf32, #tpu.memory_space<vmem>>, %arg6: memref<1x128xf32, #tpu.memory_space<vmem>>, %arg7: memref<512x128xf32, #tpu.memory_space<vmem>>) attributes {dimension_semantics = [#tpu.dimension_semantics<arbitrary>], iteration_bounds = array<i64: 20>, scalar_prefetch = 0 : i64, scratch_operands = 0 : i64, tpu.core_type = #tpu.core_type<tc>, window_params = [{transform_indices = @transform_0, window_bounds = array<i64: 512, 128>}, {transform_indices = @transform_1, window_bounds = array<i64: 512, 128>}, {transform_indices = @transform_2, window_bounds = array<i64: 512, 128>}, {transform_indices = @transform_3, window_bounds = array<i64: 512, 16>}, {pipeline_mode = #tpu.pipeline_mode<synchronous>, transform_indices = @transform_4, window_bounds = array<i64: 128, 128>}, {pipeline_mode = #tpu.pipeline_mode<synchronous>, transform_indices = @transform_5, window_bounds = array<i64: 1, 128>}, {transform_indices = @transform_6, window_bounds = array<i64: 512, 128>}]} {
    %get3A = arith.constant 0 : index
    %get3A_0 = arith.constant 0 : index
    %get3A_1 = vector.load %arg4[%get3A, %get3A_0] : memref<512x16xf32, #tpu.memory_space<vmem>>, vector<512x1xf32>
    %get3A_2 = arith.constant 0 : index
    %get3A_3 = arith.constant 0 : index
    %get3A_4 = vector.load %arg1[%get3A_2, %get3A_3] : memref<512x128xf32, #tpu.memory_space<vmem>>, vector<512x128xf32>
    %get3A_5 = arith.constant 0 : index
    %get3A_6 = arith.constant 0 : index
    %get3A_7 = vector.load %arg2[%get3A_5, %get3A_6] : memref<512x128xf32, #tpu.memory_space<vmem>>, vector<512x128xf32>
    %add3A = arith.addf %get3A_4, %get3A_7 : vector<512x128xf32>
    %get3A_8 = arith.constant 0 : index
    %get3A_9 = arith.constant 0 : index
    %get3A_10 = vector.load %arg3[%get3A_8, %get3A_9] : memref<512x128xf32, #tpu.memory_space<vmem>>, vector<512x128xf32>
    %sub3A = arith.subf %add3A, %get3A_10 : vector<512x128xf32>
    %mul3A = vector.broadcast %get3A_1 : vector<512x1xf32> to vector<512x128xf32>
    %mul3A_11 = arith.mulf %mul3A, %sub3A : vector<512x128xf32>
    %get3A_12 = arith.constant 0 : index
    %get3A_13 = arith.constant 0 : index
    %get3A_14 = vector.load %arg6[%get3A_12, %get3A_13] : memref<1x128xf32, #tpu.memory_space<vmem>>, vector<1x128xf32>
    %add3A_15 = vector.broadcast %get3A_14 : vector<1x128xf32> to vector<512x128xf32>
    %add3A_16 = arith.addf %mul3A_11, %add3A_15 : vector<512x128xf32>
    %max3A = arith.constant 0.000000e+00 : f32
    %max3A_17 = vector.broadcast %max3A : f32 to vector<512x128xf32>
    %max3A_18 = arith.maximumf %add3A_16, %max3A_17 : vector<512x128xf32>
    %get3A_19 = arith.constant 0 : index
    %get3A_20 = arith.constant 0 : index
    %get3A_21 = vector.load %arg5[%get3A_19, %get3A_20] : memref<128x128xf32, #tpu.memory_space<vmem>>, vector<128x128xf32>
    %dot_general3A = arith.constant dense<0.000000e+00> : vector<512x128xf32>
    %dot_general3A_22 = tpu.matmul %max3A_18, %get3A_21, %dot_general3A {dimension_numbers = #tpu.dot_dimension_numbers<[1], [0], [0], [1], [0, 0, 1, 1], [], []>, transpose_lhs_hint = false} : vector<512x128xf32>, vector<128x128xf32>, vector<512x128xf32> -> vector<512x128xf32>
    %mul3A_23 = vector.broadcast %get3A_1 : vector<512x1xf32> to vector<512x128xf32>
    %mul3A_24 = arith.mulf %dot_general3A_22, %mul3A_23 : vector<512x128xf32>
    %swap3A = arith.constant 0 : index
    %swap3A_25 = arith.constant 0 : index
    %swap3A_26 = vector.load %arg7[%swap3A, %swap3A_25] : memref<512x128xf32, #tpu.memory_space<vmem>>, vector<512x128xf32>
    tpu.vector_store %arg7[%swap3A, %swap3A_25], %mul3A_24 {strides = array<i32>} : memref<512x128xf32, #tpu.memory_space<vmem>>, vector<512x128xf32>,
    return
  }
  func.func @transform_0(%arg0: i32) -> (i32, i32) {
    %c0_i32 = arith.constant 0 : i32
    %c0_i32_0 = arith.constant 0 : i32
    return %arg0, %c0_i32 : i32, i32
  }
  func.func @transform_1(%arg0: i32) -> (i32, i32) {
    %add3A = arith.constant 20 : i32
    %add3A_0 = arith.addi %arg0, %add3A : i32
    %c0_i32 = arith.constant 0 : i32
    %c0_i32_1 = arith.constant 0 : i32
    return %add3A_0, %c0_i32 : i32, i32
  }
  func.func @transform_2(%arg0: i32) -> (i32, i32) {
    %c0_i32 = arith.constant 0 : i32
    %c0_i32_0 = arith.constant 0 : i32
    return %arg0, %c0_i32 : i32, i32
  }
  func.func @transform_3(%arg0: i32) -> (i32, i32) {
    %c0_i32 = arith.constant 0 : i32
    %c0_i32_0 = arith.constant 0 : i32
    return %arg0, %c0_i32 : i32, i32
  }
  func.func @transform_4(%arg0: i32) -> (i32, i32) {
    %c0_i32 = arith.constant 0 : i32
    %c0_i32_0 = arith.constant 0 : i32
    %c0_i32_1 = arith.constant 0 : i32
    return %c0_i32, %c0_i32_0 : i32, i32
  }
  func.func @transform_5(%arg0: i32) -> (i32, i32) {
    %c0_i32 = arith.constant 0 : i32
    %c0_i32_0 = arith.constant 0 : i32
    %c0_i32_1 = arith.constant 0 : i32
    return %c0_i32, %c0_i32_0 : i32, i32
  }
  func.func @transform_6(%arg0: i32) -> (i32, i32) {
    %c0_i32 = arith.constant 0 : i32
    %c0_i32_0 = arith.constant 0 : i32
    return %arg0, %c0_i32 : i32, i32
  }
}

module attributes {stable_mosaic.version = 14 : i64} {
  func.func @_pool_body(%arg0: i32, %arg1: memref<512x128xf32, #tpu.memory_space<vmem>>, %arg2: memref<512x128xf32, #tpu.memory_space<vmem>>, %arg3: memref<512x128xf32, #tpu.memory_space<vmem>>, %arg4: memref<512x16xf32, #tpu.memory_space<vmem>>, %arg5: memref<1x128xf32, #tpu.memory_space<vmem>>, %arg6: memref<1x1x512xi32, #tpu.memory_space<vmem>>, %arg7: memref<64x128xf32, #tpu.memory_space<vmem>>, %arg8: memref<64x128xf32, #tpu.memory_space<vmem>>, %arg9: memref<64x128xf32, #tpu.memory_space<vmem>>) attributes {dimension_semantics = [#tpu.dimension_semantics<arbitrary>], iteration_bounds = array<i64: 20>, scalar_prefetch = 0 : i64, scratch_operands = 2 : i64, tpu.core_type = #tpu.core_type<tc>, window_params = [{transform_indices = @transform_0, window_bounds = array<i64: 512, 128>}, {transform_indices = @transform_1, window_bounds = array<i64: 512, 128>}, {transform_indices = @transform_2, window_bounds = array<i64: 512, 128>}, {transform_indices = @transform_3, window_bounds = array<i64: 512, 16>}, {pipeline_mode = #tpu.pipeline_mode<synchronous>, transform_indices = @transform_4, window_bounds = array<i64: 1, 128>}, {transform_indices = @transform_5, window_bounds = array<i64: 1, 1, 512>}, {pipeline_mode = #tpu.pipeline_mode<synchronous>, transform_indices = @transform_6, window_bounds = array<i64: 64, 128>}]} {
    %eq3A = arith.constant 0 : i32
    %eq3A_0 = arith.cmpi eq, %arg0, %eq3A : i32
    %convert_element_type3A = arith.extui %eq3A_0 : i1 to i32
    %cond3A = arith.constant 0 : i32
    %cond3A_1 = arith.cmpi ne, %convert_element_type3A, %cond3A : i32
    scf.if %cond3A_1 {
      %broadcast_in_dim3A_51 = arith.constant 0.000000e+00 : f32
      %broadcast_in_dim3A_52 = vector.broadcast %broadcast_in_dim3A_51 : f32 to vector<64x128xf32>
      %swap3A_53 = arith.constant 0 : index
      %swap3A_54 = arith.constant 0 : index
      %swap3A_55 = vector.load %arg8[%swap3A_53, %swap3A_54] : memref<64x128xf32, #tpu.memory_space<vmem>>, vector<64x128xf32>
      tpu.vector_store %arg8[%swap3A_53, %swap3A_54], %broadcast_in_dim3A_52 {strides = array<i32>} : memref<64x128xf32, #tpu.memory_space<vmem>>, vector<64x128xf32>,
      %broadcast_in_dim3A_56 = arith.constant 0.000000e+00 : f32
      %broadcast_in_dim3A_57 = vector.broadcast %broadcast_in_dim3A_56 : f32 to vector<64x128xf32>
      %swap3A_58 = arith.constant 0 : index
      %swap3A_59 = arith.constant 0 : index
      %swap3A_60 = vector.load %arg9[%swap3A_58, %swap3A_59] : memref<64x128xf32, #tpu.memory_space<vmem>>, vector<64x128xf32>
      tpu.vector_store %arg9[%swap3A_58, %swap3A_59], %broadcast_in_dim3A_57 {strides = array<i32>} : memref<64x128xf32, #tpu.memory_space<vmem>>, vector<64x128xf32>,
    } else {
    }
    %get3A = arith.constant 0 : index
    %get3A_2 = arith.constant 0 : index
    %get3A_3 = vector.load %arg4[%get3A, %get3A_2] : memref<512x16xf32, #tpu.memory_space<vmem>>, vector<512x1xf32>
    %get3A_4 = arith.constant 0 : index
    %get3A_5 = arith.constant 0 : index
    %get3A_6 = vector.load %arg1[%get3A_4, %get3A_5] : memref<512x128xf32, #tpu.memory_space<vmem>>, vector<512x128xf32>
    %get3A_7 = arith.constant 0 : index
    %get3A_8 = arith.constant 0 : index
    %get3A_9 = vector.load %arg2[%get3A_7, %get3A_8] : memref<512x128xf32, #tpu.memory_space<vmem>>, vector<512x128xf32>
    %add3A = arith.addf %get3A_6, %get3A_9 : vector<512x128xf32>
    %get3A_10 = arith.constant 0 : index
    %get3A_11 = arith.constant 0 : index
    %get3A_12 = vector.load %arg3[%get3A_10, %get3A_11] : memref<512x128xf32, #tpu.memory_space<vmem>>, vector<512x128xf32>
    %sub3A = arith.subf %add3A, %get3A_12 : vector<512x128xf32>
    %mul3A = vector.broadcast %get3A_3 : vector<512x1xf32> to vector<512x128xf32>
    %mul3A_13 = arith.mulf %mul3A, %sub3A : vector<512x128xf32>
    %get3A_14 = arith.constant 0 : index
    %get3A_15 = arith.constant 0 : index
    %get3A_16 = vector.load %arg5[%get3A_14, %get3A_15] : memref<1x128xf32, #tpu.memory_space<vmem>>, vector<1x128xf32>
    %add3A_17 = vector.broadcast %get3A_16 : vector<1x128xf32> to vector<512x128xf32>
    %add3A_18 = arith.addf %mul3A_13, %add3A_17 : vector<512x128xf32>
    %get3A_19 = arith.constant 0 : index
    %get3A_20 = arith.constant 0 : index
    %get3A_21 = arith.constant 0 : index
    %get3A_22 = vector.load %arg6[%get3A_19, %get3A_20, %get3A_21] : memref<1x1x512xi32, #tpu.memory_space<vmem>>, vector<1x1x512xi32>
    %get3A_23 = vector.shape_cast %get3A_22 : vector<1x1x512xi32> to vector<1x512xi32>
    %iota3A = tpu.iota {dimensions = array<i32: 0>} : vector<64x512xi32>
    %broadcast_in_dim3A = vector.shape_cast %get3A_23 : vector<1x512xi32> to vector<1x512xi32>
    %broadcast_in_dim3A_24 = vector.broadcast %broadcast_in_dim3A : vector<1x512xi32> to vector<64x512xi32>
    %eq3A_25 = arith.cmpi eq, %iota3A, %broadcast_in_dim3A_24 : vector<64x512xi32>
    %convert_element_type3A_26 = arith.extui %eq3A_25 : vector<64x512xi1> to vector<64x512xi32>
    %convert_element_type3A_27 = arith.sitofp %convert_element_type3A_26 : vector<64x512xi32> to vector<64x512xf32>
    %get3A_28 = arith.constant 0 : index
    %get3A_29 = arith.constant 0 : index
    %get3A_30 = vector.load %arg8[%get3A_28, %get3A_29] : memref<64x128xf32, #tpu.memory_space<vmem>>, vector<64x128xf32>
    %dot_general3A = arith.constant dense<0.000000e+00> : vector<64x128xf32>
    %dot_general3A_31 = tpu.matmul %convert_element_type3A_27, %add3A_18, %dot_general3A {dimension_numbers = #tpu.dot_dimension_numbers<[1], [0], [0], [1], [0, 0, 1, 1], [], []>, transpose_lhs_hint = false} : vector<64x512xf32>, vector<512x128xf32>, vector<64x128xf32> -> vector<64x128xf32>
    %add3A_32 = arith.addf %get3A_30, %dot_general3A_31 : vector<64x128xf32>
    %swap3A = arith.constant 0 : index
    %swap3A_33 = arith.constant 0 : index
    %swap3A_34 = vector.load %arg8[%swap3A, %swap3A_33] : memref<64x128xf32, #tpu.memory_space<vmem>>, vector<64x128xf32>
    tpu.vector_store %arg8[%swap3A, %swap3A_33], %add3A_32 {strides = array<i32>} : memref<64x128xf32, #tpu.memory_space<vmem>>, vector<64x128xf32>,
    %get3A_35 = arith.constant 0 : index
    %get3A_36 = arith.constant 0 : index
    %get3A_37 = vector.load %arg9[%get3A_35, %get3A_36] : memref<64x128xf32, #tpu.memory_space<vmem>>, vector<64x128xf32>
    %reduce_sum3A = arith.constant dense<0.000000e+00> : vector<64xf32>
    %reduce_sum3A_38 = vector.multi_reduction <add>, %convert_element_type3A_27, %reduce_sum3A [1] : vector<64x512xf32> to vector<64xf32>
    %broadcast_in_dim3A_39 = vector.shape_cast %reduce_sum3A_38 : vector<64xf32> to vector<64x1xf32>
    %broadcast_in_dim3A_40 = vector.shape_cast %broadcast_in_dim3A_39 : vector<64x1xf32> to vector<64x1xf32>
    %broadcast_in_dim3A_41 = vector.broadcast %broadcast_in_dim3A_40 : vector<64x1xf32> to vector<64x128xf32>
    %add3A_42 = arith.addf %get3A_37, %broadcast_in_dim3A_41 : vector<64x128xf32>
    %swap3A_43 = arith.constant 0 : index
    %swap3A_44 = arith.constant 0 : index
    %swap3A_45 = vector.load %arg9[%swap3A_43, %swap3A_44] : memref<64x128xf32, #tpu.memory_space<vmem>>, vector<64x128xf32>
    tpu.vector_store %arg9[%swap3A_43, %swap3A_44], %add3A_42 {strides = array<i32>} : memref<64x128xf32, #tpu.memory_space<vmem>>, vector<64x128xf32>,
    %eq3A_46 = arith.constant 19 : i32
    %eq3A_47 = arith.cmpi eq, %arg0, %eq3A_46 : i32
    %convert_element_type3A_48 = arith.extui %eq3A_47 : i1 to i32
    %cond3A_49 = arith.constant 0 : i32
    %cond3A_50 = arith.cmpi ne, %convert_element_type3A_48, %cond3A_49 : i32
    scf.if %cond3A_50 {
      %get3A_51 = arith.constant 0 : index
      %get3A_52 = arith.constant 0 : index
      %get3A_53 = vector.load %arg8[%get3A_51, %get3A_52] : memref<64x128xf32, #tpu.memory_space<vmem>>, vector<64x128xf32>
      %get3A_54 = arith.constant 0 : index
      %get3A_55 = arith.constant 0 : index
      %get3A_56 = vector.load %arg9[%get3A_54, %get3A_55] : memref<64x128xf32, #tpu.memory_space<vmem>>, vector<64x128xf32>
      %max3A = arith.constant 1.000000e+00 : f32
      %max3A_57 = vector.broadcast %max3A : f32 to vector<64x128xf32>
      %max3A_58 = arith.maximumf %get3A_56, %max3A_57 : vector<64x128xf32>
      %div3A = arith.divf %get3A_53, %max3A_58 : vector<64x128xf32>
      %reduce_max3A = arith.constant dense<0xFF800000> : vector<128xf32>
      %reduce_max3A_59 = vector.multi_reduction <maximumf>, %div3A, %reduce_max3A [0] : vector<64x128xf32> to vector<128xf32>
      %broadcast_in_dim3A_60 = vector.shape_cast %reduce_max3A_59 : vector<128xf32> to vector<1x128xf32>
      %sub3A_61 = vector.broadcast %broadcast_in_dim3A_60 : vector<1x128xf32> to vector<64x128xf32>
      %sub3A_62 = arith.subf %div3A, %sub3A_61 : vector<64x128xf32>
      %exp3A = math.exp %sub3A_62 : vector<64x128xf32>
      %reduce_sum3A_63 = arith.constant dense<0.000000e+00> : vector<128xf32>
      %reduce_sum3A_64 = vector.multi_reduction <add>, %exp3A, %reduce_sum3A_63 [0] : vector<64x128xf32> to vector<128xf32>
      %broadcast_in_dim3A_65 = vector.shape_cast %reduce_sum3A_64 : vector<128xf32> to vector<1x128xf32>
      %log3A = math.log %broadcast_in_dim3A_65 : vector<1x128xf32>
      %sub3A_66 = vector.broadcast %log3A : vector<1x128xf32> to vector<64x128xf32>
      %sub3A_67 = arith.subf %sub3A_62, %sub3A_66 : vector<64x128xf32>
      %swap3A_68 = arith.constant 0 : index
      %swap3A_69 = arith.constant 0 : index
      %swap3A_70 = vector.load %arg7[%swap3A_68, %swap3A_69] : memref<64x128xf32, #tpu.memory_space<vmem>>, vector<64x128xf32>
      tpu.vector_store %arg7[%swap3A_68, %swap3A_69], %sub3A_67 {strides = array<i32>} : memref<64x128xf32, #tpu.memory_space<vmem>>, vector<64x128xf32>,
    } else {
    }
    return
  }
  func.func @transform_0(%arg0: i32) -> (i32, i32) {
    %c0_i32 = arith.constant 0 : i32
    %c0_i32_0 = arith.constant 0 : i32
    return %arg0, %c0_i32 : i32, i32
  }
  func.func @transform_1(%arg0: i32) -> (i32, i32) {
    %add3A = arith.constant 20 : i32
    %add3A_0 = arith.addi %arg0, %add3A : i32
    %c0_i32 = arith.constant 0 : i32
    %c0_i32_1 = arith.constant 0 : i32
    return %add3A_0, %c0_i32 : i32, i32
  }
  func.func @transform_2(%arg0: i32) -> (i32, i32) {
    %c0_i32 = arith.constant 0 : i32
    %c0_i32_0 = arith.constant 0 : i32
    return %arg0, %c0_i32 : i32, i32
  }
  func.func @transform_3(%arg0: i32) -> (i32, i32) {
    %c0_i32 = arith.constant 0 : i32
    %c0_i32_0 = arith.constant 0 : i32
    return %arg0, %c0_i32 : i32, i32
  }
  func.func @transform_4(%arg0: i32) -> (i32, i32) {
    %c0_i32 = arith.constant 0 : i32
    %c0_i32_0 = arith.constant 0 : i32
    %c0_i32_1 = arith.constant 0 : i32
    return %c0_i32, %c0_i32_0 : i32, i32
  }
  func.func @transform_5(%arg0: i32) -> (i32, i32, i32) {
    %c0_i32 = arith.constant 0 : i32
    %c0_i32_0 = arith.constant 0 : i32
    %c0_i32_1 = arith.constant 0 : i32
    return %arg0, %c0_i32, %c0_i32_0 : i32, i32, i32
  }
  func.func @transform_6(%arg0: i32) -> (i32, i32) {
    %c0_i32 = arith.constant 0 : i32
    %c0_i32_0 = arith.constant 0 : i32
    %c0_i32_1 = arith.constant 0 : i32
    return %c0_i32, %c0_i32_0 : i32, i32
  }
}

</mosaic_0001>

<sc_bundles>
// kernel: kernel.11.cloned.1.call-start
scs
__scs_entry_jumppad:
0x0: {  	(pc) =	sbr.rel $0x88, $3  }
0x1: {  	(tag) =	ssettag $0x0;
	lr =	simm.s32 $0x1  }
0x2: {  	[smem:$0x3F9A] =	sst lr;
	_ =	strace $0xD0000000  }
0x3: {  	_ = 	snop  }
0x4: {  	_ = 	snop  }
0x5: {  	_ = 	snop  }
0x6: {  	_ = 	snop  }
0x7: {  	_ = 	snop  }
__scs_overlays_trampoline_lowered:
0x8: {  	[smem:$0x3FA9] =	sst s0  }
0x9: {  	[smem:$0x3FAA] =	sst s1  }
0xa: {  	[smem:$0x3FAB] =	sst s2  }
0xb: {  	[smem:$0x3FAC] =	sst s3  }
0xc: {  	[smem:$0x3FAD] =	sst s4  }
0xd: {  	[smem:$0x3FAE] =	sst s5  }
0xe: {  	[smem:$0x3FAF] =	sst s6  }
0xf: {  	[smem:$0x3FB0] =	sst s7  }
0x10: {  	[smem:$0x3FB1] =	sst s8  }
0x11: {  	[smem:$0x3FB2] =	sst s9;
	s0 =	simm.s32 @!p0 $0x0  }
0x12: {  	s1 =	sld [smem:$0x3F98];
	s0 =	simm.s32 @p0 $0x1  }
0x13: {  	[smem:$0x3FB3] =	sst s0;
	s0 =	simm.s32 @!p1 $0x0  }
0x14: {  	s2 =	sld [smem:$0x3F97];
	s0 =	simm.s32 @p1 $0x1  }
0x15: {  	[smem:$0x3FB4] =	sst s0;
	s0 =	simm.s32 @!p2 $0x0  }
0x16: {  	s3 =	sld [smem:$0x3FDB];
	s0 =	simm.s32 @p2 $0x1  }
0x17: {  	s4 =	simm.s32 $0x1BF5;
	[smem:$0x3FB6] =	sst s0  }
0x18: {  	s0 =	sld [smem:$0x3F99];
	_ =	swait.ge [sflag:s4], $0x0  }
0x19: {  	s7 =	sld [smem:$0x3F9A]  }
0x1a: {  	s8 =	sadd.s32 $0xFFFFE003, lr  }
0x1b: {  	s9 =	sadd.s32 $0xFFFFFEF7, lr;
	s5 =	simm.s32 $0xFFFFFFFF;
	p2 =	slt.u32 s8, $0xFFFFF086  }
0x1c: {  	p1 =	slt.u32 s9, $0xF7A;
	s5 =	simm.s32 @!p2 $0x0  }
0x1d: {  	s5 =	simm.s32 @p1 $0x1;
	p0 =	seq.s32 s7, s2  }
0x1e: {  	s7 =	smul.u32 @!p0 $0xF7A, s2;
	p2 =	seq.s32 @!p0 s5, $0x0  }
0x1f: {  	s9 =	smul.u32 $0xF7A, s1;
	s8 =	simm.s32 @!p0 $0x1BF5;
	p2 =	por !p2, p0  }
0x20: {  	[sflag:s8] =	ssyncset.s32 @!p0 $0xFFFFF086;
	s6 =	sadd.s32 @!p0 s3, s7;
	s7 =	simm.s32 @!p0 $0x108  }
0x21: {  	s3 =	sadd.s32 s3, s9;
	s6 =	sadd.s32 @!p0 $0x88, s6;
	s7 =	simm.s32 @p2 $0x1082  }
0x22: {  	[simem:s7], [sflag:s8] =	dma.local @!p0 [hbm:s6], $0xF7A  }
0x23: {  	s9 =	sor.u32 $0xD0000000, s2;
	s6 =	simm.s32 $0x108;
	_ =	swait.ge @!p0 [sflag:s8], $0x0  }
0x24: {  	s3 =	sadd.s32 $0x88, s3;
	s6 =	simm.s32 @!p1 $0x1082;
	[sflag:s4] =	ssyncset.s32 $0xFFFFF086  }
0x25: {  	[simem:s6], [sflag:s4] =	dma.local [hbm:s3], $0xF7A  }
0x26: {  	[smem:$0x3F9A] =	sst s1;
	(tag) =	ssettag s2;
	_ =	strace s9  }
0x27: {  	s1 =	sld [smem:$0x3FAA]  }
0x28: {  	s2 =	sld [smem:$0x3FAB]  }
0x29: {  	s4 =	sld [smem:$0x3FAD]  }
0x2a: {  	p0 =	seq.s32 s5, $0x0;
	s5 =	sld [smem:$0x3FAE]  }
0x2b: {  	s6 =	sld [smem:$0x3FAF]  }
0x2c: {  	s7 =	sld [smem:$0x3FB0]  }
0x2d: {  	s3 =	simm.s32 $0x108;
	s8 =	sld [smem:$0x3FB1]  }
0x2e: {  	s3 =	simm.s32 @!p0 $0x1082;
	s9 =	sld [smem:$0x3FB2]  }
0x2f: {  	lr =	sadd.s32 s0, s3;
	s0 =	sld [smem:$0x3FA9]  }
0x30: {  	s3 =	sld [smem:$0x3FAC]  }
0x31: {  	[smem:$0x3FB5] =	sst s10  }
0x32: {  	s10 =	sld [smem:$0x3FB3];
	_ =	sdelay $0x3  }
0x33: {  	p0 =	seq.s32 s10, $0x1;
	s10 =	sld [smem:$0x3FB5];
	_ =	sdelay $0x3  }
0x34: {  	[smem:$0x3FB5] =	sst s10  }
0x35: {  	s10 =	sld [smem:$0x3FB4];
	_ =	sdelay $0x3  }
0x36: {  	p1 =	seq.s32 s10, $0x1;
	s10 =	sld [smem:$0x3FB5];
	_ =	sdelay $0x3  }
0x37: {  	[smem:$0x3FB5] =	sst s10  }
0x38: {  	s10 =	sld [smem:$0x3FB6]  }
0x39: {  	_ = 	snop;
	(pc) =	sbr.ind lr, $3  }
0x3a: {  	_ = 	snop  }
0x3b: {  	_ = 	snop  }
0x3c: {  	p2 =	seq.s32 s10, $0x1;
	s10 =	sld [smem:$0x3FB5]  }
0x3d: {  	_ =	shalt  }
0x3e: {  	_ =	shalt  }
0x3f: {  	_ =	shalt  }
0x40: {  	_ =	shalt  }
0x41: {  	_ =	shalt  }
0x42: {  	_ =	shalt  }
0x43: {  	_ =	shalt  }
0x44: {  	_ =	shalt  }
0x45: {  	_ =	shalt  }
0x46: {  	_ =	shalt  }
0x47: {  	_ =	shalt  }
0x48: {  	_ =	shalt  }
0x49: {  	_ =	shalt  }
0x4a: {  	_ =	shalt  }
0x4b: {  	_ =	shalt  }
0x4c: {  	_ =	shalt  }
0x4d: {  	_ =	shalt  }
0x4e: {  	_ =	shalt  }
0x4f: {  	_ =	shalt  }
0x50: {  	_ =	shalt  }
0x51: {  	_ =	shalt  }
0x52: {  	_ =	shalt  }
0x53: {  	_ =	shalt  }
0x54: {  	_ =	shalt  }
0x55: {  	_ =	shalt  }
0x56: {  	_ =	shalt  }
0x57: {  	_ =	shalt  }
0x58: {  	_ =	shalt  }
0x59: {  	_ =	shalt  }
0x5a: {  	_ =	shalt  }
0x5b: {  	_ =	shalt  }
0x5c: {  	_ =	shalt  }
0x5d: {  	_ =	shalt  }
0x5e: {  	_ =	shalt  }
0x5f: {  	_ =	shalt  }
0x60: {  	_ =	shalt  }
0x61: {  	_ =	shalt  }
0x62: {  	_ =	shalt  }
0x63: {  	_ =	shalt  }
0x64: {  	_ =	shalt  }
0x65: {  	_ =	shalt  }
0x66: {  	_ =	shalt  }
0x67: {  	_ =	shalt  }
0x68: {  	_ =	shalt  }
0x69: {  	_ =	shalt  }
0x6a: {  	_ =	shalt  }
0x6b: {  	_ =	shalt  }
0x6c: {  	_ =	shalt  }
0x6d: {  	_ =	shalt  }
0x6e: {  	_ =	shalt  }
0x6f: {  	_ =	shalt  }
0x70: {  	_ =	shalt  }
0x71: {  	_ =	shalt  }
0x72: {  	_ =	shalt  }
0x73: {  	_ =	shalt  }
0x74: {  	_ =	shalt  }
0x75: {  	_ =	shalt  }
0x76: {  	_ =	shalt  }
0x77: {  	_ =	shalt  }
0x78: {  	_ =	shalt  }
0x79: {  	_ =	shalt  }
0x7a: {  	_ =	shalt  }
0x7b: {  	_ =	shalt  }
0x7c: {  	_ =	shalt  }
0x7d: {  	_ =	shalt  }
0x7e: {  	_ =	shalt  }
0x7f: {  	_ =	shalt  }
0x80: {  	_ =	shalt  }
0x81: {  	_ =	shalt  }
0x82: {  	_ =	shalt  }
0x83: {  	_ =	shalt  }
0x84: {  	_ =	shalt  }
0x85: {  	_ =	shalt  }
0x86: {  	_ =	shalt  }
0x87: {  	_ =	shalt  }
.Lfunc_end0:
.L_simem_size_0:
called_computation.1_lowered:
.L_overlay_start_0:
0x88: {  	s2 =	sld [smem:$0x3FD9]  }
0x89: {  	s3 =	sld [smem:$0x3FFE];
	_ =	sdelay $0x1  }
0x8a: {  	s1 =	srdreg.scid  }
0x8b: {  	s0 =	sand.u32 $0x1, s1  }
0x8c: {  	s16 =	sshll.u32 s0, $0xA;
	s2 =	sadd.s32 s3, s2  }
0x8d: {  	s2 =	sadd.s32 s2, s16  }
0x8e: {  	[smem:$0x3FC1] =	sst s2  }
0x8f: {  	_ = 	snop  }
0x90: {  	(tm) =	ssettm $0x1  }
0x91: {  	s17 =	sld [smem:$0x3FFB];
	_ =	sdelay $0x3  }
0x92: {  	_ =	strace s17  }
0x93: {  	s2 =	sld [smem:$0x3FFC];
	_ =	sdelay $0x3  }
0x94: {  	_ =	strace s2  }
0x95: {  	s2 =	sld [smem:$0x3FFD];
	_ =	sdelay $0x3  }
0x96: {  	_ =	strace s2  }
0x97: {  	_ =	strace $0x8FFFFFFF  }
0x98: {  	s18 =	sld [smem:$0x3FDB];
	_ =	sdelay $0x1  }
0x99: {  	s19 =	simm.s32 $_scs_section_size  }
0x9a: {  	s4 =	simm.s32 $_size__tile_overlayer_lowered;
	s5 =	simm.s32 $_tile_overlayer_lowered  }
0x9b: {  	s22 =	simm.s32 $0x1BFF;
	s21 =	sshll.u32 s5, $0x1;
	s2 =	sadd.s32 s19, s18  }
0x9c: {  	s6 =	simm.s32 $0x0;
	s20 =	sshll.u32 s4, $0x1;
	s4 =	sadd.s32 s21, s2  }
0x9d: {  	[timem:s6], [sflag:s22] =	dma.local [hbm:s4], s20  }
0x9e: {  	_ =	swait.ge [sflag:s22], s20  }
0x9f: {  	s3 =	ssub.s32 $0x0, s20;
	[sflag:s22] =	ssyncset.done $0x0  }
0xa0: {  	[sflag:s22] =	ssyncadd.s32 s3;
	_ =	sdelay $0x1  }
0xa1: {  	s23 =	simm.s32 $0x1B8B  }
0xa2: {  	_ =	swait.ge [sflag:s23], $0x1  }
0xa3: {  	[sflag:s23] =	ssyncset.done $0x0  }
0xa4: {  	s25 =	simm.s32 $0x1B8E;
	s24 =	sld [smem:$0x3FFE];
	[sflag:s23] =	ssyncadd.s32 $0xFFFFFFFF  }
0xa5: {  	s26 =	simm.s32 $execute0_lowered;
	[smem:$0x3FD2] =	sst s25  }
0xa6: {  	s4 =	sshll.u32 s26, $0x1;
	_ =	strace $0x80000049;
	[dreg:$0x1] =	wrdreg $0xFFFFFFFF  }
0xa7: {  	s28 =	simm.s32 $_size_execute0_lowered;
	s2 =	sadd.s32 s2, s4;
	[dreg:$0x0] =	wrdreg $0x0  }
0xa8: {  	s4 =	sshll.u32 s28, $0x1;
	[dreg:$0x2] =	wrdreg s2  }
0xa9: {  	[dreg:$0x3] =	wrdreg s4  }
0xaa: {  	[dreg:$0x4] =	wrdreg $0xC0  }
0xab: {  	_ =	task [dreg:s6], $0x5FFFF  }
0xac: {  	[dreg:$0x1] =	wrdreg $0xFFFFFFFF  }
0xad: {  	[dreg:$0x0] =	wrdreg $0x60  }
0xae: {  	[dreg:$0x2] =	wrdreg s24  }
0xaf: {  	[dreg:$0x3] =	wrdreg $0x0  }
0xb0: {  	[dreg:$0x4] =	wrdreg $0x9  }
0xb1: {  	_ =	task.clear_ibuf [dreg:s6], $0x5FFFF;
	_ =	strace $0x90000049  }
0xb2: {  	s29 =	simm.s32 $0x9;
	_ =	strace $0x8000004B  }
0xb3: {  	_ =	swait.ge [sflag:s29], $0x1  }
0xb4: {  	[sflag:s29] =	ssyncadd.s32 $0xFFFFFFFF  }
0xb5: {  	_ =	strace $0x9000004B  }
0xb6: {  	_ =	sfence  }
0xb7: {  	s30 =	sld [smem:$0x0];
	_ =	sdelay $0x2  }
0xb8: {  	s31 =	sshll.u32 s1, $0xD;
	s1 =	sshrl.u32 s1, $0x2  }
0xb9: {  	s3 =	sand.u32 $0x4000, s31;
	s1 =	sadd.s32 s1, s30  }
0xba: {  	s0 =	sor.u32 s3, s0;
	s1 =	sshll.u32 s1, $0x11  }
0xbb: {  	s0 =	sor.u32 s1, s0  }
0xbc: {  	s0 =	sadd.s32 $0x8F2B, s0  }
0xbd: {  	[sflag:s0] =	ssyncadd.remote.s32 $0x1  }
0xbe: {  	_ =	sfence.sel $0xFFFF  }
0xbf: {  	[dreg:$0x0] =	wrdreg $0xFFFFFFFF;
	(pc) =	sbr.abs _section_cstart, $3  }
0xc0: {  	[dreg:$0x1] =	wrdreg $0xFFFFFFFF  }
0xc1: {  	_ =	task.clear_ibuf [dreg:s6], $0x2FFFF;
	_ =	strace $0x9FFFFFFF  }
0xc2: {  	(tm) =	ssettm $0x7FFFFFFF  }
0xc3: {  	_ =	shalt  }
tec
execute0_lowered:
.L_overlay_start_1:
0x0: {  	(tag) =	ssettag $0x1  }
0x1: {  	s12 =	stileid.u32  }
0x2: {  	s0 =	rddreg [dreg:$0x0];
	s5 =	smul.u32 $0x280, s12  }
0x3: {  	s2 =	rddreg [dreg:$0x1];
	s11 =	smul.u32 $0x3C00, s12  }
0x4: {  	s1 =	srdreg.scid;
	s3 =	simm.s32 $0x0;
	s18 =	smul.u32 $0x780, s12  }
0x5: {  	s30 =	simm.s32 $0x16800;
	s31 =	simm.s32 $0x5;
	s20 =	smul.u32 $0x1400, s12  }
0x6: {  	s1 =	sand.u32 $0x1, s1;
	[smem:$0x7FF] =	sst s3;
	s25 =	smul.u32 $0x50000, s12  }
0x7: {  	s4 =	sadd.s32 $0x16A00, s0;
	s7 =	sadd.s32 $0x2A00, s0;
	s16 =	smul.u32 $0x2800, s12  }
0x8: {  	s8 =	sadd.s32 $0xCA00, s0;
	s12 =	simm.s32 $0x16700;
	s6 =	smul.u32 $0x2800, s1  }
0x9: {  	_ =	strace $0x8000004A;
	s9 =	ssub.s32 $0x2, s1;
	p0 =	seq.s32 s1, $0x1  }
0xa: {  	s10 =	sshrl.u32 s9, $0x1;
	s19 =	sshrl.u32 s11, $0x3;
	s21 =	sadd.s32 s7, s18  }
0xb: {  	s24 =	sshrl.u32 s20, $0x3;
	s15 =	sshrl.u32 s25, $0x2;
	s11 =	simm.s32 $0x4  }
0xc: {  	s6 =	sadd.s32 s5, s6;
	s17 =	ssub.s32 s9, s10;
	[dreg:$0x3] =	wrdreg s21  }
0xd: {  	s9 =	sadd.s32 s8, s18;
	s22 =	sadd.s32 $0x280, s19;
	s1 =	sadd.s32 $0x500, s19  }
0xe: {  	s18 =	sadd.s32 $0x80, s5;
	s19 =	sadd.s32 s4, s16;
	[dreg:$0x4] =	wrdreg s9  }
0xf: {  	s21 =	sadd.s32 $0x100, s5;
	s23 =	sadd.s32 s7, s22;
	[dreg:$0xc] =	wrdreg s19  }
0x10: {  	s10 =	simm.s32 $0x3;
	s9 =	sadd.s32 s8, s22;
	[dreg:$0x5] =	wrdreg s23  }
0x11: {  	s6 =	sshll.u32 s6, $0x4;
	s26 =	sadd.s32 s7, s1;
	[dreg:$0x6] =	wrdreg s9  }
0x12: {  	s1 =	sadd.s32 s8, s1;
	s17 =	smax.u32 s17, $0x1;
	[dreg:$0x7] =	wrdreg s26  }
0x13: {  	s20 =	sshll.u32 s18, $0x4;
	s22 =	sshll.u32 s21, $0x4;
	[dreg:$0x8] =	wrdreg s1  }
0x14: {  	s0 =	sadd.s32 s6, s0;
	s9 =	sadd.s32 $0x7800, s24;
	[dreg:$0xb] =	wrdreg s17  }
0x15: {  	s1 =	sshll.u32 s18, $0x7;
	s6 =	sadd.s32 s4, s20;
	s23 =	sadd.s32 $0x180, s5  }
0x16: {  	s5 =	sadd.s32 $0x200, s5;
	s13 =	sadd.s32 s7, s9;
	s14 =	sadd.s32 s8, s9  }
0x17: {  	[dreg:$0xd] =	wrdreg s6;
	s17 =	sadd.s32 s1, s2;
	s1 =	sshll.u32 s21, $0x7  }
0x18: {  	s6 =	sadd.s32 s4, s22;
	s24 =	sshll.u32 s23, $0x4;
	s25 =	sshll.u32 s23, $0x7  }
0x19: {  	s26 =	sshll.u32 s5, $0x4;
	s5 =	sshll.u32 s5, $0x7;
	s28 =	sadd.s32 $0x40200, s0  }
0x1a: {  	s29 =	sadd.s32 $0x40A00, s0;
	s7 =	simm.s32 $0x1A800;
	[dreg:$0x9] =	wrdreg s13  }
0x1b: {  	s8 =	simm.s32 $0x1;
	s9 =	simm.s32 $0x2;
	[dreg:$0xa] =	wrdreg s14  }
0x1c: {  	s13 =	sadd.s32 s15, s2;
	[dreg:$0xe] =	wrdreg s6;
	s19 =	sadd.s32 s1, s2  }
.Ltmp0:
0x1d: {  	s1 =	sadd.s32 s4, s24;
	s21 =	sadd.s32 s25, s2;
	(pc) =	sbr.rel .LBB2_1-.Ltmp0, $4  }
0x1e: {  	s22 =	sadd.s32 s4, s26;
	s23 =	sadd.s32 s5, s2;
	s24 =	sadd.s32 $0x3EA00, s0  }
0x1f: {  	s25 =	sadd.s32 $0x3F200, s0;
	s26 =	sadd.s32 $0x3FA00, s0;
	s0 =	simm.s32 $0x14000  }
0x20: {  	s5 =	simm.s32 $0x80;
	s6 =	simm.s32 $0x14080;
	s14 =	simm.s32 $0x16780  }
0x21: {  	s15 =	simm.s32 $0x0;
	[dreg:$0xf] =	wrdreg s1;
	s1 =	simm.s32 $0x15400  }
.LBB2_11:
0x22: {  	[tilespmem:s7], [sflag:$0x2] =	stream.indirect.gather [hbm4b:s4+s5], $0x80, s18, s5, $0xb8;
	[tilespmem:$0x1E800] =	vst v63  }
.LBB2_12:
0x23: {  	_ =	swait.ge [sflag:s8], $0x4000  }
0x24: {  	[sflag:s8] =	ssyncset.done $0x0  }
0x25: {  	[sflag:s8] =	ssyncadd.s32 $0xFFFFC000  }
0x26: {  	[spmem:s2] =	stream.indirect.scatter.add.f32 [tilespmem:s30], [sflag:$0x3], $0x80, s12, s5, $0xb8;
	[tilespmem:$0x1E800] =	vst v63  }
0x27: {  	_ =	swait.ge [sflag:s9], $0x4000  }
0x28: {  	[sflag:s9] =	ssyncset.done $0x0  }
0x29: {  	[sflag:s9] =	ssyncadd.s32 $0xFFFFC000  }
0x2a: {  	[spmem:s2] =	stream.indirect.scatter.add.f32 [tilespmem:s7], [sflag:$0x4], $0x80, s14, s5, $0xb8;
	[tilespmem:$0x1E800] =	vst v63  }
0x2b: {  	_ =	swait.ge [sflag:s10], $0x4000  }
0x2c: {  	[sflag:s10] =	ssyncset.done $0x0  }
0x2d: {  	[sflag:s10] =	ssyncadd.s32 $0xFFFFC000  }
0x2e: {  	_ =	swait.ge [sflag:s11], $0x4000  }
0x2f: {  	[sflag:s11] =	ssyncset.done $0x0  }
0x30: {  	[sflag:s11] =	ssyncadd.s32 $0xFFFFC000  }
0x31: {  	[bflag:$0x0] =	sbarrier.arrive $0xFFFF  }
0x32: {  	[tilespmem:s30], [sflag:$0x5] =	stream.linear.gather [spmem:s13], $0x4000, $0x38;
	[tilespmem:$0x1E800] =	vst v63  }
0x33: {  	_ =	swait.ge [sflag:s31], $0x4000  }
0x34: {  	[sflag:s31] =	ssyncset.done $0x0  }
0x35: {  	[sflag:s31] =	ssyncadd.s32 $0xFFFFC000  }
0x36: {  	[hbm4b:s24+s3] =	stream.linear.scatter [tilespmem:s30], [sflag:$0x5], $0x4000, $0x38;
	[tilespmem:$0x1E800] =	vst v63  }
0x37: {  	_ =	swait.ge [sflag:s31], $0x4000  }
0x38: {  	[sflag:s31] =	ssyncset.done $0x0  }
0x39: {  	[sflag:s31] =	ssyncadd.s32 $0xFFFFC000  }
0x3a: {  	[tilespmem:s30], [sflag:$0x5] =	stream.linear.gather [spmem:s17], $0x4000, $0x38;
	[tilespmem:$0x1E800] =	vst v63  }
0x3b: {  	_ =	swait.ge [sflag:s31], $0x4000  }
0x3c: {  	[sflag:s31] =	ssyncset.done $0x0  }
0x3d: {  	[sflag:s31] =	ssyncadd.s32 $0xFFFFC000  }
0x3e: {  	[hbm4b:s25+s3] =	stream.linear.scatter [tilespmem:s30], [sflag:$0x5], $0x4000, $0x38;
	[tilespmem:$0x1E800] =	vst v63  }
0x3f: {  	_ =	swait.ge [sflag:s31], $0x4000  }
0x40: {  	[sflag:s31] =	ssyncset.done $0x0  }
0x41: {  	[sflag:s31] =	ssyncadd.s32 $0xFFFFC000  }
0x42: {  	[tilespmem:s30], [sflag:$0x5] =	stream.linear.gather [spmem:s19], $0x4000, $0x38;
	[tilespmem:$0x1E800] =	vst v63  }
0x43: {  	_ =	swait.ge [sflag:s31], $0x4000  }
0x44: {  	[sflag:s31] =	ssyncset.done $0x0  }
0x45: {  	[sflag:s31] =	ssyncadd.s32 $0xFFFFC000  }
0x46: {  	[hbm4b:s26+s3] =	stream.linear.scatter [tilespmem:s30], [sflag:$0x5], $0x4000, $0x38;
	[tilespmem:$0x1E800] =	vst v63  }
0x47: {  	_ =	swait.ge [sflag:s31], $0x4000  }
0x48: {  	[sflag:s31] =	ssyncset.done $0x0  }
0x49: {  	[sflag:s31] =	ssyncadd.s32 $0xFFFFC000  }
0x4a: {  	[tilespmem:s30], [sflag:$0x5] =	stream.linear.gather [spmem:s21], $0x4000, $0x38;
	[tilespmem:$0x1E800] =	vst v63  }
0x4b: {  	_ =	swait.ge [sflag:s31], $0x4000  }
0x4c: {  	[sflag:s31] =	ssyncset.done $0x0  }
0x4d: {  	[sflag:s31] =	ssyncadd.s32 $0xFFFFC000  }
0x4e: {  	[hbm4b:s28+s3] =	stream.linear.scatter [tilespmem:s30], [sflag:$0x5], $0x4000, $0x38;
	[tilespmem:$0x1E800] =	vst v63  }
0x4f: {  	_ =	swait.ge [sflag:s31], $0x4000  }
0x50: {  	[sflag:s31] =	ssyncset.done $0x0  }
0x51: {  	[sflag:s31] =	ssyncadd.s32 $0xFFFFC000  }
0x52: {  	[tilespmem:s30], [sflag:$0x5] =	stream.linear.gather [spmem:s23], $0x4000, $0x38;
	[tilespmem:$0x1E800] =	vst v63  }
0x53: {  	_ =	swait.ge [sflag:s31], $0x4000  }
0x54: {  	[sflag:s31] =	ssyncset.done $0x0  }
0x55: {  	[sflag:s31] =	ssyncadd.s32 $0xFFFFC000  }
0x56: {  	[hbm4b:s29+s3] =	stream.linear.scatter [tilespmem:s30], [sflag:$0x5], $0x4000, $0x38;
	[tilespmem:$0x1E800] =	vst v63  }
0x57: {  	_ =	swait.ge [sflag:s31], $0x4000  }
0x58: {  	s15 =	sadd.s32 $0x1, s15;
	s16 =	rddreg [dreg:$0xb]  }
0x59: {  	p1 =	sne.s32 s15, s16  }
.Ltmp1:
0x5a: {  	_ = 	snop;
	(pc) =	sbr.rel @!p1 .LBB2_13-.Ltmp1, $3  }
0x5b: {  	_ =	sdelay $0x1  }
0x5c: {  	[sflag:s31] =	ssyncset.done $0x0  }
0x5d: {  	[sflag:s31] =	ssyncadd.s32 $0xFFFFC000  }
.LBB2_1:
0x5e: {  	s16 =	rddreg [dreg:$0xc]  }
0x5f: {  	[tilespmem:s30], [sflag:$0x5] =	stream.linear.gather [hbm4b:s16+s3], $0x4000, $0x38;
	[tilespmem:$0x1E800] =	vst v63  }
0x60: {  	_ =	swait.ge [sflag:s31], $0x4000  }
0x61: {  	[sflag:s31] =	ssyncset.done $0x0  }
0x62: {  	[sflag:s31] =	ssyncadd.s32 $0xFFFFC000  }
0x63: {  	[spmem:s13] =	stream.linear.scatter [tilespmem:s30], [sflag:$0x5], $0x4000, $0x38;
	[tilespmem:$0x1E800] =	vst v63  }
0x64: {  	_ =	swait.ge [sflag:s31], $0x4000  }
0x65: {  	[sflag:s31] =	ssyncset.done $0x0  }
0x66: {  	s20 =	rddreg [dreg:$0xd];
	[sflag:s31] =	ssyncadd.s32 $0xFFFFC000  }
0x67: {  	[tilespmem:s30], [sflag:$0x5] =	stream.linear.gather [hbm4b:s20+s3], $0x4000, $0x38;
	[tilespmem:$0x1E800] =	vst v63  }
0x68: {  	_ =	swait.ge [sflag:s31], $0x4000  }
0x69: {  	[sflag:s31] =	ssyncset.done $0x0  }
0x6a: {  	[sflag:s31] =	ssyncadd.s32 $0xFFFFC000  }
0x6b: {  	[spmem:s17] =	stream.linear.scatter [tilespmem:s30], [sflag:$0x5], $0x4000, $0x38;
	[tilespmem:$0x1E800] =	vst v63  }
0x6c: {  	_ =	swait.ge [sflag:s31], $0x4000  }
0x6d: {  	[sflag:s31] =	ssyncset.done $0x0  }
0x6e: {  	s18 =	rddreg [dreg:$0xe];
	[sflag:s31] =	ssyncadd.s32 $0xFFFFC000  }
0x6f: {  	[tilespmem:s30], [sflag:$0x5] =	stream.linear.gather [hbm4b:s18+s3], $0x4000, $0x38;
	[tilespmem:$0x1E800] =	vst v63  }
0x70: {  	_ =	swait.ge [sflag:s31], $0x4000  }
0x71: {  	[sflag:s31] =	ssyncset.done $0x0  }
0x72: {  	[sflag:s31] =	ssyncadd.s32 $0xFFFFC000  }
0x73: {  	[spmem:s19] =	stream.linear.scatter [tilespmem:s30], [sflag:$0x5], $0x4000, $0x38;
	[tilespmem:$0x1E800] =	vst v63  }
0x74: {  	_ =	swait.ge [sflag:s31], $0x4000  }
0x75: {  	[sflag:s31] =	ssyncset.done $0x0  }
0x76: {  	s20 =	rddreg [dreg:$0xf];
	[sflag:s31] =	ssyncadd.s32 $0xFFFFC000  }
0x77: {  	[tilespmem:s30], [sflag:$0x5] =	stream.linear.gather [hbm4b:s20+s3], $0x4000, $0x38;
	[tilespmem:$0x1E800] =	vst v63  }
0x78: {  	_ =	swait.ge [sflag:s31], $0x4000  }
0x79: {  	[sflag:s31] =	ssyncset.done $0x0  }
0x7a: {  	[sflag:s31] =	ssyncadd.s32 $0xFFFFC000  }
0x7b: {  	[spmem:s21] =	stream.linear.scatter [tilespmem:s30], [sflag:$0x5], $0x4000, $0x38;
	[tilespmem:$0x1E800] =	vst v63  }
0x7c: {  	_ =	swait.ge [sflag:s31], $0x4000  }
0x7d: {  	[sflag:s31] =	ssyncset.done $0x0  }
0x7e: {  	[sflag:s31] =	ssyncadd.s32 $0xFFFFC000  }
0x7f: {  	[tilespmem:s30], [sflag:$0x5] =	stream.linear.gather [hbm4b:s22+s3], $0x4000, $0x38;
	[tilespmem:$0x1E800] =	vst v63  }
0x80: {  	_ =	swait.ge [sflag:s31], $0x4000  }
0x81: {  	[sflag:s31] =	ssyncset.done $0x0  }
0x82: {  	[sflag:s31] =	ssyncadd.s32 $0xFFFFC000  }
0x83: {  	[spmem:s23] =	stream.linear.scatter [tilespmem:s30], [sflag:$0x5], $0x4000, $0x38;
	[tilespmem:$0x1E800] =	vst v63  }
.Ltmp2:
0x84: {  	_ =	swait.ge [sflag:s31], $0x4000;
	(pc) =	sbr.rel @!p0 .LBB2_2-.Ltmp2, $4  }
0x85: {  	[sflag:s31] =	ssyncset.done $0x0  }
0x86: {  	[sflag:s31] =	ssyncadd.s32 $0xFFFFC000  }
0x87: {  	[bflag:$0x0] =	sbarrier.arrive $0xFFFF  }
0x88: {  	s16 =	simm.s32 $0x0  }
0x89: {  	s18 =	rddreg [dreg:$0x9]  }
0x8a: {  	[tilespmem:s0], [sflag:$0x5] =	stream.linear.gather [hbm4b:s18+s16], $0x1400, $0x38;
	[tilespmem:$0x1E800] =	vst v63  }
0x8b: {  	_ =	swait.ge [sflag:s31], $0x1400  }
0x8c: {  	[sflag:s31] =	ssyncset.done $0x0  }
0x8d: {  	s20 =	rddreg [dreg:$0xa];
	[sflag:s31] =	ssyncadd.s32 $0xFFFFEC00  }
0x8e: {  	[tilespmem:s1], [sflag:$0x5] =	stream.linear.gather [hbm4b:s20+s16], $0x1400, $0x38;
	[tilespmem:$0x1E800] =	vst v63  }
0x8f: {  	_ =	swait.ge [sflag:s31], $0x1400  }
0x90: {  	[sflag:s31] =	ssyncset.done $0x0  }
0x91: {  	[sflag:s31] =	ssyncadd.s32 $0xFFFFEC00  }
0x92: {  	[tilespmem:s30], [sflag:$0x1] =	stream.indirect.gather [hbm4b:s4+s5], $0x80, s0, s5, $0xb8;
	[tilespmem:$0x1E800] =	vst v63  }
0x93: {  	_ = 	snop  }
0x94: {  	[tilespmem:s7], [sflag:$0x2] =	stream.indirect.gather [hbm4b:s4+s5], $0x80, s6, s5, $0xb8;
	[tilespmem:$0x1E800] =	vst v63  }
0x95: {  	_ =	swait.ge [sflag:s8], $0x4000  }
0x96: {  	[sflag:s8] =	ssyncset.done $0x0  }
0x97: {  	s20 =	simm.s32 $0x15400;
	[sflag:s8] =	ssyncadd.s32 $0xFFFFC000  }
0x98: {  	[spmem:s2] =	stream.indirect.scatter.add.f32 [tilespmem:s30], [sflag:$0x3], $0x80, s20, s5, $0xb8;
	[tilespmem:$0x1E800] =	vst v63  }
0x99: {  	_ =	swait.ge [sflag:s9], $0x4000  }
0x9a: {  	[sflag:s9] =	ssyncset.done $0x0  }
0x9b: {  	s18 =	simm.s32 $0x15480;
	[sflag:s9] =	ssyncadd.s32 $0xFFFFC000  }
0x9c: {  	[spmem:s2] =	stream.indirect.scatter.add.f32 [tilespmem:s7], [sflag:$0x4], $0x80, s18, s5, $0xb8;
	[tilespmem:$0x1E800] =	vst v63  }
0x9d: {  	_ =	swait.ge [sflag:s10], $0x4000  }
0x9e: {  	[sflag:s10] =	ssyncset.done $0x0  }
0x9f: {  	s20 =	simm.s32 $0x14100;
	[sflag:s10] =	ssyncadd.s32 $0xFFFFC000  }
0xa0: {  	[tilespmem:s30], [sflag:$0x1] =	stream.indirect.gather [hbm4b:s4+s5], $0x80, s20, s5, $0xb8;
	[tilespmem:$0x1E800] =	vst v63  }
0xa1: {  	_ =	swait.ge [sflag:s11], $0x4000  }
0xa2: {  	[sflag:s11] =	ssyncset.done $0x0  }
0xa3: {  	s16 =	simm.s32 $0x400;
	s18 =	simm.s32 $0x14180;
	[sflag:s11] =	ssyncadd.s32 $0xFFFFC000  }
.LBB2_10:
0xa4: {  	[tilespmem:s7], [sflag:$0x2] =	stream.indirect.gather [hbm4b:s4+s5], $0x80, s18, s5, $0xb8;
	[tilespmem:$0x1E800] =	vst v63  }
0xa5: {  	s18 =	smov.u32 s16  }
0xa6: {  	p1 =	sne.s32 s16, $0x4800;
	s16 =	sadd.s32 $0x400, s16;
	_ =	swait.ge [sflag:s8], $0x4000  }
0xa7: {  	s18 =	sshra.s32 s18, $0x2;
	[sflag:s8] =	ssyncset.done $0x0  }
0xa8: {  	s20 =	sadd.s32 $0x15400, s18;
	[sflag:s8] =	ssyncadd.s32 $0xFFFFC000  }
0xa9: {  	[spmem:s2] =	stream.indirect.scatter.add.f32 [tilespmem:s30], [sflag:$0x3], $0x80, s20, s5, $0xb8;
	[tilespmem:$0x1E800] =	vst v63  }
0xaa: {  	_ =	swait.ge [sflag:s9], $0x4000  }
0xab: {  	[sflag:s9] =	ssyncset.done $0x0  }
0xac: {  	s20 =	sadd.s32 $0x15480, s18;
	[sflag:s9] =	ssyncadd.s32 $0xFFFFC000  }
0xad: {  	[spmem:s2] =	stream.indirect.scatter.add.f32 [tilespmem:s7], [sflag:$0x4], $0x80, s20, s5, $0xb8;
	[tilespmem:$0x1E800] =	vst v63  }
0xae: {  	_ =	swait.ge [sflag:s10], $0x4000  }
0xaf: {  	[sflag:s10] =	ssyncset.done $0x0  }
.Ltmp3:
0xb0: {  	s20 =	sadd.s32 $0x14100, s18;
	[sflag:s10] =	ssyncadd.s32 $0xFFFFC000;
	(pc) =	sbr.rel @p1 .LBB2_10-.Ltmp3, $4  }
0xb1: {  	[tilespmem:s30], [sflag:$0x1] =	stream.indirect.gather [hbm4b:s4+s5], $0x80, s20, s5, $0xb8;
	[tilespmem:$0x1E800] =	vst v63  }
0xb2: {  	_ =	swait.ge [sflag:s11], $0x4000  }
0xb3: {  	[sflag:s11] =	ssyncset.done $0x0  }
0xb4: {  	s18 =	sadd.s32 $0x14180, s18;
	[sflag:s11] =	ssyncadd.s32 $0xFFFFC000  }
.Ltmp4:
0xb5: {  	_ = 	snop;
	(pc) =	sbr.rel .LBB2_11-.Ltmp4, $1  }
0xb6: {  	_ =	sdelay $0x3  }
.LBB2_2:
0xb7: {  	s18 =	rddreg [dreg:$0x3]  }
0xb8: {  	[tilespmem:s0], [sflag:$0x5] =	stream.linear.gather [hbm4b:s18+s16], $0x1400, $0x38;
	[tilespmem:$0x1E800] =	vst v63  }
0xb9: {  	_ =	swait.ge [sflag:s31], $0x1400  }
0xba: {  	[sflag:s31] =	ssyncset.done $0x0  }
0xbb: {  	s20 =	rddreg [dreg:$0x4];
	[sflag:s31] =	ssyncadd.s32 $0xFFFFEC00  }
0xbc: {  	[tilespmem:s1], [sflag:$0x5] =	stream.linear.gather [hbm4b:s20+s16], $0x1400, $0x38;
	[tilespmem:$0x1E800] =	vst v63  }
0xbd: {  	_ =	swait.ge [sflag:s31], $0x1400  }
0xbe: {  	[sflag:s31] =	ssyncset.done $0x0  }
0xbf: {  	[sflag:s31] =	ssyncadd.s32 $0xFFFFEC00  }
0xc0: {  	[tilespmem:s30], [sflag:$0x1] =	stream.indirect.gather [hbm4b:s4+s5], $0x80, s0, s5, $0xb8;
	[tilespmem:$0x1E800] =	vst v63  }
0xc1: {  	_ = 	snop  }
0xc2: {  	[tilespmem:s7], [sflag:$0x2] =	stream.indirect.gather [hbm4b:s4+s5], $0x80, s6, s5, $0xb8;
	[tilespmem:$0x1E800] =	vst v63  }
0xc3: {  	_ =	swait.ge [sflag:s8], $0x4000  }
0xc4: {  	[sflag:s8] =	ssyncset.done $0x0  }
0xc5: {  	s20 =	simm.s32 $0x15400;
	[sflag:s8] =	ssyncadd.s32 $0xFFFFC000  }
0xc6: {  	[spmem:s2] =	stream.indirect.scatter.add.f32 [tilespmem:s30], [sflag:$0x3], $0x80, s20, s5, $0xb8;
	[tilespmem:$0x1E800] =	vst v63  }
0xc7: {  	_ =	swait.ge [sflag:s9], $0x4000  }
0xc8: {  	[sflag:s9] =	ssyncset.done $0x0  }
0xc9: {  	s18 =	simm.s32 $0x15480;
	[sflag:s9] =	ssyncadd.s32 $0xFFFFC000  }
0xca: {  	[spmem:s2] =	stream.indirect.scatter.add.f32 [tilespmem:s7], [sflag:$0x4], $0x80, s18, s5, $0xb8;
	[tilespmem:$0x1E800] =	vst v63  }
0xcb: {  	_ =	swait.ge [sflag:s10], $0x4000  }
0xcc: {  	[sflag:s10] =	ssyncset.done $0x0  }
0xcd: {  	s20 =	simm.s32 $0x14100;
	[sflag:s10] =	ssyncadd.s32 $0xFFFFC000  }
0xce: {  	[tilespmem:s30], [sflag:$0x1] =	stream.indirect.gather [hbm4b:s4+s5], $0x80, s20, s5, $0xb8;
	[tilespmem:$0x1E800] =	vst v63  }
0xcf: {  	_ =	swait.ge [sflag:s11], $0x4000  }
0xd0: {  	[sflag:s11] =	ssyncset.done $0x0  }
0xd1: {  	s16 =	simm.s32 $0x400;
	s18 =	simm.s32 $0x14180;
	[sflag:s11] =	ssyncadd.s32 $0xFFFFC000  }
.LBB2_3:
0xd2: {  	[tilespmem:s7], [sflag:$0x2] =	stream.indirect.gather [hbm4b:s4+s5], $0x80, s18, s5, $0xb8;
	[tilespmem:$0x1E800] =	vst v63  }
0xd3: {  	s18 =	smov.u32 s16  }
0xd4: {  	p1 =	sne.s32 s16, $0x4800;
	s16 =	sadd.s32 $0x400, s16;
	_ =	swait.ge [sflag:s8], $0x4000  }
0xd5: {  	s18 =	sshra.s32 s18, $0x2;
	[sflag:s8] =	ssyncset.done $0x0  }
0xd6: {  	s20 =	sadd.s32 $0x15400, s18;
	[sflag:s8] =	ssyncadd.s32 $0xFFFFC000  }
0xd7: {  	[spmem:s2] =	stream.indirect.scatter.add.f32 [tilespmem:s30], [sflag:$0x3], $0x80, s20, s5, $0xb8;
	[tilespmem:$0x1E800] =	vst v63  }
0xd8: {  	_ =	swait.ge [sflag:s9], $0x4000  }
0xd9: {  	[sflag:s9] =	ssyncset.done $0x0  }
0xda: {  	s20 =	sadd.s32 $0x15480, s18;
	[sflag:s9] =	ssyncadd.s32 $0xFFFFC000  }
0xdb: {  	[spmem:s2] =	stream.indirect.scatter.add.f32 [tilespmem:s7], [sflag:$0x4], $0x80, s20, s5, $0xb8;
	[tilespmem:$0x1E800] =	vst v63  }
0xdc: {  	_ =	swait.ge [sflag:s10], $0x4000  }
0xdd: {  	[sflag:s10] =	ssyncset.done $0x0  }
.Ltmp5:
0xde: {  	s20 =	sadd.s32 $0x14100, s18;
	[sflag:s10] =	ssyncadd.s32 $0xFFFFC000;
	(pc) =	sbr.rel @p1 .LBB2_3-.Ltmp5, $4  }
0xdf: {  	[tilespmem:s30], [sflag:$0x1] =	stream.indirect.gather [hbm4b:s4+s5], $0x80, s20, s5, $0xb8;
	[tilespmem:$0x1E800] =	vst v63  }
0xe0: {  	_ =	swait.ge [sflag:s11], $0x4000  }
0xe1: {  	[sflag:s11] =	ssyncset.done $0x0  }
0xe2: {  	s18 =	sadd.s32 $0x14180, s18;
	[sflag:s11] =	ssyncadd.s32 $0xFFFFC000  }
0xe3: {  	[tilespmem:s7], [sflag:$0x2] =	stream.indirect.gather [hbm4b:s4+s5], $0x80, s18, s5, $0xb8;
	[tilespmem:$0x1E800] =	vst v63  }
0xe4: {  	_ =	swait.ge [sflag:s8], $0x4000  }
0xe5: {  	[sflag:s8] =	ssyncset.done $0x0  }
0xe6: {  	[sflag:s8] =	ssyncadd.s32 $0xFFFFC000  }
0xe7: {  	[spmem:s2] =	stream.indirect.scatter.add.f32 [tilespmem:s30], [sflag:$0x3], $0x80, s12, s5, $0xb8;
	[tilespmem:$0x1E800] =	vst v63  }
0xe8: {  	_ =	swait.ge [sflag:s9], $0x4000  }
0xe9: {  	[sflag:s9] =	ssyncset.done $0x0  }
0xea: {  	[sflag:s9] =	ssyncadd.s32 $0xFFFFC000  }
0xeb: {  	[spmem:s2] =	stream.indirect.scatter.add.f32 [tilespmem:s7], [sflag:$0x4], $0x80, s14, s5, $0xb8;
	[tilespmem:$0x1E800] =	vst v63  }
0xec: {  	_ =	swait.ge [sflag:s10], $0x4000  }
0xed: {  	[sflag:s10] =	ssyncset.done $0x0  }
0xee: {  	[sflag:s10] =	ssyncadd.s32 $0xFFFFC000  }
0xef: {  	_ =	swait.ge [sflag:s11], $0x4000  }
0xf0: {  	[sflag:s11] =	ssyncset.done $0x0  }
0xf1: {  	s16 =	simm.s32 $0x0;
	s20 =	rddreg [dreg:$0x5];
	[sflag:s11] =	ssyncadd.s32 $0xFFFFC000  }
0xf2: {  	[tilespmem:s0], [sflag:$0x5] =	stream.linear.gather [hbm4b:s20+s16], $0x1400, $0x38;
	[tilespmem:$0x1E800] =	vst v63  }
0xf3: {  	_ =	swait.ge [sflag:s31], $0x1400  }
0xf4: {  	[sflag:s31] =	ssyncset.done $0x0  }
0xf5: {  	s20 =	rddreg [dreg:$0x6];
	[sflag:s31] =	ssyncadd.s32 $0xFFFFEC00  }
0xf6: {  	[tilespmem:s1], [sflag:$0x5] =	stream.linear.gather [hbm4b:s20+s16], $0x1400, $0x38;
	[tilespmem:$0x1E800] =	vst v63  }
0xf7: {  	_ =	swait.ge [sflag:s31], $0x1400  }
0xf8: {  	[sflag:s31] =	ssyncset.done $0x0  }
0xf9: {  	[sflag:s31] =	ssyncadd.s32 $0xFFFFEC00  }
0xfa: {  	[tilespmem:s30], [sflag:$0x1] =	stream.indirect.gather [hbm4b:s4+s5], $0x80, s0, s5, $0xb8;
	[tilespmem:$0x1E800] =	vst v63  }
0xfb: {  	_ = 	snop  }
0xfc: {  	[tilespmem:s7], [sflag:$0x2] =	stream.indirect.gather [hbm4b:s4+s5], $0x80, s6, s5, $0xb8;
	[tilespmem:$0x1E800] =	vst v63  }
0xfd: {  	_ =	swait.ge [sflag:s8], $0x4000  }
0xfe: {  	[sflag:s8] =	ssyncset.done $0x0  }
0xff: {  	s20 =	simm.s32 $0x15400;
	[sflag:s8] =	ssyncadd.s32 $0xFFFFC000  }
0x100: {  	[spmem:s2] =	stream.indirect.scatter.add.f32 [tilespmem:s30], [sflag:$0x3], $0x80, s20, s5, $0xb8;
	[tilespmem:$0x1E800] =	vst v63  }
0x101: {  	_ =	swait.ge [sflag:s9], $0x4000  }
0x102: {  	[sflag:s9] =	ssyncset.done $0x0  }
0x103: {  	s18 =	simm.s32 $0x15480;
	[sflag:s9] =	ssyncadd.s32 $0xFFFFC000  }
0x104: {  	[spmem:s2] =	stream.indirect.scatter.add.f32 [tilespmem:s7], [sflag:$0x4], $0x80, s18, s5, $0xb8;
	[tilespmem:$0x1E800] =	vst v63  }
0x105: {  	_ =	swait.ge [sflag:s10], $0x4000  }
0x106: {  	[sflag:s10] =	ssyncset.done $0x0  }
0x107: {  	s20 =	simm.s32 $0x14100;
	[sflag:s10] =	ssyncadd.s32 $0xFFFFC000  }
0x108: {  	[tilespmem:s30], [sflag:$0x1] =	stream.indirect.gather [hbm4b:s4+s5], $0x80, s20, s5, $0xb8;
	[tilespmem:$0x1E800] =	vst v63  }
0x109: {  	_ =	swait.ge [sflag:s11], $0x4000  }
0x10a: {  	[sflag:s11] =	ssyncset.done $0x0  }
0x10b: {  	s16 =	simm.s32 $0x400;
	s18 =	simm.s32 $0x14180;
	[sflag:s11] =	ssyncadd.s32 $0xFFFFC000  }
.LBB2_5:
0x10c: {  	[tilespmem:s7], [sflag:$0x2] =	stream.indirect.gather [hbm4b:s4+s5], $0x80, s18, s5, $0xb8;
	[tilespmem:$0x1E800] =	vst v63  }
0x10d: {  	s18 =	smov.u32 s16  }
0x10e: {  	p1 =	sne.s32 s16, $0x4800;
	s16 =	sadd.s32 $0x400, s16;
	_ =	swait.ge [sflag:s8], $0x4000  }
0x10f: {  	s18 =	sshra.s32 s18, $0x2;
	[sflag:s8] =	ssyncset.done $0x0  }
0x110: {  	s20 =	sadd.s32 $0x15400, s18;
	[sflag:s8] =	ssyncadd.s32 $0xFFFFC000  }
0x111: {  	[spmem:s2] =	stream.indirect.scatter.add.f32 [tilespmem:s30], [sflag:$0x3], $0x80, s20, s5, $0xb8;
	[tilespmem:$0x1E800] =	vst v63  }
0x112: {  	_ =	swait.ge [sflag:s9], $0x4000  }
0x113: {  	[sflag:s9] =	ssyncset.done $0x0  }
0x114: {  	s20 =	sadd.s32 $0x15480, s18;
	[sflag:s9] =	ssyncadd.s32 $0xFFFFC000  }
0x115: {  	[spmem:s2] =	stream.indirect.scatter.add.f32 [tilespmem:s7], [sflag:$0x4], $0x80, s20, s5, $0xb8;
	[tilespmem:$0x1E800] =	vst v63  }
0x116: {  	_ =	swait.ge [sflag:s10], $0x4000  }
0x117: {  	[sflag:s10] =	ssyncset.done $0x0  }
.Ltmp6:
0x118: {  	s20 =	sadd.s32 $0x14100, s18;
	[sflag:s10] =	ssyncadd.s32 $0xFFFFC000;
	(pc) =	sbr.rel @p1 .LBB2_5-.Ltmp6, $4  }
0x119: {  	[tilespmem:s30], [sflag:$0x1] =	stream.indirect.gather [hbm4b:s4+s5], $0x80, s20, s5, $0xb8;
	[tilespmem:$0x1E800] =	vst v63  }
0x11a: {  	_ =	swait.ge [sflag:s11], $0x4000  }
0x11b: {  	[sflag:s11] =	ssyncset.done $0x0  }
0x11c: {  	s18 =	sadd.s32 $0x14180, s18;
	[sflag:s11] =	ssyncadd.s32 $0xFFFFC000  }
0x11d: {  	[tilespmem:s7], [sflag:$0x2] =	stream.indirect.gather [hbm4b:s4+s5], $0x80, s18, s5, $0xb8;
	[tilespmem:$0x1E800] =	vst v63  }
0x11e: {  	_ =	swait.ge [sflag:s8], $0x4000  }
0x11f: {  	[sflag:s8] =	ssyncset.done $0x0  }
0x120: {  	[sflag:s8] =	ssyncadd.s32 $0xFFFFC000  }
0x121: {  	[spmem:s2] =	stream.indirect.scatter.add.f32 [tilespmem:s30], [sflag:$0x3], $0x80, s12, s5, $0xb8;
	[tilespmem:$0x1E800] =	vst v63  }
0x122: {  	_ =	swait.ge [sflag:s9], $0x4000  }
0x123: {  	[sflag:s9] =	ssyncset.done $0x0  }
0x124: {  	[sflag:s9] =	ssyncadd.s32 $0xFFFFC000  }
0x125: {  	[spmem:s2] =	stream.indirect.scatter.add.f32 [tilespmem:s7], [sflag:$0x4], $0x80, s14, s5, $0xb8;
	[tilespmem:$0x1E800] =	vst v63  }
0x126: {  	_ =	swait.ge [sflag:s10], $0x4000  }
0x127: {  	[sflag:s10] =	ssyncset.done $0x0  }
0x128: {  	[sflag:s10] =	ssyncadd.s32 $0xFFFFC000  }
0x129: {  	_ =	swait.ge [sflag:s11], $0x4000  }
0x12a: {  	[sflag:s11] =	ssyncset.done $0x0  }
0x12b: {  	s16 =	simm.s32 $0x0;
	s20 =	rddreg [dreg:$0x7];
	[sflag:s11] =	ssyncadd.s32 $0xFFFFC000  }
0x12c: {  	[tilespmem:s0], [sflag:$0x5] =	stream.linear.gather [hbm4b:s20+s16], $0x1400, $0x38;
	[tilespmem:$0x1E800] =	vst v63  }
0x12d: {  	_ =	swait.ge [sflag:s31], $0x1400  }
0x12e: {  	[sflag:s31] =	ssyncset.done $0x0  }
0x12f: {  	s20 =	rddreg [dreg:$0x8];
	[sflag:s31] =	ssyncadd.s32 $0xFFFFEC00  }
0x130: {  	[tilespmem:s1], [sflag:$0x5] =	stream.linear.gather [hbm4b:s20+s16], $0x1400, $0x38;
	[tilespmem:$0x1E800] =	vst v63  }
0x131: {  	_ =	swait.ge [sflag:s31], $0x1400  }
0x132: {  	[sflag:s31] =	ssyncset.done $0x0  }
0x133: {  	[sflag:s31] =	ssyncadd.s32 $0xFFFFEC00  }
0x134: {  	[tilespmem:s30], [sflag:$0x1] =	stream.indirect.gather [hbm4b:s4+s5], $0x80, s0, s5, $0xb8;
	[tilespmem:$0x1E800] =	vst v63  }
0x135: {  	_ = 	snop  }
0x136: {  	[tilespmem:s7], [sflag:$0x2] =	stream.indirect.gather [hbm4b:s4+s5], $0x80, s6, s5, $0xb8;
	[tilespmem:$0x1E800] =	vst v63  }
0x137: {  	_ =	swait.ge [sflag:s8], $0x4000  }
0x138: {  	[sflag:s8] =	ssyncset.done $0x0  }
0x139: {  	s20 =	simm.s32 $0x15400;
	[sflag:s8] =	ssyncadd.s32 $0xFFFFC000  }
0x13a: {  	[spmem:s2] =	stream.indirect.scatter.add.f32 [tilespmem:s30], [sflag:$0x3], $0x80, s20, s5, $0xb8;
	[tilespmem:$0x1E800] =	vst v63  }
0x13b: {  	_ =	swait.ge [sflag:s9], $0x4000  }
0x13c: {  	[sflag:s9] =	ssyncset.done $0x0  }
0x13d: {  	s18 =	simm.s32 $0x15480;
	[sflag:s9] =	ssyncadd.s32 $0xFFFFC000  }
0x13e: {  	[spmem:s2] =	stream.indirect.scatter.add.f32 [tilespmem:s7], [sflag:$0x4], $0x80, s18, s5, $0xb8;
	[tilespmem:$0x1E800] =	vst v63  }
0x13f: {  	_ =	swait.ge [sflag:s10], $0x4000  }
0x140: {  	[sflag:s10] =	ssyncset.done $0x0  }
0x141: {  	s20 =	simm.s32 $0x14100;
	[sflag:s10] =	ssyncadd.s32 $0xFFFFC000  }
0x142: {  	[tilespmem:s30], [sflag:$0x1] =	stream.indirect.gather [hbm4b:s4+s5], $0x80, s20, s5, $0xb8;
	[tilespmem:$0x1E800] =	vst v63  }
0x143: {  	_ =	swait.ge [sflag:s11], $0x4000  }
0x144: {  	[sflag:s11] =	ssyncset.done $0x0  }
0x145: {  	s16 =	simm.s32 $0x400;
	s18 =	simm.s32 $0x14180;
	[sflag:s11] =	ssyncadd.s32 $0xFFFFC000  }
.LBB2_7:
0x146: {  	[tilespmem:s7], [sflag:$0x2] =	stream.indirect.gather [hbm4b:s4+s5], $0x80, s18, s5, $0xb8;
	[tilespmem:$0x1E800] =	vst v63  }
0x147: {  	s18 =	smov.u32 s16  }
0x148: {  	p1 =	seq.s32 s16, $0x4800;
	s16 =	sadd.s32 $0x400, s16;
	_ =	swait.ge [sflag:s8], $0x4000  }
0x149: {  	s18 =	sshra.s32 s18, $0x2;
	[sflag:s8] =	ssyncset.done $0x0  }
0x14a: {  	s20 =	sadd.s32 $0x15400, s18;
	[sflag:s8] =	ssyncadd.s32 $0xFFFFC000  }
0x14b: {  	[spmem:s2] =	stream.indirect.scatter.add.f32 [tilespmem:s30], [sflag:$0x3], $0x80, s20, s5, $0xb8;
	[tilespmem:$0x1E800] =	vst v63  }
0x14c: {  	_ =	swait.ge [sflag:s9], $0x4000  }
0x14d: {  	[sflag:s9] =	ssyncset.done $0x0  }
0x14e: {  	s20 =	sadd.s32 $0x15480, s18;
	[sflag:s9] =	ssyncadd.s32 $0xFFFFC000  }
0x14f: {  	[spmem:s2] =	stream.indirect.scatter.add.f32 [tilespmem:s7], [sflag:$0x4], $0x80, s20, s5, $0xb8;
	[tilespmem:$0x1E800] =	vst v63  }
0x150: {  	_ =	swait.ge [sflag:s10], $0x4000  }
0x151: {  	[sflag:s10] =	ssyncset.done $0x0  }
.Ltmp7:
0x152: {  	s20 =	sadd.s32 $0x14100, s18;
	[sflag:s10] =	ssyncadd.s32 $0xFFFFC000;
	(pc) =	sbr.rel @!p1 .LBB2_7-.Ltmp7, $4  }
0x153: {  	[tilespmem:s30], [sflag:$0x1] =	stream.indirect.gather [hbm4b:s4+s5], $0x80, s20, s5, $0xb8;
	[tilespmem:$0x1E800] =	vst v63  }
0x154: {  	_ =	swait.ge [sflag:s11], $0x4000  }
0x155: {  	[sflag:s11] =	ssyncset.done $0x0  }
0x156: {  	s18 =	sadd.s32 $0x14180, s18;
	[sflag:s11] =	ssyncadd.s32 $0xFFFFC000  }
.Ltmp8:
0x157: {  	(pc) =	sbr.rel .LBB2_12-.Ltmp8, $2  }
0x158: {  	_ =	sdelay $0x2  }
0x159: {  	[tilespmem:s7], [sflag:$0x2] =	stream.indirect.gather [hbm4b:s4+s5], $0x80, s18, s5, $0xb8;
	[tilespmem:$0x1E800] =	vst v63  }
.LBB2_13:
0x15a: {  	_ =	sfence.sel $0x180000  }
0x15b: {  	[bflag:$0x0] =	sbarrier.arrive $0xFFFF  }
0x15c: {  	_ =	strace $0x9000004A  }
0x15d: {  	s0 =	stileid.u32;
	[bflag:$0x2] =	sbarrier.arrive $0xFFFF  }
0x15e: {  	p0 =	sne.s32 s0, $0x0;
	s0 =	rddreg [dreg:$0x2]  }
0x15f: {  	s0 =	sadd.s32 @!p0 $0x100000, s0  }
0x160: {  	[sflag:s0] =	ssyncadd.tile.s32 @!p0 $0x1;
	_ =	shalt  }
.Lfunc_end2:
_tile_overlayer_lowered:
.L_overlay_start_2:
0x161: {  	(tag) =	ssettag $0x2  }
0x162: {  	s0 =	rddreg [dreg:$0x0];
	s2 =	stileid.u32  }
0x163: {  	s1 =	rddreg [dreg:$0x1];
	p0 =	sne.s32 s2, $0x0  }
0x164: {  	s3 =	rddreg [dreg:$0x2];
	[bflag:$0x3] =	sbarrier.arrive $0xFFFF;
	s2 =	simm.s32 @!p0 $0x1C05  }
0x165: {  	[timem:s3], [sflag:s2] =	dma.local @!p0 [hbm:s0], s1  }
0x166: {  	s0 =	simm.s32 @!p0 $0x5  }
0x167: {  	_ =	swait.ge @!p0 [sflag:s0], s1  }
0x168: {  	s1 =	ssub.s32 @!p0 $0x0, s1;
	[sflag:s0] =	ssyncset.done @!p0 $0x0  }
0x169: {  	[sflag:s0] =	ssyncadd.s32 @!p0 s1  }
0x16a: {  	[bflag:$0x3] =	sbarrier.arrive $0xFFFF  }
0x16b: {  	_ =	shalt  }

// kernel: kernel.14.cloned.1.call-start
scs
__scs_entry_jumppad:
0x0: {  	(pc) =	sbr.rel $0x88, $3  }
0x1: {  	(tag) =	ssettag $0x0;
	lr =	simm.s32 $0x1  }
0x2: {  	[smem:$0x3F9A] =	sst lr;
	_ =	strace $0xD0000000  }
0x3: {  	_ = 	snop  }
0x4: {  	_ = 	snop  }
0x5: {  	_ = 	snop  }
0x6: {  	_ = 	snop  }
0x7: {  	_ = 	snop  }
__scs_overlays_trampoline_lowered:
0x8: {  	[smem:$0x3FA9] =	sst s0  }
0x9: {  	[smem:$0x3FAA] =	sst s1  }
0xa: {  	[smem:$0x3FAB] =	sst s2  }
0xb: {  	[smem:$0x3FAC] =	sst s3  }
0xc: {  	[smem:$0x3FAD] =	sst s4  }
0xd: {  	[smem:$0x3FAE] =	sst s5  }
0xe: {  	[smem:$0x3FAF] =	sst s6  }
0xf: {  	[smem:$0x3FB0] =	sst s7  }
0x10: {  	[smem:$0x3FB1] =	sst s8  }
0x11: {  	[smem:$0x3FB2] =	sst s9;
	s0 =	simm.s32 @!p0 $0x0  }
0x12: {  	s1 =	sld [smem:$0x3F98];
	s0 =	simm.s32 @p0 $0x1  }
0x13: {  	[smem:$0x3FB3] =	sst s0;
	s0 =	simm.s32 @!p1 $0x0  }
0x14: {  	s2 =	sld [smem:$0x3F97];
	s0 =	simm.s32 @p1 $0x1  }
0x15: {  	[smem:$0x3FB4] =	sst s0;
	s0 =	simm.s32 @!p2 $0x0  }
0x16: {  	s3 =	sld [smem:$0x3FDB];
	s0 =	simm.s32 @p2 $0x1  }
0x17: {  	s4 =	simm.s32 $0x1BF5;
	[smem:$0x3FB6] =	sst s0  }
0x18: {  	s0 =	sld [smem:$0x3F99];
	_ =	swait.ge [sflag:s4], $0x0  }
0x19: {  	s7 =	sld [smem:$0x3F9A]  }
0x1a: {  	s8 =	sadd.s32 $0xFFFFE003, lr  }
0x1b: {  	s9 =	sadd.s32 $0xFFFFFEF7, lr;
	s5 =	simm.s32 $0xFFFFFFFF;
	p2 =	slt.u32 s8, $0xFFFFF086  }
0x1c: {  	p1 =	slt.u32 s9, $0xF7A;
	s5 =	simm.s32 @!p2 $0x0  }
0x1d: {  	s5 =	simm.s32 @p1 $0x1;
	p0 =	seq.s32 s7, s2  }
0x1e: {  	s7 =	smul.u32 @!p0 $0xF7A, s2;
	p2 =	seq.s32 @!p0 s5, $0x0  }
0x1f: {  	s9 =	smul.u32 $0xF7A, s1;
	s8 =	simm.s32 @!p0 $0x1BF5;
	p2 =	por !p2, p0  }
0x20: {  	[sflag:s8] =	ssyncset.s32 @!p0 $0xFFFFF086;
	s6 =	sadd.s32 @!p0 s3, s7;
	s7 =	simm.s32 @!p0 $0x108  }
0x21: {  	s3 =	sadd.s32 s3, s9;
	s6 =	sadd.s32 @!p0 $0x88, s6;
	s7 =	simm.s32 @p2 $0x1082  }
0x22: {  	[simem:s7], [sflag:s8] =	dma.local @!p0 [hbm:s6], $0xF7A  }
0x23: {  	s9 =	sor.u32 $0xD0000000, s2;
	s6 =	simm.s32 $0x108;
	_ =	swait.ge @!p0 [sflag:s8], $0x0  }
0x24: {  	s3 =	sadd.s32 $0x88, s3;
	s6 =	simm.s32 @!p1 $0x1082;
	[sflag:s4] =	ssyncset.s32 $0xFFFFF086  }
0x25: {  	[simem:s6], [sflag:s4] =	dma.local [hbm:s3], $0xF7A  }
0x26: {  	[smem:$0x3F9A] =	sst s1;
	(tag) =	ssettag s2;
	_ =	strace s9  }
0x27: {  	s1 =	sld [smem:$0x3FAA]  }
0x28: {  	s2 =	sld [smem:$0x3FAB]  }
0x29: {  	s4 =	sld [smem:$0x3FAD]  }
0x2a: {  	p0 =	seq.s32 s5, $0x0;
	s5 =	sld [smem:$0x3FAE]  }
0x2b: {  	s6 =	sld [smem:$0x3FAF]  }
0x2c: {  	s7 =	sld [smem:$0x3FB0]  }
0x2d: {  	s3 =	simm.s32 $0x108;
	s8 =	sld [smem:$0x3FB1]  }
0x2e: {  	s3 =	simm.s32 @!p0 $0x1082;
	s9 =	sld [smem:$0x3FB2]  }
0x2f: {  	lr =	sadd.s32 s0, s3;
	s0 =	sld [smem:$0x3FA9]  }
0x30: {  	s3 =	sld [smem:$0x3FAC]  }
0x31: {  	[smem:$0x3FB5] =	sst s10  }
0x32: {  	s10 =	sld [smem:$0x3FB3];
	_ =	sdelay $0x3  }
0x33: {  	p0 =	seq.s32 s10, $0x1;
	s10 =	sld [smem:$0x3FB5];
	_ =	sdelay $0x3  }
0x34: {  	[smem:$0x3FB5] =	sst s10  }
0x35: {  	s10 =	sld [smem:$0x3FB4];
	_ =	sdelay $0x3  }
0x36: {  	p1 =	seq.s32 s10, $0x1;
	s10 =	sld [smem:$0x3FB5];
	_ =	sdelay $0x3  }
0x37: {  	[smem:$0x3FB5] =	sst s10  }
0x38: {  	s10 =	sld [smem:$0x3FB6]  }
0x39: {  	_ = 	snop;
	(pc) =	sbr.ind lr, $3  }
0x3a: {  	_ = 	snop  }
0x3b: {  	_ = 	snop  }
0x3c: {  	p2 =	seq.s32 s10, $0x1;
	s10 =	sld [smem:$0x3FB5]  }
0x3d: {  	_ =	shalt  }
0x3e: {  	_ =	shalt  }
0x3f: {  	_ =	shalt  }
0x40: {  	_ =	shalt  }
0x41: {  	_ =	shalt  }
0x42: {  	_ =	shalt  }
0x43: {  	_ =	shalt  }
0x44: {  	_ =	shalt  }
0x45: {  	_ =	shalt  }
0x46: {  	_ =	shalt  }
0x47: {  	_ =	shalt  }
0x48: {  	_ =	shalt  }
0x49: {  	_ =	shalt  }
0x4a: {  	_ =	shalt  }
0x4b: {  	_ =	shalt  }
0x4c: {  	_ =	shalt  }
0x4d: {  	_ =	shalt  }
0x4e: {  	_ =	shalt  }
0x4f: {  	_ =	shalt  }
0x50: {  	_ =	shalt  }
0x51: {  	_ =	shalt  }
0x52: {  	_ =	shalt  }
0x53: {  	_ =	shalt  }
0x54: {  	_ =	shalt  }
0x55: {  	_ =	shalt  }
0x56: {  	_ =	shalt  }
0x57: {  	_ =	shalt  }
0x58: {  	_ =	shalt  }
0x59: {  	_ =	shalt  }
0x5a: {  	_ =	shalt  }
0x5b: {  	_ =	shalt  }
0x5c: {  	_ =	shalt  }
0x5d: {  	_ =	shalt  }
0x5e: {  	_ =	shalt  }
0x5f: {  	_ =	shalt  }
0x60: {  	_ =	shalt  }
0x61: {  	_ =	shalt  }
0x62: {  	_ =	shalt  }
0x63: {  	_ =	shalt  }
0x64: {  	_ =	shalt  }
0x65: {  	_ =	shalt  }
0x66: {  	_ =	shalt  }
0x67: {  	_ =	shalt  }
0x68: {  	_ =	shalt  }
0x69: {  	_ =	shalt  }
0x6a: {  	_ =	shalt  }
0x6b: {  	_ =	shalt  }
0x6c: {  	_ =	shalt  }
0x6d: {  	_ =	shalt  }
0x6e: {  	_ =	shalt  }
0x6f: {  	_ =	shalt  }
0x70: {  	_ =	shalt  }
0x71: {  	_ =	shalt  }
0x72: {  	_ =	shalt  }
0x73: {  	_ =	shalt  }
0x74: {  	_ =	shalt  }
0x75: {  	_ =	shalt  }
0x76: {  	_ =	shalt  }
0x77: {  	_ =	shalt  }
0x78: {  	_ =	shalt  }
0x79: {  	_ =	shalt  }
0x7a: {  	_ =	shalt  }
0x7b: {  	_ =	shalt  }
0x7c: {  	_ =	shalt  }
0x7d: {  	_ =	shalt  }
0x7e: {  	_ =	shalt  }
0x7f: {  	_ =	shalt  }
0x80: {  	_ =	shalt  }
0x81: {  	_ =	shalt  }
0x82: {  	_ =	shalt  }
0x83: {  	_ =	shalt  }
0x84: {  	_ =	shalt  }
0x85: {  	_ =	shalt  }
0x86: {  	_ =	shalt  }
0x87: {  	_ =	shalt  }
.Lfunc_end0:
.L_simem_size_0:
called_computation.2_lowered:
.L_overlay_start_0:
0x88: {  	s2 =	sld [smem:$0x3FD9]  }
0x89: {  	s3 =	sld [smem:$0x3FFE];
	_ =	sdelay $0x1  }
0x8a: {  	s1 =	srdreg.scid  }
0x8b: {  	s0 =	sand.u32 $0x1, s1  }
0x8c: {  	s16 =	sshll.u32 s0, $0xA;
	s2 =	sadd.s32 s3, s2  }
0x8d: {  	s2 =	sadd.s32 s2, s16  }
0x8e: {  	[smem:$0x3FC1] =	sst s2  }
0x8f: {  	_ = 	snop  }
0x90: {  	(tm) =	ssettm $0x1  }
0x91: {  	s17 =	sld [smem:$0x3FFB];
	_ =	sdelay $0x3  }
0x92: {  	_ =	strace s17  }
0x93: {  	s2 =	sld [smem:$0x3FFC];
	_ =	sdelay $0x3  }
0x94: {  	_ =	strace s2  }
0x95: {  	s2 =	sld [smem:$0x3FFD];
	_ =	sdelay $0x3  }
0x96: {  	_ =	strace s2  }
0x97: {  	_ =	strace $0x8FFFFFFF  }
0x98: {  	s18 =	sld [smem:$0x3FDB];
	_ =	sdelay $0x1  }
0x99: {  	s19 =	simm.s32 $_scs_section_size  }
0x9a: {  	s4 =	simm.s32 $_size__tile_overlayer_lowered;
	s5 =	simm.s32 $_tile_overlayer_lowered  }
0x9b: {  	s22 =	simm.s32 $0x1BFF;
	s21 =	sshll.u32 s5, $0x1;
	s2 =	sadd.s32 s19, s18  }
0x9c: {  	s6 =	simm.s32 $0x0;
	s20 =	sshll.u32 s4, $0x1;
	s4 =	sadd.s32 s21, s2  }
0x9d: {  	[timem:s6], [sflag:s22] =	dma.local [hbm:s4], s20  }
0x9e: {  	_ =	swait.ge [sflag:s22], s20  }
0x9f: {  	s3 =	ssub.s32 $0x0, s20;
	[sflag:s22] =	ssyncset.done $0x0  }
0xa0: {  	[sflag:s22] =	ssyncadd.s32 s3;
	_ =	sdelay $0x1  }
0xa1: {  	s23 =	simm.s32 $0x1B8B  }
0xa2: {  	_ =	swait.ge [sflag:s23], $0x1  }
0xa3: {  	[sflag:s23] =	ssyncset.done $0x0  }
0xa4: {  	s25 =	simm.s32 $0x1B8E;
	s24 =	sld [smem:$0x3FFE];
	[sflag:s23] =	ssyncadd.s32 $0xFFFFFFFF  }
0xa5: {  	s26 =	simm.s32 $execute0_lowered;
	[smem:$0x3FD2] =	sst s25  }
0xa6: {  	s4 =	sshll.u32 s26, $0x1;
	_ =	strace $0x8000004C;
	[dreg:$0x1] =	wrdreg $0xFFFFFFFF  }
0xa7: {  	s28 =	simm.s32 $_size_execute0_lowered;
	s2 =	sadd.s32 s2, s4;
	[dreg:$0x0] =	wrdreg $0x0  }
0xa8: {  	s4 =	sshll.u32 s28, $0x1;
	[dreg:$0x2] =	wrdreg s2  }
0xa9: {  	[dreg:$0x3] =	wrdreg s4  }
0xaa: {  	[dreg:$0x4] =	wrdreg $0xC0  }
0xab: {  	_ =	task [dreg:s6], $0x5FFFF  }
0xac: {  	[dreg:$0x1] =	wrdreg $0xFFFFFFFF  }
0xad: {  	[dreg:$0x0] =	wrdreg $0x60  }
0xae: {  	[dreg:$0x2] =	wrdreg s24  }
0xaf: {  	[dreg:$0x3] =	wrdreg $0x0  }
0xb0: {  	[dreg:$0x4] =	wrdreg $0x9  }
0xb1: {  	_ =	task.clear_ibuf [dreg:s6], $0x5FFFF;
	_ =	strace $0x9000004C  }
0xb2: {  	s29 =	simm.s32 $0x9;
	_ =	strace $0x8000004E  }
0xb3: {  	_ =	swait.ge [sflag:s29], $0x1  }
0xb4: {  	[sflag:s29] =	ssyncadd.s32 $0xFFFFFFFF  }
0xb5: {  	_ =	strace $0x9000004E  }
0xb6: {  	_ =	sfence  }
0xb7: {  	s30 =	sld [smem:$0x0];
	_ =	sdelay $0x2  }
0xb8: {  	s31 =	sshll.u32 s1, $0xD;
	s1 =	sshrl.u32 s1, $0x2  }
0xb9: {  	s3 =	sand.u32 $0x4000, s31;
	s1 =	sadd.s32 s1, s30  }
0xba: {  	s0 =	sor.u32 s3, s0;
	s1 =	sshll.u32 s1, $0x11  }
0xbb: {  	s0 =	sor.u32 s1, s0  }
0xbc: {  	s0 =	sadd.s32 $0x8F2B, s0  }
0xbd: {  	[sflag:s0] =	ssyncadd.remote.s32 $0x1  }
0xbe: {  	_ =	sfence.sel $0xFFFF  }
0xbf: {  	[dreg:$0x0] =	wrdreg $0xFFFFFFFF;
	(pc) =	sbr.abs _section_cstart, $3  }
0xc0: {  	[dreg:$0x1] =	wrdreg $0xFFFFFFFF  }
0xc1: {  	_ =	task.clear_ibuf [dreg:s6], $0x2FFFF;
	_ =	strace $0x9FFFFFFF  }
0xc2: {  	(tm) =	ssettm $0x7FFFFFFF  }
0xc3: {  	_ =	shalt  }
tec
execute0_lowered:
.L_overlay_start_1:
0x0: {  	(tag) =	ssettag $0x1  }
0x1: {  	s12 =	stileid.u32  }
0x2: {  	s0 =	rddreg [dreg:$0x0];
	s5 =	smul.u32 $0x280, s12  }
0x3: {  	s2 =	rddreg [dreg:$0x1];
	s11 =	smul.u32 $0x3C00, s12  }
0x4: {  	s1 =	srdreg.scid;
	s3 =	simm.s32 $0x0;
	s18 =	smul.u32 $0x780, s12  }
0x5: {  	s30 =	simm.s32 $0x16800;
	s31 =	simm.s32 $0x5;
	s20 =	smul.u32 $0x1400, s12  }
0x6: {  	s1 =	sand.u32 $0x1, s1;
	[smem:$0x7FF] =	sst s3;
	s25 =	smul.u32 $0x50000, s12  }
0x7: {  	s4 =	sadd.s32 $0x16A00, s0;
	s7 =	sadd.s32 $0x2A00, s0;
	s16 =	smul.u32 $0x2800, s12  }
0x8: {  	s8 =	sadd.s32 $0xCA00, s0;
	s12 =	simm.s32 $0x16700;
	s6 =	smul.u32 $0x2800, s1  }
0x9: {  	_ =	strace $0x8000004D;
	s9 =	ssub.s32 $0x2, s1;
	p0 =	seq.s32 s1, $0x1  }
0xa: {  	s10 =	sshrl.u32 s9, $0x1;
	s19 =	sshrl.u32 s11, $0x3;
	s21 =	sadd.s32 s7, s18  }
0xb: {  	s24 =	sshrl.u32 s20, $0x3;
	s15 =	sshrl.u32 s25, $0x2;
	s11 =	simm.s32 $0x4  }
0xc: {  	s6 =	sadd.s32 s5, s6;
	s17 =	ssub.s32 s9, s10;
	[dreg:$0x3] =	wrdreg s21  }
0xd: {  	s9 =	sadd.s32 s8, s18;
	s22 =	sadd.s32 $0x280, s19;
	s1 =	sadd.s32 $0x500, s19  }
0xe: {  	s18 =	sadd.s32 $0x80, s5;
	s19 =	sadd.s32 s4, s16;
	[dreg:$0x4] =	wrdreg s9  }
0xf: {  	s21 =	sadd.s32 $0x100, s5;
	s23 =	sadd.s32 s7, s22;
	[dreg:$0xc] =	wrdreg s19  }
0x10: {  	s10 =	simm.s32 $0x3;
	s9 =	sadd.s32 s8, s22;
	[dreg:$0x5] =	wrdreg s23  }
0x11: {  	s6 =	sshll.u32 s6, $0x4;
	s26 =	sadd.s32 s7, s1;
	[dreg:$0x6] =	wrdreg s9  }
0x12: {  	s1 =	sadd.s32 s8, s1;
	s17 =	smax.u32 s17, $0x1;
	[dreg:$0x7] =	wrdreg s26  }
0x13: {  	s20 =	sshll.u32 s18, $0x4;
	s22 =	sshll.u32 s21, $0x4;
	[dreg:$0x8] =	wrdreg s1  }
0x14: {  	s0 =	sadd.s32 s6, s0;
	s9 =	sadd.s32 $0x7800, s24;
	[dreg:$0xb] =	wrdreg s17  }
0x15: {  	s1 =	sshll.u32 s18, $0x7;
	s6 =	sadd.s32 s4, s20;
	s23 =	sadd.s32 $0x180, s5  }
0x16: {  	s5 =	sadd.s32 $0x200, s5;
	s13 =	sadd.s32 s7, s9;
	s14 =	sadd.s32 s8, s9  }
0x17: {  	[dreg:$0xd] =	wrdreg s6;
	s17 =	sadd.s32 s1, s2;
	s1 =	sshll.u32 s21, $0x7  }
0x18: {  	s6 =	sadd.s32 s4, s22;
	s24 =	sshll.u32 s23, $0x4;
	s25 =	sshll.u32 s23, $0x7  }
0x19: {  	s26 =	sshll.u32 s5, $0x4;
	s5 =	sshll.u32 s5, $0x7;
	s28 =	sadd.s32 $0x40200, s0  }
0x1a: {  	s29 =	sadd.s32 $0x40A00, s0;
	s7 =	simm.s32 $0x1A800;
	[dreg:$0x9] =	wrdreg s13  }
0x1b: {  	s8 =	simm.s32 $0x1;
	s9 =	simm.s32 $0x2;
	[dreg:$0xa] =	wrdreg s14  }
0x1c: {  	s13 =	sadd.s32 s15, s2;
	[dreg:$0xe] =	wrdreg s6;
	s19 =	sadd.s32 s1, s2  }
.Ltmp0:
0x1d: {  	s1 =	sadd.s32 s4, s24;
	s21 =	sadd.s32 s25, s2;
	(pc) =	sbr.rel .LBB2_1-.Ltmp0, $4  }
0x1e: {  	s22 =	sadd.s32 s4, s26;
	s23 =	sadd.s32 s5, s2;
	s24 =	sadd.s32 $0x3EA00, s0  }
0x1f: {  	s25 =	sadd.s32 $0x3F200, s0;
	s26 =	sadd.s32 $0x3FA00, s0;
	s0 =	simm.s32 $0x14000  }
0x20: {  	s5 =	simm.s32 $0x80;
	s6 =	simm.s32 $0x14080;
	s14 =	simm.s32 $0x16780  }
0x21: {  	s15 =	simm.s32 $0x0;
	[dreg:$0xf] =	wrdreg s1;
	s1 =	simm.s32 $0x15400  }
.LBB2_11:
0x22: {  	[tilespmem:s7], [sflag:$0x2] =	stream.indirect.gather [hbm4b:s4+s5], $0x80, s18, s5, $0xb8;
	[tilespmem:$0x1E800] =	vst v63  }
.LBB2_12:
0x23: {  	_ =	swait.ge [sflag:s8], $0x4000  }
0x24: {  	[sflag:s8] =	ssyncset.done $0x0  }
0x25: {  	[sflag:s8] =	ssyncadd.s32 $0xFFFFC000  }
0x26: {  	[spmem:s2] =	stream.indirect.scatter.add.f32 [tilespmem:s30], [sflag:$0x3], $0x80, s12, s5, $0xb8;
	[tilespmem:$0x1E800] =	vst v63  }
0x27: {  	_ =	swait.ge [sflag:s9], $0x4000  }
0x28: {  	[sflag:s9] =	ssyncset.done $0x0  }
0x29: {  	[sflag:s9] =	ssyncadd.s32 $0xFFFFC000  }
0x2a: {  	[spmem:s2] =	stream.indirect.scatter.add.f32 [tilespmem:s7], [sflag:$0x4], $0x80, s14, s5, $0xb8;
	[tilespmem:$0x1E800] =	vst v63  }
0x2b: {  	_ =	swait.ge [sflag:s10], $0x4000  }
0x2c: {  	[sflag:s10] =	ssyncset.done $0x0  }
0x2d: {  	[sflag:s10] =	ssyncadd.s32 $0xFFFFC000  }
0x2e: {  	_ =	swait.ge [sflag:s11], $0x4000  }
0x2f: {  	[sflag:s11] =	ssyncset.done $0x0  }
0x30: {  	[sflag:s11] =	ssyncadd.s32 $0xFFFFC000  }
0x31: {  	[bflag:$0x0] =	sbarrier.arrive $0xFFFF  }
0x32: {  	[tilespmem:s30], [sflag:$0x5] =	stream.linear.gather [spmem:s13], $0x4000, $0x38;
	[tilespmem:$0x1E800] =	vst v63  }
0x33: {  	_ =	swait.ge [sflag:s31], $0x4000  }
0x34: {  	[sflag:s31] =	ssyncset.done $0x0  }
0x35: {  	[sflag:s31] =	ssyncadd.s32 $0xFFFFC000  }
0x36: {  	[hbm4b:s24+s3] =	stream.linear.scatter [tilespmem:s30], [sflag:$0x5], $0x4000, $0x38;
	[tilespmem:$0x1E800] =	vst v63  }
0x37: {  	_ =	swait.ge [sflag:s31], $0x4000  }
0x38: {  	[sflag:s31] =	ssyncset.done $0x0  }
0x39: {  	[sflag:s31] =	ssyncadd.s32 $0xFFFFC000  }
0x3a: {  	[tilespmem:s30], [sflag:$0x5] =	stream.linear.gather [spmem:s17], $0x4000, $0x38;
	[tilespmem:$0x1E800] =	vst v63  }
0x3b: {  	_ =	swait.ge [sflag:s31], $0x4000  }
0x3c: {  	[sflag:s31] =	ssyncset.done $0x0  }
0x3d: {  	[sflag:s31] =	ssyncadd.s32 $0xFFFFC000  }
0x3e: {  	[hbm4b:s25+s3] =	stream.linear.scatter [tilespmem:s30], [sflag:$0x5], $0x4000, $0x38;
	[tilespmem:$0x1E800] =	vst v63  }
0x3f: {  	_ =	swait.ge [sflag:s31], $0x4000  }
0x40: {  	[sflag:s31] =	ssyncset.done $0x0  }
0x41: {  	[sflag:s31] =	ssyncadd.s32 $0xFFFFC000  }
0x42: {  	[tilespmem:s30], [sflag:$0x5] =	stream.linear.gather [spmem:s19], $0x4000, $0x38;
	[tilespmem:$0x1E800] =	vst v63  }
0x43: {  	_ =	swait.ge [sflag:s31], $0x4000  }
0x44: {  	[sflag:s31] =	ssyncset.done $0x0  }
0x45: {  	[sflag:s31] =	ssyncadd.s32 $0xFFFFC000  }
0x46: {  	[hbm4b:s26+s3] =	stream.linear.scatter [tilespmem:s30], [sflag:$0x5], $0x4000, $0x38;
	[tilespmem:$0x1E800] =	vst v63  }
0x47: {  	_ =	swait.ge [sflag:s31], $0x4000  }
0x48: {  	[sflag:s31] =	ssyncset.done $0x0  }
0x49: {  	[sflag:s31] =	ssyncadd.s32 $0xFFFFC000  }
0x4a: {  	[tilespmem:s30], [sflag:$0x5] =	stream.linear.gather [spmem:s21], $0x4000, $0x38;
	[tilespmem:$0x1E800] =	vst v63  }
0x4b: {  	_ =	swait.ge [sflag:s31], $0x4000  }
0x4c: {  	[sflag:s31] =	ssyncset.done $0x0  }
0x4d: {  	[sflag:s31] =	ssyncadd.s32 $0xFFFFC000  }
0x4e: {  	[hbm4b:s28+s3] =	stream.linear.scatter [tilespmem:s30], [sflag:$0x5], $0x4000, $0x38;
	[tilespmem:$0x1E800] =	vst v63  }
0x4f: {  	_ =	swait.ge [sflag:s31], $0x4000  }
0x50: {  	[sflag:s31] =	ssyncset.done $0x0  }
0x51: {  	[sflag:s31] =	ssyncadd.s32 $0xFFFFC000  }
0x52: {  	[tilespmem:s30], [sflag:$0x5] =	stream.linear.gather [spmem:s23], $0x4000, $0x38;
	[tilespmem:$0x1E800] =	vst v63  }
0x53: {  	_ =	swait.ge [sflag:s31], $0x4000  }
0x54: {  	[sflag:s31] =	ssyncset.done $0x0  }
0x55: {  	[sflag:s31] =	ssyncadd.s32 $0xFFFFC000  }
0x56: {  	[hbm4b:s29+s3] =	stream.linear.scatter [tilespmem:s30], [sflag:$0x5], $0x4000, $0x38;
	[tilespmem:$0x1E800] =	vst v63  }
0x57: {  	_ =	swait.ge [sflag:s31], $0x4000  }
0x58: {  	s15 =	sadd.s32 $0x1, s15;
	s16 =	rddreg [dreg:$0xb]  }
0x59: {  	p1 =	sne.s32 s15, s16  }
.Ltmp1:
0x5a: {  	_ = 	snop;
	(pc) =	sbr.rel @!p1 .LBB2_13-.Ltmp1, $3  }
0x5b: {  	_ =	sdelay $0x1  }
0x5c: {  	[sflag:s31] =	ssyncset.done $0x0  }
0x5d: {  	[sflag:s31] =	ssyncadd.s32 $0xFFFFC000  }
.LBB2_1:
0x5e: {  	s16 =	rddreg [dreg:$0xc]  }
0x5f: {  	[tilespmem:s30], [sflag:$0x5] =	stream.linear.gather [hbm4b:s16+s3], $0x4000, $0x38;
	[tilespmem:$0x1E800] =	vst v63  }
0x60: {  	_ =	swait.ge [sflag:s31], $0x4000  }
0x61: {  	[sflag:s31] =	ssyncset.done $0x0  }
0x62: {  	[sflag:s31] =	ssyncadd.s32 $0xFFFFC000  }
0x63: {  	[spmem:s13] =	stream.linear.scatter [tilespmem:s30], [sflag:$0x5], $0x4000, $0x38;
	[tilespmem:$0x1E800] =	vst v63  }
0x64: {  	_ =	swait.ge [sflag:s31], $0x4000  }
0x65: {  	[sflag:s31] =	ssyncset.done $0x0  }
0x66: {  	s20 =	rddreg [dreg:$0xd];
	[sflag:s31] =	ssyncadd.s32 $0xFFFFC000  }
0x67: {  	[tilespmem:s30], [sflag:$0x5] =	stream.linear.gather [hbm4b:s20+s3], $0x4000, $0x38;
	[tilespmem:$0x1E800] =	vst v63  }
0x68: {  	_ =	swait.ge [sflag:s31], $0x4000  }
0x69: {  	[sflag:s31] =	ssyncset.done $0x0  }
0x6a: {  	[sflag:s31] =	ssyncadd.s32 $0xFFFFC000  }
0x6b: {  	[spmem:s17] =	stream.linear.scatter [tilespmem:s30], [sflag:$0x5], $0x4000, $0x38;
	[tilespmem:$0x1E800] =	vst v63  }
0x6c: {  	_ =	swait.ge [sflag:s31], $0x4000  }
0x6d: {  	[sflag:s31] =	ssyncset.done $0x0  }
0x6e: {  	s18 =	rddreg [dreg:$0xe];
	[sflag:s31] =	ssyncadd.s32 $0xFFFFC000  }
0x6f: {  	[tilespmem:s30], [sflag:$0x5] =	stream.linear.gather [hbm4b:s18+s3], $0x4000, $0x38;
	[tilespmem:$0x1E800] =	vst v63  }
0x70: {  	_ =	swait.ge [sflag:s31], $0x4000  }
0x71: {  	[sflag:s31] =	ssyncset.done $0x0  }
0x72: {  	[sflag:s31] =	ssyncadd.s32 $0xFFFFC000  }
0x73: {  	[spmem:s19] =	stream.linear.scatter [tilespmem:s30], [sflag:$0x5], $0x4000, $0x38;
	[tilespmem:$0x1E800] =	vst v63  }
0x74: {  	_ =	swait.ge [sflag:s31], $0x4000  }
0x75: {  	[sflag:s31] =	ssyncset.done $0x0  }
0x76: {  	s20 =	rddreg [dreg:$0xf];
	[sflag:s31] =	ssyncadd.s32 $0xFFFFC000  }
0x77: {  	[tilespmem:s30], [sflag:$0x5] =	stream.linear.gather [hbm4b:s20+s3], $0x4000, $0x38;
	[tilespmem:$0x1E800] =	vst v63  }
0x78: {  	_ =	swait.ge [sflag:s31], $0x4000  }
0x79: {  	[sflag:s31] =	ssyncset.done $0x0  }
0x7a: {  	[sflag:s31] =	ssyncadd.s32 $0xFFFFC000  }
0x7b: {  	[spmem:s21] =	stream.linear.scatter [tilespmem:s30], [sflag:$0x5], $0x4000, $0x38;
	[tilespmem:$0x1E800] =	vst v63  }
0x7c: {  	_ =	swait.ge [sflag:s31], $0x4000  }
0x7d: {  	[sflag:s31] =	ssyncset.done $0x0  }
0x7e: {  	[sflag:s31] =	ssyncadd.s32 $0xFFFFC000  }
0x7f: {  	[tilespmem:s30], [sflag:$0x5] =	stream.linear.gather [hbm4b:s22+s3], $0x4000, $0x38;
	[tilespmem:$0x1E800] =	vst v63  }
0x80: {  	_ =	swait.ge [sflag:s31], $0x4000  }
0x81: {  	[sflag:s31] =	ssyncset.done $0x0  }
0x82: {  	[sflag:s31] =	ssyncadd.s32 $0xFFFFC000  }
0x83: {  	[spmem:s23] =	stream.linear.scatter [tilespmem:s30], [sflag:$0x5], $0x4000, $0x38;
	[tilespmem:$0x1E800] =	vst v63  }
.Ltmp2:
0x84: {  	_ =	swait.ge [sflag:s31], $0x4000;
	(pc) =	sbr.rel @!p0 .LBB2_2-.Ltmp2, $4  }
0x85: {  	[sflag:s31] =	ssyncset.done $0x0  }
0x86: {  	[sflag:s31] =	ssyncadd.s32 $0xFFFFC000  }
0x87: {  	[bflag:$0x0] =	sbarrier.arrive $0xFFFF  }
0x88: {  	s16 =	simm.s32 $0x0  }
0x89: {  	s18 =	rddreg [dreg:$0x9]  }
0x8a: {  	[tilespmem:s0], [sflag:$0x5] =	stream.linear.gather [hbm4b:s18+s16], $0x1400, $0x38;
	[tilespmem:$0x1E800] =	vst v63  }
0x8b: {  	_ =	swait.ge [sflag:s31], $0x1400  }
0x8c: {  	[sflag:s31] =	ssyncset.done $0x0  }
0x8d: {  	s20 =	rddreg [dreg:$0xa];
	[sflag:s31] =	ssyncadd.s32 $0xFFFFEC00  }
0x8e: {  	[tilespmem:s1], [sflag:$0x5] =	stream.linear.gather [hbm4b:s20+s16], $0x1400, $0x38;
	[tilespmem:$0x1E800] =	vst v63  }
0x8f: {  	_ =	swait.ge [sflag:s31], $0x1400  }
0x90: {  	[sflag:s31] =	ssyncset.done $0x0  }
0x91: {  	[sflag:s31] =	ssyncadd.s32 $0xFFFFEC00  }
0x92: {  	[tilespmem:s30], [sflag:$0x1] =	stream.indirect.gather [hbm4b:s4+s5], $0x80, s0, s5, $0xb8;
	[tilespmem:$0x1E800] =	vst v63  }
0x93: {  	_ = 	snop  }
0x94: {  	[tilespmem:s7], [sflag:$0x2] =	stream.indirect.gather [hbm4b:s4+s5], $0x80, s6, s5, $0xb8;
	[tilespmem:$0x1E800] =	vst v63  }
0x95: {  	_ =	swait.ge [sflag:s8], $0x4000  }
0x96: {  	[sflag:s8] =	ssyncset.done $0x0  }
0x97: {  	s20 =	simm.s32 $0x15400;
	[sflag:s8] =	ssyncadd.s32 $0xFFFFC000  }
0x98: {  	[spmem:s2] =	stream.indirect.scatter.add.f32 [tilespmem:s30], [sflag:$0x3], $0x80, s20, s5, $0xb8;
	[tilespmem:$0x1E800] =	vst v63  }
0x99: {  	_ =	swait.ge [sflag:s9], $0x4000  }
0x9a: {  	[sflag:s9] =	ssyncset.done $0x0  }
0x9b: {  	s18 =	simm.s32 $0x15480;
	[sflag:s9] =	ssyncadd.s32 $0xFFFFC000  }
0x9c: {  	[spmem:s2] =	stream.indirect.scatter.add.f32 [tilespmem:s7], [sflag:$0x4], $0x80, s18, s5, $0xb8;
	[tilespmem:$0x1E800] =	vst v63  }
0x9d: {  	_ =	swait.ge [sflag:s10], $0x4000  }
0x9e: {  	[sflag:s10] =	ssyncset.done $0x0  }
0x9f: {  	s20 =	simm.s32 $0x14100;
	[sflag:s10] =	ssyncadd.s32 $0xFFFFC000  }
0xa0: {  	[tilespmem:s30], [sflag:$0x1] =	stream.indirect.gather [hbm4b:s4+s5], $0x80, s20, s5, $0xb8;
	[tilespmem:$0x1E800] =	vst v63  }
0xa1: {  	_ =	swait.ge [sflag:s11], $0x4000  }
0xa2: {  	[sflag:s11] =	ssyncset.done $0x0  }
0xa3: {  	s16 =	simm.s32 $0x400;
	s18 =	simm.s32 $0x14180;
	[sflag:s11] =	ssyncadd.s32 $0xFFFFC000  }
.LBB2_10:
0xa4: {  	[tilespmem:s7], [sflag:$0x2] =	stream.indirect.gather [hbm4b:s4+s5], $0x80, s18, s5, $0xb8;
	[tilespmem:$0x1E800] =	vst v63  }
0xa5: {  	s18 =	smov.u32 s16  }
0xa6: {  	p1 =	sne.s32 s16, $0x4800;
	s16 =	sadd.s32 $0x400, s16;
	_ =	swait.ge [sflag:s8], $0x4000  }
0xa7: {  	s18 =	sshra.s32 s18, $0x2;
	[sflag:s8] =	ssyncset.done $0x0  }
0xa8: {  	s20 =	sadd.s32 $0x15400, s18;
	[sflag:s8] =	ssyncadd.s32 $0xFFFFC000  }
0xa9: {  	[spmem:s2] =	stream.indirect.scatter.add.f32 [tilespmem:s30], [sflag:$0x3], $0x80, s20, s5, $0xb8;
	[tilespmem:$0x1E800] =	vst v63  }
0xaa: {  	_ =	swait.ge [sflag:s9], $0x4000  }
0xab: {  	[sflag:s9] =	ssyncset.done $0x0  }
0xac: {  	s20 =	sadd.s32 $0x15480, s18;
	[sflag:s9] =	ssyncadd.s32 $0xFFFFC000  }
0xad: {  	[spmem:s2] =	stream.indirect.scatter.add.f32 [tilespmem:s7], [sflag:$0x4], $0x80, s20, s5, $0xb8;
	[tilespmem:$0x1E800] =	vst v63  }
0xae: {  	_ =	swait.ge [sflag:s10], $0x4000  }
0xaf: {  	[sflag:s10] =	ssyncset.done $0x0  }
.Ltmp3:
0xb0: {  	s20 =	sadd.s32 $0x14100, s18;
	[sflag:s10] =	ssyncadd.s32 $0xFFFFC000;
	(pc) =	sbr.rel @p1 .LBB2_10-.Ltmp3, $4  }
0xb1: {  	[tilespmem:s30], [sflag:$0x1] =	stream.indirect.gather [hbm4b:s4+s5], $0x80, s20, s5, $0xb8;
	[tilespmem:$0x1E800] =	vst v63  }
0xb2: {  	_ =	swait.ge [sflag:s11], $0x4000  }
0xb3: {  	[sflag:s11] =	ssyncset.done $0x0  }
0xb4: {  	s18 =	sadd.s32 $0x14180, s18;
	[sflag:s11] =	ssyncadd.s32 $0xFFFFC000  }
.Ltmp4:
0xb5: {  	_ = 	snop;
	(pc) =	sbr.rel .LBB2_11-.Ltmp4, $1  }
0xb6: {  	_ =	sdelay $0x3  }
.LBB2_2:
0xb7: {  	s18 =	rddreg [dreg:$0x3]  }
0xb8: {  	[tilespmem:s0], [sflag:$0x5] =	stream.linear.gather [hbm4b:s18+s16], $0x1400, $0x38;
	[tilespmem:$0x1E800] =	vst v63  }
0xb9: {  	_ =	swait.ge [sflag:s31], $0x1400  }
0xba: {  	[sflag:s31] =	ssyncset.done $0x0  }
0xbb: {  	s20 =	rddreg [dreg:$0x4];
	[sflag:s31] =	ssyncadd.s32 $0xFFFFEC00  }
0xbc: {  	[tilespmem:s1], [sflag:$0x5] =	stream.linear.gather [hbm4b:s20+s16], $0x1400, $0x38;
	[tilespmem:$0x1E800] =	vst v63  }
0xbd: {  	_ =	swait.ge [sflag:s31], $0x1400  }
0xbe: {  	[sflag:s31] =	ssyncset.done $0x0  }
0xbf: {  	[sflag:s31] =	ssyncadd.s32 $0xFFFFEC00  }
0xc0: {  	[tilespmem:s30], [sflag:$0x1] =	stream.indirect.gather [hbm4b:s4+s5], $0x80, s0, s5, $0xb8;
	[tilespmem:$0x1E800] =	vst v63  }
0xc1: {  	_ = 	snop  }
0xc2: {  	[tilespmem:s7], [sflag:$0x2] =	stream.indirect.gather [hbm4b:s4+s5], $0x80, s6, s5, $0xb8;
	[tilespmem:$0x1E800] =	vst v63  }
0xc3: {  	_ =	swait.ge [sflag:s8], $0x4000  }
0xc4: {  	[sflag:s8] =	ssyncset.done $0x0  }
0xc5: {  	s20 =	simm.s32 $0x15400;
	[sflag:s8] =	ssyncadd.s32 $0xFFFFC000  }
0xc6: {  	[spmem:s2] =	stream.indirect.scatter.add.f32 [tilespmem:s30], [sflag:$0x3], $0x80, s20, s5, $0xb8;
	[tilespmem:$0x1E800] =	vst v63  }
0xc7: {  	_ =	swait.ge [sflag:s9], $0x4000  }
0xc8: {  	[sflag:s9] =	ssyncset.done $0x0  }
0xc9: {  	s18 =	simm.s32 $0x15480;
	[sflag:s9] =	ssyncadd.s32 $0xFFFFC000  }
0xca: {  	[spmem:s2] =	stream.indirect.scatter.add.f32 [tilespmem:s7], [sflag:$0x4], $0x80, s18, s5, $0xb8;
	[tilespmem:$0x1E800] =	vst v63  }
0xcb: {  	_ =	swait.ge [sflag:s10], $0x4000  }
0xcc: {  	[sflag:s10] =	ssyncset.done $0x0  }
0xcd: {  	s20 =	simm.s32 $0x14100;
	[sflag:s10] =	ssyncadd.s32 $0xFFFFC000  }
0xce: {  	[tilespmem:s30], [sflag:$0x1] =	stream.indirect.gather [hbm4b:s4+s5], $0x80, s20, s5, $0xb8;
	[tilespmem:$0x1E800] =	vst v63  }
0xcf: {  	_ =	swait.ge [sflag:s11], $0x4000  }
0xd0: {  	[sflag:s11] =	ssyncset.done $0x0  }
0xd1: {  	s16 =	simm.s32 $0x400;
	s18 =	simm.s32 $0x14180;
	[sflag:s11] =	ssyncadd.s32 $0xFFFFC000  }
.LBB2_3:
0xd2: {  	[tilespmem:s7], [sflag:$0x2] =	stream.indirect.gather [hbm4b:s4+s5], $0x80, s18, s5, $0xb8;
	[tilespmem:$0x1E800] =	vst v63  }
0xd3: {  	s18 =	smov.u32 s16  }
0xd4: {  	p1 =	sne.s32 s16, $0x4800;
	s16 =	sadd.s32 $0x400, s16;
	_ =	swait.ge [sflag:s8], $0x4000  }
0xd5: {  	s18 =	sshra.s32 s18, $0x2;
	[sflag:s8] =	ssyncset.done $0x0  }
0xd6: {  	s20 =	sadd.s32 $0x15400, s18;
	[sflag:s8] =	ssyncadd.s32 $0xFFFFC000  }
0xd7: {  	[spmem:s2] =	stream.indirect.scatter.add.f32 [tilespmem:s30], [sflag:$0x3], $0x80, s20, s5, $0xb8;
	[tilespmem:$0x1E800] =	vst v63  }
0xd8: {  	_ =	swait.ge [sflag:s9], $0x4000  }
0xd9: {  	[sflag:s9] =	ssyncset.done $0x0  }
0xda: {  	s20 =	sadd.s32 $0x15480, s18;
	[sflag:s9] =	ssyncadd.s32 $0xFFFFC000  }
0xdb: {  	[spmem:s2] =	stream.indirect.scatter.add.f32 [tilespmem:s7], [sflag:$0x4], $0x80, s20, s5, $0xb8;
	[tilespmem:$0x1E800] =	vst v63  }
0xdc: {  	_ =	swait.ge [sflag:s10], $0x4000  }
0xdd: {  	[sflag:s10] =	ssyncset.done $0x0  }
.Ltmp5:
0xde: {  	s20 =	sadd.s32 $0x14100, s18;
	[sflag:s10] =	ssyncadd.s32 $0xFFFFC000;
	(pc) =	sbr.rel @p1 .LBB2_3-.Ltmp5, $4  }
0xdf: {  	[tilespmem:s30], [sflag:$0x1] =	stream.indirect.gather [hbm4b:s4+s5], $0x80, s20, s5, $0xb8;
	[tilespmem:$0x1E800] =	vst v63  }
0xe0: {  	_ =	swait.ge [sflag:s11], $0x4000  }
0xe1: {  	[sflag:s11] =	ssyncset.done $0x0  }
0xe2: {  	s18 =	sadd.s32 $0x14180, s18;
	[sflag:s11] =	ssyncadd.s32 $0xFFFFC000  }
0xe3: {  	[tilespmem:s7], [sflag:$0x2] =	stream.indirect.gather [hbm4b:s4+s5], $0x80, s18, s5, $0xb8;
	[tilespmem:$0x1E800] =	vst v63  }
0xe4: {  	_ =	swait.ge [sflag:s8], $0x4000  }
0xe5: {  	[sflag:s8] =	ssyncset.done $0x0  }
0xe6: {  	[sflag:s8] =	ssyncadd.s32 $0xFFFFC000  }
0xe7: {  	[spmem:s2] =	stream.indirect.scatter.add.f32 [tilespmem:s30], [sflag:$0x3], $0x80, s12, s5, $0xb8;
	[tilespmem:$0x1E800] =	vst v63  }
0xe8: {  	_ =	swait.ge [sflag:s9], $0x4000  }
0xe9: {  	[sflag:s9] =	ssyncset.done $0x0  }
0xea: {  	[sflag:s9] =	ssyncadd.s32 $0xFFFFC000  }
0xeb: {  	[spmem:s2] =	stream.indirect.scatter.add.f32 [tilespmem:s7], [sflag:$0x4], $0x80, s14, s5, $0xb8;
	[tilespmem:$0x1E800] =	vst v63  }
0xec: {  	_ =	swait.ge [sflag:s10], $0x4000  }
0xed: {  	[sflag:s10] =	ssyncset.done $0x0  }
0xee: {  	[sflag:s10] =	ssyncadd.s32 $0xFFFFC000  }
0xef: {  	_ =	swait.ge [sflag:s11], $0x4000  }
0xf0: {  	[sflag:s11] =	ssyncset.done $0x0  }
0xf1: {  	s16 =	simm.s32 $0x0;
	s20 =	rddreg [dreg:$0x5];
	[sflag:s11] =	ssyncadd.s32 $0xFFFFC000  }
0xf2: {  	[tilespmem:s0], [sflag:$0x5] =	stream.linear.gather [hbm4b:s20+s16], $0x1400, $0x38;
	[tilespmem:$0x1E800] =	vst v63  }
0xf3: {  	_ =	swait.ge [sflag:s31], $0x1400  }
0xf4: {  	[sflag:s31] =	ssyncset.done $0x0  }
0xf5: {  	s20 =	rddreg [dreg:$0x6];
	[sflag:s31] =	ssyncadd.s32 $0xFFFFEC00  }
0xf6: {  	[tilespmem:s1], [sflag:$0x5] =	stream.linear.gather [hbm4b:s20+s16], $0x1400, $0x38;
	[tilespmem:$0x1E800] =	vst v63  }
0xf7: {  	_ =	swait.ge [sflag:s31], $0x1400  }
0xf8: {  	[sflag:s31] =	ssyncset.done $0x0  }
0xf9: {  	[sflag:s31] =	ssyncadd.s32 $0xFFFFEC00  }
0xfa: {  	[tilespmem:s30], [sflag:$0x1] =	stream.indirect.gather [hbm4b:s4+s5], $0x80, s0, s5, $0xb8;
	[tilespmem:$0x1E800] =	vst v63  }
0xfb: {  	_ = 	snop  }
0xfc: {  	[tilespmem:s7], [sflag:$0x2] =	stream.indirect.gather [hbm4b:s4+s5], $0x80, s6, s5, $0xb8;
	[tilespmem:$0x1E800] =	vst v63  }
0xfd: {  	_ =	swait.ge [sflag:s8], $0x4000  }
0xfe: {  	[sflag:s8] =	ssyncset.done $0x0  }
0xff: {  	s20 =	simm.s32 $0x15400;
	[sflag:s8] =	ssyncadd.s32 $0xFFFFC000  }
0x100: {  	[spmem:s2] =	stream.indirect.scatter.add.f32 [tilespmem:s30], [sflag:$0x3], $0x80, s20, s5, $0xb8;
	[tilespmem:$0x1E800] =	vst v63  }
0x101: {  	_ =	swait.ge [sflag:s9], $0x4000  }
0x102: {  	[sflag:s9] =	ssyncset.done $0x0  }
0x103: {  	s18 =	simm.s32 $0x15480;
	[sflag:s9] =	ssyncadd.s32 $0xFFFFC000  }
0x104: {  	[spmem:s2] =	stream.indirect.scatter.add.f32 [tilespmem:s7], [sflag:$0x4], $0x80, s18, s5, $0xb8;
	[tilespmem:$0x1E800] =	vst v63  }
0x105: {  	_ =	swait.ge [sflag:s10], $0x4000  }
0x106: {  	[sflag:s10] =	ssyncset.done $0x0  }
0x107: {  	s20 =	simm.s32 $0x14100;
	[sflag:s10] =	ssyncadd.s32 $0xFFFFC000  }
0x108: {  	[tilespmem:s30], [sflag:$0x1] =	stream.indirect.gather [hbm4b:s4+s5], $0x80, s20, s5, $0xb8;
	[tilespmem:$0x1E800] =	vst v63  }
0x109: {  	_ =	swait.ge [sflag:s11], $0x4000  }
0x10a: {  	[sflag:s11] =	ssyncset.done $0x0  }
0x10b: {  	s16 =	simm.s32 $0x400;
	s18 =	simm.s32 $0x14180;
	[sflag:s11] =	ssyncadd.s32 $0xFFFFC000  }
.LBB2_5:
0x10c: {  	[tilespmem:s7], [sflag:$0x2] =	stream.indirect.gather [hbm4b:s4+s5], $0x80, s18, s5, $0xb8;
	[tilespmem:$0x1E800] =	vst v63  }
0x10d: {  	s18 =	smov.u32 s16  }
0x10e: {  	p1 =	sne.s32 s16, $0x4800;
	s16 =	sadd.s32 $0x400, s16;
	_ =	swait.ge [sflag:s8], $0x4000  }
0x10f: {  	s18 =	sshra.s32 s18, $0x2;
	[sflag:s8] =	ssyncset.done $0x0  }
0x110: {  	s20 =	sadd.s32 $0x15400, s18;
	[sflag:s8] =	ssyncadd.s32 $0xFFFFC000  }
0x111: {  	[spmem:s2] =	stream.indirect.scatter.add.f32 [tilespmem:s30], [sflag:$0x3], $0x80, s20, s5, $0xb8;
	[tilespmem:$0x1E800] =	vst v63  }
0x112: {  	_ =	swait.ge [sflag:s9], $0x4000  }
0x113: {  	[sflag:s9] =	ssyncset.done $0x0  }
0x114: {  	s20 =	sadd.s32 $0x15480, s18;
	[sflag:s9] =	ssyncadd.s32 $0xFFFFC000  }
0x115: {  	[spmem:s2] =	stream.indirect.scatter.add.f32 [tilespmem:s7], [sflag:$0x4], $0x80, s20, s5, $0xb8;
	[tilespmem:$0x1E800] =	vst v63  }
0x116: {  	_ =	swait.ge [sflag:s10], $0x4000  }
0x117: {  	[sflag:s10] =	ssyncset.done $0x0  }
.Ltmp6:
0x118: {  	s20 =	sadd.s32 $0x14100, s18;
	[sflag:s10] =	ssyncadd.s32 $0xFFFFC000;
	(pc) =	sbr.rel @p1 .LBB2_5-.Ltmp6, $4  }
0x119: {  	[tilespmem:s30], [sflag:$0x1] =	stream.indirect.gather [hbm4b:s4+s5], $0x80, s20, s5, $0xb8;
	[tilespmem:$0x1E800] =	vst v63  }
0x11a: {  	_ =	swait.ge [sflag:s11], $0x4000  }
0x11b: {  	[sflag:s11] =	ssyncset.done $0x0  }
0x11c: {  	s18 =	sadd.s32 $0x14180, s18;
	[sflag:s11] =	ssyncadd.s32 $0xFFFFC000  }
0x11d: {  	[tilespmem:s7], [sflag:$0x2] =	stream.indirect.gather [hbm4b:s4+s5], $0x80, s18, s5, $0xb8;
	[tilespmem:$0x1E800] =	vst v63  }
0x11e: {  	_ =	swait.ge [sflag:s8], $0x4000  }
0x11f: {  	[sflag:s8] =	ssyncset.done $0x0  }
0x120: {  	[sflag:s8] =	ssyncadd.s32 $0xFFFFC000  }
0x121: {  	[spmem:s2] =	stream.indirect.scatter.add.f32 [tilespmem:s30], [sflag:$0x3], $0x80, s12, s5, $0xb8;
	[tilespmem:$0x1E800] =	vst v63  }
0x122: {  	_ =	swait.ge [sflag:s9], $0x4000  }
0x123: {  	[sflag:s9] =	ssyncset.done $0x0  }
0x124: {  	[sflag:s9] =	ssyncadd.s32 $0xFFFFC000  }
0x125: {  	[spmem:s2] =	stream.indirect.scatter.add.f32 [tilespmem:s7], [sflag:$0x4], $0x80, s14, s5, $0xb8;
	[tilespmem:$0x1E800] =	vst v63  }
0x126: {  	_ =	swait.ge [sflag:s10], $0x4000  }
0x127: {  	[sflag:s10] =	ssyncset.done $0x0  }
0x128: {  	[sflag:s10] =	ssyncadd.s32 $0xFFFFC000  }
0x129: {  	_ =	swait.ge [sflag:s11], $0x4000  }
0x12a: {  	[sflag:s11] =	ssyncset.done $0x0  }
0x12b: {  	s16 =	simm.s32 $0x0;
	s20 =	rddreg [dreg:$0x7];
	[sflag:s11] =	ssyncadd.s32 $0xFFFFC000  }
0x12c: {  	[tilespmem:s0], [sflag:$0x5] =	stream.linear.gather [hbm4b:s20+s16], $0x1400, $0x38;
	[tilespmem:$0x1E800] =	vst v63  }
0x12d: {  	_ =	swait.ge [sflag:s31], $0x1400  }
0x12e: {  	[sflag:s31] =	ssyncset.done $0x0  }
0x12f: {  	s20 =	rddreg [dreg:$0x8];
	[sflag:s31] =	ssyncadd.s32 $0xFFFFEC00  }
0x130: {  	[tilespmem:s1], [sflag:$0x5] =	stream.linear.gather [hbm4b:s20+s16], $0x1400, $0x38;
	[tilespmem:$0x1E800] =	vst v63  }
0x131: {  	_ =	swait.ge [sflag:s31], $0x1400  }
0x132: {  	[sflag:s31] =	ssyncset.done $0x0  }
0x133: {  	[sflag:s31] =	ssyncadd.s32 $0xFFFFEC00  }
0x134: {  	[tilespmem:s30], [sflag:$0x1] =	stream.indirect.gather [hbm4b:s4+s5], $0x80, s0, s5, $0xb8;
	[tilespmem:$0x1E800] =	vst v63  }
0x135: {  	_ = 	snop  }
0x136: {  	[tilespmem:s7], [sflag:$0x2] =	stream.indirect.gather [hbm4b:s4+s5], $0x80, s6, s5, $0xb8;
	[tilespmem:$0x1E800] =	vst v63  }
0x137: {  	_ =	swait.ge [sflag:s8], $0x4000  }
0x138: {  	[sflag:s8] =	ssyncset.done $0x0  }
0x139: {  	s20 =	simm.s32 $0x15400;
	[sflag:s8] =	ssyncadd.s32 $0xFFFFC000  }
0x13a: {  	[spmem:s2] =	stream.indirect.scatter.add.f32 [tilespmem:s30], [sflag:$0x3], $0x80, s20, s5, $0xb8;
	[tilespmem:$0x1E800] =	vst v63  }
0x13b: {  	_ =	swait.ge [sflag:s9], $0x4000  }
0x13c: {  	[sflag:s9] =	ssyncset.done $0x0  }
0x13d: {  	s18 =	simm.s32 $0x15480;
	[sflag:s9] =	ssyncadd.s32 $0xFFFFC000  }
0x13e: {  	[spmem:s2] =	stream.indirect.scatter.add.f32 [tilespmem:s7], [sflag:$0x4], $0x80, s18, s5, $0xb8;
	[tilespmem:$0x1E800] =	vst v63  }
0x13f: {  	_ =	swait.ge [sflag:s10], $0x4000  }
0x140: {  	[sflag:s10] =	ssyncset.done $0x0  }
0x141: {  	s20 =	simm.s32 $0x14100;
	[sflag:s10] =	ssyncadd.s32 $0xFFFFC000  }
0x142: {  	[tilespmem:s30], [sflag:$0x1] =	stream.indirect.gather [hbm4b:s4+s5], $0x80, s20, s5, $0xb8;
	[tilespmem:$0x1E800] =	vst v63  }
0x143: {  	_ =	swait.ge [sflag:s11], $0x4000  }
0x144: {  	[sflag:s11] =	ssyncset.done $0x0  }
0x145: {  	s16 =	simm.s32 $0x400;
	s18 =	simm.s32 $0x14180;
	[sflag:s11] =	ssyncadd.s32 $0xFFFFC000  }
.LBB2_7:
0x146: {  	[tilespmem:s7], [sflag:$0x2] =	stream.indirect.gather [hbm4b:s4+s5], $0x80, s18, s5, $0xb8;
	[tilespmem:$0x1E800] =	vst v63  }
0x147: {  	s18 =	smov.u32 s16  }
0x148: {  	p1 =	seq.s32 s16, $0x4800;
	s16 =	sadd.s32 $0x400, s16;
	_ =	swait.ge [sflag:s8], $0x4000  }
0x149: {  	s18 =	sshra.s32 s18, $0x2;
	[sflag:s8] =	ssyncset.done $0x0  }
0x14a: {  	s20 =	sadd.s32 $0x15400, s18;
	[sflag:s8] =	ssyncadd.s32 $0xFFFFC000  }
0x14b: {  	[spmem:s2] =	stream.indirect.scatter.add.f32 [tilespmem:s30], [sflag:$0x3], $0x80, s20, s5, $0xb8;
	[tilespmem:$0x1E800] =	vst v63  }
0x14c: {  	_ =	swait.ge [sflag:s9], $0x4000  }
0x14d: {  	[sflag:s9] =	ssyncset.done $0x0  }
0x14e: {  	s20 =	sadd.s32 $0x15480, s18;
	[sflag:s9] =	ssyncadd.s32 $0xFFFFC000  }
0x14f: {  	[spmem:s2] =	stream.indirect.scatter.add.f32 [tilespmem:s7], [sflag:$0x4], $0x80, s20, s5, $0xb8;
	[tilespmem:$0x1E800] =	vst v63  }
0x150: {  	_ =	swait.ge [sflag:s10], $0x4000  }
0x151: {  	[sflag:s10] =	ssyncset.done $0x0  }
.Ltmp7:
0x152: {  	s20 =	sadd.s32 $0x14100, s18;
	[sflag:s10] =	ssyncadd.s32 $0xFFFFC000;
	(pc) =	sbr.rel @!p1 .LBB2_7-.Ltmp7, $4  }
0x153: {  	[tilespmem:s30], [sflag:$0x1] =	stream.indirect.gather [hbm4b:s4+s5], $0x80, s20, s5, $0xb8;
	[tilespmem:$0x1E800] =	vst v63  }
0x154: {  	_ =	swait.ge [sflag:s11], $0x4000  }
0x155: {  	[sflag:s11] =	ssyncset.done $0x0  }
0x156: {  	s18 =	sadd.s32 $0x14180, s18;
	[sflag:s11] =	ssyncadd.s32 $0xFFFFC000  }
.Ltmp8:
0x157: {  	(pc) =	sbr.rel .LBB2_12-.Ltmp8, $2  }
0x158: {  	_ =	sdelay $0x2  }
0x159: {  	[tilespmem:s7], [sflag:$0x2] =	stream.indirect.gather [hbm4b:s4+s5], $0x80, s18, s5, $0xb8;
	[tilespmem:$0x1E800] =	vst v63  }
.LBB2_13:
0x15a: {  	_ =	sfence.sel $0x180000  }
0x15b: {  	[bflag:$0x0] =	sbarrier.arrive $0xFFFF  }
0x15c: {  	_ =	strace $0x9000004D  }
0x15d: {  	s0 =	stileid.u32;
	[bflag:$0x2] =	sbarrier.arrive $0xFFFF  }
0x15e: {  	p0 =	sne.s32 s0, $0x0;
	s0 =	rddreg [dreg:$0x2]  }
0x15f: {  	s0 =	sadd.s32 @!p0 $0x100000, s0  }
0x160: {  	[sflag:s0] =	ssyncadd.tile.s32 @!p0 $0x1;
	_ =	shalt  }
.Lfunc_end2:
_tile_overlayer_lowered:
.L_overlay_start_2:
0x161: {  	(tag) =	ssettag $0x2  }
0x162: {  	s0 =	rddreg [dreg:$0x0];
	s2 =	stileid.u32  }
0x163: {  	s1 =	rddreg [dreg:$0x1];
	p0 =	sne.s32 s2, $0x0  }
0x164: {  	s3 =	rddreg [dreg:$0x2];
	[bflag:$0x3] =	sbarrier.arrive $0xFFFF;
	s2 =	simm.s32 @!p0 $0x1C05  }
0x165: {  	[timem:s3], [sflag:s2] =	dma.local @!p0 [hbm:s0], s1  }
0x166: {  	s0 =	simm.s32 @!p0 $0x5  }
0x167: {  	_ =	swait.ge @!p0 [sflag:s0], s1  }
0x168: {  	s1 =	ssub.s32 @!p0 $0x0, s1;
	[sflag:s0] =	ssyncset.done @!p0 $0x0  }
0x169: {  	[sflag:s0] =	ssyncadd.s32 @!p0 s1  }
0x16a: {  	[bflag:$0x3] =	sbarrier.arrive $0xFFFF  }
0x16b: {  	_ =	shalt  }

// kernel: kernel.8.cloned.1.call-start
scs
__scs_entry_jumppad:
0x0: {  	(pc) =	sbr.rel $0x88, $3  }
0x1: {  	(tag) =	ssettag $0x0;
	lr =	simm.s32 $0x1  }
0x2: {  	[smem:$0x3F9A] =	sst lr;
	_ =	strace $0xD0000000  }
0x3: {  	_ = 	snop  }
0x4: {  	_ = 	snop  }
0x5: {  	_ = 	snop  }
0x6: {  	_ = 	snop  }
0x7: {  	_ = 	snop  }
__scs_overlays_trampoline_lowered:
0x8: {  	[smem:$0x3FA9] =	sst s0  }
0x9: {  	[smem:$0x3FAA] =	sst s1  }
0xa: {  	[smem:$0x3FAB] =	sst s2  }
0xb: {  	[smem:$0x3FAC] =	sst s3  }
0xc: {  	[smem:$0x3FAD] =	sst s4  }
0xd: {  	[smem:$0x3FAE] =	sst s5  }
0xe: {  	[smem:$0x3FAF] =	sst s6  }
0xf: {  	[smem:$0x3FB0] =	sst s7  }
0x10: {  	[smem:$0x3FB1] =	sst s8  }
0x11: {  	[smem:$0x3FB2] =	sst s9;
	s0 =	simm.s32 @!p0 $0x0  }
0x12: {  	s1 =	sld [smem:$0x3F98];
	s0 =	simm.s32 @p0 $0x1  }
0x13: {  	[smem:$0x3FB3] =	sst s0;
	s0 =	simm.s32 @!p1 $0x0  }
0x14: {  	s2 =	sld [smem:$0x3F97];
	s0 =	simm.s32 @p1 $0x1  }
0x15: {  	[smem:$0x3FB4] =	sst s0;
	s0 =	simm.s32 @!p2 $0x0  }
0x16: {  	s3 =	sld [smem:$0x3FDB];
	s0 =	simm.s32 @p2 $0x1  }
0x17: {  	s4 =	simm.s32 $0x1BF5;
	[smem:$0x3FB6] =	sst s0  }
0x18: {  	s0 =	sld [smem:$0x3F99];
	_ =	swait.ge [sflag:s4], $0x0  }
0x19: {  	s7 =	sld [smem:$0x3F9A]  }
0x1a: {  	s8 =	sadd.s32 $0xFFFFE003, lr  }
0x1b: {  	s9 =	sadd.s32 $0xFFFFFEF7, lr;
	s5 =	simm.s32 $0xFFFFFFFF;
	p2 =	slt.u32 s8, $0xFFFFF086  }
0x1c: {  	p1 =	slt.u32 s9, $0xF7A;
	s5 =	simm.s32 @!p2 $0x0  }
0x1d: {  	s5 =	simm.s32 @p1 $0x1;
	p0 =	seq.s32 s7, s2  }
0x1e: {  	s7 =	smul.u32 @!p0 $0xF7A, s2;
	p2 =	seq.s32 @!p0 s5, $0x0  }
0x1f: {  	s9 =	smul.u32 $0xF7A, s1;
	s8 =	simm.s32 @!p0 $0x1BF5;
	p2 =	por !p2, p0  }
0x20: {  	[sflag:s8] =	ssyncset.s32 @!p0 $0xFFFFF086;
	s6 =	sadd.s32 @!p0 s3, s7;
	s7 =	simm.s32 @!p0 $0x108  }
0x21: {  	s3 =	sadd.s32 s3, s9;
	s6 =	sadd.s32 @!p0 $0x88, s6;
	s7 =	simm.s32 @p2 $0x1082  }
0x22: {  	[simem:s7], [sflag:s8] =	dma.local @!p0 [hbm:s6], $0xF7A  }
0x23: {  	s9 =	sor.u32 $0xD0000000, s2;
	s6 =	simm.s32 $0x108;
	_ =	swait.ge @!p0 [sflag:s8], $0x0  }
0x24: {  	s3 =	sadd.s32 $0x88, s3;
	s6 =	simm.s32 @!p1 $0x1082;
	[sflag:s4] =	ssyncset.s32 $0xFFFFF086  }
0x25: {  	[simem:s6], [sflag:s4] =	dma.local [hbm:s3], $0xF7A  }
0x26: {  	[smem:$0x3F9A] =	sst s1;
	(tag) =	ssettag s2;
	_ =	strace s9  }
0x27: {  	s1 =	sld [smem:$0x3FAA]  }
0x28: {  	s2 =	sld [smem:$0x3FAB]  }
0x29: {  	s4 =	sld [smem:$0x3FAD]  }
0x2a: {  	p0 =	seq.s32 s5, $0x0;
	s5 =	sld [smem:$0x3FAE]  }
0x2b: {  	s6 =	sld [smem:$0x3FAF]  }
0x2c: {  	s7 =	sld [smem:$0x3FB0]  }
0x2d: {  	s3 =	simm.s32 $0x108;
	s8 =	sld [smem:$0x3FB1]  }
0x2e: {  	s3 =	simm.s32 @!p0 $0x1082;
	s9 =	sld [smem:$0x3FB2]  }
0x2f: {  	lr =	sadd.s32 s0, s3;
	s0 =	sld [smem:$0x3FA9]  }
0x30: {  	s3 =	sld [smem:$0x3FAC]  }
0x31: {  	[smem:$0x3FB5] =	sst s10  }
0x32: {  	s10 =	sld [smem:$0x3FB3];
	_ =	sdelay $0x3  }
0x33: {  	p0 =	seq.s32 s10, $0x1;
	s10 =	sld [smem:$0x3FB5];
	_ =	sdelay $0x3  }
0x34: {  	[smem:$0x3FB5] =	sst s10  }
0x35: {  	s10 =	sld [smem:$0x3FB4];
	_ =	sdelay $0x3  }
0x36: {  	p1 =	seq.s32 s10, $0x1;
	s10 =	sld [smem:$0x3FB5];
	_ =	sdelay $0x3  }
0x37: {  	[smem:$0x3FB5] =	sst s10  }
0x38: {  	s10 =	sld [smem:$0x3FB6]  }
0x39: {  	_ = 	snop;
	(pc) =	sbr.ind lr, $3  }
0x3a: {  	_ = 	snop  }
0x3b: {  	_ = 	snop  }
0x3c: {  	p2 =	seq.s32 s10, $0x1;
	s10 =	sld [smem:$0x3FB5]  }
0x3d: {  	_ =	shalt  }
0x3e: {  	_ =	shalt  }
0x3f: {  	_ =	shalt  }
0x40: {  	_ =	shalt  }
0x41: {  	_ =	shalt  }
0x42: {  	_ =	shalt  }
0x43: {  	_ =	shalt  }
0x44: {  	_ =	shalt  }
0x45: {  	_ =	shalt  }
0x46: {  	_ =	shalt  }
0x47: {  	_ =	shalt  }
0x48: {  	_ =	shalt  }
0x49: {  	_ =	shalt  }
0x4a: {  	_ =	shalt  }
0x4b: {  	_ =	shalt  }
0x4c: {  	_ =	shalt  }
0x4d: {  	_ =	shalt  }
0x4e: {  	_ =	shalt  }
0x4f: {  	_ =	shalt  }
0x50: {  	_ =	shalt  }
0x51: {  	_ =	shalt  }
0x52: {  	_ =	shalt  }
0x53: {  	_ =	shalt  }
0x54: {  	_ =	shalt  }
0x55: {  	_ =	shalt  }
0x56: {  	_ =	shalt  }
0x57: {  	_ =	shalt  }
0x58: {  	_ =	shalt  }
0x59: {  	_ =	shalt  }
0x5a: {  	_ =	shalt  }
0x5b: {  	_ =	shalt  }
0x5c: {  	_ =	shalt  }
0x5d: {  	_ =	shalt  }
0x5e: {  	_ =	shalt  }
0x5f: {  	_ =	shalt  }
0x60: {  	_ =	shalt  }
0x61: {  	_ =	shalt  }
0x62: {  	_ =	shalt  }
0x63: {  	_ =	shalt  }
0x64: {  	_ =	shalt  }
0x65: {  	_ =	shalt  }
0x66: {  	_ =	shalt  }
0x67: {  	_ =	shalt  }
0x68: {  	_ =	shalt  }
0x69: {  	_ =	shalt  }
0x6a: {  	_ =	shalt  }
0x6b: {  	_ =	shalt  }
0x6c: {  	_ =	shalt  }
0x6d: {  	_ =	shalt  }
0x6e: {  	_ =	shalt  }
0x6f: {  	_ =	shalt  }
0x70: {  	_ =	shalt  }
0x71: {  	_ =	shalt  }
0x72: {  	_ =	shalt  }
0x73: {  	_ =	shalt  }
0x74: {  	_ =	shalt  }
0x75: {  	_ =	shalt  }
0x76: {  	_ =	shalt  }
0x77: {  	_ =	shalt  }
0x78: {  	_ =	shalt  }
0x79: {  	_ =	shalt  }
0x7a: {  	_ =	shalt  }
0x7b: {  	_ =	shalt  }
0x7c: {  	_ =	shalt  }
0x7d: {  	_ =	shalt  }
0x7e: {  	_ =	shalt  }
0x7f: {  	_ =	shalt  }
0x80: {  	_ =	shalt  }
0x81: {  	_ =	shalt  }
0x82: {  	_ =	shalt  }
0x83: {  	_ =	shalt  }
0x84: {  	_ =	shalt  }
0x85: {  	_ =	shalt  }
0x86: {  	_ =	shalt  }
0x87: {  	_ =	shalt  }
.Lfunc_end0:
.L_simem_size_0:
called_computation_lowered:
.L_overlay_start_0:
0x88: {  	s2 =	sld [smem:$0x3FD9]  }
0x89: {  	s3 =	sld [smem:$0x3FFE];
	_ =	sdelay $0x1  }
0x8a: {  	s1 =	srdreg.scid  }
0x8b: {  	s0 =	sand.u32 $0x1, s1  }
0x8c: {  	s16 =	sshll.u32 s0, $0xA;
	s2 =	sadd.s32 s3, s2  }
0x8d: {  	s2 =	sadd.s32 s2, s16  }
0x8e: {  	[smem:$0x3FC1] =	sst s2  }
0x8f: {  	_ = 	snop  }
0x90: {  	(tm) =	ssettm $0x1  }
0x91: {  	s17 =	sld [smem:$0x3FFB];
	_ =	sdelay $0x3  }
0x92: {  	_ =	strace s17  }
0x93: {  	s2 =	sld [smem:$0x3FFC];
	_ =	sdelay $0x3  }
0x94: {  	_ =	strace s2  }
0x95: {  	s2 =	sld [smem:$0x3FFD];
	_ =	sdelay $0x3  }
0x96: {  	_ =	strace s2  }
0x97: {  	_ =	strace $0x8FFFFFFF  }
0x98: {  	s18 =	sld [smem:$0x3FDB];
	_ =	sdelay $0x1  }
0x99: {  	s19 =	simm.s32 $_scs_section_size  }
0x9a: {  	s4 =	simm.s32 $_size__tile_overlayer_lowered;
	s5 =	simm.s32 $_tile_overlayer_lowered  }
0x9b: {  	s22 =	simm.s32 $0x1BFF;
	s21 =	sshll.u32 s5, $0x1;
	s2 =	sadd.s32 s19, s18  }
0x9c: {  	s6 =	simm.s32 $0x0;
	s20 =	sshll.u32 s4, $0x1;
	s4 =	sadd.s32 s21, s2  }
0x9d: {  	[timem:s6], [sflag:s22] =	dma.local [hbm:s4], s20  }
0x9e: {  	_ =	swait.ge [sflag:s22], s20  }
0x9f: {  	s3 =	ssub.s32 $0x0, s20;
	[sflag:s22] =	ssyncset.done $0x0  }
0xa0: {  	[sflag:s22] =	ssyncadd.s32 s3;
	_ =	sdelay $0x1  }
0xa1: {  	s23 =	simm.s32 $0x1B8B  }
0xa2: {  	_ =	swait.ge [sflag:s23], $0x1  }
0xa3: {  	[sflag:s23] =	ssyncset.done $0x0  }
0xa4: {  	s25 =	simm.s32 $0x1B8E;
	s24 =	sld [smem:$0x3FFE];
	[sflag:s23] =	ssyncadd.s32 $0xFFFFFFFF  }
0xa5: {  	s26 =	simm.s32 $execute0_lowered;
	[smem:$0x3FD2] =	sst s25  }
0xa6: {  	s4 =	sshll.u32 s26, $0x1;
	_ =	strace $0x80000046;
	[dreg:$0x1] =	wrdreg $0xFFFFFFFF  }
0xa7: {  	s28 =	simm.s32 $_size_execute0_lowered;
	s2 =	sadd.s32 s2, s4;
	[dreg:$0x0] =	wrdreg $0x0  }
0xa8: {  	s4 =	sshll.u32 s28, $0x1;
	[dreg:$0x2] =	wrdreg s2  }
0xa9: {  	[dreg:$0x3] =	wrdreg s4  }
0xaa: {  	[dreg:$0x4] =	wrdreg $0xC0  }
0xab: {  	_ =	task [dreg:s6], $0x5FFFF  }
0xac: {  	[dreg:$0x1] =	wrdreg $0xFFFFFFFF  }
0xad: {  	[dreg:$0x0] =	wrdreg $0x60  }
0xae: {  	[dreg:$0x2] =	wrdreg s24  }
0xaf: {  	[dreg:$0x3] =	wrdreg $0x0  }
0xb0: {  	[dreg:$0x4] =	wrdreg $0x9  }
0xb1: {  	_ =	task.clear_ibuf [dreg:s6], $0x5FFFF;
	_ =	strace $0x90000046  }
0xb2: {  	s29 =	simm.s32 $0x9;
	_ =	strace $0x80000048  }
0xb3: {  	_ =	swait.ge [sflag:s29], $0x1  }
0xb4: {  	[sflag:s29] =	ssyncadd.s32 $0xFFFFFFFF  }
0xb5: {  	_ =	strace $0x90000048  }
0xb6: {  	_ =	sfence  }
0xb7: {  	s30 =	sld [smem:$0x0];
	_ =	sdelay $0x2  }
0xb8: {  	s31 =	sshll.u32 s1, $0xD;
	s1 =	sshrl.u32 s1, $0x2  }
0xb9: {  	s3 =	sand.u32 $0x4000, s31;
	s1 =	sadd.s32 s1, s30  }
0xba: {  	s0 =	sor.u32 s3, s0;
	s1 =	sshll.u32 s1, $0x11  }
0xbb: {  	s0 =	sor.u32 s1, s0  }
0xbc: {  	s0 =	sadd.s32 $0x8F2B, s0  }
0xbd: {  	[sflag:s0] =	ssyncadd.remote.s32 $0x1  }
0xbe: {  	_ =	sfence.sel $0xFFFF  }
0xbf: {  	[dreg:$0x0] =	wrdreg $0xFFFFFFFF;
	(pc) =	sbr.abs _section_cstart, $3  }
0xc0: {  	[dreg:$0x1] =	wrdreg $0xFFFFFFFF  }
0xc1: {  	_ =	task.clear_ibuf [dreg:s6], $0x2FFFF;
	_ =	strace $0x9FFFFFFF  }
0xc2: {  	(tm) =	ssettm $0x7FFFFFFF  }
0xc3: {  	_ =	shalt  }
tec
execute0_lowered:
.L_overlay_start_1:
0x0: {  	(tag) =	ssettag $0x1  }
0x1: {  	s6 =	rddreg [dreg:$0x0]  }
0x2: {  	s0 =	srdreg.scid;
	s2 =	rddreg [dreg:$0x1];
	s3 =	simm.s32 $0x0  }
0x3: {  	s18 =	simm.s32 $0x16800;
	s19 =	simm.s32 $0x1;
	s20 =	simm.s32 $0x14000  }
0x4: {  	s21 =	simm.s32 $0x1A800;
	s5 =	sand.u32 $0x1, s0;
	s0 =	stileid.u32  }
0x5: {  	s22 =	simm.s32 $0x80;
	s23 =	simm.s32 $0x0;
	s7 =	smul.u32 $0x280, s0  }
0x6: {  	[smem:$0x7FF] =	sst s3;
	s1 =	sshll.u32 s5, $0x4;
	s8 =	smul.u32 $0x2800, s5  }
0x7: {  	s30 =	ssub.s32 $0x2, s5;
	s10 =	smul.u32 $0x50000, s0;
	s1 =	sor.u32 s0, s1  }
0x8: {  	s5 =	sadd.s32 $0x16A00, s6;
	s11 =	sshrl.u32 s30, $0x1;
	s4 =	smul.u32 $0x500, s1  }
0x9: {  	s1 =	rddreg [dreg:$0x2];
	_ =	strace $0x80000047;
	s7 =	sadd.s32 s7, s8  }
0xa: {  	s8 =	ssub.s32 s30, s11;
	s31 =	sshrl.u32 s10, $0x2;
	s7 =	sshll.u32 s7, $0x4  }
0xb: {  	s8 =	smax.u32 s8, $0x1;
	s9 =	sadd.s32 s4, s6;
	s4 =	sadd.s32 $0x17200, s6  }
0xc: {  	s17 =	sadd.s32 s7, s6;
	s7 =	sadd.s32 s31, s2;
	s6 =	sadd.s32 $0xCA00, s9  }
0xd: {  	s9 =	sadd.s32 $0x4000, s7;
	s10 =	sadd.s32 $0x8000, s7;
	s11 =	sadd.s32 $0xC000, s7  }
0xe: {  	s12 =	sadd.s32 $0x10000, s7;
	s13 =	sadd.s32 $0x17A00, s17;
	s14 =	sadd.s32 $0x18200, s17  }
0xf: {  	s15 =	sadd.s32 $0x18A00, s17;
	s16 =	sadd.s32 $0x19200, s17;
	s17 =	sadd.s32 $0x19A00, s17  }
.LBB2_1:
0x10: {  	[tilespmem:s18], [sflag:$0x1] =	stream.linear.gather [hbm4b:s5+s3], $0x4000, $0x38;
	[tilespmem:$0x1E800] =	vst v63  }
0x11: {  	_ =	swait.ge [sflag:s19], $0x4000  }
0x12: {  	[sflag:s19] =	ssyncset.done $0x0  }
0x13: {  	[sflag:s19] =	ssyncadd.s32 $0xFFFFC000  }
0x14: {  	[tilespmem:s20], [sflag:$0x1] =	stream.linear.gather [hbm4b:s6+s3], $0x2800, $0x38;
	[tilespmem:$0x1E800] =	vst v63  }
0x15: {  	_ =	swait.ge [sflag:s19], $0x2800  }
0x16: {  	[sflag:s19] =	ssyncset.done $0x0  }
0x17: {  	[sflag:s19] =	ssyncadd.s32 $0xFFFFD800  }
0x18: {  	[tilespmem:s21], [sflag:$0x1] =	stream.linear.gather [hbm4b:s4+s3], $0x4000, $0x38;
	[tilespmem:$0x1E800] =	vst v63  }
0x19: {  	_ =	swait.ge [sflag:s19], $0x4000  }
0x1a: {  	[sflag:s19] =	ssyncset.done $0x0  }
0x1b: {  	[sflag:s19] =	ssyncadd.s32 $0xFFFFC000  }
0x1c: {  	[spmem:s7] =	stream.linear.scatter [tilespmem:s21], [sflag:$0x1], $0x4000, $0x38;
	[tilespmem:$0x1E800] =	vst v63  }
0x1d: {  	_ =	swait.ge [sflag:s19], $0x4000  }
0x1e: {  	[sflag:s19] =	ssyncset.done $0x0  }
0x1f: {  	[sflag:s19] =	ssyncadd.s32 $0xFFFFC000  }
0x20: {  	[spmem:s9] =	stream.linear.scatter [tilespmem:s21], [sflag:$0x1], $0x4000, $0x38;
	[tilespmem:$0x1E800] =	vst v63  }
0x21: {  	_ =	swait.ge [sflag:s19], $0x4000  }
0x22: {  	[sflag:s19] =	ssyncset.done $0x0  }
0x23: {  	[sflag:s19] =	ssyncadd.s32 $0xFFFFC000  }
0x24: {  	[spmem:s10] =	stream.linear.scatter [tilespmem:s21], [sflag:$0x1], $0x4000, $0x38;
	[tilespmem:$0x1E800] =	vst v63  }
0x25: {  	_ =	swait.ge [sflag:s19], $0x4000  }
0x26: {  	[sflag:s19] =	ssyncset.done $0x0  }
0x27: {  	[sflag:s19] =	ssyncadd.s32 $0xFFFFC000  }
0x28: {  	[spmem:s11] =	stream.linear.scatter [tilespmem:s21], [sflag:$0x1], $0x4000, $0x38;
	[tilespmem:$0x1E800] =	vst v63  }
0x29: {  	_ =	swait.ge [sflag:s19], $0x4000  }
0x2a: {  	[sflag:s19] =	ssyncset.done $0x0  }
0x2b: {  	[sflag:s19] =	ssyncadd.s32 $0xFFFFC000  }
0x2c: {  	[spmem:s12] =	stream.linear.scatter [tilespmem:s21], [sflag:$0x1], $0x4000, $0x38;
	[tilespmem:$0x1E800] =	vst v63  }
0x2d: {  	_ =	swait.ge [sflag:s19], $0x4000  }
0x2e: {  	[sflag:s19] =	ssyncset.done $0x0  }
0x2f: {  	[sflag:s19] =	ssyncadd.s32 $0xFFFFC000  }
0x30: {  	s24 =	simm.s32 $0x14000;
	[bflag:$0x0] =	sbarrier.arrive $0xFFFF  }
0x31: {  	[spmem:s2] =	stream.indirect.scatter.add.f32 [tilespmem:s18], [sflag:$0x1], $0x80, s24, s22, $0xb8;
	[tilespmem:$0x1E800] =	vst v63  }
0x32: {  	s24 =	simm.s32 $0x200;
	_ =	swait.ge [sflag:s19], $0x4000  }
.LBB2_2:
0x33: {  	s25 =	sshra.s32 s24, $0x2;
	[sflag:s19] =	ssyncset.done $0x0;
	p0 =	sne.s32 s24, $0x9E00  }
.Ltmp0:
0x34: {  	s25 =	sadd.s32 $0x14000, s25;
	[sflag:s19] =	ssyncadd.s32 $0xFFFFC000;
	(pc) =	sbr.rel @p0 .LBB2_2-.Ltmp0, $3  }
0x35: {  	[spmem:s2] =	stream.indirect.scatter.add.f32 [tilespmem:s18], [sflag:$0x1], $0x80, s25, s22, $0xb8;
	[tilespmem:$0x1E800] =	vst v63  }
0x36: {  	s24 =	sadd.s32 $0x200, s24;
	_ =	sdelay $0x1  }
0x37: {  	_ =	swait.ge [sflag:s19], $0x4000  }
0x38: {  	[sflag:s19] =	ssyncset.done $0x0  }
0x39: {  	[sflag:s19] =	ssyncadd.s32 $0xFFFFC000  }
0x3a: {  	[bflag:$0x0] =	sbarrier.arrive $0xFFFF  }
0x3b: {  	[tilespmem:s21], [sflag:$0x1] =	stream.linear.gather [spmem:s7], $0x4000, $0x38;
	[tilespmem:$0x1E800] =	vst v63  }
0x3c: {  	_ =	swait.ge [sflag:s19], $0x4000  }
0x3d: {  	[sflag:s19] =	ssyncset.done $0x0  }
0x3e: {  	[sflag:s19] =	ssyncadd.s32 $0xFFFFC000  }
0x3f: {  	[hbm4b:s13+s3] =	stream.linear.scatter [tilespmem:s21], [sflag:$0x1], $0x4000, $0x38;
	[tilespmem:$0x1E800] =	vst v63  }
0x40: {  	_ =	swait.ge [sflag:s19], $0x4000  }
0x41: {  	[sflag:s19] =	ssyncset.done $0x0  }
0x42: {  	[sflag:s19] =	ssyncadd.s32 $0xFFFFC000  }
0x43: {  	[tilespmem:s21], [sflag:$0x1] =	stream.linear.gather [spmem:s9], $0x4000, $0x38;
	[tilespmem:$0x1E800] =	vst v63  }
0x44: {  	_ =	swait.ge [sflag:s19], $0x4000  }
0x45: {  	[sflag:s19] =	ssyncset.done $0x0  }
0x46: {  	[sflag:s19] =	ssyncadd.s32 $0xFFFFC000  }
0x47: {  	[hbm4b:s14+s3] =	stream.linear.scatter [tilespmem:s21], [sflag:$0x1], $0x4000, $0x38;
	[tilespmem:$0x1E800] =	vst v63  }
0x48: {  	_ =	swait.ge [sflag:s19], $0x4000  }
0x49: {  	[sflag:s19] =	ssyncset.done $0x0  }
0x4a: {  	[sflag:s19] =	ssyncadd.s32 $0xFFFFC000  }
0x4b: {  	[tilespmem:s21], [sflag:$0x1] =	stream.linear.gather [spmem:s10], $0x4000, $0x38;
	[tilespmem:$0x1E800] =	vst v63  }
0x4c: {  	_ =	swait.ge [sflag:s19], $0x4000  }
0x4d: {  	[sflag:s19] =	ssyncset.done $0x0  }
0x4e: {  	[sflag:s19] =	ssyncadd.s32 $0xFFFFC000  }
0x4f: {  	[hbm4b:s15+s3] =	stream.linear.scatter [tilespmem:s21], [sflag:$0x1], $0x4000, $0x38;
	[tilespmem:$0x1E800] =	vst v63  }
0x50: {  	_ =	swait.ge [sflag:s19], $0x4000  }
0x51: {  	[sflag:s19] =	ssyncset.done $0x0  }
0x52: {  	[sflag:s19] =	ssyncadd.s32 $0xFFFFC000  }
0x53: {  	[tilespmem:s21], [sflag:$0x1] =	stream.linear.gather [spmem:s11], $0x4000, $0x38;
	[tilespmem:$0x1E800] =	vst v63  }
0x54: {  	_ =	swait.ge [sflag:s19], $0x4000  }
0x55: {  	[sflag:s19] =	ssyncset.done $0x0  }
0x56: {  	[sflag:s19] =	ssyncadd.s32 $0xFFFFC000  }
0x57: {  	[hbm4b:s16+s3] =	stream.linear.scatter [tilespmem:s21], [sflag:$0x1], $0x4000, $0x38;
	[tilespmem:$0x1E800] =	vst v63  }
0x58: {  	_ =	swait.ge [sflag:s19], $0x4000  }
0x59: {  	[sflag:s19] =	ssyncset.done $0x0  }
0x5a: {  	[sflag:s19] =	ssyncadd.s32 $0xFFFFC000  }
0x5b: {  	[tilespmem:s21], [sflag:$0x1] =	stream.linear.gather [spmem:s12], $0x4000, $0x38;
	[tilespmem:$0x1E800] =	vst v63  }
0x5c: {  	s23 =	sadd.s32 $0x1, s23;
	_ =	swait.ge [sflag:s19], $0x4000  }
0x5d: {  	p0 =	sne.s32 s23, s8;
	[sflag:s19] =	ssyncset.done $0x0  }
.Ltmp1:
0x5e: {  	[sflag:s19] =	ssyncadd.s32 $0xFFFFC000;
	(pc) =	sbr.rel @p0 .LBB2_1-.Ltmp1, $4  }
0x5f: {  	[hbm4b:s17+s3] =	stream.linear.scatter [tilespmem:s21], [sflag:$0x1], $0x4000, $0x38;
	[tilespmem:$0x1E800] =	vst v63  }
0x60: {  	_ =	swait.ge [sflag:s19], $0x4000  }
0x61: {  	[sflag:s19] =	ssyncset.done $0x0  }
0x62: {  	[sflag:s19] =	ssyncadd.s32 $0xFFFFC000  }
0x63: {  	_ =	sfence.sel $0x180000  }
0x64: {  	[bflag:$0x0] =	sbarrier.arrive $0xFFFF  }
0x65: {  	p0 =	sne.s32 s0, $0x0;
	_ =	strace $0x90000047  }
0x66: {  	s0 =	sadd.s32 @!p0 $0x100000, s1;
	[bflag:$0x2] =	sbarrier.arrive $0xFFFF  }
0x67: {  	[sflag:s0] =	ssyncadd.tile.s32 @!p0 $0x1;
	_ =	shalt  }
.Lfunc_end2:
_tile_overlayer_lowered:
.L_overlay_start_2:
0x68: {  	(tag) =	ssettag $0x2  }
0x69: {  	s0 =	rddreg [dreg:$0x0];
	s2 =	stileid.u32  }
0x6a: {  	s1 =	rddreg [dreg:$0x1];
	p0 =	sne.s32 s2, $0x0  }
0x6b: {  	s3 =	rddreg [dreg:$0x2];
	[bflag:$0x3] =	sbarrier.arrive $0xFFFF;
	s2 =	simm.s32 @!p0 $0x1C01  }
0x6c: {  	[timem:s3], [sflag:s2] =	dma.local @!p0 [hbm:s0], s1  }
0x6d: {  	s0 =	simm.s32 @!p0 $0x1  }
0x6e: {  	_ =	swait.ge @!p0 [sflag:s0], s1  }
0x6f: {  	s1 =	ssub.s32 @!p0 $0x0, s1;
	[sflag:s0] =	ssyncset.done @!p0 $0x0  }
0x70: {  	[sflag:s0] =	ssyncadd.s32 @!p0 s1  }
0x71: {  	[bflag:$0x3] =	sbarrier.arrive $0xFFFF  }
0x72: {  	_ =	shalt  }

</sc_bundles>
